<compile_context>
chip_gen: v7x
topology: tpu7x:2x2x1
jax: 0.10.2.dev20260603
libtpu: 0.0.44.dev20260713+nightly
codegen_flags: <defaults>
</compile_context>

<pallas_src>
import jax
import jax.numpy as jnp
from jax import lax
from jax.experimental import pallas as pl
from jax.experimental.pallas import tpu as pltpu
from jax.experimental.pallas import tpu_sc as plsc

N = 10000
E = 320000
D = 128
G = 16
FC_OUT = 2048

NC, NS, L = 2, 16, 16
NW = NC * NS
N_PAD = 10112
EB = 64
NBUF = 4
TILE_EDGES = 10240
E_PAD = TILE_EDGES * NW
ROWS_PER_TILE = N_PAD // NS
FLAT_W = N_PAD * G
FPT = FLAT_W // NS

BR = 1264
NBLK = N_PAD // BR


def _sc_agg_body(x_hbm, src_hbm, dst_hbm, batchp_hbm, zw_hbm,
                 agg_hbm, w_hbm,
                 acc, waccf, batch_p,
                 src_b0, src_b1, src_b2, src_b3,
                 dst_b0, dst_b1, dst_b2, dst_b3,
                 dsts0, dsts1, dsts2, dsts3,
                 fi0, fi1, fi2, fi3, ones_b,
                 rows_b0, rows_b1, rows_b2, rows_b3,
                 gsem0, gsem1, gsem2, gsem3,
                 ssem0, ssem1, ssem2, ssem3,
                 isem0, isem1, isem2, isem3,
                 wsem0, wsem1, wsem2, wsem3):
  c = lax.axis_index("c")
  s = lax.axis_index("s")
  r0 = s * ROWS_PER_TILE
  f0 = s * FPT
  srcb = [src_b0, src_b1, src_b2, src_b3]
  dstb = [dst_b0, dst_b1, dst_b2, dst_b3]
  dsts = [dsts0, dsts1, dsts2, dsts3]
  fib = [fi0, fi1, fi2, fi3]
  rowsb = [rows_b0, rows_b1, rows_b2, rows_b3]
  gsem = [gsem0, gsem1, gsem2, gsem3]
  ssem = [ssem0, ssem1, ssem2, ssem3]
  isem = [isem0, isem1, isem2, isem3]
  wsem = [wsem0, wsem1, wsem2, wsem3]

  zv = jnp.zeros((L,), jnp.float32)
  for r in range(EB):
    for k in range(D // L):
      rows_b0[r, pl.ds(k * L, L)] = zv
  nfull, rem = divmod(ROWS_PER_TILE, EB)
  for j in range(nfull):
    pltpu.sync_copy(rows_b0, acc.at[pl.ds(r0 + j * EB, EB)])
  if rem:
    pltpu.sync_copy(rows_b0.at[pl.ds(0, rem)],
                    acc.at[pl.ds(r0 + nfull * EB, rem)])
  pltpu.sync_copy(zw_hbm.at[pl.ds(f0, FPT)], waccf.at[pl.ds(f0, FPT)])
  pltpu.sync_copy(batchp_hbm, batch_p)
  for k in range(EB // L):
    ones_b[pl.ds(k * L, L)] = jnp.ones((L,), jnp.float32)
  plsc.subcore_barrier()

  ebase = (c * NS + s) * TILE_EDGES

  def issue_idx(i, b):
    off = ebase + i * EB
    pltpu.async_copy(src_hbm.at[pl.ds(off, EB)], srcb[b], isem[b])
    pltpu.async_copy(dst_hbm.at[pl.ds(off, EB)], dstb[b], isem[b])

  def wait_idx(b):
    pltpu.make_async_copy(src_hbm.at[pl.ds(0, EB)], srcb[b], isem[b]).wait()
    pltpu.make_async_copy(dst_hbm.at[pl.ds(0, EB)], dstb[b], isem[b]).wait()

  def issue_gather(b):
    pltpu.async_copy(x_hbm.at[srcb[b]], rowsb[b], gsem[b])

  def wait_gather(b):
    pltpu.make_async_copy(x_hbm.at[srcb[b]], rowsb[b], gsem[b]).wait()

  def issue_scatter(b):
    pltpu.async_copy(rowsb[b], acc.at[dsts[b]], ssem[b], add=True)

  def wait_scatter(b):
    pltpu.make_async_copy(rowsb[b], acc.at[dsts[b]], ssem[b]).wait()

  def issue_wflush(b):
    pltpu.async_copy(ones_b, waccf.at[fib[b]], wsem[b], add=True)

  def wait_wflush(b):
    pltpu.make_async_copy(ones_b, waccf.at[fib[b]], wsem[b]).wait()

  def steps(i, b, wf, sc):
    bn = (b + NBUF - 1) % NBUF
    wait_gather(b)
    if wf:
      wait_wflush(b)
    for k in range(EB // L):
      sv = srcb[b][pl.ds(k * L, L)]
      dv = dstb[b][pl.ds(k * L, L)]
      dsts[b][pl.ds(k * L, L)] = dv
      wv = plsc.load_gather(batch_p, [dv >> 3])
      gv = (wv >> ((dv & 7) * 4)) & 15
      fib[b][pl.ds(k * L, L)] = sv * G + gv
    issue_scatter(b)
    issue_wflush(b)
    wait_idx(bn)
    if sc:
      wait_scatter(bn)
    issue_gather(bn)
    issue_idx(i + NBUF, b)

  for b in range(NBUF - 1):
    issue_idx(b, b)
    wait_idx(b)
    issue_gather(b)
  issue_idx(NBUF - 1, NBUF - 1)
  steps(0, 0, False, False)
  for b in range(1, NBUF):
    steps(b, b, False, True)

  def quad_body(q, carry):
    i0 = NBUF * q + NBUF
    for b in range(NBUF):
      steps(i0 + b, b, True, True)
    return carry

  lax.fori_loop(0, (TILE_EDGES // EB - NBUF) // NBUF, quad_body, 0)

  wait_scatter(NBUF - 1)
  for b in range(NBUF):
    wait_wflush(b)
  for b in range(NBUF - 1):
    wait_gather(b)
  wait_idx(NBUF - 1)
  plsc.subcore_barrier()
  pltpu.sync_copy(acc.at[pl.ds(r0, ROWS_PER_TILE)],
                  agg_hbm.at[pl.ds(c * N_PAD + r0, ROWS_PER_TILE)])
  pltpu.sync_copy(waccf.at[pl.ds(f0, FPT)],
                  w_hbm.at[pl.ds(c * FLAT_W + f0, FPT)])


def _sc_agg(x_pad, src_pad, dst_pad, batch_packed, zwf):
  mesh = plsc.VectorSubcoreMesh(core_axis_name="c", subcore_axis_name="s",
                                num_cores=NC, num_subcores=NS)
  idx_bufs = [pltpu.VMEM((EB,), jnp.int32) for _ in range(4 * NBUF)]
  fi_bufs = [pltpu.VMEM((EB,), jnp.int32) for _ in range(NBUF)]
  row_bufs = [pltpu.VMEM((EB, D), jnp.float32) for _ in range(NBUF)]
  sems = [pltpu.SemaphoreType.DMA for _ in range(4 * NBUF)]
  return pl.kernel(
      _sc_agg_body,
      out_type=(jax.ShapeDtypeStruct((NC * N_PAD, D), jnp.float32),
                jax.ShapeDtypeStruct((NC * FLAT_W,), jnp.float32)),
      mesh=mesh,
      compiler_params=pltpu.CompilerParams(needs_layout_passes=False),
      scratch_types=[
          pltpu.VMEM_SHARED((N_PAD, D), jnp.float32),
          pltpu.VMEM_SHARED((FLAT_W,), jnp.float32),
          pltpu.VMEM((N_PAD // 8,), jnp.int32),
      ] + idx_bufs[:3 * NBUF] + fi_bufs + [
          pltpu.VMEM((EB,), jnp.float32),
      ] + row_bufs + sems,
  )(x_pad, src_pad, dst_pad, batch_packed, zwf)


def _tc_body(agg_ref, w_ref, x_ref, batch_ref,
             w1r_ref, w1o_ref, b1_ref, w2r_ref, w2o_ref, b2_ref,
             wfc_ref, bfc_ref, out_ref, a_acc, b_acc, c_acc):
  i = pl.program_id(0)

  @pl.when(i == 0)
  def _init():
    a_acc[...] = jnp.zeros_like(a_acc)
    b_acc[...] = jnp.zeros_like(b_acc)
    c_acc[...] = jnp.zeros_like(c_acc)

  agg = agg_ref[0] + agg_ref[1]
  h = jnp.dot(agg, w1r_ref[...], preferred_element_type=jnp.float32)
  h += jnp.dot(x_ref[...], w1o_ref[...], preferred_element_type=jnp.float32)
  h = jnp.maximum(h + b1_ref[...], 0.0)

  rows = i * BR + lax.broadcasted_iota(jnp.int32, (BR, 1), 0)
  wm = jnp.where(rows < N, w_ref[0] + w_ref[1], 0.0)
  m = (batch_ref[...] ==
       lax.broadcasted_iota(jnp.int32, (BR, G), 1)).astype(jnp.float32)

  cdims = (((0,), (0,)), ((), ()))
  a_acc[...] += lax.dot_general(wm, h, cdims,
                                preferred_element_type=jnp.float32)
  b_acc[...] += lax.dot_general(m, h, cdims,
                                preferred_element_type=jnp.float32)
  c_acc[...] += lax.dot_general(m, jnp.ones((BR, D), jnp.float32), cdims,
                                preferred_element_type=jnp.float32)

  @pl.when(i == NBLK - 1)
  def _final():
    num = jnp.dot(a_acc[...], w2r_ref[...], preferred_element_type=jnp.float32)
    num += jnp.dot(b_acc[...], w2o_ref[...], preferred_element_type=jnp.float32)
    c = c_acc[...]
    pooled = (num + c * b2_ref[...]) / jnp.maximum(c, 1.0)
    out = jnp.dot(pooled, wfc_ref[...], preferred_element_type=jnp.float32)
    out_ref[...] = out + bfc_ref[...]


def _tc_dense(agg_p, w_p, x_pad, batch_tc, w1rT, w1oT, b1, w2rT, w2oT, b2,
              wfcT, bfc):
  full = lambda shape: pl.BlockSpec(shape, lambda i: (0,) * len(shape))
  return pl.pallas_call(
      _tc_body,
      grid=(NBLK,),
      in_specs=[
          pl.BlockSpec((NC, BR, D), lambda i: (0, i, 0)),
          pl.BlockSpec((NC, BR, G), lambda i: (0, i, 0)),
          pl.BlockSpec((BR, D), lambda i: (i, 0)),
          pl.BlockSpec((BR, 1), lambda i: (i, 0)),
          full((D, D)), full((D, D)), full((1, D)),
          full((D, D)), full((D, D)), full((1, D)),
          full((D, FC_OUT)), full((1, FC_OUT)),
      ],
      out_specs=pl.BlockSpec((G, FC_OUT), lambda i: (0, 0)),
      out_shape=jax.ShapeDtypeStruct((G, FC_OUT), jnp.float32),
      scratch_shapes=[
          pltpu.VMEM((G, D), jnp.float32),
          pltpu.VMEM((G, D), jnp.float32),
          pltpu.VMEM((G, D), jnp.float32),
      ],
  )(agg_p, w_p, x_pad, batch_tc, w1rT, w1oT, b1, w2rT, w2oT, b2, wfcT, bfc)


@jax.jit
def _impl(x, edge_index, batch, W1_rel, W1_root, b1, W2_rel, W2_root, b2,
          Wfc, bfc):
  src = edge_index[0].astype(jnp.int32)
  dst = edge_index[1].astype(jnp.int32)
  batch = batch.astype(jnp.int32)

  x_pad = jnp.zeros((N_PAD, D), jnp.float32).at[:N].set(x)
  pad_idx = N + (jnp.arange(E_PAD + NBUF * EB - E, dtype=jnp.int32)
                 % (N_PAD - N))
  src_pad = jnp.concatenate([src, pad_idx])
  dst_pad = jnp.concatenate([dst, pad_idx])
  batch_sc = jnp.zeros((N_PAD,), jnp.int32).at[:N].set(batch)
  batch_packed = jnp.sum(
      batch_sc.reshape(-1, 8) << (4 * jnp.arange(8, dtype=jnp.int32))[None, :],
      axis=1, dtype=jnp.int32)
  batch_tc = jnp.full((N_PAD, 1), G, jnp.int32).at[:N, 0].set(batch)
  zwf = jnp.zeros((FLAT_W,), jnp.float32)

  agg_f, w_f = _sc_agg(x_pad, src_pad, dst_pad, batch_packed, zwf)
  agg_p = agg_f.reshape(NC, N_PAD, D)
  w_p = w_f.reshape(NC, N_PAD, G)
  out = _tc_dense(agg_p, w_p, x_pad, batch_tc,
                  W1_rel.T, W1_root.T, b1[None], W2_rel.T, W2_root.T,
                  b2[None], Wfc.T, bfc[None])
  return out[None]


def kernel(x, edge_index, batch, W1_rel, W1_root, b1, W2_rel, W2_root, b2,
           Wfc, bfc):
  return _impl(x, edge_index, batch, W1_rel, W1_root, b1, W2_rel, W2_root,
               b2, Wfc, bfc)

# --- scband reference (transcript-rebuilt; emitter-appended) ---
"""Pipeline reference for scband-main-gcn-61340722921801 (READ-ONLY COPY).

The authoritative reference and input builder live on the scoring server;
editing this copy changes nothing except your own understanding.
"""

import jax, jax.numpy as jnp
import numpy as np

N = 10000
E = 320000
D_IN = 128
D_HID = 128
D_OUT = 128
G = 16
FC_OUT = 2048


def setup_inputs(seed: int = 0) -> dict:
    key = jax.random.key(seed)
    ks = jax.random.split(key, 12)
    x = jax.random.normal(ks[0], (N, D_IN), dtype=jnp.float32)
    edge_index = jax.random.randint(ks[1], (2, E), 0, N, dtype=jnp.int64)
    batch = jnp.sort(jax.random.randint(ks[2], (N,), 0, G, dtype=jnp.int64))
    # GraphConv 1: lin_rel (with bias) applied to aggregated neighbors, lin_root (no bias) on x
    W1_rel = jax.random.normal(ks[3], (D_HID, D_IN), dtype=jnp.float32) * 0.05
    W1_root = jax.random.normal(ks[4], (D_HID, D_IN), dtype=jnp.float32) * 0.05
    b1 = jax.random.normal(ks[5], (D_HID,), dtype=jnp.float32) * 0.05
    # GraphConv 2
    W2_rel = jax.random.normal(ks[6], (D_OUT, D_HID), dtype=jnp.float32) * 0.05
    W2_root = jax.random.normal(ks[7], (D_OUT, D_HID), dtype=jnp.float32) * 0.05
    b2 = jax.random.normal(ks[8], (D_OUT,), dtype=jnp.float32) * 0.05
    # Final fc: output_dim -> 2048
    Wfc = jax.random.normal(ks[9], (FC_OUT, D_OUT), dtype=jnp.float32) * 0.05
    bfc = jax.random.normal(ks[10], (FC_OUT,), dtype=jnp.float32) * 0.05
    return {"x": x, "edge_index": edge_index, "batch": batch,
            "W1_rel": W1_rel, "W1_root": W1_root, "b1": b1,
            "W2_rel": W2_rel, "W2_root": W2_root, "b2": b2,
            "Wfc": Wfc, "bfc": bfc}


def _graph_conv(x, src, dst, W_rel, W_root, b):
    # PyG GraphConv (aggr='add'): out_i = W_rel @ (sum_{j in N(i)} x_j) + b + W_root @ x_i
    msgs = jnp.take(x, src, axis=0)
    agg = jax.ops.segment_sum(msgs, dst, num_segments=N)
    return agg @ W_rel.T + b + x @ W_root.T


def reference(x, edge_index, batch, W1_rel, W1_root, b1, W2_rel, W2_root, b2, Wfc, bfc):
    # Single non-empty graph in the input list `ls` (batched graph with G sub-graphs via `batch`).
    src = edge_index[0]
    dst = edge_index[1]
    h = _graph_conv(x, src, dst, W1_rel, W1_root, b1)
    h = jax.nn.relu(h)
    h = _graph_conv(h, src, dst, W2_rel, W2_root, b2)
    # global_mean_pool over batch segment ids
    counts = jax.ops.segment_sum(jnp.ones((N,), dtype=h.dtype), batch, num_segments=G)
    pooled = jax.ops.segment_sum(h, batch, num_segments=G) / jnp.maximum(counts, 1.0)[:, None]
    out = pooled @ Wfc.T + bfc
    # torch.stack over the list of graphs (list of length 1 here)
    return jnp.stack([out])

if __name__ == "__main__":
    import jax
    _d = setup_inputs()
    print(jax.jit(kernel)(*tuple(_d.values())))

</pallas_src>

<mosaic_0001>
#map = affine_map<(d0, d1) -> (0, 0)>
#map1 = affine_map<(d0, d1) -> (0)>
module attributes {stable_mosaic.version = 14 : i64} {
  func.func @_sc_agg_body(%arg0: i32, %arg1: i32, %arg2: memref<10112x128xf32, #tpu.memory_space<hbm>>, %arg3: memref<327936xi32, #tpu.memory_space<hbm>>, %arg4: memref<327936xi32, #tpu.memory_space<hbm>>, %arg5: memref<1264xi32, #tpu.memory_space<hbm>>, %arg6: memref<161792xf32, #tpu.memory_space<hbm>>, %arg7: memref<20224x128xf32, #tpu.memory_space<hbm>>, %arg8: memref<323584xf32, #tpu.memory_space<hbm>>, %arg9: memref<10112x128xf32, #tpu.memory_space<vmem_shared>>, %arg10: memref<161792xf32, #tpu.memory_space<vmem_shared>>, %arg11: memref<1264xi32, #tpu.memory_space<vmem>>, %arg12: memref<64xi32, #tpu.memory_space<vmem>>, %arg13: memref<64xi32, #tpu.memory_space<vmem>>, %arg14: memref<64xi32, #tpu.memory_space<vmem>>, %arg15: memref<64xi32, #tpu.memory_space<vmem>>, %arg16: memref<64xi32, #tpu.memory_space<vmem>>, %arg17: memref<64xi32, #tpu.memory_space<vmem>>, %arg18: memref<64xi32, #tpu.memory_space<vmem>>, %arg19: memref<64xi32, #tpu.memory_space<vmem>>, %arg20: memref<64xi32, #tpu.memory_space<vmem>>, %arg21: memref<64xi32, #tpu.memory_space<vmem>>, %arg22: memref<64xi32, #tpu.memory_space<vmem>>, %arg23: memref<64xi32, #tpu.memory_space<vmem>>, %arg24: memref<64xi32, #tpu.memory_space<vmem>>, %arg25: memref<64xi32, #tpu.memory_space<vmem>>, %arg26: memref<64xi32, #tpu.memory_space<vmem>>, %arg27: memref<64xi32, #tpu.memory_space<vmem>>, %arg28: memref<64xf32, #tpu.memory_space<vmem>>, %arg29: memref<64x128xf32, #tpu.memory_space<vmem>>, %arg30: memref<64x128xf32, #tpu.memory_space<vmem>>, %arg31: memref<64x128xf32, #tpu.memory_space<vmem>>, %arg32: memref<64x128xf32, #tpu.memory_space<vmem>>, %arg33: memref<!tpu.dma_semaphore, #tpu.memory_space<semaphore_mem>>, %arg34: memref<!tpu.dma_semaphore, #tpu.memory_space<semaphore_mem>>, %arg35: memref<!tpu.dma_semaphore, #tpu.memory_space<semaphore_mem>>, %arg36: memref<!tpu.dma_semaphore, #tpu.memory_space<semaphore_mem>>, %arg37: memref<!tpu.dma_semaphore, #tpu.memory_space<semaphore_mem>>, %arg38: memref<!tpu.dma_semaphore, #tpu.memory_space<semaphore_mem>>, %arg39: memref<!tpu.dma_semaphore, #tpu.memory_space<semaphore_mem>>, %arg40: memref<!tpu.dma_semaphore, #tpu.memory_space<semaphore_mem>>, %arg41: memref<!tpu.dma_semaphore, #tpu.memory_space<semaphore_mem>>, %arg42: memref<!tpu.dma_semaphore, #tpu.memory_space<semaphore_mem>>, %arg43: memref<!tpu.dma_semaphore, #tpu.memory_space<semaphore_mem>>, %arg44: memref<!tpu.dma_semaphore, #tpu.memory_space<semaphore_mem>>, %arg45: memref<!tpu.dma_semaphore, #tpu.memory_space<semaphore_mem>>, %arg46: memref<!tpu.dma_semaphore, #tpu.memory_space<semaphore_mem>>, %arg47: memref<!tpu.dma_semaphore, #tpu.memory_space<semaphore_mem>>, %arg48: memref<!tpu.dma_semaphore, #tpu.memory_space<semaphore_mem>>) attributes {dimension_semantics = [#tpu.dimension_semantics<core_parallel>, #tpu.dimension_semantics<subcore_parallel>], iteration_bounds = array<i64: 2, 16>, scalar_prefetch = 0 : i64, scratch_operands = 40 : i64, tpu.core_type = #tpu.core_type<sc_vector_subcore>, window_params = [{transform_indices = #map}, {transform_indices = #map1}, {transform_indices = #map1}, {transform_indices = #map1}, {transform_indices = #map1}, {transform_indices = #map}, {transform_indices = #map1}]} {
    %mul3A = arith.constant 632 : i32
    %mul3A_0 = arith.muli %arg1, %mul3A : i32
    %mul3A_1 = arith.constant 10112 : i32
    %mul3A_2 = arith.muli %arg1, %mul3A_1 : i32
    %broadcast_in_dim3A = arith.constant 0.000000e+00 : f32
    %broadcast_in_dim3A_3 = vector.broadcast %broadcast_in_dim3A : f32 to vector<16xf32>
    %swap3A = arith.constant 0 : i32
    %swap3A_4 = arith.index_cast %swap3A : i32 to index
    %swap3A_5 = arith.constant 0 : index
    %swap3A_6 = tpu.vector_load %arg29[%swap3A_4, %swap3A_5] {strides = array<i32>} : memref<64x128xf32, #tpu.memory_space<vmem>>, vector<16xf32>,
    tpu.vector_store %arg29[%swap3A_4, %swap3A_5], %broadcast_in_dim3A_3 {strides = array<i32>} : memref<64x128xf32, #tpu.memory_space<vmem>>, vector<16xf32>,
    %swap3A_7 = arith.constant 0 : i32
    %swap3A_8 = arith.index_cast %swap3A_7 : i32 to index
    %swap3A_9 = arith.constant 16 : index
    %swap3A_10 = tpu.vector_load %arg29[%swap3A_8, %swap3A_9] {strides = array<i32>} : memref<64x128xf32, #tpu.memory_space<vmem>>, vector<16xf32>,
    tpu.vector_store %arg29[%swap3A_8, %swap3A_9], %broadcast_in_dim3A_3 {strides = array<i32>} : memref<64x128xf32, #tpu.memory_space<vmem>>, vector<16xf32>,
    %swap3A_11 = arith.constant 0 : i32
    %swap3A_12 = arith.index_cast %swap3A_11 : i32 to index
    %swap3A_13 = arith.constant 32 : index
    %swap3A_14 = tpu.vector_load %arg29[%swap3A_12, %swap3A_13] {strides = array<i32>} : memref<64x128xf32, #tpu.memory_space<vmem>>, vector<16xf32>,
    tpu.vector_store %arg29[%swap3A_12, %swap3A_13], %broadcast_in_dim3A_3 {strides = array<i32>} : memref<64x128xf32, #tpu.memory_space<vmem>>, vector<16xf32>,
    %swap3A_15 = arith.constant 0 : i32
    %swap3A_16 = arith.index_cast %swap3A_15 : i32 to index
    %swap3A_17 = arith.constant 48 : index
    %swap3A_18 = tpu.vector_load %arg29[%swap3A_16, %swap3A_17] {strides = array<i32>} : memref<64x128xf32, #tpu.memory_space<vmem>>, vector<16xf32>,
    tpu.vector_store %arg29[%swap3A_16, %swap3A_17], %broadcast_in_dim3A_3 {strides = array<i32>} : memref<64x128xf32, #tpu.memory_space<vmem>>, vector<16xf32>,
    %swap3A_19 = arith.constant 0 : i32
    %swap3A_20 = arith.index_cast %swap3A_19 : i32 to index
    %swap3A_21 = arith.constant 64 : index
    %swap3A_22 = tpu.vector_load %arg29[%swap3A_20, %swap3A_21] {strides = array<i32>} : memref<64x128xf32, #tpu.memory_space<vmem>>, vector<16xf32>,
    tpu.vector_store %arg29[%swap3A_20, %swap3A_21], %broadcast_in_dim3A_3 {strides = array<i32>} : memref<64x128xf32, #tpu.memory_space<vmem>>, vector<16xf32>,
    %swap3A_23 = arith.constant 0 : i32
    %swap3A_24 = arith.index_cast %swap3A_23 : i32 to index
    %swap3A_25 = arith.constant 80 : index
    %swap3A_26 = tpu.vector_load %arg29[%swap3A_24, %swap3A_25] {strides = array<i32>} : memref<64x128xf32, #tpu.memory_space<vmem>>, vector<16xf32>,
    tpu.vector_store %arg29[%swap3A_24, %swap3A_25], %broadcast_in_dim3A_3 {strides = array<i32>} : memref<64x128xf32, #tpu.memory_space<vmem>>, vector<16xf32>,
    %swap3A_27 = arith.constant 0 : i32
    %swap3A_28 = arith.index_cast %swap3A_27 : i32 to index
    %swap3A_29 = arith.constant 96 : index
    %swap3A_30 = tpu.vector_load %arg29[%swap3A_28, %swap3A_29] {strides = array<i32>} : memref<64x128xf32, #tpu.memory_space<vmem>>, vector<16xf32>,
    tpu.vector_store %arg29[%swap3A_28, %swap3A_29], %broadcast_in_dim3A_3 {strides = array<i32>} : memref<64x128xf32, #tpu.memory_space<vmem>>, vector<16xf32>,
    %swap3A_31 = arith.constant 0 : i32
    %swap3A_32 = arith.index_cast %swap3A_31 : i32 to index
    %swap3A_33 = arith.constant 112 : index
    %swap3A_34 = tpu.vector_load %arg29[%swap3A_32, %swap3A_33] {strides = array<i32>} : memref<64x128xf32, #tpu.memory_space<vmem>>, vector<16xf32>,
    tpu.vector_store %arg29[%swap3A_32, %swap3A_33], %broadcast_in_dim3A_3 {strides = array<i32>} : memref<64x128xf32, #tpu.memory_space<vmem>>, vector<16xf32>,
    %swap3A_35 = arith.constant 1 : i32
    %swap3A_36 = arith.index_cast %swap3A_35 : i32 to index
    %swap3A_37 = arith.constant 0 : index
    %swap3A_38 = tpu.vector_load %arg29[%swap3A_36, %swap3A_37] {strides = array<i32>} : memref<64x128xf32, #tpu.memory_space<vmem>>, vector<16xf32>,
    tpu.vector_store %arg29[%swap3A_36, %swap3A_37], %broadcast_in_dim3A_3 {strides = array<i32>} : memref<64x128xf32, #tpu.memory_space<vmem>>, vector<16xf32>,
    %swap3A_39 = arith.constant 1 : i32
    %swap3A_40 = arith.index_cast %swap3A_39 : i32 to index
    %swap3A_41 = arith.constant 16 : index
    %swap3A_42 = tpu.vector_load %arg29[%swap3A_40, %swap3A_41] {strides = array<i32>} : memref<64x128xf32, #tpu.memory_space<vmem>>, vector<16xf32>,
    tpu.vector_store %arg29[%swap3A_40, %swap3A_41], %broadcast_in_dim3A_3 {strides = array<i32>} : memref<64x128xf32, #tpu.memory_space<vmem>>, vector<16xf32>,
    %swap3A_43 = arith.constant 1 : i32
    %swap3A_44 = arith.index_cast %swap3A_43 : i32 to index
    %swap3A_45 = arith.constant 32 : index
    %swap3A_46 = tpu.vector_load %arg29[%swap3A_44, %swap3A_45] {strides = array<i32>} : memref<64x128xf32, #tpu.memory_space<vmem>>, vector<16xf32>,
    tpu.vector_store %arg29[%swap3A_44, %swap3A_45], %broadcast_in_dim3A_3 {strides = array<i32>} : memref<64x128xf32, #tpu.memory_space<vmem>>, vector<16xf32>,
    %swap3A_47 = arith.constant 1 : i32
    %swap3A_48 = arith.index_cast %swap3A_47 : i32 to index
    %swap3A_49 = arith.constant 48 : index
    %swap3A_50 = tpu.vector_load %arg29[%swap3A_48, %swap3A_49] {strides = array<i32>} : memref<64x128xf32, #tpu.memory_space<vmem>>, vector<16xf32>,
    tpu.vector_store %arg29[%swap3A_48, %swap3A_49], %broadcast_in_dim3A_3 {strides = array<i32>} : memref<64x128xf32, #tpu.memory_space<vmem>>, vector<16xf32>,
    %swap3A_51 = arith.constant 1 : i32
    %swap3A_52 = arith.index_cast %swap3A_51 : i32 to index
    %swap3A_53 = arith.constant 64 : index
    %swap3A_54 = tpu.vector_load %arg29[%swap3A_52, %swap3A_53] {strides = array<i32>} : memref<64x128xf32, #tpu.memory_space<vmem>>, vector<16xf32>,
    tpu.vector_store %arg29[%swap3A_52, %swap3A_53], %broadcast_in_dim3A_3 {strides = array<i32>} : memref<64x128xf32, #tpu.memory_space<vmem>>, vector<16xf32>,
    %swap3A_55 = arith.constant 1 : i32
    %swap3A_56 = arith.index_cast %swap3A_55 : i32 to index
    %swap3A_57 = arith.constant 80 : index
    %swap3A_58 = tpu.vector_load %arg29[%swap3A_56, %swap3A_57] {strides = array<i32>} : memref<64x128xf32, #tpu.memory_space<vmem>>, vector<16xf32>,
    tpu.vector_store %arg29[%swap3A_56, %swap3A_57], %broadcast_in_dim3A_3 {strides = array<i32>} : memref<64x128xf32, #tpu.memory_space<vmem>>, vector<16xf32>,
    %swap3A_59 = arith.constant 1 : i32
    %swap3A_60 = arith.index_cast %swap3A_59 : i32 to index
    %swap3A_61 = arith.constant 96 : index
    %swap3A_62 = tpu.vector_load %arg29[%swap3A_60, %swap3A_61] {strides = array<i32>} : memref<64x128xf32, #tpu.memory_space<vmem>>, vector<16xf32>,
    tpu.vector_store %arg29[%swap3A_60, %swap3A_61], %broadcast_in_dim3A_3 {strides = array<i32>} : memref<64x128xf32, #tpu.memory_space<vmem>>, vector<16xf32>,
    %swap3A_63 = arith.constant 1 : i32
    %swap3A_64 = arith.index_cast %swap3A_63 : i32 to index
    %swap3A_65 = arith.constant 112 : index
    %swap3A_66 = tpu.vector_load %arg29[%swap3A_64, %swap3A_65] {strides = array<i32>} : memref<64x128xf32, #tpu.memory_space<vmem>>, vector<16xf32>,
    tpu.vector_store %arg29[%swap3A_64, %swap3A_65], %broadcast_in_dim3A_3 {strides = array<i32>} : memref<64x128xf32, #tpu.memory_space<vmem>>, vector<16xf32>,
    %swap3A_67 = arith.constant 2 : i32
    %swap3A_68 = arith.index_cast %swap3A_67 : i32 to index
    %swap3A_69 = arith.constant 0 : index
    %swap3A_70 = tpu.vector_load %arg29[%swap3A_68, %swap3A_69] {strides = array<i32>} : memref<64x128xf32, #tpu.memory_space<vmem>>, vector<16xf32>,
    tpu.vector_store %arg29[%swap3A_68, %swap3A_69], %broadcast_in_dim3A_3 {strides = array<i32>} : memref<64x128xf32, #tpu.memory_space<vmem>>, vector<16xf32>,
    %swap3A_71 = arith.constant 2 : i32
    %swap3A_72 = arith.index_cast %swap3A_71 : i32 to index
    %swap3A_73 = arith.constant 16 : index
    %swap3A_74 = tpu.vector_load %arg29[%swap3A_72, %swap3A_73] {strides = array<i32>} : memref<64x128xf32, #tpu.memory_space<vmem>>, vector<16xf32>,
    tpu.vector_store %arg29[%swap3A_72, %swap3A_73], %broadcast_in_dim3A_3 {strides = array<i32>} : memref<64x128xf32, #tpu.memory_space<vmem>>, vector<16xf32>,
    %swap3A_75 = arith.constant 2 : i32
    %swap3A_76 = arith.index_cast %swap3A_75 : i32 to index
    %swap3A_77 = arith.constant 32 : index
    %swap3A_78 = tpu.vector_load %arg29[%swap3A_76, %swap3A_77] {strides = array<i32>} : memref<64x128xf32, #tpu.memory_space<vmem>>, vector<16xf32>,
    tpu.vector_store %arg29[%swap3A_76, %swap3A_77], %broadcast_in_dim3A_3 {strides = array<i32>} : memref<64x128xf32, #tpu.memory_space<vmem>>, vector<16xf32>,
    %swap3A_79 = arith.constant 2 : i32
    %swap3A_80 = arith.index_cast %swap3A_79 : i32 to index
    %swap3A_81 = arith.constant 48 : index
    %swap3A_82 = tpu.vector_load %arg29[%swap3A_80, %swap3A_81] {strides = array<i32>} : memref<64x128xf32, #tpu.memory_space<vmem>>, vector<16xf32>,
    tpu.vector_store %arg29[%swap3A_80, %swap3A_81], %broadcast_in_dim3A_3 {strides = array<i32>} : memref<64x128xf32, #tpu.memory_space<vmem>>, vector<16xf32>,
    %swap3A_83 = arith.constant 2 : i32
    %swap3A_84 = arith.index_cast %swap3A_83 : i32 to index
    %swap3A_85 = arith.constant 64 : index
    %swap3A_86 = tpu.vector_load %arg29[%swap3A_84, %swap3A_85] {strides = array<i32>} : memref<64x128xf32, #tpu.memory_space<vmem>>, vector<16xf32>,
    tpu.vector_store %arg29[%swap3A_84, %swap3A_85], %broadcast_in_dim3A_3 {strides = array<i32>} : memref<64x128xf32, #tpu.memory_space<vmem>>, vector<16xf32>,
    %swap3A_87 = arith.constant 2 : i32
    %swap3A_88 = arith.index_cast %swap3A_87 : i32 to index
    %swap3A_89 = arith.constant 80 : index
    %swap3A_90 = tpu.vector_load %arg29[%swap3A_88, %swap3A_89] {strides = array<i32>} : memref<64x128xf32, #tpu.memory_space<vmem>>, vector<16xf32>,
    tpu.vector_store %arg29[%swap3A_88, %swap3A_89], %broadcast_in_dim3A_3 {strides = array<i32>} : memref<64x128xf32, #tpu.memory_space<vmem>>, vector<16xf32>,
    %swap3A_91 = arith.constant 2 : i32
    %swap3A_92 = arith.index_cast %swap3A_91 : i32 to index
    %swap3A_93 = arith.constant 96 : index
    %swap3A_94 = tpu.vector_load %arg29[%swap3A_92, %swap3A_93] {strides = array<i32>} : memref<64x128xf32, #tpu.memory_space<vmem>>, vector<16xf32>,
    tpu.vector_store %arg29[%swap3A_92, %swap3A_93], %broadcast_in_dim3A_3 {strides = array<i32>} : memref<64x128xf32, #tpu.memory_space<vmem>>, vector<16xf32>,
    %swap3A_95 = arith.constant 2 : i32
    %swap3A_96 = arith.index_cast %swap3A_95 : i32 to index
    %swap3A_97 = arith.constant 112 : index
    %swap3A_98 = tpu.vector_load %arg29[%swap3A_96, %swap3A_97] {strides = array<i32>} : memref<64x128xf32, #tpu.memory_space<vmem>>, vector<16xf32>,
    tpu.vector_store %arg29[%swap3A_96, %swap3A_97], %broadcast_in_dim3A_3 {strides = array<i32>} : memref<64x128xf32, #tpu.memory_space<vmem>>, vector<16xf32>,
    %swap3A_99 = arith.constant 3 : i32
    %swap3A_100 = arith.index_cast %swap3A_99 : i32 to index
    %swap3A_101 = arith.constant 0 : index
    %swap3A_102 = tpu.vector_load %arg29[%swap3A_100, %swap3A_101] {strides = array<i32>} : memref<64x128xf32, #tpu.memory_space<vmem>>, vector<16xf32>,
    tpu.vector_store %arg29[%swap3A_100, %swap3A_101], %broadcast_in_dim3A_3 {strides = array<i32>} : memref<64x128xf32, #tpu.memory_space<vmem>>, vector<16xf32>,
    %swap3A_103 = arith.constant 3 : i32
    %swap3A_104 = arith.index_cast %swap3A_103 : i32 to index
    %swap3A_105 = arith.constant 16 : index
    %swap3A_106 = tpu.vector_load %arg29[%swap3A_104, %swap3A_105] {strides = array<i32>} : memref<64x128xf32, #tpu.memory_space<vmem>>, vector<16xf32>,
    tpu.vector_store %arg29[%swap3A_104, %swap3A_105], %broadcast_in_dim3A_3 {strides = array<i32>} : memref<64x128xf32, #tpu.memory_space<vmem>>, vector<16xf32>,
    %swap3A_107 = arith.constant 3 : i32
    %swap3A_108 = arith.index_cast %swap3A_107 : i32 to index
    %swap3A_109 = arith.constant 32 : index
    %swap3A_110 = tpu.vector_load %arg29[%swap3A_108, %swap3A_109] {strides = array<i32>} : memref<64x128xf32, #tpu.memory_space<vmem>>, vector<16xf32>,
    tpu.vector_store %arg29[%swap3A_108, %swap3A_109], %broadcast_in_dim3A_3 {strides = array<i32>} : memref<64x128xf32, #tpu.memory_space<vmem>>, vector<16xf32>,
    %swap3A_111 = arith.constant 3 : i32
    %swap3A_112 = arith.index_cast %swap3A_111 : i32 to index
    %swap3A_113 = arith.constant 48 : index
    %swap3A_114 = tpu.vector_load %arg29[%swap3A_112, %swap3A_113] {strides = array<i32>} : memref<64x128xf32, #tpu.memory_space<vmem>>, vector<16xf32>,
    tpu.vector_store %arg29[%swap3A_112, %swap3A_113], %broadcast_in_dim3A_3 {strides = array<i32>} : memref<64x128xf32, #tpu.memory_space<vmem>>, vector<16xf32>,
    %swap3A_115 = arith.constant 3 : i32
    %swap3A_116 = arith.index_cast %swap3A_115 : i32 to index
    %swap3A_117 = arith.constant 64 : index
    %swap3A_118 = tpu.vector_load %arg29[%swap3A_116, %swap3A_117] {strides = array<i32>} : memref<64x128xf32, #tpu.memory_space<vmem>>, vector<16xf32>,
    tpu.vector_store %arg29[%swap3A_116, %swap3A_117], %broadcast_in_dim3A_3 {strides = array<i32>} : memref<64x128xf32, #tpu.memory_space<vmem>>, vector<16xf32>,
    %swap3A_119 = arith.constant 3 : i32
    %swap3A_120 = arith.index_cast %swap3A_119 : i32 to index
    %swap3A_121 = arith.constant 80 : index
    %swap3A_122 = tpu.vector_load %arg29[%swap3A_120, %swap3A_121] {strides = array<i32>} : memref<64x128xf32, #tpu.memory_space<vmem>>, vector<16xf32>,
    tpu.vector_store %arg29[%swap3A_120, %swap3A_121], %broadcast_in_dim3A_3 {strides = array<i32>} : memref<64x128xf32, #tpu.memory_space<vmem>>, vector<16xf32>,
    %swap3A_123 = arith.constant 3 : i32
    %swap3A_124 = arith.index_cast %swap3A_123 : i32 to index
    %swap3A_125 = arith.constant 96 : index
    %swap3A_126 = tpu.vector_load %arg29[%swap3A_124, %swap3A_125] {strides = array<i32>} : memref<64x128xf32, #tpu.memory_space<vmem>>, vector<16xf32>,
    tpu.vector_store %arg29[%swap3A_124, %swap3A_125], %broadcast_in_dim3A_3 {strides = array<i32>} : memref<64x128xf32, #tpu.memory_space<vmem>>, vector<16xf32>,
    %swap3A_127 = arith.constant 3 : i32
    %swap3A_128 = arith.index_cast %swap3A_127 : i32 to index
    %swap3A_129 = arith.constant 112 : index
    %swap3A_130 = tpu.vector_load %arg29[%swap3A_128, %swap3A_129] {strides = array<i32>} : memref<64x128xf32, #tpu.memory_space<vmem>>, vector<16xf32>,
    tpu.vector_store %arg29[%swap3A_128, %swap3A_129], %broadcast_in_dim3A_3 {strides = array<i32>} : memref<64x128xf32, #tpu.memory_space<vmem>>, vector<16xf32>,
    %swap3A_131 = arith.constant 4 : i32
    %swap3A_132 = arith.index_cast %swap3A_131 : i32 to index
    %swap3A_133 = arith.constant 0 : index
    %swap3A_134 = tpu.vector_load %arg29[%swap3A_132, %swap3A_133] {strides = array<i32>} : memref<64x128xf32, #tpu.memory_space<vmem>>, vector<16xf32>,
    tpu.vector_store %arg29[%swap3A_132, %swap3A_133], %broadcast_in_dim3A_3 {strides = array<i32>} : memref<64x128xf32, #tpu.memory_space<vmem>>, vector<16xf32>,
    %swap3A_135 = arith.constant 4 : i32
    %swap3A_136 = arith.index_cast %swap3A_135 : i32 to index
    %swap3A_137 = arith.constant 16 : index
    %swap3A_138 = tpu.vector_load %arg29[%swap3A_136, %swap3A_137] {strides = array<i32>} : memref<64x128xf32, #tpu.memory_space<vmem>>, vector<16xf32>,
    tpu.vector_store %arg29[%swap3A_136, %swap3A_137], %broadcast_in_dim3A_3 {strides = array<i32>} : memref<64x128xf32, #tpu.memory_space<vmem>>, vector<16xf32>,
    %swap3A_139 = arith.constant 4 : i32
    %swap3A_140 = arith.index_cast %swap3A_139 : i32 to index
    %swap3A_141 = arith.constant 32 : index
    %swap3A_142 = tpu.vector_load %arg29[%swap3A_140, %swap3A_141] {strides = array<i32>} : memref<64x128xf32, #tpu.memory_space<vmem>>, vector<16xf32>,
    tpu.vector_store %arg29[%swap3A_140, %swap3A_141], %broadcast_in_dim3A_3 {strides = array<i32>} : memref<64x128xf32, #tpu.memory_space<vmem>>, vector<16xf32>,
    %swap3A_143 = arith.constant 4 : i32
    %swap3A_144 = arith.index_cast %swap3A_143 : i32 to index
    %swap3A_145 = arith.constant 48 : index
    %swap3A_146 = tpu.vector_load %arg29[%swap3A_144, %swap3A_145] {strides = array<i32>} : memref<64x128xf32, #tpu.memory_space<vmem>>, vector<16xf32>,
    tpu.vector_store %arg29[%swap3A_144, %swap3A_145], %broadcast_in_dim3A_3 {strides = array<i32>} : memref<64x128xf32, #tpu.memory_space<vmem>>, vector<16xf32>,
    %swap3A_147 = arith.constant 4 : i32
    %swap3A_148 = arith.index_cast %swap3A_147 : i32 to index
    %swap3A_149 = arith.constant 64 : index
    %swap3A_150 = tpu.vector_load %arg29[%swap3A_148, %swap3A_149] {strides = array<i32>} : memref<64x128xf32, #tpu.memory_space<vmem>>, vector<16xf32>,
    tpu.vector_store %arg29[%swap3A_148, %swap3A_149], %broadcast_in_dim3A_3 {strides = array<i32>} : memref<64x128xf32, #tpu.memory_space<vmem>>, vector<16xf32>,
    %swap3A_151 = arith.constant 4 : i32
    %swap3A_152 = arith.index_cast %swap3A_151 : i32 to index
    %swap3A_153 = arith.constant 80 : index
    %swap3A_154 = tpu.vector_load %arg29[%swap3A_152, %swap3A_153] {strides = array<i32>} : memref<64x128xf32, #tpu.memory_space<vmem>>, vector<16xf32>,
    tpu.vector_store %arg29[%swap3A_152, %swap3A_153], %broadcast_in_dim3A_3 {strides = array<i32>} : memref<64x128xf32, #tpu.memory_space<vmem>>, vector<16xf32>,
    %swap3A_155 = arith.constant 4 : i32
    %swap3A_156 = arith.index_cast %swap3A_155 : i32 to index
    %swap3A_157 = arith.constant 96 : index
    %swap3A_158 = tpu.vector_load %arg29[%swap3A_156, %swap3A_157] {strides = array<i32>} : memref<64x128xf32, #tpu.memory_space<vmem>>, vector<16xf32>,
    tpu.vector_store %arg29[%swap3A_156, %swap3A_157], %broadcast_in_dim3A_3 {strides = array<i32>} : memref<64x128xf32, #tpu.memory_space<vmem>>, vector<16xf32>,
    %swap3A_159 = arith.constant 4 : i32
    %swap3A_160 = arith.index_cast %swap3A_159 : i32 to index
    %swap3A_161 = arith.constant 112 : index
    %swap3A_162 = tpu.vector_load %arg29[%swap3A_160, %swap3A_161] {strides = array<i32>} : memref<64x128xf32, #tpu.memory_space<vmem>>, vector<16xf32>,
    tpu.vector_store %arg29[%swap3A_160, %swap3A_161], %broadcast_in_dim3A_3 {strides = array<i32>} : memref<64x128xf32, #tpu.memory_space<vmem>>, vector<16xf32>,
    %swap3A_163 = arith.constant 5 : i32
    %swap3A_164 = arith.index_cast %swap3A_163 : i32 to index
    %swap3A_165 = arith.constant 0 : index
    %swap3A_166 = tpu.vector_load %arg29[%swap3A_164, %swap3A_165] {strides = array<i32>} : memref<64x128xf32, #tpu.memory_space<vmem>>, vector<16xf32>,
    tpu.vector_store %arg29[%swap3A_164, %swap3A_165], %broadcast_in_dim3A_3 {strides = array<i32>} : memref<64x128xf32, #tpu.memory_space<vmem>>, vector<16xf32>,
    %swap3A_167 = arith.constant 5 : i32
    %swap3A_168 = arith.index_cast %swap3A_167 : i32 to index
    %swap3A_169 = arith.constant 16 : index
    %swap3A_170 = tpu.vector_load %arg29[%swap3A_168, %swap3A_169] {strides = array<i32>} : memref<64x128xf32, #tpu.memory_space<vmem>>, vector<16xf32>,
    tpu.vector_store %arg29[%swap3A_168, %swap3A_169], %broadcast_in_dim3A_3 {strides = array<i32>} : memref<64x128xf32, #tpu.memory_space<vmem>>, vector<16xf32>,
    %swap3A_171 = arith.constant 5 : i32
    %swap3A_172 = arith.index_cast %swap3A_171 : i32 to index
    %swap3A_173 = arith.constant 32 : index
    %swap3A_174 = tpu.vector_load %arg29[%swap3A_172, %swap3A_173] {strides = array<i32>} : memref<64x128xf32, #tpu.memory_space<vmem>>, vector<16xf32>,
    tpu.vector_store %arg29[%swap3A_172, %swap3A_173], %broadcast_in_dim3A_3 {strides = array<i32>} : memref<64x128xf32, #tpu.memory_space<vmem>>, vector<16xf32>,
    %swap3A_175 = arith.constant 5 : i32
    %swap3A_176 = arith.index_cast %swap3A_175 : i32 to index
    %swap3A_177 = arith.constant 48 : index
    %swap3A_178 = tpu.vector_load %arg29[%swap3A_176, %swap3A_177] {strides = array<i32>} : memref<64x128xf32, #tpu.memory_space<vmem>>, vector<16xf32>,
    tpu.vector_store %arg29[%swap3A_176, %swap3A_177], %broadcast_in_dim3A_3 {strides = array<i32>} : memref<64x128xf32, #tpu.memory_space<vmem>>, vector<16xf32>,
    %swap3A_179 = arith.constant 5 : i32
    %swap3A_180 = arith.index_cast %swap3A_179 : i32 to index
    %swap3A_181 = arith.constant 64 : index
    %swap3A_182 = tpu.vector_load %arg29[%swap3A_180, %swap3A_181] {strides = array<i32>} : memref<64x128xf32, #tpu.memory_space<vmem>>, vector<16xf32>,
    tpu.vector_store %arg29[%swap3A_180, %swap3A_181], %broadcast_in_dim3A_3 {strides = array<i32>} : memref<64x128xf32, #tpu.memory_space<vmem>>, vector<16xf32>,
    %swap3A_183 = arith.constant 5 : i32
    %swap3A_184 = arith.index_cast %swap3A_183 : i32 to index
    %swap3A_185 = arith.constant 80 : index
    %swap3A_186 = tpu.vector_load %arg29[%swap3A_184, %swap3A_185] {strides = array<i32>} : memref<64x128xf32, #tpu.memory_space<vmem>>, vector<16xf32>,
    tpu.vector_store %arg29[%swap3A_184, %swap3A_185], %broadcast_in_dim3A_3 {strides = array<i32>} : memref<64x128xf32, #tpu.memory_space<vmem>>, vector<16xf32>,
    %swap3A_187 = arith.constant 5 : i32
    %swap3A_188 = arith.index_cast %swap3A_187 : i32 to index
    %swap3A_189 = arith.constant 96 : index
    %swap3A_190 = tpu.vector_load %arg29[%swap3A_188, %swap3A_189] {strides = array<i32>} : memref<64x128xf32, #tpu.memory_space<vmem>>, vector<16xf32>,
    tpu.vector_store %arg29[%swap3A_188, %swap3A_189], %broadcast_in_dim3A_3 {strides = array<i32>} : memref<64x128xf32, #tpu.memory_space<vmem>>, vector<16xf32>,
    %swap3A_191 = arith.constant 5 : i32
    %swap3A_192 = arith.index_cast %swap3A_191 : i32 to index
    %swap3A_193 = arith.constant 112 : index
    %swap3A_194 = tpu.vector_load %arg29[%swap3A_192, %swap3A_193] {strides = array<i32>} : memref<64x128xf32, #tpu.memory_space<vmem>>, vector<16xf32>,
    tpu.vector_store %arg29[%swap3A_192, %swap3A_193], %broadcast_in_dim3A_3 {strides = array<i32>} : memref<64x128xf32, #tpu.memory_space<vmem>>, vector<16xf32>,
    %swap3A_195 = arith.constant 6 : i32
    %swap3A_196 = arith.index_cast %swap3A_195 : i32 to index
    %swap3A_197 = arith.constant 0 : index
    %swap3A_198 = tpu.vector_load %arg29[%swap3A_196, %swap3A_197] {strides = array<i32>} : memref<64x128xf32, #tpu.memory_space<vmem>>, vector<16xf32>,
    tpu.vector_store %arg29[%swap3A_196, %swap3A_197], %broadcast_in_dim3A_3 {strides = array<i32>} : memref<64x128xf32, #tpu.memory_space<vmem>>, vector<16xf32>,
    %swap3A_199 = arith.constant 6 : i32
    %swap3A_200 = arith.index_cast %swap3A_199 : i32 to index
    %swap3A_201 = arith.constant 16 : index
    %swap3A_202 = tpu.vector_load %arg29[%swap3A_200, %swap3A_201] {strides = array<i32>} : memref<64x128xf32, #tpu.memory_space<vmem>>, vector<16xf32>,
    tpu.vector_store %arg29[%swap3A_200, %swap3A_201], %broadcast_in_dim3A_3 {strides = array<i32>} : memref<64x128xf32, #tpu.memory_space<vmem>>, vector<16xf32>,
    %swap3A_203 = arith.constant 6 : i32
    %swap3A_204 = arith.index_cast %swap3A_203 : i32 to index
    %swap3A_205 = arith.constant 32 : index
    %swap3A_206 = tpu.vector_load %arg29[%swap3A_204, %swap3A_205] {strides = array<i32>} : memref<64x128xf32, #tpu.memory_space<vmem>>, vector<16xf32>,
    tpu.vector_store %arg29[%swap3A_204, %swap3A_205], %broadcast_in_dim3A_3 {strides = array<i32>} : memref<64x128xf32, #tpu.memory_space<vmem>>, vector<16xf32>,
    %swap3A_207 = arith.constant 6 : i32
    %swap3A_208 = arith.index_cast %swap3A_207 : i32 to index
    %swap3A_209 = arith.constant 48 : index
    %swap3A_210 = tpu.vector_load %arg29[%swap3A_208, %swap3A_209] {strides = array<i32>} : memref<64x128xf32, #tpu.memory_space<vmem>>, vector<16xf32>,
    tpu.vector_store %arg29[%swap3A_208, %swap3A_209], %broadcast_in_dim3A_3 {strides = array<i32>} : memref<64x128xf32, #tpu.memory_space<vmem>>, vector<16xf32>,
    %swap3A_211 = arith.constant 6 : i32
    %swap3A_212 = arith.index_cast %swap3A_211 : i32 to index
    %swap3A_213 = arith.constant 64 : index
    %swap3A_214 = tpu.vector_load %arg29[%swap3A_212, %swap3A_213] {strides = array<i32>} : memref<64x128xf32, #tpu.memory_space<vmem>>, vector<16xf32>,
    tpu.vector_store %arg29[%swap3A_212, %swap3A_213], %broadcast_in_dim3A_3 {strides = array<i32>} : memref<64x128xf32, #tpu.memory_space<vmem>>, vector<16xf32>,
    %swap3A_215 = arith.constant 6 : i32
    %swap3A_216 = arith.index_cast %swap3A_215 : i32 to index
    %swap3A_217 = arith.constant 80 : index
    %swap3A_218 = tpu.vector_load %arg29[%swap3A_216, %swap3A_217] {strides = array<i32>} : memref<64x128xf32, #tpu.memory_space<vmem>>, vector<16xf32>,
    tpu.vector_store %arg29[%swap3A_216, %swap3A_217], %broadcast_in_dim3A_3 {strides = array<i32>} : memref<64x128xf32, #tpu.memory_space<vmem>>, vector<16xf32>,
    %swap3A_219 = arith.constant 6 : i32
    %swap3A_220 = arith.index_cast %swap3A_219 : i32 to index
    %swap3A_221 = arith.constant 96 : index
    %swap3A_222 = tpu.vector_load %arg29[%swap3A_220, %swap3A_221] {strides = array<i32>} : memref<64x128xf32, #tpu.memory_space<vmem>>, vector<16xf32>,
    tpu.vector_store %arg29[%swap3A_220, %swap3A_221], %broadcast_in_dim3A_3 {strides = array<i32>} : memref<64x128xf32, #tpu.memory_space<vmem>>, vector<16xf32>,
    %swap3A_223 = arith.constant 6 : i32
    %swap3A_224 = arith.index_cast %swap3A_223 : i32 to index
    %swap3A_225 = arith.constant 112 : index
    %swap3A_226 = tpu.vector_load %arg29[%swap3A_224, %swap3A_225] {strides = array<i32>} : memref<64x128xf32, #tpu.memory_space<vmem>>, vector<16xf32>,
    tpu.vector_store %arg29[%swap3A_224, %swap3A_225], %broadcast_in_dim3A_3 {strides = array<i32>} : memref<64x128xf32, #tpu.memory_space<vmem>>, vector<16xf32>,
    %swap3A_227 = arith.constant 7 : i32
    %swap3A_228 = arith.index_cast %swap3A_227 : i32 to index
    %swap3A_229 = arith.constant 0 : index
    %swap3A_230 = tpu.vector_load %arg29[%swap3A_228, %swap3A_229] {strides = array<i32>} : memref<64x128xf32, #tpu.memory_space<vmem>>, vector<16xf32>,
    tpu.vector_store %arg29[%swap3A_228, %swap3A_229], %broadcast_in_dim3A_3 {strides = array<i32>} : memref<64x128xf32, #tpu.memory_space<vmem>>, vector<16xf32>,
    %swap3A_231 = arith.constant 7 : i32
    %swap3A_232 = arith.index_cast %swap3A_231 : i32 to index
    %swap3A_233 = arith.constant 16 : index
    %swap3A_234 = tpu.vector_load %arg29[%swap3A_232, %swap3A_233] {strides = array<i32>} : memref<64x128xf32, #tpu.memory_space<vmem>>, vector<16xf32>,
    tpu.vector_store %arg29[%swap3A_232, %swap3A_233], %broadcast_in_dim3A_3 {strides = array<i32>} : memref<64x128xf32, #tpu.memory_space<vmem>>, vector<16xf32>,
    %swap3A_235 = arith.constant 7 : i32
    %swap3A_236 = arith.index_cast %swap3A_235 : i32 to index
    %swap3A_237 = arith.constant 32 : index
    %swap3A_238 = tpu.vector_load %arg29[%swap3A_236, %swap3A_237] {strides = array<i32>} : memref<64x128xf32, #tpu.memory_space<vmem>>, vector<16xf32>,
    tpu.vector_store %arg29[%swap3A_236, %swap3A_237], %broadcast_in_dim3A_3 {strides = array<i32>} : memref<64x128xf32, #tpu.memory_space<vmem>>, vector<16xf32>,
    %swap3A_239 = arith.constant 7 : i32
    %swap3A_240 = arith.index_cast %swap3A_239 : i32 to index
    %swap3A_241 = arith.constant 48 : index
    %swap3A_242 = tpu.vector_load %arg29[%swap3A_240, %swap3A_241] {strides = array<i32>} : memref<64x128xf32, #tpu.memory_space<vmem>>, vector<16xf32>,
    tpu.vector_store %arg29[%swap3A_240, %swap3A_241], %broadcast_in_dim3A_3 {strides = array<i32>} : memref<64x128xf32, #tpu.memory_space<vmem>>, vector<16xf32>,
    %swap3A_243 = arith.constant 7 : i32
    %swap3A_244 = arith.index_cast %swap3A_243 : i32 to index
    %swap3A_245 = arith.constant 64 : index
    %swap3A_246 = tpu.vector_load %arg29[%swap3A_244, %swap3A_245] {strides = array<i32>} : memref<64x128xf32, #tpu.memory_space<vmem>>, vector<16xf32>,
    tpu.vector_store %arg29[%swap3A_244, %swap3A_245], %broadcast_in_dim3A_3 {strides = array<i32>} : memref<64x128xf32, #tpu.memory_space<vmem>>, vector<16xf32>,
    %swap3A_247 = arith.constant 7 : i32
    %swap3A_248 = arith.index_cast %swap3A_247 : i32 to index
    %swap3A_249 = arith.constant 80 : index
    %swap3A_250 = tpu.vector_load %arg29[%swap3A_248, %swap3A_249] {strides = array<i32>} : memref<64x128xf32, #tpu.memory_space<vmem>>, vector<16xf32>,
    tpu.vector_store %arg29[%swap3A_248, %swap3A_249], %broadcast_in_dim3A_3 {strides = array<i32>} : memref<64x128xf32, #tpu.memory_space<vmem>>, vector<16xf32>,
    %swap3A_251 = arith.constant 7 : i32
    %swap3A_252 = arith.index_cast %swap3A_251 : i32 to index
    %swap3A_253 = arith.constant 96 : index
    %swap3A_254 = tpu.vector_load %arg29[%swap3A_252, %swap3A_253] {strides = array<i32>} : memref<64x128xf32, #tpu.memory_space<vmem>>, vector<16xf32>,
    tpu.vector_store %arg29[%swap3A_252, %swap3A_253], %broadcast_in_dim3A_3 {strides = array<i32>} : memref<64x128xf32, #tpu.memory_space<vmem>>, vector<16xf32>,
    %swap3A_255 = arith.constant 7 : i32
    %swap3A_256 = arith.index_cast %swap3A_255 : i32 to index
    %swap3A_257 = arith.constant 112 : index
    %swap3A_258 = tpu.vector_load %arg29[%swap3A_256, %swap3A_257] {strides = array<i32>} : memref<64x128xf32, #tpu.memory_space<vmem>>, vector<16xf32>,
    tpu.vector_store %arg29[%swap3A_256, %swap3A_257], %broadcast_in_dim3A_3 {strides = array<i32>} : memref<64x128xf32, #tpu.memory_space<vmem>>, vector<16xf32>,
    %swap3A_259 = arith.constant 8 : i32
    %swap3A_260 = arith.index_cast %swap3A_259 : i32 to index
    %swap3A_261 = arith.constant 0 : index
    %swap3A_262 = tpu.vector_load %arg29[%swap3A_260, %swap3A_261] {strides = array<i32>} : memref<64x128xf32, #tpu.memory_space<vmem>>, vector<16xf32>,
    tpu.vector_store %arg29[%swap3A_260, %swap3A_261], %broadcast_in_dim3A_3 {strides = array<i32>} : memref<64x128xf32, #tpu.memory_space<vmem>>, vector<16xf32>,
    %swap3A_263 = arith.constant 8 : i32
    %swap3A_264 = arith.index_cast %swap3A_263 : i32 to index
    %swap3A_265 = arith.constant 16 : index
    %swap3A_266 = tpu.vector_load %arg29[%swap3A_264, %swap3A_265] {strides = array<i32>} : memref<64x128xf32, #tpu.memory_space<vmem>>, vector<16xf32>,
    tpu.vector_store %arg29[%swap3A_264, %swap3A_265], %broadcast_in_dim3A_3 {strides = array<i32>} : memref<64x128xf32, #tpu.memory_space<vmem>>, vector<16xf32>,
    %swap3A_267 = arith.constant 8 : i32
    %swap3A_268 = arith.index_cast %swap3A_267 : i32 to index
    %swap3A_269 = arith.constant 32 : index
    %swap3A_270 = tpu.vector_load %arg29[%swap3A_268, %swap3A_269] {strides = array<i32>} : memref<64x128xf32, #tpu.memory_space<vmem>>, vector<16xf32>,
    tpu.vector_store %arg29[%swap3A_268, %swap3A_269], %broadcast_in_dim3A_3 {strides = array<i32>} : memref<64x128xf32, #tpu.memory_space<vmem>>, vector<16xf32>,
    %swap3A_271 = arith.constant 8 : i32
    %swap3A_272 = arith.index_cast %swap3A_271 : i32 to index
    %swap3A_273 = arith.constant 48 : index
    %swap3A_274 = tpu.vector_load %arg29[%swap3A_272, %swap3A_273] {strides = array<i32>} : memref<64x128xf32, #tpu.memory_space<vmem>>, vector<16xf32>,
    tpu.vector_store %arg29[%swap3A_272, %swap3A_273], %broadcast_in_dim3A_3 {strides = array<i32>} : memref<64x128xf32, #tpu.memory_space<vmem>>, vector<16xf32>,
    %swap3A_275 = arith.constant 8 : i32
    %swap3A_276 = arith.index_cast %swap3A_275 : i32 to index
    %swap3A_277 = arith.constant 64 : index
    %swap3A_278 = tpu.vector_load %arg29[%swap3A_276, %swap3A_277] {strides = array<i32>} : memref<64x128xf32, #tpu.memory_space<vmem>>, vector<16xf32>,
    tpu.vector_store %arg29[%swap3A_276, %swap3A_277], %broadcast_in_dim3A_3 {strides = array<i32>} : memref<64x128xf32, #tpu.memory_space<vmem>>, vector<16xf32>,
    %swap3A_279 = arith.constant 8 : i32
    %swap3A_280 = arith.index_cast %swap3A_279 : i32 to index
    %swap3A_281 = arith.constant 80 : index
    %swap3A_282 = tpu.vector_load %arg29[%swap3A_280, %swap3A_281] {strides = array<i32>} : memref<64x128xf32, #tpu.memory_space<vmem>>, vector<16xf32>,
    tpu.vector_store %arg29[%swap3A_280, %swap3A_281], %broadcast_in_dim3A_3 {strides = array<i32>} : memref<64x128xf32, #tpu.memory_space<vmem>>, vector<16xf32>,
    %swap3A_283 = arith.constant 8 : i32
    %swap3A_284 = arith.index_cast %swap3A_283 : i32 to index
    %swap3A_285 = arith.constant 96 : index
    %swap3A_286 = tpu.vector_load %arg29[%swap3A_284, %swap3A_285] {strides = array<i32>} : memref<64x128xf32, #tpu.memory_space<vmem>>, vector<16xf32>,
    tpu.vector_store %arg29[%swap3A_284, %swap3A_285], %broadcast_in_dim3A_3 {strides = array<i32>} : memref<64x128xf32, #tpu.memory_space<vmem>>, vector<16xf32>,
    %swap3A_287 = arith.constant 8 : i32
    %swap3A_288 = arith.index_cast %swap3A_287 : i32 to index
    %swap3A_289 = arith.constant 112 : index
    %swap3A_290 = tpu.vector_load %arg29[%swap3A_288, %swap3A_289] {strides = array<i32>} : memref<64x128xf32, #tpu.memory_space<vmem>>, vector<16xf32>,
    tpu.vector_store %arg29[%swap3A_288, %swap3A_289], %broadcast_in_dim3A_3 {strides = array<i32>} : memref<64x128xf32, #tpu.memory_space<vmem>>, vector<16xf32>,
    %swap3A_291 = arith.constant 9 : i32
    %swap3A_292 = arith.index_cast %swap3A_291 : i32 to index
    %swap3A_293 = arith.constant 0 : index
    %swap3A_294 = tpu.vector_load %arg29[%swap3A_292, %swap3A_293] {strides = array<i32>} : memref<64x128xf32, #tpu.memory_space<vmem>>, vector<16xf32>,
    tpu.vector_store %arg29[%swap3A_292, %swap3A_293], %broadcast_in_dim3A_3 {strides = array<i32>} : memref<64x128xf32, #tpu.memory_space<vmem>>, vector<16xf32>,
    %swap3A_295 = arith.constant 9 : i32
    %swap3A_296 = arith.index_cast %swap3A_295 : i32 to index
    %swap3A_297 = arith.constant 16 : index
    %swap3A_298 = tpu.vector_load %arg29[%swap3A_296, %swap3A_297] {strides = array<i32>} : memref<64x128xf32, #tpu.memory_space<vmem>>, vector<16xf32>,
    tpu.vector_store %arg29[%swap3A_296, %swap3A_297], %broadcast_in_dim3A_3 {strides = array<i32>} : memref<64x128xf32, #tpu.memory_space<vmem>>, vector<16xf32>,
    %swap3A_299 = arith.constant 9 : i32
    %swap3A_300 = arith.index_cast %swap3A_299 : i32 to index
    %swap3A_301 = arith.constant 32 : index
    %swap3A_302 = tpu.vector_load %arg29[%swap3A_300, %swap3A_301] {strides = array<i32>} : memref<64x128xf32, #tpu.memory_space<vmem>>, vector<16xf32>,
    tpu.vector_store %arg29[%swap3A_300, %swap3A_301], %broadcast_in_dim3A_3 {strides = array<i32>} : memref<64x128xf32, #tpu.memory_space<vmem>>, vector<16xf32>,
    %swap3A_303 = arith.constant 9 : i32
    %swap3A_304 = arith.index_cast %swap3A_303 : i32 to index
    %swap3A_305 = arith.constant 48 : index
    %swap3A_306 = tpu.vector_load %arg29[%swap3A_304, %swap3A_305] {strides = array<i32>} : memref<64x128xf32, #tpu.memory_space<vmem>>, vector<16xf32>,
    tpu.vector_store %arg29[%swap3A_304, %swap3A_305], %broadcast_in_dim3A_3 {strides = array<i32>} : memref<64x128xf32, #tpu.memory_space<vmem>>, vector<16xf32>,
    %swap3A_307 = arith.constant 9 : i32
    %swap3A_308 = arith.index_cast %swap3A_307 : i32 to index
    %swap3A_309 = arith.constant 64 : index
    %swap3A_310 = tpu.vector_load %arg29[%swap3A_308, %swap3A_309] {strides = array<i32>} : memref<64x128xf32, #tpu.memory_space<vmem>>, vector<16xf32>,
    tpu.vector_store %arg29[%swap3A_308, %swap3A_309], %broadcast_in_dim3A_3 {strides = array<i32>} : memref<64x128xf32, #tpu.memory_space<vmem>>, vector<16xf32>,
    %swap3A_311 = arith.constant 9 : i32
    %swap3A_312 = arith.index_cast %swap3A_311 : i32 to index
    %swap3A_313 = arith.constant 80 : index
    %swap3A_314 = tpu.vector_load %arg29[%swap3A_312, %swap3A_313] {strides = array<i32>} : memref<64x128xf32, #tpu.memory_space<vmem>>, vector<16xf32>,
    tpu.vector_store %arg29[%swap3A_312, %swap3A_313], %broadcast_in_dim3A_3 {strides = array<i32>} : memref<64x128xf32, #tpu.memory_space<vmem>>, vector<16xf32>,
    %swap3A_315 = arith.constant 9 : i32
    %swap3A_316 = arith.index_cast %swap3A_315 : i32 to index
    %swap3A_317 = arith.constant 96 : index
    %swap3A_318 = tpu.vector_load %arg29[%swap3A_316, %swap3A_317] {strides = array<i32>} : memref<64x128xf32, #tpu.memory_space<vmem>>, vector<16xf32>,
    tpu.vector_store %arg29[%swap3A_316, %swap3A_317], %broadcast_in_dim3A_3 {strides = array<i32>} : memref<64x128xf32, #tpu.memory_space<vmem>>, vector<16xf32>,
    %swap3A_319 = arith.constant 9 : i32
    %swap3A_320 = arith.index_cast %swap3A_319 : i32 to index
    %swap3A_321 = arith.constant 112 : index
    %swap3A_322 = tpu.vector_load %arg29[%swap3A_320, %swap3A_321] {strides = array<i32>} : memref<64x128xf32, #tpu.memory_space<vmem>>, vector<16xf32>,
    tpu.vector_store %arg29[%swap3A_320, %swap3A_321], %broadcast_in_dim3A_3 {strides = array<i32>} : memref<64x128xf32, #tpu.memory_space<vmem>>, vector<16xf32>,
    %swap3A_323 = arith.constant 10 : i32
    %swap3A_324 = arith.index_cast %swap3A_323 : i32 to index
    %swap3A_325 = arith.constant 0 : index
    %swap3A_326 = tpu.vector_load %arg29[%swap3A_324, %swap3A_325] {strides = array<i32>} : memref<64x128xf32, #tpu.memory_space<vmem>>, vector<16xf32>,
    tpu.vector_store %arg29[%swap3A_324, %swap3A_325], %broadcast_in_dim3A_3 {strides = array<i32>} : memref<64x128xf32, #tpu.memory_space<vmem>>, vector<16xf32>,
    %swap3A_327 = arith.constant 10 : i32
    %swap3A_328 = arith.index_cast %swap3A_327 : i32 to index
    %swap3A_329 = arith.constant 16 : index
    %swap3A_330 = tpu.vector_load %arg29[%swap3A_328, %swap3A_329] {strides = array<i32>} : memref<64x128xf32, #tpu.memory_space<vmem>>, vector<16xf32>,
    tpu.vector_store %arg29[%swap3A_328, %swap3A_329], %broadcast_in_dim3A_3 {strides = array<i32>} : memref<64x128xf32, #tpu.memory_space<vmem>>, vector<16xf32>,
    %swap3A_331 = arith.constant 10 : i32
    %swap3A_332 = arith.index_cast %swap3A_331 : i32 to index
    %swap3A_333 = arith.constant 32 : index
    %swap3A_334 = tpu.vector_load %arg29[%swap3A_332, %swap3A_333] {strides = array<i32>} : memref<64x128xf32, #tpu.memory_space<vmem>>, vector<16xf32>,
    tpu.vector_store %arg29[%swap3A_332, %swap3A_333], %broadcast_in_dim3A_3 {strides = array<i32>} : memref<64x128xf32, #tpu.memory_space<vmem>>, vector<16xf32>,
    %swap3A_335 = arith.constant 10 : i32
    %swap3A_336 = arith.index_cast %swap3A_335 : i32 to index
    %swap3A_337 = arith.constant 48 : index
    %swap3A_338 = tpu.vector_load %arg29[%swap3A_336, %swap3A_337] {strides = array<i32>} : memref<64x128xf32, #tpu.memory_space<vmem>>, vector<16xf32>,
    tpu.vector_store %arg29[%swap3A_336, %swap3A_337], %broadcast_in_dim3A_3 {strides = array<i32>} : memref<64x128xf32, #tpu.memory_space<vmem>>, vector<16xf32>,
    %swap3A_339 = arith.constant 10 : i32
    %swap3A_340 = arith.index_cast %swap3A_339 : i32 to index
    %swap3A_341 = arith.constant 64 : index
    %swap3A_342 = tpu.vector_load %arg29[%swap3A_340, %swap3A_341] {strides = array<i32>} : memref<64x128xf32, #tpu.memory_space<vmem>>, vector<16xf32>,
    tpu.vector_store %arg29[%swap3A_340, %swap3A_341], %broadcast_in_dim3A_3 {strides = array<i32>} : memref<64x128xf32, #tpu.memory_space<vmem>>, vector<16xf32>,
    %swap3A_343 = arith.constant 10 : i32
    %swap3A_344 = arith.index_cast %swap3A_343 : i32 to index
    %swap3A_345 = arith.constant 80 : index
    %swap3A_346 = tpu.vector_load %arg29[%swap3A_344, %swap3A_345] {strides = array<i32>} : memref<64x128xf32, #tpu.memory_space<vmem>>, vector<16xf32>,
    tpu.vector_store %arg29[%swap3A_344, %swap3A_345], %broadcast_in_dim3A_3 {strides = array<i32>} : memref<64x128xf32, #tpu.memory_space<vmem>>, vector<16xf32>,
    %swap3A_347 = arith.constant 10 : i32
    %swap3A_348 = arith.index_cast %swap3A_347 : i32 to index
    %swap3A_349 = arith.constant 96 : index
    %swap3A_350 = tpu.vector_load %arg29[%swap3A_348, %swap3A_349] {strides = array<i32>} : memref<64x128xf32, #tpu.memory_space<vmem>>, vector<16xf32>,
    tpu.vector_store %arg29[%swap3A_348, %swap3A_349], %broadcast_in_dim3A_3 {strides = array<i32>} : memref<64x128xf32, #tpu.memory_space<vmem>>, vector<16xf32>,
    %swap3A_351 = arith.constant 10 : i32
    %swap3A_352 = arith.index_cast %swap3A_351 : i32 to index
    %swap3A_353 = arith.constant 112 : index
    %swap3A_354 = tpu.vector_load %arg29[%swap3A_352, %swap3A_353] {strides = array<i32>} : memref<64x128xf32, #tpu.memory_space<vmem>>, vector<16xf32>,
    tpu.vector_store %arg29[%swap3A_352, %swap3A_353], %broadcast_in_dim3A_3 {strides = array<i32>} : memref<64x128xf32, #tpu.memory_space<vmem>>, vector<16xf32>,
    %swap3A_355 = arith.constant 11 : i32
    %swap3A_356 = arith.index_cast %swap3A_355 : i32 to index
    %swap3A_357 = arith.constant 0 : index
    %swap3A_358 = tpu.vector_load %arg29[%swap3A_356, %swap3A_357] {strides = array<i32>} : memref<64x128xf32, #tpu.memory_space<vmem>>, vector<16xf32>,
    tpu.vector_store %arg29[%swap3A_356, %swap3A_357], %broadcast_in_dim3A_3 {strides = array<i32>} : memref<64x128xf32, #tpu.memory_space<vmem>>, vector<16xf32>,
    %swap3A_359 = arith.constant 11 : i32
    %swap3A_360 = arith.index_cast %swap3A_359 : i32 to index
    %swap3A_361 = arith.constant 16 : index
    %swap3A_362 = tpu.vector_load %arg29[%swap3A_360, %swap3A_361] {strides = array<i32>} : memref<64x128xf32, #tpu.memory_space<vmem>>, vector<16xf32>,
    tpu.vector_store %arg29[%swap3A_360, %swap3A_361], %broadcast_in_dim3A_3 {strides = array<i32>} : memref<64x128xf32, #tpu.memory_space<vmem>>, vector<16xf32>,
    %swap3A_363 = arith.constant 11 : i32
    %swap3A_364 = arith.index_cast %swap3A_363 : i32 to index
    %swap3A_365 = arith.constant 32 : index
    %swap3A_366 = tpu.vector_load %arg29[%swap3A_364, %swap3A_365] {strides = array<i32>} : memref<64x128xf32, #tpu.memory_space<vmem>>, vector<16xf32>,
    tpu.vector_store %arg29[%swap3A_364, %swap3A_365], %broadcast_in_dim3A_3 {strides = array<i32>} : memref<64x128xf32, #tpu.memory_space<vmem>>, vector<16xf32>,
    %swap3A_367 = arith.constant 11 : i32
    %swap3A_368 = arith.index_cast %swap3A_367 : i32 to index
    %swap3A_369 = arith.constant 48 : index
    %swap3A_370 = tpu.vector_load %arg29[%swap3A_368, %swap3A_369] {strides = array<i32>} : memref<64x128xf32, #tpu.memory_space<vmem>>, vector<16xf32>,
    tpu.vector_store %arg29[%swap3A_368, %swap3A_369], %broadcast_in_dim3A_3 {strides = array<i32>} : memref<64x128xf32, #tpu.memory_space<vmem>>, vector<16xf32>,
    %swap3A_371 = arith.constant 11 : i32
    %swap3A_372 = arith.index_cast %swap3A_371 : i32 to index
    %swap3A_373 = arith.constant 64 : index
    %swap3A_374 = tpu.vector_load %arg29[%swap3A_372, %swap3A_373] {strides = array<i32>} : memref<64x128xf32, #tpu.memory_space<vmem>>, vector<16xf32>,
    tpu.vector_store %arg29[%swap3A_372, %swap3A_373], %broadcast_in_dim3A_3 {strides = array<i32>} : memref<64x128xf32, #tpu.memory_space<vmem>>, vector<16xf32>,
    %swap3A_375 = arith.constant 11 : i32
    %swap3A_376 = arith.index_cast %swap3A_375 : i32 to index
    %swap3A_377 = arith.constant 80 : index
    %swap3A_378 = tpu.vector_load %arg29[%swap3A_376, %swap3A_377] {strides = array<i32>} : memref<64x128xf32, #tpu.memory_space<vmem>>, vector<16xf32>,
    tpu.vector_store %arg29[%swap3A_376, %swap3A_377], %broadcast_in_dim3A_3 {strides = array<i32>} : memref<64x128xf32, #tpu.memory_space<vmem>>, vector<16xf32>,
    %swap3A_379 = arith.constant 11 : i32
    %swap3A_380 = arith.index_cast %swap3A_379 : i32 to index
    %swap3A_381 = arith.constant 96 : index
    %swap3A_382 = tpu.vector_load %arg29[%swap3A_380, %swap3A_381] {strides = array<i32>} : memref<64x128xf32, #tpu.memory_space<vmem>>, vector<16xf32>,
    tpu.vector_store %arg29[%swap3A_380, %swap3A_381], %broadcast_in_dim3A_3 {strides = array<i32>} : memref<64x128xf32, #tpu.memory_space<vmem>>, vector<16xf32>,
    %swap3A_383 = arith.constant 11 : i32
    %swap3A_384 = arith.index_cast %swap3A_383 : i32 to index
    %swap3A_385 = arith.constant 112 : index
    %swap3A_386 = tpu.vector_load %arg29[%swap3A_384, %swap3A_385] {strides = array<i32>} : memref<64x128xf32, #tpu.memory_space<vmem>>, vector<16xf32>,
    tpu.vector_store %arg29[%swap3A_384, %swap3A_385], %broadcast_in_dim3A_3 {strides = array<i32>} : memref<64x128xf32, #tpu.memory_space<vmem>>, vector<16xf32>,
    %swap3A_387 = arith.constant 12 : i32
    %swap3A_388 = arith.index_cast %swap3A_387 : i32 to index
    %swap3A_389 = arith.constant 0 : index
    %swap3A_390 = tpu.vector_load %arg29[%swap3A_388, %swap3A_389] {strides = array<i32>} : memref<64x128xf32, #tpu.memory_space<vmem>>, vector<16xf32>,
    tpu.vector_store %arg29[%swap3A_388, %swap3A_389], %broadcast_in_dim3A_3 {strides = array<i32>} : memref<64x128xf32, #tpu.memory_space<vmem>>, vector<16xf32>,
    %swap3A_391 = arith.constant 12 : i32
    %swap3A_392 = arith.index_cast %swap3A_391 : i32 to index
    %swap3A_393 = arith.constant 16 : index
    %swap3A_394 = tpu.vector_load %arg29[%swap3A_392, %swap3A_393] {strides = array<i32>} : memref<64x128xf32, #tpu.memory_space<vmem>>, vector<16xf32>,
    tpu.vector_store %arg29[%swap3A_392, %swap3A_393], %broadcast_in_dim3A_3 {strides = array<i32>} : memref<64x128xf32, #tpu.memory_space<vmem>>, vector<16xf32>,
    %swap3A_395 = arith.constant 12 : i32
    %swap3A_396 = arith.index_cast %swap3A_395 : i32 to index
    %swap3A_397 = arith.constant 32 : index
    %swap3A_398 = tpu.vector_load %arg29[%swap3A_396, %swap3A_397] {strides = array<i32>} : memref<64x128xf32, #tpu.memory_space<vmem>>, vector<16xf32>,
    tpu.vector_store %arg29[%swap3A_396, %swap3A_397], %broadcast_in_dim3A_3 {strides = array<i32>} : memref<64x128xf32, #tpu.memory_space<vmem>>, vector<16xf32>,
    %swap3A_399 = arith.constant 12 : i32
    %swap3A_400 = arith.index_cast %swap3A_399 : i32 to index
    %swap3A_401 = arith.constant 48 : index
    %swap3A_402 = tpu.vector_load %arg29[%swap3A_400, %swap3A_401] {strides = array<i32>} : memref<64x128xf32, #tpu.memory_space<vmem>>, vector<16xf32>,
    tpu.vector_store %arg29[%swap3A_400, %swap3A_401], %broadcast_in_dim3A_3 {strides = array<i32>} : memref<64x128xf32, #tpu.memory_space<vmem>>, vector<16xf32>,
    %swap3A_403 = arith.constant 12 : i32
    %swap3A_404 = arith.index_cast %swap3A_403 : i32 to index
    %swap3A_405 = arith.constant 64 : index
    %swap3A_406 = tpu.vector_load %arg29[%swap3A_404, %swap3A_405] {strides = array<i32>} : memref<64x128xf32, #tpu.memory_space<vmem>>, vector<16xf32>,
    tpu.vector_store %arg29[%swap3A_404, %swap3A_405], %broadcast_in_dim3A_3 {strides = array<i32>} : memref<64x128xf32, #tpu.memory_space<vmem>>, vector<16xf32>,
    %swap3A_407 = arith.constant 12 : i32
    %swap3A_408 = arith.index_cast %swap3A_407 : i32 to index
    %swap3A_409 = arith.constant 80 : index
    %swap3A_410 = tpu.vector_load %arg29[%swap3A_408, %swap3A_409] {strides = array<i32>} : memref<64x128xf32, #tpu.memory_space<vmem>>, vector<16xf32>,
    tpu.vector_store %arg29[%swap3A_408, %swap3A_409], %broadcast_in_dim3A_3 {strides = array<i32>} : memref<64x128xf32, #tpu.memory_space<vmem>>, vector<16xf32>,
    %swap3A_411 = arith.constant 12 : i32
    %swap3A_412 = arith.index_cast %swap3A_411 : i32 to index
    %swap3A_413 = arith.constant 96 : index
    %swap3A_414 = tpu.vector_load %arg29[%swap3A_412, %swap3A_413] {strides = array<i32>} : memref<64x128xf32, #tpu.memory_space<vmem>>, vector<16xf32>,
    tpu.vector_store %arg29[%swap3A_412, %swap3A_413], %broadcast_in_dim3A_3 {strides = array<i32>} : memref<64x128xf32, #tpu.memory_space<vmem>>, vector<16xf32>,
    %swap3A_415 = arith.constant 12 : i32
    %swap3A_416 = arith.index_cast %swap3A_415 : i32 to index
    %swap3A_417 = arith.constant 112 : index
    %swap3A_418 = tpu.vector_load %arg29[%swap3A_416, %swap3A_417] {strides = array<i32>} : memref<64x128xf32, #tpu.memory_space<vmem>>, vector<16xf32>,
    tpu.vector_store %arg29[%swap3A_416, %swap3A_417], %broadcast_in_dim3A_3 {strides = array<i32>} : memref<64x128xf32, #tpu.memory_space<vmem>>, vector<16xf32>,
    %swap3A_419 = arith.constant 13 : i32
    %swap3A_420 = arith.index_cast %swap3A_419 : i32 to index
    %swap3A_421 = arith.constant 0 : index
    %swap3A_422 = tpu.vector_load %arg29[%swap3A_420, %swap3A_421] {strides = array<i32>} : memref<64x128xf32, #tpu.memory_space<vmem>>, vector<16xf32>,
    tpu.vector_store %arg29[%swap3A_420, %swap3A_421], %broadcast_in_dim3A_3 {strides = array<i32>} : memref<64x128xf32, #tpu.memory_space<vmem>>, vector<16xf32>,
    %swap3A_423 = arith.constant 13 : i32
    %swap3A_424 = arith.index_cast %swap3A_423 : i32 to index
    %swap3A_425 = arith.constant 16 : index
    %swap3A_426 = tpu.vector_load %arg29[%swap3A_424, %swap3A_425] {strides = array<i32>} : memref<64x128xf32, #tpu.memory_space<vmem>>, vector<16xf32>,
    tpu.vector_store %arg29[%swap3A_424, %swap3A_425], %broadcast_in_dim3A_3 {strides = array<i32>} : memref<64x128xf32, #tpu.memory_space<vmem>>, vector<16xf32>,
    %swap3A_427 = arith.constant 13 : i32
    %swap3A_428 = arith.index_cast %swap3A_427 : i32 to index
    %swap3A_429 = arith.constant 32 : index
    %swap3A_430 = tpu.vector_load %arg29[%swap3A_428, %swap3A_429] {strides = array<i32>} : memref<64x128xf32, #tpu.memory_space<vmem>>, vector<16xf32>,
    tpu.vector_store %arg29[%swap3A_428, %swap3A_429], %broadcast_in_dim3A_3 {strides = array<i32>} : memref<64x128xf32, #tpu.memory_space<vmem>>, vector<16xf32>,
    %swap3A_431 = arith.constant 13 : i32
    %swap3A_432 = arith.index_cast %swap3A_431 : i32 to index
    %swap3A_433 = arith.constant 48 : index
    %swap3A_434 = tpu.vector_load %arg29[%swap3A_432, %swap3A_433] {strides = array<i32>} : memref<64x128xf32, #tpu.memory_space<vmem>>, vector<16xf32>,
    tpu.vector_store %arg29[%swap3A_432, %swap3A_433], %broadcast_in_dim3A_3 {strides = array<i32>} : memref<64x128xf32, #tpu.memory_space<vmem>>, vector<16xf32>,
    %swap3A_435 = arith.constant 13 : i32
    %swap3A_436 = arith.index_cast %swap3A_435 : i32 to index
    %swap3A_437 = arith.constant 64 : index
    %swap3A_438 = tpu.vector_load %arg29[%swap3A_436, %swap3A_437] {strides = array<i32>} : memref<64x128xf32, #tpu.memory_space<vmem>>, vector<16xf32>,
    tpu.vector_store %arg29[%swap3A_436, %swap3A_437], %broadcast_in_dim3A_3 {strides = array<i32>} : memref<64x128xf32, #tpu.memory_space<vmem>>, vector<16xf32>,
    %swap3A_439 = arith.constant 13 : i32
    %swap3A_440 = arith.index_cast %swap3A_439 : i32 to index
    %swap3A_441 = arith.constant 80 : index
    %swap3A_442 = tpu.vector_load %arg29[%swap3A_440, %swap3A_441] {strides = array<i32>} : memref<64x128xf32, #tpu.memory_space<vmem>>, vector<16xf32>,
    tpu.vector_store %arg29[%swap3A_440, %swap3A_441], %broadcast_in_dim3A_3 {strides = array<i32>} : memref<64x128xf32, #tpu.memory_space<vmem>>, vector<16xf32>,
    %swap3A_443 = arith.constant 13 : i32
    %swap3A_444 = arith.index_cast %swap3A_443 : i32 to index
    %swap3A_445 = arith.constant 96 : index
    %swap3A_446 = tpu.vector_load %arg29[%swap3A_444, %swap3A_445] {strides = array<i32>} : memref<64x128xf32, #tpu.memory_space<vmem>>, vector<16xf32>,
    tpu.vector_store %arg29[%swap3A_444, %swap3A_445], %broadcast_in_dim3A_3 {strides = array<i32>} : memref<64x128xf32, #tpu.memory_space<vmem>>, vector<16xf32>,
    %swap3A_447 = arith.constant 13 : i32
    %swap3A_448 = arith.index_cast %swap3A_447 : i32 to index
    %swap3A_449 = arith.constant 112 : index
    %swap3A_450 = tpu.vector_load %arg29[%swap3A_448, %swap3A_449] {strides = array<i32>} : memref<64x128xf32, #tpu.memory_space<vmem>>, vector<16xf32>,
    tpu.vector_store %arg29[%swap3A_448, %swap3A_449], %broadcast_in_dim3A_3 {strides = array<i32>} : memref<64x128xf32, #tpu.memory_space<vmem>>, vector<16xf32>,
    %swap3A_451 = arith.constant 14 : i32
    %swap3A_452 = arith.index_cast %swap3A_451 : i32 to index
    %swap3A_453 = arith.constant 0 : index
    %swap3A_454 = tpu.vector_load %arg29[%swap3A_452, %swap3A_453] {strides = array<i32>} : memref<64x128xf32, #tpu.memory_space<vmem>>, vector<16xf32>,
    tpu.vector_store %arg29[%swap3A_452, %swap3A_453], %broadcast_in_dim3A_3 {strides = array<i32>} : memref<64x128xf32, #tpu.memory_space<vmem>>, vector<16xf32>,
    %swap3A_455 = arith.constant 14 : i32
    %swap3A_456 = arith.index_cast %swap3A_455 : i32 to index
    %swap3A_457 = arith.constant 16 : index
    %swap3A_458 = tpu.vector_load %arg29[%swap3A_456, %swap3A_457] {strides = array<i32>} : memref<64x128xf32, #tpu.memory_space<vmem>>, vector<16xf32>,
    tpu.vector_store %arg29[%swap3A_456, %swap3A_457], %broadcast_in_dim3A_3 {strides = array<i32>} : memref<64x128xf32, #tpu.memory_space<vmem>>, vector<16xf32>,
    %swap3A_459 = arith.constant 14 : i32
    %swap3A_460 = arith.index_cast %swap3A_459 : i32 to index
    %swap3A_461 = arith.constant 32 : index
    %swap3A_462 = tpu.vector_load %arg29[%swap3A_460, %swap3A_461] {strides = array<i32>} : memref<64x128xf32, #tpu.memory_space<vmem>>, vector<16xf32>,
    tpu.vector_store %arg29[%swap3A_460, %swap3A_461], %broadcast_in_dim3A_3 {strides = array<i32>} : memref<64x128xf32, #tpu.memory_space<vmem>>, vector<16xf32>,
    %swap3A_463 = arith.constant 14 : i32
    %swap3A_464 = arith.index_cast %swap3A_463 : i32 to index
    %swap3A_465 = arith.constant 48 : index
    %swap3A_466 = tpu.vector_load %arg29[%swap3A_464, %swap3A_465] {strides = array<i32>} : memref<64x128xf32, #tpu.memory_space<vmem>>, vector<16xf32>,
    tpu.vector_store %arg29[%swap3A_464, %swap3A_465], %broadcast_in_dim3A_3 {strides = array<i32>} : memref<64x128xf32, #tpu.memory_space<vmem>>, vector<16xf32>,
    %swap3A_467 = arith.constant 14 : i32
    %swap3A_468 = arith.index_cast %swap3A_467 : i32 to index
    %swap3A_469 = arith.constant 64 : index
    %swap3A_470 = tpu.vector_load %arg29[%swap3A_468, %swap3A_469] {strides = array<i32>} : memref<64x128xf32, #tpu.memory_space<vmem>>, vector<16xf32>,
    tpu.vector_store %arg29[%swap3A_468, %swap3A_469], %broadcast_in_dim3A_3 {strides = array<i32>} : memref<64x128xf32, #tpu.memory_space<vmem>>, vector<16xf32>,
    %swap3A_471 = arith.constant 14 : i32
    %swap3A_472 = arith.index_cast %swap3A_471 : i32 to index
    %swap3A_473 = arith.constant 80 : index
    %swap3A_474 = tpu.vector_load %arg29[%swap3A_472, %swap3A_473] {strides = array<i32>} : memref<64x128xf32, #tpu.memory_space<vmem>>, vector<16xf32>,
    tpu.vector_store %arg29[%swap3A_472, %swap3A_473], %broadcast_in_dim3A_3 {strides = array<i32>} : memref<64x128xf32, #tpu.memory_space<vmem>>, vector<16xf32>,
    %swap3A_475 = arith.constant 14 : i32
    %swap3A_476 = arith.index_cast %swap3A_475 : i32 to index
    %swap3A_477 = arith.constant 96 : index
    %swap3A_478 = tpu.vector_load %arg29[%swap3A_476, %swap3A_477] {strides = array<i32>} : memref<64x128xf32, #tpu.memory_space<vmem>>, vector<16xf32>,
    tpu.vector_store %arg29[%swap3A_476, %swap3A_477], %broadcast_in_dim3A_3 {strides = array<i32>} : memref<64x128xf32, #tpu.memory_space<vmem>>, vector<16xf32>,
    %swap3A_479 = arith.constant 14 : i32
    %swap3A_480 = arith.index_cast %swap3A_479 : i32 to index
    %swap3A_481 = arith.constant 112 : index
    %swap3A_482 = tpu.vector_load %arg29[%swap3A_480, %swap3A_481] {strides = array<i32>} : memref<64x128xf32, #tpu.memory_space<vmem>>, vector<16xf32>,
    tpu.vector_store %arg29[%swap3A_480, %swap3A_481], %broadcast_in_dim3A_3 {strides = array<i32>} : memref<64x128xf32, #tpu.memory_space<vmem>>, vector<16xf32>,
    %swap3A_483 = arith.constant 15 : i32
    %swap3A_484 = arith.index_cast %swap3A_483 : i32 to index
    %swap3A_485 = arith.constant 0 : index
    %swap3A_486 = tpu.vector_load %arg29[%swap3A_484, %swap3A_485] {strides = array<i32>} : memref<64x128xf32, #tpu.memory_space<vmem>>, vector<16xf32>,
    tpu.vector_store %arg29[%swap3A_484, %swap3A_485], %broadcast_in_dim3A_3 {strides = array<i32>} : memref<64x128xf32, #tpu.memory_space<vmem>>, vector<16xf32>,
    %swap3A_487 = arith.constant 15 : i32
    %swap3A_488 = arith.index_cast %swap3A_487 : i32 to index
    %swap3A_489 = arith.constant 16 : index
    %swap3A_490 = tpu.vector_load %arg29[%swap3A_488, %swap3A_489] {strides = array<i32>} : memref<64x128xf32, #tpu.memory_space<vmem>>, vector<16xf32>,
    tpu.vector_store %arg29[%swap3A_488, %swap3A_489], %broadcast_in_dim3A_3 {strides = array<i32>} : memref<64x128xf32, #tpu.memory_space<vmem>>, vector<16xf32>,
    %swap3A_491 = arith.constant 15 : i32
    %swap3A_492 = arith.index_cast %swap3A_491 : i32 to index
    %swap3A_493 = arith.constant 32 : index
    %swap3A_494 = tpu.vector_load %arg29[%swap3A_492, %swap3A_493] {strides = array<i32>} : memref<64x128xf32, #tpu.memory_space<vmem>>, vector<16xf32>,
    tpu.vector_store %arg29[%swap3A_492, %swap3A_493], %broadcast_in_dim3A_3 {strides = array<i32>} : memref<64x128xf32, #tpu.memory_space<vmem>>, vector<16xf32>,
    %swap3A_495 = arith.constant 15 : i32
    %swap3A_496 = arith.index_cast %swap3A_495 : i32 to index
    %swap3A_497 = arith.constant 48 : index
    %swap3A_498 = tpu.vector_load %arg29[%swap3A_496, %swap3A_497] {strides = array<i32>} : memref<64x128xf32, #tpu.memory_space<vmem>>, vector<16xf32>,
    tpu.vector_store %arg29[%swap3A_496, %swap3A_497], %broadcast_in_dim3A_3 {strides = array<i32>} : memref<64x128xf32, #tpu.memory_space<vmem>>, vector<16xf32>,
    %swap3A_499 = arith.constant 15 : i32
    %swap3A_500 = arith.index_cast %swap3A_499 : i32 to index
    %swap3A_501 = arith.constant 64 : index
    %swap3A_502 = tpu.vector_load %arg29[%swap3A_500, %swap3A_501] {strides = array<i32>} : memref<64x128xf32, #tpu.memory_space<vmem>>, vector<16xf32>,
    tpu.vector_store %arg29[%swap3A_500, %swap3A_501], %broadcast_in_dim3A_3 {strides = array<i32>} : memref<64x128xf32, #tpu.memory_space<vmem>>, vector<16xf32>,
    %swap3A_503 = arith.constant 15 : i32
    %swap3A_504 = arith.index_cast %swap3A_503 : i32 to index
    %swap3A_505 = arith.constant 80 : index
    %swap3A_506 = tpu.vector_load %arg29[%swap3A_504, %swap3A_505] {strides = array<i32>} : memref<64x128xf32, #tpu.memory_space<vmem>>, vector<16xf32>,
    tpu.vector_store %arg29[%swap3A_504, %swap3A_505], %broadcast_in_dim3A_3 {strides = array<i32>} : memref<64x128xf32, #tpu.memory_space<vmem>>, vector<16xf32>,
    %swap3A_507 = arith.constant 15 : i32
    %swap3A_508 = arith.index_cast %swap3A_507 : i32 to index
    %swap3A_509 = arith.constant 96 : index
    %swap3A_510 = tpu.vector_load %arg29[%swap3A_508, %swap3A_509] {strides = array<i32>} : memref<64x128xf32, #tpu.memory_space<vmem>>, vector<16xf32>,
    tpu.vector_store %arg29[%swap3A_508, %swap3A_509], %broadcast_in_dim3A_3 {strides = array<i32>} : memref<64x128xf32, #tpu.memory_space<vmem>>, vector<16xf32>,
    %swap3A_511 = arith.constant 15 : i32
    %swap3A_512 = arith.index_cast %swap3A_511 : i32 to index
    %swap3A_513 = arith.constant 112 : index
    %swap3A_514 = tpu.vector_load %arg29[%swap3A_512, %swap3A_513] {strides = array<i32>} : memref<64x128xf32, #tpu.memory_space<vmem>>, vector<16xf32>,
    tpu.vector_store %arg29[%swap3A_512, %swap3A_513], %broadcast_in_dim3A_3 {strides = array<i32>} : memref<64x128xf32, #tpu.memory_space<vmem>>, vector<16xf32>,
    %swap3A_515 = arith.constant 16 : i32
    %swap3A_516 = arith.index_cast %swap3A_515 : i32 to index
    %swap3A_517 = arith.constant 0 : index
    %swap3A_518 = tpu.vector_load %arg29[%swap3A_516, %swap3A_517] {strides = array<i32>} : memref<64x128xf32, #tpu.memory_space<vmem>>, vector<16xf32>,
    tpu.vector_store %arg29[%swap3A_516, %swap3A_517], %broadcast_in_dim3A_3 {strides = array<i32>} : memref<64x128xf32, #tpu.memory_space<vmem>>, vector<16xf32>,
    %swap3A_519 = arith.constant 16 : i32
    %swap3A_520 = arith.index_cast %swap3A_519 : i32 to index
    %swap3A_521 = arith.constant 16 : index
    %swap3A_522 = tpu.vector_load %arg29[%swap3A_520, %swap3A_521] {strides = array<i32>} : memref<64x128xf32, #tpu.memory_space<vmem>>, vector<16xf32>,
    tpu.vector_store %arg29[%swap3A_520, %swap3A_521], %broadcast_in_dim3A_3 {strides = array<i32>} : memref<64x128xf32, #tpu.memory_space<vmem>>, vector<16xf32>,
    %swap3A_523 = arith.constant 16 : i32
    %swap3A_524 = arith.index_cast %swap3A_523 : i32 to index
    %swap3A_525 = arith.constant 32 : index
    %swap3A_526 = tpu.vector_load %arg29[%swap3A_524, %swap3A_525] {strides = array<i32>} : memref<64x128xf32, #tpu.memory_space<vmem>>, vector<16xf32>,
    tpu.vector_store %arg29[%swap3A_524, %swap3A_525], %broadcast_in_dim3A_3 {strides = array<i32>} : memref<64x128xf32, #tpu.memory_space<vmem>>, vector<16xf32>,
    %swap3A_527 = arith.constant 16 : i32
    %swap3A_528 = arith.index_cast %swap3A_527 : i32 to index
    %swap3A_529 = arith.constant 48 : index
    %swap3A_530 = tpu.vector_load %arg29[%swap3A_528, %swap3A_529] {strides = array<i32>} : memref<64x128xf32, #tpu.memory_space<vmem>>, vector<16xf32>,
    tpu.vector_store %arg29[%swap3A_528, %swap3A_529], %broadcast_in_dim3A_3 {strides = array<i32>} : memref<64x128xf32, #tpu.memory_space<vmem>>, vector<16xf32>,
    %swap3A_531 = arith.constant 16 : i32
    %swap3A_532 = arith.index_cast %swap3A_531 : i32 to index
    %swap3A_533 = arith.constant 64 : index
    %swap3A_534 = tpu.vector_load %arg29[%swap3A_532, %swap3A_533] {strides = array<i32>} : memref<64x128xf32, #tpu.memory_space<vmem>>, vector<16xf32>,
    tpu.vector_store %arg29[%swap3A_532, %swap3A_533], %broadcast_in_dim3A_3 {strides = array<i32>} : memref<64x128xf32, #tpu.memory_space<vmem>>, vector<16xf32>,
    %swap3A_535 = arith.constant 16 : i32
    %swap3A_536 = arith.index_cast %swap3A_535 : i32 to index
    %swap3A_537 = arith.constant 80 : index
    %swap3A_538 = tpu.vector_load %arg29[%swap3A_536, %swap3A_537] {strides = array<i32>} : memref<64x128xf32, #tpu.memory_space<vmem>>, vector<16xf32>,
    tpu.vector_store %arg29[%swap3A_536, %swap3A_537], %broadcast_in_dim3A_3 {strides = array<i32>} : memref<64x128xf32, #tpu.memory_space<vmem>>, vector<16xf32>,
    %swap3A_539 = arith.constant 16 : i32
    %swap3A_540 = arith.index_cast %swap3A_539 : i32 to index
    %swap3A_541 = arith.constant 96 : index
    %swap3A_542 = tpu.vector_load %arg29[%swap3A_540, %swap3A_541] {strides = array<i32>} : memref<64x128xf32, #tpu.memory_space<vmem>>, vector<16xf32>,
    tpu.vector_store %arg29[%swap3A_540, %swap3A_541], %broadcast_in_dim3A_3 {strides = array<i32>} : memref<64x128xf32, #tpu.memory_space<vmem>>, vector<16xf32>,
    %swap3A_543 = arith.constant 16 : i32
    %swap3A_544 = arith.index_cast %swap3A_543 : i32 to index
    %swap3A_545 = arith.constant 112 : index
    %swap3A_546 = tpu.vector_load %arg29[%swap3A_544, %swap3A_545] {strides = array<i32>} : memref<64x128xf32, #tpu.memory_space<vmem>>, vector<16xf32>,
    tpu.vector_store %arg29[%swap3A_544, %swap3A_545], %broadcast_in_dim3A_3 {strides = array<i32>} : memref<64x128xf32, #tpu.memory_space<vmem>>, vector<16xf32>,
    %swap3A_547 = arith.constant 17 : i32
    %swap3A_548 = arith.index_cast %swap3A_547 : i32 to index
    %swap3A_549 = arith.constant 0 : index
    %swap3A_550 = tpu.vector_load %arg29[%swap3A_548, %swap3A_549] {strides = array<i32>} : memref<64x128xf32, #tpu.memory_space<vmem>>, vector<16xf32>,
    tpu.vector_store %arg29[%swap3A_548, %swap3A_549], %broadcast_in_dim3A_3 {strides = array<i32>} : memref<64x128xf32, #tpu.memory_space<vmem>>, vector<16xf32>,
    %swap3A_551 = arith.constant 17 : i32
    %swap3A_552 = arith.index_cast %swap3A_551 : i32 to index
    %swap3A_553 = arith.constant 16 : index
    %swap3A_554 = tpu.vector_load %arg29[%swap3A_552, %swap3A_553] {strides = array<i32>} : memref<64x128xf32, #tpu.memory_space<vmem>>, vector<16xf32>,
    tpu.vector_store %arg29[%swap3A_552, %swap3A_553], %broadcast_in_dim3A_3 {strides = array<i32>} : memref<64x128xf32, #tpu.memory_space<vmem>>, vector<16xf32>,
    %swap3A_555 = arith.constant 17 : i32
    %swap3A_556 = arith.index_cast %swap3A_555 : i32 to index
    %swap3A_557 = arith.constant 32 : index
    %swap3A_558 = tpu.vector_load %arg29[%swap3A_556, %swap3A_557] {strides = array<i32>} : memref<64x128xf32, #tpu.memory_space<vmem>>, vector<16xf32>,
    tpu.vector_store %arg29[%swap3A_556, %swap3A_557], %broadcast_in_dim3A_3 {strides = array<i32>} : memref<64x128xf32, #tpu.memory_space<vmem>>, vector<16xf32>,
    %swap3A_559 = arith.constant 17 : i32
    %swap3A_560 = arith.index_cast %swap3A_559 : i32 to index
    %swap3A_561 = arith.constant 48 : index
    %swap3A_562 = tpu.vector_load %arg29[%swap3A_560, %swap3A_561] {strides = array<i32>} : memref<64x128xf32, #tpu.memory_space<vmem>>, vector<16xf32>,
    tpu.vector_store %arg29[%swap3A_560, %swap3A_561], %broadcast_in_dim3A_3 {strides = array<i32>} : memref<64x128xf32, #tpu.memory_space<vmem>>, vector<16xf32>,
    %swap3A_563 = arith.constant 17 : i32
    %swap3A_564 = arith.index_cast %swap3A_563 : i32 to index
    %swap3A_565 = arith.constant 64 : index
    %swap3A_566 = tpu.vector_load %arg29[%swap3A_564, %swap3A_565] {strides = array<i32>} : memref<64x128xf32, #tpu.memory_space<vmem>>, vector<16xf32>,
    tpu.vector_store %arg29[%swap3A_564, %swap3A_565], %broadcast_in_dim3A_3 {strides = array<i32>} : memref<64x128xf32, #tpu.memory_space<vmem>>, vector<16xf32>,
    %swap3A_567 = arith.constant 17 : i32
    %swap3A_568 = arith.index_cast %swap3A_567 : i32 to index
    %swap3A_569 = arith.constant 80 : index
    %swap3A_570 = tpu.vector_load %arg29[%swap3A_568, %swap3A_569] {strides = array<i32>} : memref<64x128xf32, #tpu.memory_space<vmem>>, vector<16xf32>,
    tpu.vector_store %arg29[%swap3A_568, %swap3A_569], %broadcast_in_dim3A_3 {strides = array<i32>} : memref<64x128xf32, #tpu.memory_space<vmem>>, vector<16xf32>,
    %swap3A_571 = arith.constant 17 : i32
    %swap3A_572 = arith.index_cast %swap3A_571 : i32 to index
    %swap3A_573 = arith.constant 96 : index
    %swap3A_574 = tpu.vector_load %arg29[%swap3A_572, %swap3A_573] {strides = array<i32>} : memref<64x128xf32, #tpu.memory_space<vmem>>, vector<16xf32>,
    tpu.vector_store %arg29[%swap3A_572, %swap3A_573], %broadcast_in_dim3A_3 {strides = array<i32>} : memref<64x128xf32, #tpu.memory_space<vmem>>, vector<16xf32>,
    %swap3A_575 = arith.constant 17 : i32
    %swap3A_576 = arith.index_cast %swap3A_575 : i32 to index
    %swap3A_577 = arith.constant 112 : index
    %swap3A_578 = tpu.vector_load %arg29[%swap3A_576, %swap3A_577] {strides = array<i32>} : memref<64x128xf32, #tpu.memory_space<vmem>>, vector<16xf32>,
    tpu.vector_store %arg29[%swap3A_576, %swap3A_577], %broadcast_in_dim3A_3 {strides = array<i32>} : memref<64x128xf32, #tpu.memory_space<vmem>>, vector<16xf32>,
    %swap3A_579 = arith.constant 18 : i32
    %swap3A_580 = arith.index_cast %swap3A_579 : i32 to index
    %swap3A_581 = arith.constant 0 : index
    %swap3A_582 = tpu.vector_load %arg29[%swap3A_580, %swap3A_581] {strides = array<i32>} : memref<64x128xf32, #tpu.memory_space<vmem>>, vector<16xf32>,
    tpu.vector_store %arg29[%swap3A_580, %swap3A_581], %broadcast_in_dim3A_3 {strides = array<i32>} : memref<64x128xf32, #tpu.memory_space<vmem>>, vector<16xf32>,
    %swap3A_583 = arith.constant 18 : i32
    %swap3A_584 = arith.index_cast %swap3A_583 : i32 to index
    %swap3A_585 = arith.constant 16 : index
    %swap3A_586 = tpu.vector_load %arg29[%swap3A_584, %swap3A_585] {strides = array<i32>} : memref<64x128xf32, #tpu.memory_space<vmem>>, vector<16xf32>,
    tpu.vector_store %arg29[%swap3A_584, %swap3A_585], %broadcast_in_dim3A_3 {strides = array<i32>} : memref<64x128xf32, #tpu.memory_space<vmem>>, vector<16xf32>,
    %swap3A_587 = arith.constant 18 : i32
    %swap3A_588 = arith.index_cast %swap3A_587 : i32 to index
    %swap3A_589 = arith.constant 32 : index
    %swap3A_590 = tpu.vector_load %arg29[%swap3A_588, %swap3A_589] {strides = array<i32>} : memref<64x128xf32, #tpu.memory_space<vmem>>, vector<16xf32>,
    tpu.vector_store %arg29[%swap3A_588, %swap3A_589], %broadcast_in_dim3A_3 {strides = array<i32>} : memref<64x128xf32, #tpu.memory_space<vmem>>, vector<16xf32>,
    %swap3A_591 = arith.constant 18 : i32
    %swap3A_592 = arith.index_cast %swap3A_591 : i32 to index
    %swap3A_593 = arith.constant 48 : index
    %swap3A_594 = tpu.vector_load %arg29[%swap3A_592, %swap3A_593] {strides = array<i32>} : memref<64x128xf32, #tpu.memory_space<vmem>>, vector<16xf32>,
    tpu.vector_store %arg29[%swap3A_592, %swap3A_593], %broadcast_in_dim3A_3 {strides = array<i32>} : memref<64x128xf32, #tpu.memory_space<vmem>>, vector<16xf32>,
    %swap3A_595 = arith.constant 18 : i32
    %swap3A_596 = arith.index_cast %swap3A_595 : i32 to index
    %swap3A_597 = arith.constant 64 : index
    %swap3A_598 = tpu.vector_load %arg29[%swap3A_596, %swap3A_597] {strides = array<i32>} : memref<64x128xf32, #tpu.memory_space<vmem>>, vector<16xf32>,
    tpu.vector_store %arg29[%swap3A_596, %swap3A_597], %broadcast_in_dim3A_3 {strides = array<i32>} : memref<64x128xf32, #tpu.memory_space<vmem>>, vector<16xf32>,
    %swap3A_599 = arith.constant 18 : i32
    %swap3A_600 = arith.index_cast %swap3A_599 : i32 to index
    %swap3A_601 = arith.constant 80 : index
    %swap3A_602 = tpu.vector_load %arg29[%swap3A_600, %swap3A_601] {strides = array<i32>} : memref<64x128xf32, #tpu.memory_space<vmem>>, vector<16xf32>,
    tpu.vector_store %arg29[%swap3A_600, %swap3A_601], %broadcast_in_dim3A_3 {strides = array<i32>} : memref<64x128xf32, #tpu.memory_space<vmem>>, vector<16xf32>,
    %swap3A_603 = arith.constant 18 : i32
    %swap3A_604 = arith.index_cast %swap3A_603 : i32 to index
    %swap3A_605 = arith.constant 96 : index
    %swap3A_606 = tpu.vector_load %arg29[%swap3A_604, %swap3A_605] {strides = array<i32>} : memref<64x128xf32, #tpu.memory_space<vmem>>, vector<16xf32>,
    tpu.vector_store %arg29[%swap3A_604, %swap3A_605], %broadcast_in_dim3A_3 {strides = array<i32>} : memref<64x128xf32, #tpu.memory_space<vmem>>, vector<16xf32>,
    %swap3A_607 = arith.constant 18 : i32
    %swap3A_608 = arith.index_cast %swap3A_607 : i32 to index
    %swap3A_609 = arith.constant 112 : index
    %swap3A_610 = tpu.vector_load %arg29[%swap3A_608, %swap3A_609] {strides = array<i32>} : memref<64x128xf32, #tpu.memory_space<vmem>>, vector<16xf32>,
    tpu.vector_store %arg29[%swap3A_608, %swap3A_609], %broadcast_in_dim3A_3 {strides = array<i32>} : memref<64x128xf32, #tpu.memory_space<vmem>>, vector<16xf32>,
    %swap3A_611 = arith.constant 19 : i32
    %swap3A_612 = arith.index_cast %swap3A_611 : i32 to index
    %swap3A_613 = arith.constant 0 : index
    %swap3A_614 = tpu.vector_load %arg29[%swap3A_612, %swap3A_613] {strides = array<i32>} : memref<64x128xf32, #tpu.memory_space<vmem>>, vector<16xf32>,
    tpu.vector_store %arg29[%swap3A_612, %swap3A_613], %broadcast_in_dim3A_3 {strides = array<i32>} : memref<64x128xf32, #tpu.memory_space<vmem>>, vector<16xf32>,
    %swap3A_615 = arith.constant 19 : i32
    %swap3A_616 = arith.index_cast %swap3A_615 : i32 to index
    %swap3A_617 = arith.constant 16 : index
    %swap3A_618 = tpu.vector_load %arg29[%swap3A_616, %swap3A_617] {strides = array<i32>} : memref<64x128xf32, #tpu.memory_space<vmem>>, vector<16xf32>,
    tpu.vector_store %arg29[%swap3A_616, %swap3A_617], %broadcast_in_dim3A_3 {strides = array<i32>} : memref<64x128xf32, #tpu.memory_space<vmem>>, vector<16xf32>,
    %swap3A_619 = arith.constant 19 : i32
    %swap3A_620 = arith.index_cast %swap3A_619 : i32 to index
    %swap3A_621 = arith.constant 32 : index
    %swap3A_622 = tpu.vector_load %arg29[%swap3A_620, %swap3A_621] {strides = array<i32>} : memref<64x128xf32, #tpu.memory_space<vmem>>, vector<16xf32>,
    tpu.vector_store %arg29[%swap3A_620, %swap3A_621], %broadcast_in_dim3A_3 {strides = array<i32>} : memref<64x128xf32, #tpu.memory_space<vmem>>, vector<16xf32>,
    %swap3A_623 = arith.constant 19 : i32
    %swap3A_624 = arith.index_cast %swap3A_623 : i32 to index
    %swap3A_625 = arith.constant 48 : index
    %swap3A_626 = tpu.vector_load %arg29[%swap3A_624, %swap3A_625] {strides = array<i32>} : memref<64x128xf32, #tpu.memory_space<vmem>>, vector<16xf32>,
    tpu.vector_store %arg29[%swap3A_624, %swap3A_625], %broadcast_in_dim3A_3 {strides = array<i32>} : memref<64x128xf32, #tpu.memory_space<vmem>>, vector<16xf32>,
    %swap3A_627 = arith.constant 19 : i32
    %swap3A_628 = arith.index_cast %swap3A_627 : i32 to index
    %swap3A_629 = arith.constant 64 : index
    %swap3A_630 = tpu.vector_load %arg29[%swap3A_628, %swap3A_629] {strides = array<i32>} : memref<64x128xf32, #tpu.memory_space<vmem>>, vector<16xf32>,
    tpu.vector_store %arg29[%swap3A_628, %swap3A_629], %broadcast_in_dim3A_3 {strides = array<i32>} : memref<64x128xf32, #tpu.memory_space<vmem>>, vector<16xf32>,
    %swap3A_631 = arith.constant 19 : i32
    %swap3A_632 = arith.index_cast %swap3A_631 : i32 to index
    %swap3A_633 = arith.constant 80 : index
    %swap3A_634 = tpu.vector_load %arg29[%swap3A_632, %swap3A_633] {strides = array<i32>} : memref<64x128xf32, #tpu.memory_space<vmem>>, vector<16xf32>,
    tpu.vector_store %arg29[%swap3A_632, %swap3A_633], %broadcast_in_dim3A_3 {strides = array<i32>} : memref<64x128xf32, #tpu.memory_space<vmem>>, vector<16xf32>,
    %swap3A_635 = arith.constant 19 : i32
    %swap3A_636 = arith.index_cast %swap3A_635 : i32 to index
    %swap3A_637 = arith.constant 96 : index
    %swap3A_638 = tpu.vector_load %arg29[%swap3A_636, %swap3A_637] {strides = array<i32>} : memref<64x128xf32, #tpu.memory_space<vmem>>, vector<16xf32>,
    tpu.vector_store %arg29[%swap3A_636, %swap3A_637], %broadcast_in_dim3A_3 {strides = array<i32>} : memref<64x128xf32, #tpu.memory_space<vmem>>, vector<16xf32>,
    %swap3A_639 = arith.constant 19 : i32
    %swap3A_640 = arith.index_cast %swap3A_639 : i32 to index
    %swap3A_641 = arith.constant 112 : index
    %swap3A_642 = tpu.vector_load %arg29[%swap3A_640, %swap3A_641] {strides = array<i32>} : memref<64x128xf32, #tpu.memory_space<vmem>>, vector<16xf32>,
    tpu.vector_store %arg29[%swap3A_640, %swap3A_641], %broadcast_in_dim3A_3 {strides = array<i32>} : memref<64x128xf32, #tpu.memory_space<vmem>>, vector<16xf32>,
    %swap3A_643 = arith.constant 20 : i32
    %swap3A_644 = arith.index_cast %swap3A_643 : i32 to index
    %swap3A_645 = arith.constant 0 : index
    %swap3A_646 = tpu.vector_load %arg29[%swap3A_644, %swap3A_645] {strides = array<i32>} : memref<64x128xf32, #tpu.memory_space<vmem>>, vector<16xf32>,
    tpu.vector_store %arg29[%swap3A_644, %swap3A_645], %broadcast_in_dim3A_3 {strides = array<i32>} : memref<64x128xf32, #tpu.memory_space<vmem>>, vector<16xf32>,
    %swap3A_647 = arith.constant 20 : i32
    %swap3A_648 = arith.index_cast %swap3A_647 : i32 to index
    %swap3A_649 = arith.constant 16 : index
    %swap3A_650 = tpu.vector_load %arg29[%swap3A_648, %swap3A_649] {strides = array<i32>} : memref<64x128xf32, #tpu.memory_space<vmem>>, vector<16xf32>,
    tpu.vector_store %arg29[%swap3A_648, %swap3A_649], %broadcast_in_dim3A_3 {strides = array<i32>} : memref<64x128xf32, #tpu.memory_space<vmem>>, vector<16xf32>,
    %swap3A_651 = arith.constant 20 : i32
    %swap3A_652 = arith.index_cast %swap3A_651 : i32 to index
    %swap3A_653 = arith.constant 32 : index
    %swap3A_654 = tpu.vector_load %arg29[%swap3A_652, %swap3A_653] {strides = array<i32>} : memref<64x128xf32, #tpu.memory_space<vmem>>, vector<16xf32>,
    tpu.vector_store %arg29[%swap3A_652, %swap3A_653], %broadcast_in_dim3A_3 {strides = array<i32>} : memref<64x128xf32, #tpu.memory_space<vmem>>, vector<16xf32>,
    %swap3A_655 = arith.constant 20 : i32
    %swap3A_656 = arith.index_cast %swap3A_655 : i32 to index
    %swap3A_657 = arith.constant 48 : index
    %swap3A_658 = tpu.vector_load %arg29[%swap3A_656, %swap3A_657] {strides = array<i32>} : memref<64x128xf32, #tpu.memory_space<vmem>>, vector<16xf32>,
    tpu.vector_store %arg29[%swap3A_656, %swap3A_657], %broadcast_in_dim3A_3 {strides = array<i32>} : memref<64x128xf32, #tpu.memory_space<vmem>>, vector<16xf32>,
    %swap3A_659 = arith.constant 20 : i32
    %swap3A_660 = arith.index_cast %swap3A_659 : i32 to index
    %swap3A_661 = arith.constant 64 : index
    %swap3A_662 = tpu.vector_load %arg29[%swap3A_660, %swap3A_661] {strides = array<i32>} : memref<64x128xf32, #tpu.memory_space<vmem>>, vector<16xf32>,
    tpu.vector_store %arg29[%swap3A_660, %swap3A_661], %broadcast_in_dim3A_3 {strides = array<i32>} : memref<64x128xf32, #tpu.memory_space<vmem>>, vector<16xf32>,
    %swap3A_663 = arith.constant 20 : i32
    %swap3A_664 = arith.index_cast %swap3A_663 : i32 to index
    %swap3A_665 = arith.constant 80 : index
    %swap3A_666 = tpu.vector_load %arg29[%swap3A_664, %swap3A_665] {strides = array<i32>} : memref<64x128xf32, #tpu.memory_space<vmem>>, vector<16xf32>,
    tpu.vector_store %arg29[%swap3A_664, %swap3A_665], %broadcast_in_dim3A_3 {strides = array<i32>} : memref<64x128xf32, #tpu.memory_space<vmem>>, vector<16xf32>,
    %swap3A_667 = arith.constant 20 : i32
    %swap3A_668 = arith.index_cast %swap3A_667 : i32 to index
    %swap3A_669 = arith.constant 96 : index
    %swap3A_670 = tpu.vector_load %arg29[%swap3A_668, %swap3A_669] {strides = array<i32>} : memref<64x128xf32, #tpu.memory_space<vmem>>, vector<16xf32>,
    tpu.vector_store %arg29[%swap3A_668, %swap3A_669], %broadcast_in_dim3A_3 {strides = array<i32>} : memref<64x128xf32, #tpu.memory_space<vmem>>, vector<16xf32>,
    %swap3A_671 = arith.constant 20 : i32
    %swap3A_672 = arith.index_cast %swap3A_671 : i32 to index
    %swap3A_673 = arith.constant 112 : index
    %swap3A_674 = tpu.vector_load %arg29[%swap3A_672, %swap3A_673] {strides = array<i32>} : memref<64x128xf32, #tpu.memory_space<vmem>>, vector<16xf32>,
    tpu.vector_store %arg29[%swap3A_672, %swap3A_673], %broadcast_in_dim3A_3 {strides = array<i32>} : memref<64x128xf32, #tpu.memory_space<vmem>>, vector<16xf32>,
    %swap3A_675 = arith.constant 21 : i32
    %swap3A_676 = arith.index_cast %swap3A_675 : i32 to index
    %swap3A_677 = arith.constant 0 : index
    %swap3A_678 = tpu.vector_load %arg29[%swap3A_676, %swap3A_677] {strides = array<i32>} : memref<64x128xf32, #tpu.memory_space<vmem>>, vector<16xf32>,
    tpu.vector_store %arg29[%swap3A_676, %swap3A_677], %broadcast_in_dim3A_3 {strides = array<i32>} : memref<64x128xf32, #tpu.memory_space<vmem>>, vector<16xf32>,
    %swap3A_679 = arith.constant 21 : i32
    %swap3A_680 = arith.index_cast %swap3A_679 : i32 to index
    %swap3A_681 = arith.constant 16 : index
    %swap3A_682 = tpu.vector_load %arg29[%swap3A_680, %swap3A_681] {strides = array<i32>} : memref<64x128xf32, #tpu.memory_space<vmem>>, vector<16xf32>,
    tpu.vector_store %arg29[%swap3A_680, %swap3A_681], %broadcast_in_dim3A_3 {strides = array<i32>} : memref<64x128xf32, #tpu.memory_space<vmem>>, vector<16xf32>,
    %swap3A_683 = arith.constant 21 : i32
    %swap3A_684 = arith.index_cast %swap3A_683 : i32 to index
    %swap3A_685 = arith.constant 32 : index
    %swap3A_686 = tpu.vector_load %arg29[%swap3A_684, %swap3A_685] {strides = array<i32>} : memref<64x128xf32, #tpu.memory_space<vmem>>, vector<16xf32>,
    tpu.vector_store %arg29[%swap3A_684, %swap3A_685], %broadcast_in_dim3A_3 {strides = array<i32>} : memref<64x128xf32, #tpu.memory_space<vmem>>, vector<16xf32>,
    %swap3A_687 = arith.constant 21 : i32
    %swap3A_688 = arith.index_cast %swap3A_687 : i32 to index
    %swap3A_689 = arith.constant 48 : index
    %swap3A_690 = tpu.vector_load %arg29[%swap3A_688, %swap3A_689] {strides = array<i32>} : memref<64x128xf32, #tpu.memory_space<vmem>>, vector<16xf32>,
    tpu.vector_store %arg29[%swap3A_688, %swap3A_689], %broadcast_in_dim3A_3 {strides = array<i32>} : memref<64x128xf32, #tpu.memory_space<vmem>>, vector<16xf32>,
    %swap3A_691 = arith.constant 21 : i32
    %swap3A_692 = arith.index_cast %swap3A_691 : i32 to index
    %swap3A_693 = arith.constant 64 : index
    %swap3A_694 = tpu.vector_load %arg29[%swap3A_692, %swap3A_693] {strides = array<i32>} : memref<64x128xf32, #tpu.memory_space<vmem>>, vector<16xf32>,
    tpu.vector_store %arg29[%swap3A_692, %swap3A_693], %broadcast_in_dim3A_3 {strides = array<i32>} : memref<64x128xf32, #tpu.memory_space<vmem>>, vector<16xf32>,
    %swap3A_695 = arith.constant 21 : i32
    %swap3A_696 = arith.index_cast %swap3A_695 : i32 to index
    %swap3A_697 = arith.constant 80 : index
    %swap3A_698 = tpu.vector_load %arg29[%swap3A_696, %swap3A_697] {strides = array<i32>} : memref<64x128xf32, #tpu.memory_space<vmem>>, vector<16xf32>,
    tpu.vector_store %arg29[%swap3A_696, %swap3A_697], %broadcast_in_dim3A_3 {strides = array<i32>} : memref<64x128xf32, #tpu.memory_space<vmem>>, vector<16xf32>,
    %swap3A_699 = arith.constant 21 : i32
    %swap3A_700 = arith.index_cast %swap3A_699 : i32 to index
    %swap3A_701 = arith.constant 96 : index
    %swap3A_702 = tpu.vector_load %arg29[%swap3A_700, %swap3A_701] {strides = array<i32>} : memref<64x128xf32, #tpu.memory_space<vmem>>, vector<16xf32>,
    tpu.vector_store %arg29[%swap3A_700, %swap3A_701], %broadcast_in_dim3A_3 {strides = array<i32>} : memref<64x128xf32, #tpu.memory_space<vmem>>, vector<16xf32>,
    %swap3A_703 = arith.constant 21 : i32
    %swap3A_704 = arith.index_cast %swap3A_703 : i32 to index
    %swap3A_705 = arith.constant 112 : index
    %swap3A_706 = tpu.vector_load %arg29[%swap3A_704, %swap3A_705] {strides = array<i32>} : memref<64x128xf32, #tpu.memory_space<vmem>>, vector<16xf32>,
    tpu.vector_store %arg29[%swap3A_704, %swap3A_705], %broadcast_in_dim3A_3 {strides = array<i32>} : memref<64x128xf32, #tpu.memory_space<vmem>>, vector<16xf32>,
    %swap3A_707 = arith.constant 22 : i32
    %swap3A_708 = arith.index_cast %swap3A_707 : i32 to index
    %swap3A_709 = arith.constant 0 : index
    %swap3A_710 = tpu.vector_load %arg29[%swap3A_708, %swap3A_709] {strides = array<i32>} : memref<64x128xf32, #tpu.memory_space<vmem>>, vector<16xf32>,
    tpu.vector_store %arg29[%swap3A_708, %swap3A_709], %broadcast_in_dim3A_3 {strides = array<i32>} : memref<64x128xf32, #tpu.memory_space<vmem>>, vector<16xf32>,
    %swap3A_711 = arith.constant 22 : i32
    %swap3A_712 = arith.index_cast %swap3A_711 : i32 to index
    %swap3A_713 = arith.constant 16 : index
    %swap3A_714 = tpu.vector_load %arg29[%swap3A_712, %swap3A_713] {strides = array<i32>} : memref<64x128xf32, #tpu.memory_space<vmem>>, vector<16xf32>,
    tpu.vector_store %arg29[%swap3A_712, %swap3A_713], %broadcast_in_dim3A_3 {strides = array<i32>} : memref<64x128xf32, #tpu.memory_space<vmem>>, vector<16xf32>,
    %swap3A_715 = arith.constant 22 : i32
    %swap3A_716 = arith.index_cast %swap3A_715 : i32 to index
    %swap3A_717 = arith.constant 32 : index
    %swap3A_718 = tpu.vector_load %arg29[%swap3A_716, %swap3A_717] {strides = array<i32>} : memref<64x128xf32, #tpu.memory_space<vmem>>, vector<16xf32>,
    tpu.vector_store %arg29[%swap3A_716, %swap3A_717], %broadcast_in_dim3A_3 {strides = array<i32>} : memref<64x128xf32, #tpu.memory_space<vmem>>, vector<16xf32>,
    %swap3A_719 = arith.constant 22 : i32
    %swap3A_720 = arith.index_cast %swap3A_719 : i32 to index
    %swap3A_721 = arith.constant 48 : index
    %swap3A_722 = tpu.vector_load %arg29[%swap3A_720, %swap3A_721] {strides = array<i32>} : memref<64x128xf32, #tpu.memory_space<vmem>>, vector<16xf32>,
    tpu.vector_store %arg29[%swap3A_720, %swap3A_721], %broadcast_in_dim3A_3 {strides = array<i32>} : memref<64x128xf32, #tpu.memory_space<vmem>>, vector<16xf32>,
    %swap3A_723 = arith.constant 22 : i32
    %swap3A_724 = arith.index_cast %swap3A_723 : i32 to index
    %swap3A_725 = arith.constant 64 : index
    %swap3A_726 = tpu.vector_load %arg29[%swap3A_724, %swap3A_725] {strides = array<i32>} : memref<64x128xf32, #tpu.memory_space<vmem>>, vector<16xf32>,
    tpu.vector_store %arg29[%swap3A_724, %swap3A_725], %broadcast_in_dim3A_3 {strides = array<i32>} : memref<64x128xf32, #tpu.memory_space<vmem>>, vector<16xf32>,
    %swap3A_727 = arith.constant 22 : i32
    %swap3A_728 = arith.index_cast %swap3A_727 : i32 to index
    %swap3A_729 = arith.constant 80 : index
    %swap3A_730 = tpu.vector_load %arg29[%swap3A_728, %swap3A_729] {strides = array<i32>} : memref<64x128xf32, #tpu.memory_space<vmem>>, vector<16xf32>,
    tpu.vector_store %arg29[%swap3A_728, %swap3A_729], %broadcast_in_dim3A_3 {strides = array<i32>} : memref<64x128xf32, #tpu.memory_space<vmem>>, vector<16xf32>,
    %swap3A_731 = arith.constant 22 : i32
    %swap3A_732 = arith.index_cast %swap3A_731 : i32 to index
    %swap3A_733 = arith.constant 96 : index
    %swap3A_734 = tpu.vector_load %arg29[%swap3A_732, %swap3A_733] {strides = array<i32>} : memref<64x128xf32, #tpu.memory_space<vmem>>, vector<16xf32>,
    tpu.vector_store %arg29[%swap3A_732, %swap3A_733], %broadcast_in_dim3A_3 {strides = array<i32>} : memref<64x128xf32, #tpu.memory_space<vmem>>, vector<16xf32>,
    %swap3A_735 = arith.constant 22 : i32
    %swap3A_736 = arith.index_cast %swap3A_735 : i32 to index
    %swap3A_737 = arith.constant 112 : index
    %swap3A_738 = tpu.vector_load %arg29[%swap3A_736, %swap3A_737] {strides = array<i32>} : memref<64x128xf32, #tpu.memory_space<vmem>>, vector<16xf32>,
    tpu.vector_store %arg29[%swap3A_736, %swap3A_737], %broadcast_in_dim3A_3 {strides = array<i32>} : memref<64x128xf32, #tpu.memory_space<vmem>>, vector<16xf32>,
    %swap3A_739 = arith.constant 23 : i32
    %swap3A_740 = arith.index_cast %swap3A_739 : i32 to index
    %swap3A_741 = arith.constant 0 : index
    %swap3A_742 = tpu.vector_load %arg29[%swap3A_740, %swap3A_741] {strides = array<i32>} : memref<64x128xf32, #tpu.memory_space<vmem>>, vector<16xf32>,
    tpu.vector_store %arg29[%swap3A_740, %swap3A_741], %broadcast_in_dim3A_3 {strides = array<i32>} : memref<64x128xf32, #tpu.memory_space<vmem>>, vector<16xf32>,
    %swap3A_743 = arith.constant 23 : i32
    %swap3A_744 = arith.index_cast %swap3A_743 : i32 to index
    %swap3A_745 = arith.constant 16 : index
    %swap3A_746 = tpu.vector_load %arg29[%swap3A_744, %swap3A_745] {strides = array<i32>} : memref<64x128xf32, #tpu.memory_space<vmem>>, vector<16xf32>,
    tpu.vector_store %arg29[%swap3A_744, %swap3A_745], %broadcast_in_dim3A_3 {strides = array<i32>} : memref<64x128xf32, #tpu.memory_space<vmem>>, vector<16xf32>,
    %swap3A_747 = arith.constant 23 : i32
    %swap3A_748 = arith.index_cast %swap3A_747 : i32 to index
    %swap3A_749 = arith.constant 32 : index
    %swap3A_750 = tpu.vector_load %arg29[%swap3A_748, %swap3A_749] {strides = array<i32>} : memref<64x128xf32, #tpu.memory_space<vmem>>, vector<16xf32>,
    tpu.vector_store %arg29[%swap3A_748, %swap3A_749], %broadcast_in_dim3A_3 {strides = array<i32>} : memref<64x128xf32, #tpu.memory_space<vmem>>, vector<16xf32>,
    %swap3A_751 = arith.constant 23 : i32
    %swap3A_752 = arith.index_cast %swap3A_751 : i32 to index
    %swap3A_753 = arith.constant 48 : index
    %swap3A_754 = tpu.vector_load %arg29[%swap3A_752, %swap3A_753] {strides = array<i32>} : memref<64x128xf32, #tpu.memory_space<vmem>>, vector<16xf32>,
    tpu.vector_store %arg29[%swap3A_752, %swap3A_753], %broadcast_in_dim3A_3 {strides = array<i32>} : memref<64x128xf32, #tpu.memory_space<vmem>>, vector<16xf32>,
    %swap3A_755 = arith.constant 23 : i32
    %swap3A_756 = arith.index_cast %swap3A_755 : i32 to index
    %swap3A_757 = arith.constant 64 : index
    %swap3A_758 = tpu.vector_load %arg29[%swap3A_756, %swap3A_757] {strides = array<i32>} : memref<64x128xf32, #tpu.memory_space<vmem>>, vector<16xf32>,
    tpu.vector_store %arg29[%swap3A_756, %swap3A_757], %broadcast_in_dim3A_3 {strides = array<i32>} : memref<64x128xf32, #tpu.memory_space<vmem>>, vector<16xf32>,
    %swap3A_759 = arith.constant 23 : i32
    %swap3A_760 = arith.index_cast %swap3A_759 : i32 to index
    %swap3A_761 = arith.constant 80 : index
    %swap3A_762 = tpu.vector_load %arg29[%swap3A_760, %swap3A_761] {strides = array<i32>} : memref<64x128xf32, #tpu.memory_space<vmem>>, vector<16xf32>,
    tpu.vector_store %arg29[%swap3A_760, %swap3A_761], %broadcast_in_dim3A_3 {strides = array<i32>} : memref<64x128xf32, #tpu.memory_space<vmem>>, vector<16xf32>,
    %swap3A_763 = arith.constant 23 : i32
    %swap3A_764 = arith.index_cast %swap3A_763 : i32 to index
    %swap3A_765 = arith.constant 96 : index
    %swap3A_766 = tpu.vector_load %arg29[%swap3A_764, %swap3A_765] {strides = array<i32>} : memref<64x128xf32, #tpu.memory_space<vmem>>, vector<16xf32>,
    tpu.vector_store %arg29[%swap3A_764, %swap3A_765], %broadcast_in_dim3A_3 {strides = array<i32>} : memref<64x128xf32, #tpu.memory_space<vmem>>, vector<16xf32>,
    %swap3A_767 = arith.constant 23 : i32
    %swap3A_768 = arith.index_cast %swap3A_767 : i32 to index
    %swap3A_769 = arith.constant 112 : index
    %swap3A_770 = tpu.vector_load %arg29[%swap3A_768, %swap3A_769] {strides = array<i32>} : memref<64x128xf32, #tpu.memory_space<vmem>>, vector<16xf32>,
    tpu.vector_store %arg29[%swap3A_768, %swap3A_769], %broadcast_in_dim3A_3 {strides = array<i32>} : memref<64x128xf32, #tpu.memory_space<vmem>>, vector<16xf32>,
    %swap3A_771 = arith.constant 24 : i32
    %swap3A_772 = arith.index_cast %swap3A_771 : i32 to index
    %swap3A_773 = arith.constant 0 : index
    %swap3A_774 = tpu.vector_load %arg29[%swap3A_772, %swap3A_773] {strides = array<i32>} : memref<64x128xf32, #tpu.memory_space<vmem>>, vector<16xf32>,
    tpu.vector_store %arg29[%swap3A_772, %swap3A_773], %broadcast_in_dim3A_3 {strides = array<i32>} : memref<64x128xf32, #tpu.memory_space<vmem>>, vector<16xf32>,
    %swap3A_775 = arith.constant 24 : i32
    %swap3A_776 = arith.index_cast %swap3A_775 : i32 to index
    %swap3A_777 = arith.constant 16 : index
    %swap3A_778 = tpu.vector_load %arg29[%swap3A_776, %swap3A_777] {strides = array<i32>} : memref<64x128xf32, #tpu.memory_space<vmem>>, vector<16xf32>,
    tpu.vector_store %arg29[%swap3A_776, %swap3A_777], %broadcast_in_dim3A_3 {strides = array<i32>} : memref<64x128xf32, #tpu.memory_space<vmem>>, vector<16xf32>,
    %swap3A_779 = arith.constant 24 : i32
    %swap3A_780 = arith.index_cast %swap3A_779 : i32 to index
    %swap3A_781 = arith.constant 32 : index
    %swap3A_782 = tpu.vector_load %arg29[%swap3A_780, %swap3A_781] {strides = array<i32>} : memref<64x128xf32, #tpu.memory_space<vmem>>, vector<16xf32>,
    tpu.vector_store %arg29[%swap3A_780, %swap3A_781], %broadcast_in_dim3A_3 {strides = array<i32>} : memref<64x128xf32, #tpu.memory_space<vmem>>, vector<16xf32>,
    %swap3A_783 = arith.constant 24 : i32
    %swap3A_784 = arith.index_cast %swap3A_783 : i32 to index
    %swap3A_785 = arith.constant 48 : index
    %swap3A_786 = tpu.vector_load %arg29[%swap3A_784, %swap3A_785] {strides = array<i32>} : memref<64x128xf32, #tpu.memory_space<vmem>>, vector<16xf32>,
    tpu.vector_store %arg29[%swap3A_784, %swap3A_785], %broadcast_in_dim3A_3 {strides = array<i32>} : memref<64x128xf32, #tpu.memory_space<vmem>>, vector<16xf32>,
    %swap3A_787 = arith.constant 24 : i32
    %swap3A_788 = arith.index_cast %swap3A_787 : i32 to index
    %swap3A_789 = arith.constant 64 : index
    %swap3A_790 = tpu.vector_load %arg29[%swap3A_788, %swap3A_789] {strides = array<i32>} : memref<64x128xf32, #tpu.memory_space<vmem>>, vector<16xf32>,
    tpu.vector_store %arg29[%swap3A_788, %swap3A_789], %broadcast_in_dim3A_3 {strides = array<i32>} : memref<64x128xf32, #tpu.memory_space<vmem>>, vector<16xf32>,
    %swap3A_791 = arith.constant 24 : i32
    %swap3A_792 = arith.index_cast %swap3A_791 : i32 to index
    %swap3A_793 = arith.constant 80 : index
    %swap3A_794 = tpu.vector_load %arg29[%swap3A_792, %swap3A_793] {strides = array<i32>} : memref<64x128xf32, #tpu.memory_space<vmem>>, vector<16xf32>,
    tpu.vector_store %arg29[%swap3A_792, %swap3A_793], %broadcast_in_dim3A_3 {strides = array<i32>} : memref<64x128xf32, #tpu.memory_space<vmem>>, vector<16xf32>,
    %swap3A_795 = arith.constant 24 : i32
    %swap3A_796 = arith.index_cast %swap3A_795 : i32 to index
    %swap3A_797 = arith.constant 96 : index
    %swap3A_798 = tpu.vector_load %arg29[%swap3A_796, %swap3A_797] {strides = array<i32>} : memref<64x128xf32, #tpu.memory_space<vmem>>, vector<16xf32>,
    tpu.vector_store %arg29[%swap3A_796, %swap3A_797], %broadcast_in_dim3A_3 {strides = array<i32>} : memref<64x128xf32, #tpu.memory_space<vmem>>, vector<16xf32>,
    %swap3A_799 = arith.constant 24 : i32
    %swap3A_800 = arith.index_cast %swap3A_799 : i32 to index
    %swap3A_801 = arith.constant 112 : index
    %swap3A_802 = tpu.vector_load %arg29[%swap3A_800, %swap3A_801] {strides = array<i32>} : memref<64x128xf32, #tpu.memory_space<vmem>>, vector<16xf32>,
    tpu.vector_store %arg29[%swap3A_800, %swap3A_801], %broadcast_in_dim3A_3 {strides = array<i32>} : memref<64x128xf32, #tpu.memory_space<vmem>>, vector<16xf32>,
    %swap3A_803 = arith.constant 25 : i32
    %swap3A_804 = arith.index_cast %swap3A_803 : i32 to index
    %swap3A_805 = arith.constant 0 : index
    %swap3A_806 = tpu.vector_load %arg29[%swap3A_804, %swap3A_805] {strides = array<i32>} : memref<64x128xf32, #tpu.memory_space<vmem>>, vector<16xf32>,
    tpu.vector_store %arg29[%swap3A_804, %swap3A_805], %broadcast_in_dim3A_3 {strides = array<i32>} : memref<64x128xf32, #tpu.memory_space<vmem>>, vector<16xf32>,
    %swap3A_807 = arith.constant 25 : i32
    %swap3A_808 = arith.index_cast %swap3A_807 : i32 to index
    %swap3A_809 = arith.constant 16 : index
    %swap3A_810 = tpu.vector_load %arg29[%swap3A_808, %swap3A_809] {strides = array<i32>} : memref<64x128xf32, #tpu.memory_space<vmem>>, vector<16xf32>,
    tpu.vector_store %arg29[%swap3A_808, %swap3A_809], %broadcast_in_dim3A_3 {strides = array<i32>} : memref<64x128xf32, #tpu.memory_space<vmem>>, vector<16xf32>,
    %swap3A_811 = arith.constant 25 : i32
    %swap3A_812 = arith.index_cast %swap3A_811 : i32 to index
    %swap3A_813 = arith.constant 32 : index
    %swap3A_814 = tpu.vector_load %arg29[%swap3A_812, %swap3A_813] {strides = array<i32>} : memref<64x128xf32, #tpu.memory_space<vmem>>, vector<16xf32>,
    tpu.vector_store %arg29[%swap3A_812, %swap3A_813], %broadcast_in_dim3A_3 {strides = array<i32>} : memref<64x128xf32, #tpu.memory_space<vmem>>, vector<16xf32>,
    %swap3A_815 = arith.constant 25 : i32
    %swap3A_816 = arith.index_cast %swap3A_815 : i32 to index
    %swap3A_817 = arith.constant 48 : index
    %swap3A_818 = tpu.vector_load %arg29[%swap3A_816, %swap3A_817] {strides = array<i32>} : memref<64x128xf32, #tpu.memory_space<vmem>>, vector<16xf32>,
    tpu.vector_store %arg29[%swap3A_816, %swap3A_817], %broadcast_in_dim3A_3 {strides = array<i32>} : memref<64x128xf32, #tpu.memory_space<vmem>>, vector<16xf32>,
    %swap3A_819 = arith.constant 25 : i32
    %swap3A_820 = arith.index_cast %swap3A_819 : i32 to index
    %swap3A_821 = arith.constant 64 : index
    %swap3A_822 = tpu.vector_load %arg29[%swap3A_820, %swap3A_821] {strides = array<i32>} : memref<64x128xf32, #tpu.memory_space<vmem>>, vector<16xf32>,
    tpu.vector_store %arg29[%swap3A_820, %swap3A_821], %broadcast_in_dim3A_3 {strides = array<i32>} : memref<64x128xf32, #tpu.memory_space<vmem>>, vector<16xf32>,
    %swap3A_823 = arith.constant 25 : i32
    %swap3A_824 = arith.index_cast %swap3A_823 : i32 to index
    %swap3A_825 = arith.constant 80 : index
    %swap3A_826 = tpu.vector_load %arg29[%swap3A_824, %swap3A_825] {strides = array<i32>} : memref<64x128xf32, #tpu.memory_space<vmem>>, vector<16xf32>,
    tpu.vector_store %arg29[%swap3A_824, %swap3A_825], %broadcast_in_dim3A_3 {strides = array<i32>} : memref<64x128xf32, #tpu.memory_space<vmem>>, vector<16xf32>,
    %swap3A_827 = arith.constant 25 : i32
    %swap3A_828 = arith.index_cast %swap3A_827 : i32 to index
    %swap3A_829 = arith.constant 96 : index
    %swap3A_830 = tpu.vector_load %arg29[%swap3A_828, %swap3A_829] {strides = array<i32>} : memref<64x128xf32, #tpu.memory_space<vmem>>, vector<16xf32>,
    tpu.vector_store %arg29[%swap3A_828, %swap3A_829], %broadcast_in_dim3A_3 {strides = array<i32>} : memref<64x128xf32, #tpu.memory_space<vmem>>, vector<16xf32>,
    %swap3A_831 = arith.constant 25 : i32
    %swap3A_832 = arith.index_cast %swap3A_831 : i32 to index
    %swap3A_833 = arith.constant 112 : index
    %swap3A_834 = tpu.vector_load %arg29[%swap3A_832, %swap3A_833] {strides = array<i32>} : memref<64x128xf32, #tpu.memory_space<vmem>>, vector<16xf32>,
    tpu.vector_store %arg29[%swap3A_832, %swap3A_833], %broadcast_in_dim3A_3 {strides = array<i32>} : memref<64x128xf32, #tpu.memory_space<vmem>>, vector<16xf32>,
    %swap3A_835 = arith.constant 26 : i32
    %swap3A_836 = arith.index_cast %swap3A_835 : i32 to index
    %swap3A_837 = arith.constant 0 : index
    %swap3A_838 = tpu.vector_load %arg29[%swap3A_836, %swap3A_837] {strides = array<i32>} : memref<64x128xf32, #tpu.memory_space<vmem>>, vector<16xf32>,
    tpu.vector_store %arg29[%swap3A_836, %swap3A_837], %broadcast_in_dim3A_3 {strides = array<i32>} : memref<64x128xf32, #tpu.memory_space<vmem>>, vector<16xf32>,
    %swap3A_839 = arith.constant 26 : i32
    %swap3A_840 = arith.index_cast %swap3A_839 : i32 to index
    %swap3A_841 = arith.constant 16 : index
    %swap3A_842 = tpu.vector_load %arg29[%swap3A_840, %swap3A_841] {strides = array<i32>} : memref<64x128xf32, #tpu.memory_space<vmem>>, vector<16xf32>,
    tpu.vector_store %arg29[%swap3A_840, %swap3A_841], %broadcast_in_dim3A_3 {strides = array<i32>} : memref<64x128xf32, #tpu.memory_space<vmem>>, vector<16xf32>,
    %swap3A_843 = arith.constant 26 : i32
    %swap3A_844 = arith.index_cast %swap3A_843 : i32 to index
    %swap3A_845 = arith.constant 32 : index
    %swap3A_846 = tpu.vector_load %arg29[%swap3A_844, %swap3A_845] {strides = array<i32>} : memref<64x128xf32, #tpu.memory_space<vmem>>, vector<16xf32>,
    tpu.vector_store %arg29[%swap3A_844, %swap3A_845], %broadcast_in_dim3A_3 {strides = array<i32>} : memref<64x128xf32, #tpu.memory_space<vmem>>, vector<16xf32>,
    %swap3A_847 = arith.constant 26 : i32
    %swap3A_848 = arith.index_cast %swap3A_847 : i32 to index
    %swap3A_849 = arith.constant 48 : index
    %swap3A_850 = tpu.vector_load %arg29[%swap3A_848, %swap3A_849] {strides = array<i32>} : memref<64x128xf32, #tpu.memory_space<vmem>>, vector<16xf32>,
    tpu.vector_store %arg29[%swap3A_848, %swap3A_849], %broadcast_in_dim3A_3 {strides = array<i32>} : memref<64x128xf32, #tpu.memory_space<vmem>>, vector<16xf32>,
    %swap3A_851 = arith.constant 26 : i32
    %swap3A_852 = arith.index_cast %swap3A_851 : i32 to index
    %swap3A_853 = arith.constant 64 : index
    %swap3A_854 = tpu.vector_load %arg29[%swap3A_852, %swap3A_853] {strides = array<i32>} : memref<64x128xf32, #tpu.memory_space<vmem>>, vector<16xf32>,
    tpu.vector_store %arg29[%swap3A_852, %swap3A_853], %broadcast_in_dim3A_3 {strides = array<i32>} : memref<64x128xf32, #tpu.memory_space<vmem>>, vector<16xf32>,
    %swap3A_855 = arith.constant 26 : i32
    %swap3A_856 = arith.index_cast %swap3A_855 : i32 to index
    %swap3A_857 = arith.constant 80 : index
    %swap3A_858 = tpu.vector_load %arg29[%swap3A_856, %swap3A_857] {strides = array<i32>} : memref<64x128xf32, #tpu.memory_space<vmem>>, vector<16xf32>,
    tpu.vector_store %arg29[%swap3A_856, %swap3A_857], %broadcast_in_dim3A_3 {strides = array<i32>} : memref<64x128xf32, #tpu.memory_space<vmem>>, vector<16xf32>,
    %swap3A_859 = arith.constant 26 : i32
    %swap3A_860 = arith.index_cast %swap3A_859 : i32 to index
    %swap3A_861 = arith.constant 96 : index
    %swap3A_862 = tpu.vector_load %arg29[%swap3A_860, %swap3A_861] {strides = array<i32>} : memref<64x128xf32, #tpu.memory_space<vmem>>, vector<16xf32>,
    tpu.vector_store %arg29[%swap3A_860, %swap3A_861], %broadcast_in_dim3A_3 {strides = array<i32>} : memref<64x128xf32, #tpu.memory_space<vmem>>, vector<16xf32>,
    %swap3A_863 = arith.constant 26 : i32
    %swap3A_864 = arith.index_cast %swap3A_863 : i32 to index
    %swap3A_865 = arith.constant 112 : index
    %swap3A_866 = tpu.vector_load %arg29[%swap3A_864, %swap3A_865] {strides = array<i32>} : memref<64x128xf32, #tpu.memory_space<vmem>>, vector<16xf32>,
    tpu.vector_store %arg29[%swap3A_864, %swap3A_865], %broadcast_in_dim3A_3 {strides = array<i32>} : memref<64x128xf32, #tpu.memory_space<vmem>>, vector<16xf32>,
    %swap3A_867 = arith.constant 27 : i32
    %swap3A_868 = arith.index_cast %swap3A_867 : i32 to index
    %swap3A_869 = arith.constant 0 : index
    %swap3A_870 = tpu.vector_load %arg29[%swap3A_868, %swap3A_869] {strides = array<i32>} : memref<64x128xf32, #tpu.memory_space<vmem>>, vector<16xf32>,
    tpu.vector_store %arg29[%swap3A_868, %swap3A_869], %broadcast_in_dim3A_3 {strides = array<i32>} : memref<64x128xf32, #tpu.memory_space<vmem>>, vector<16xf32>,
    %swap3A_871 = arith.constant 27 : i32
    %swap3A_872 = arith.index_cast %swap3A_871 : i32 to index
    %swap3A_873 = arith.constant 16 : index
    %swap3A_874 = tpu.vector_load %arg29[%swap3A_872, %swap3A_873] {strides = array<i32>} : memref<64x128xf32, #tpu.memory_space<vmem>>, vector<16xf32>,
    tpu.vector_store %arg29[%swap3A_872, %swap3A_873], %broadcast_in_dim3A_3 {strides = array<i32>} : memref<64x128xf32, #tpu.memory_space<vmem>>, vector<16xf32>,
    %swap3A_875 = arith.constant 27 : i32
    %swap3A_876 = arith.index_cast %swap3A_875 : i32 to index
    %swap3A_877 = arith.constant 32 : index
    %swap3A_878 = tpu.vector_load %arg29[%swap3A_876, %swap3A_877] {strides = array<i32>} : memref<64x128xf32, #tpu.memory_space<vmem>>, vector<16xf32>,
    tpu.vector_store %arg29[%swap3A_876, %swap3A_877], %broadcast_in_dim3A_3 {strides = array<i32>} : memref<64x128xf32, #tpu.memory_space<vmem>>, vector<16xf32>,
    %swap3A_879 = arith.constant 27 : i32
    %swap3A_880 = arith.index_cast %swap3A_879 : i32 to index
    %swap3A_881 = arith.constant 48 : index
    %swap3A_882 = tpu.vector_load %arg29[%swap3A_880, %swap3A_881] {strides = array<i32>} : memref<64x128xf32, #tpu.memory_space<vmem>>, vector<16xf32>,
    tpu.vector_store %arg29[%swap3A_880, %swap3A_881], %broadcast_in_dim3A_3 {strides = array<i32>} : memref<64x128xf32, #tpu.memory_space<vmem>>, vector<16xf32>,
    %swap3A_883 = arith.constant 27 : i32
    %swap3A_884 = arith.index_cast %swap3A_883 : i32 to index
    %swap3A_885 = arith.constant 64 : index
    %swap3A_886 = tpu.vector_load %arg29[%swap3A_884, %swap3A_885] {strides = array<i32>} : memref<64x128xf32, #tpu.memory_space<vmem>>, vector<16xf32>,
    tpu.vector_store %arg29[%swap3A_884, %swap3A_885], %broadcast_in_dim3A_3 {strides = array<i32>} : memref<64x128xf32, #tpu.memory_space<vmem>>, vector<16xf32>,
    %swap3A_887 = arith.constant 27 : i32
    %swap3A_888 = arith.index_cast %swap3A_887 : i32 to index
    %swap3A_889 = arith.constant 80 : index
    %swap3A_890 = tpu.vector_load %arg29[%swap3A_888, %swap3A_889] {strides = array<i32>} : memref<64x128xf32, #tpu.memory_space<vmem>>, vector<16xf32>,
    tpu.vector_store %arg29[%swap3A_888, %swap3A_889], %broadcast_in_dim3A_3 {strides = array<i32>} : memref<64x128xf32, #tpu.memory_space<vmem>>, vector<16xf32>,
    %swap3A_891 = arith.constant 27 : i32
    %swap3A_892 = arith.index_cast %swap3A_891 : i32 to index
    %swap3A_893 = arith.constant 96 : index
    %swap3A_894 = tpu.vector_load %arg29[%swap3A_892, %swap3A_893] {strides = array<i32>} : memref<64x128xf32, #tpu.memory_space<vmem>>, vector<16xf32>,
    tpu.vector_store %arg29[%swap3A_892, %swap3A_893], %broadcast_in_dim3A_3 {strides = array<i32>} : memref<64x128xf32, #tpu.memory_space<vmem>>, vector<16xf32>,
    %swap3A_895 = arith.constant 27 : i32
    %swap3A_896 = arith.index_cast %swap3A_895 : i32 to index
    %swap3A_897 = arith.constant 112 : index
    %swap3A_898 = tpu.vector_load %arg29[%swap3A_896, %swap3A_897] {strides = array<i32>} : memref<64x128xf32, #tpu.memory_space<vmem>>, vector<16xf32>,
    tpu.vector_store %arg29[%swap3A_896, %swap3A_897], %broadcast_in_dim3A_3 {strides = array<i32>} : memref<64x128xf32, #tpu.memory_space<vmem>>, vector<16xf32>,
    %swap3A_899 = arith.constant 28 : i32
    %swap3A_900 = arith.index_cast %swap3A_899 : i32 to index
    %swap3A_901 = arith.constant 0 : index
    %swap3A_902 = tpu.vector_load %arg29[%swap3A_900, %swap3A_901] {strides = array<i32>} : memref<64x128xf32, #tpu.memory_space<vmem>>, vector<16xf32>,
    tpu.vector_store %arg29[%swap3A_900, %swap3A_901], %broadcast_in_dim3A_3 {strides = array<i32>} : memref<64x128xf32, #tpu.memory_space<vmem>>, vector<16xf32>,
    %swap3A_903 = arith.constant 28 : i32
    %swap3A_904 = arith.index_cast %swap3A_903 : i32 to index
    %swap3A_905 = arith.constant 16 : index
    %swap3A_906 = tpu.vector_load %arg29[%swap3A_904, %swap3A_905] {strides = array<i32>} : memref<64x128xf32, #tpu.memory_space<vmem>>, vector<16xf32>,
    tpu.vector_store %arg29[%swap3A_904, %swap3A_905], %broadcast_in_dim3A_3 {strides = array<i32>} : memref<64x128xf32, #tpu.memory_space<vmem>>, vector<16xf32>,
    %swap3A_907 = arith.constant 28 : i32
    %swap3A_908 = arith.index_cast %swap3A_907 : i32 to index
    %swap3A_909 = arith.constant 32 : index
    %swap3A_910 = tpu.vector_load %arg29[%swap3A_908, %swap3A_909] {strides = array<i32>} : memref<64x128xf32, #tpu.memory_space<vmem>>, vector<16xf32>,
    tpu.vector_store %arg29[%swap3A_908, %swap3A_909], %broadcast_in_dim3A_3 {strides = array<i32>} : memref<64x128xf32, #tpu.memory_space<vmem>>, vector<16xf32>,
    %swap3A_911 = arith.constant 28 : i32
    %swap3A_912 = arith.index_cast %swap3A_911 : i32 to index
    %swap3A_913 = arith.constant 48 : index
    %swap3A_914 = tpu.vector_load %arg29[%swap3A_912, %swap3A_913] {strides = array<i32>} : memref<64x128xf32, #tpu.memory_space<vmem>>, vector<16xf32>,
    tpu.vector_store %arg29[%swap3A_912, %swap3A_913], %broadcast_in_dim3A_3 {strides = array<i32>} : memref<64x128xf32, #tpu.memory_space<vmem>>, vector<16xf32>,
    %swap3A_915 = arith.constant 28 : i32
    %swap3A_916 = arith.index_cast %swap3A_915 : i32 to index
    %swap3A_917 = arith.constant 64 : index
    %swap3A_918 = tpu.vector_load %arg29[%swap3A_916, %swap3A_917] {strides = array<i32>} : memref<64x128xf32, #tpu.memory_space<vmem>>, vector<16xf32>,
    tpu.vector_store %arg29[%swap3A_916, %swap3A_917], %broadcast_in_dim3A_3 {strides = array<i32>} : memref<64x128xf32, #tpu.memory_space<vmem>>, vector<16xf32>,
    %swap3A_919 = arith.constant 28 : i32
    %swap3A_920 = arith.index_cast %swap3A_919 : i32 to index
    %swap3A_921 = arith.constant 80 : index
    %swap3A_922 = tpu.vector_load %arg29[%swap3A_920, %swap3A_921] {strides = array<i32>} : memref<64x128xf32, #tpu.memory_space<vmem>>, vector<16xf32>,
    tpu.vector_store %arg29[%swap3A_920, %swap3A_921], %broadcast_in_dim3A_3 {strides = array<i32>} : memref<64x128xf32, #tpu.memory_space<vmem>>, vector<16xf32>,
    %swap3A_923 = arith.constant 28 : i32
    %swap3A_924 = arith.index_cast %swap3A_923 : i32 to index
    %swap3A_925 = arith.constant 96 : index
    %swap3A_926 = tpu.vector_load %arg29[%swap3A_924, %swap3A_925] {strides = array<i32>} : memref<64x128xf32, #tpu.memory_space<vmem>>, vector<16xf32>,
    tpu.vector_store %arg29[%swap3A_924, %swap3A_925], %broadcast_in_dim3A_3 {strides = array<i32>} : memref<64x128xf32, #tpu.memory_space<vmem>>, vector<16xf32>,
    %swap3A_927 = arith.constant 28 : i32
    %swap3A_928 = arith.index_cast %swap3A_927 : i32 to index
    %swap3A_929 = arith.constant 112 : index
    %swap3A_930 = tpu.vector_load %arg29[%swap3A_928, %swap3A_929] {strides = array<i32>} : memref<64x128xf32, #tpu.memory_space<vmem>>, vector<16xf32>,
    tpu.vector_store %arg29[%swap3A_928, %swap3A_929], %broadcast_in_dim3A_3 {strides = array<i32>} : memref<64x128xf32, #tpu.memory_space<vmem>>, vector<16xf32>,
    %swap3A_931 = arith.constant 29 : i32
    %swap3A_932 = arith.index_cast %swap3A_931 : i32 to index
    %swap3A_933 = arith.constant 0 : index
    %swap3A_934 = tpu.vector_load %arg29[%swap3A_932, %swap3A_933] {strides = array<i32>} : memref<64x128xf32, #tpu.memory_space<vmem>>, vector<16xf32>,
    tpu.vector_store %arg29[%swap3A_932, %swap3A_933], %broadcast_in_dim3A_3 {strides = array<i32>} : memref<64x128xf32, #tpu.memory_space<vmem>>, vector<16xf32>,
    %swap3A_935 = arith.constant 29 : i32
    %swap3A_936 = arith.index_cast %swap3A_935 : i32 to index
    %swap3A_937 = arith.constant 16 : index
    %swap3A_938 = tpu.vector_load %arg29[%swap3A_936, %swap3A_937] {strides = array<i32>} : memref<64x128xf32, #tpu.memory_space<vmem>>, vector<16xf32>,
    tpu.vector_store %arg29[%swap3A_936, %swap3A_937], %broadcast_in_dim3A_3 {strides = array<i32>} : memref<64x128xf32, #tpu.memory_space<vmem>>, vector<16xf32>,
    %swap3A_939 = arith.constant 29 : i32
    %swap3A_940 = arith.index_cast %swap3A_939 : i32 to index
    %swap3A_941 = arith.constant 32 : index
    %swap3A_942 = tpu.vector_load %arg29[%swap3A_940, %swap3A_941] {strides = array<i32>} : memref<64x128xf32, #tpu.memory_space<vmem>>, vector<16xf32>,
    tpu.vector_store %arg29[%swap3A_940, %swap3A_941], %broadcast_in_dim3A_3 {strides = array<i32>} : memref<64x128xf32, #tpu.memory_space<vmem>>, vector<16xf32>,
    %swap3A_943 = arith.constant 29 : i32
    %swap3A_944 = arith.index_cast %swap3A_943 : i32 to index
    %swap3A_945 = arith.constant 48 : index
    %swap3A_946 = tpu.vector_load %arg29[%swap3A_944, %swap3A_945] {strides = array<i32>} : memref<64x128xf32, #tpu.memory_space<vmem>>, vector<16xf32>,
    tpu.vector_store %arg29[%swap3A_944, %swap3A_945], %broadcast_in_dim3A_3 {strides = array<i32>} : memref<64x128xf32, #tpu.memory_space<vmem>>, vector<16xf32>,
    %swap3A_947 = arith.constant 29 : i32
    %swap3A_948 = arith.index_cast %swap3A_947 : i32 to index
    %swap3A_949 = arith.constant 64 : index
    %swap3A_950 = tpu.vector_load %arg29[%swap3A_948, %swap3A_949] {strides = array<i32>} : memref<64x128xf32, #tpu.memory_space<vmem>>, vector<16xf32>,
    tpu.vector_store %arg29[%swap3A_948, %swap3A_949], %broadcast_in_dim3A_3 {strides = array<i32>} : memref<64x128xf32, #tpu.memory_space<vmem>>, vector<16xf32>,
    %swap3A_951 = arith.constant 29 : i32
    %swap3A_952 = arith.index_cast %swap3A_951 : i32 to index
    %swap3A_953 = arith.constant 80 : index
    %swap3A_954 = tpu.vector_load %arg29[%swap3A_952, %swap3A_953] {strides = array<i32>} : memref<64x128xf32, #tpu.memory_space<vmem>>, vector<16xf32>,
    tpu.vector_store %arg29[%swap3A_952, %swap3A_953], %broadcast_in_dim3A_3 {strides = array<i32>} : memref<64x128xf32, #tpu.memory_space<vmem>>, vector<16xf32>,
    %swap3A_955 = arith.constant 29 : i32
    %swap3A_956 = arith.index_cast %swap3A_955 : i32 to index
    %swap3A_957 = arith.constant 96 : index
    %swap3A_958 = tpu.vector_load %arg29[%swap3A_956, %swap3A_957] {strides = array<i32>} : memref<64x128xf32, #tpu.memory_space<vmem>>, vector<16xf32>,
    tpu.vector_store %arg29[%swap3A_956, %swap3A_957], %broadcast_in_dim3A_3 {strides = array<i32>} : memref<64x128xf32, #tpu.memory_space<vmem>>, vector<16xf32>,
    %swap3A_959 = arith.constant 29 : i32
    %swap3A_960 = arith.index_cast %swap3A_959 : i32 to index
    %swap3A_961 = arith.constant 112 : index
    %swap3A_962 = tpu.vector_load %arg29[%swap3A_960, %swap3A_961] {strides = array<i32>} : memref<64x128xf32, #tpu.memory_space<vmem>>, vector<16xf32>,
    tpu.vector_store %arg29[%swap3A_960, %swap3A_961], %broadcast_in_dim3A_3 {strides = array<i32>} : memref<64x128xf32, #tpu.memory_space<vmem>>, vector<16xf32>,
    %swap3A_963 = arith.constant 30 : i32
    %swap3A_964 = arith.index_cast %swap3A_963 : i32 to index
    %swap3A_965 = arith.constant 0 : index
    %swap3A_966 = tpu.vector_load %arg29[%swap3A_964, %swap3A_965] {strides = array<i32>} : memref<64x128xf32, #tpu.memory_space<vmem>>, vector<16xf32>,
    tpu.vector_store %arg29[%swap3A_964, %swap3A_965], %broadcast_in_dim3A_3 {strides = array<i32>} : memref<64x128xf32, #tpu.memory_space<vmem>>, vector<16xf32>,
    %swap3A_967 = arith.constant 30 : i32
    %swap3A_968 = arith.index_cast %swap3A_967 : i32 to index
    %swap3A_969 = arith.constant 16 : index
    %swap3A_970 = tpu.vector_load %arg29[%swap3A_968, %swap3A_969] {strides = array<i32>} : memref<64x128xf32, #tpu.memory_space<vmem>>, vector<16xf32>,
    tpu.vector_store %arg29[%swap3A_968, %swap3A_969], %broadcast_in_dim3A_3 {strides = array<i32>} : memref<64x128xf32, #tpu.memory_space<vmem>>, vector<16xf32>,
    %swap3A_971 = arith.constant 30 : i32
    %swap3A_972 = arith.index_cast %swap3A_971 : i32 to index
    %swap3A_973 = arith.constant 32 : index
    %swap3A_974 = tpu.vector_load %arg29[%swap3A_972, %swap3A_973] {strides = array<i32>} : memref<64x128xf32, #tpu.memory_space<vmem>>, vector<16xf32>,
    tpu.vector_store %arg29[%swap3A_972, %swap3A_973], %broadcast_in_dim3A_3 {strides = array<i32>} : memref<64x128xf32, #tpu.memory_space<vmem>>, vector<16xf32>,
    %swap3A_975 = arith.constant 30 : i32
    %swap3A_976 = arith.index_cast %swap3A_975 : i32 to index
    %swap3A_977 = arith.constant 48 : index
    %swap3A_978 = tpu.vector_load %arg29[%swap3A_976, %swap3A_977] {strides = array<i32>} : memref<64x128xf32, #tpu.memory_space<vmem>>, vector<16xf32>,
    tpu.vector_store %arg29[%swap3A_976, %swap3A_977], %broadcast_in_dim3A_3 {strides = array<i32>} : memref<64x128xf32, #tpu.memory_space<vmem>>, vector<16xf32>,
    %swap3A_979 = arith.constant 30 : i32
    %swap3A_980 = arith.index_cast %swap3A_979 : i32 to index
    %swap3A_981 = arith.constant 64 : index
    %swap3A_982 = tpu.vector_load %arg29[%swap3A_980, %swap3A_981] {strides = array<i32>} : memref<64x128xf32, #tpu.memory_space<vmem>>, vector<16xf32>,
    tpu.vector_store %arg29[%swap3A_980, %swap3A_981], %broadcast_in_dim3A_3 {strides = array<i32>} : memref<64x128xf32, #tpu.memory_space<vmem>>, vector<16xf32>,
    %swap3A_983 = arith.constant 30 : i32
    %swap3A_984 = arith.index_cast %swap3A_983 : i32 to index
    %swap3A_985 = arith.constant 80 : index
    %swap3A_986 = tpu.vector_load %arg29[%swap3A_984, %swap3A_985] {strides = array<i32>} : memref<64x128xf32, #tpu.memory_space<vmem>>, vector<16xf32>,
    tpu.vector_store %arg29[%swap3A_984, %swap3A_985], %broadcast_in_dim3A_3 {strides = array<i32>} : memref<64x128xf32, #tpu.memory_space<vmem>>, vector<16xf32>,
    %swap3A_987 = arith.constant 30 : i32
    %swap3A_988 = arith.index_cast %swap3A_987 : i32 to index
    %swap3A_989 = arith.constant 96 : index
    %swap3A_990 = tpu.vector_load %arg29[%swap3A_988, %swap3A_989] {strides = array<i32>} : memref<64x128xf32, #tpu.memory_space<vmem>>, vector<16xf32>,
    tpu.vector_store %arg29[%swap3A_988, %swap3A_989], %broadcast_in_dim3A_3 {strides = array<i32>} : memref<64x128xf32, #tpu.memory_space<vmem>>, vector<16xf32>,
    %swap3A_991 = arith.constant 30 : i32
    %swap3A_992 = arith.index_cast %swap3A_991 : i32 to index
    %swap3A_993 = arith.constant 112 : index
    %swap3A_994 = tpu.vector_load %arg29[%swap3A_992, %swap3A_993] {strides = array<i32>} : memref<64x128xf32, #tpu.memory_space<vmem>>, vector<16xf32>,
    tpu.vector_store %arg29[%swap3A_992, %swap3A_993], %broadcast_in_dim3A_3 {strides = array<i32>} : memref<64x128xf32, #tpu.memory_space<vmem>>, vector<16xf32>,
    %swap3A_995 = arith.constant 31 : i32
    %swap3A_996 = arith.index_cast %swap3A_995 : i32 to index
    %swap3A_997 = arith.constant 0 : index
    %swap3A_998 = tpu.vector_load %arg29[%swap3A_996, %swap3A_997] {strides = array<i32>} : memref<64x128xf32, #tpu.memory_space<vmem>>, vector<16xf32>,
    tpu.vector_store %arg29[%swap3A_996, %swap3A_997], %broadcast_in_dim3A_3 {strides = array<i32>} : memref<64x128xf32, #tpu.memory_space<vmem>>, vector<16xf32>,
    %swap3A_999 = arith.constant 31 : i32
    %swap3A_1000 = arith.index_cast %swap3A_999 : i32 to index
    %swap3A_1001 = arith.constant 16 : index
    %swap3A_1002 = tpu.vector_load %arg29[%swap3A_1000, %swap3A_1001] {strides = array<i32>} : memref<64x128xf32, #tpu.memory_space<vmem>>, vector<16xf32>,
    tpu.vector_store %arg29[%swap3A_1000, %swap3A_1001], %broadcast_in_dim3A_3 {strides = array<i32>} : memref<64x128xf32, #tpu.memory_space<vmem>>, vector<16xf32>,
    %swap3A_1003 = arith.constant 31 : i32
    %swap3A_1004 = arith.index_cast %swap3A_1003 : i32 to index
    %swap3A_1005 = arith.constant 32 : index
    %swap3A_1006 = tpu.vector_load %arg29[%swap3A_1004, %swap3A_1005] {strides = array<i32>} : memref<64x128xf32, #tpu.memory_space<vmem>>, vector<16xf32>,
    tpu.vector_store %arg29[%swap3A_1004, %swap3A_1005], %broadcast_in_dim3A_3 {strides = array<i32>} : memref<64x128xf32, #tpu.memory_space<vmem>>, vector<16xf32>,
    %swap3A_1007 = arith.constant 31 : i32
    %swap3A_1008 = arith.index_cast %swap3A_1007 : i32 to index
    %swap3A_1009 = arith.constant 48 : index
    %swap3A_1010 = tpu.vector_load %arg29[%swap3A_1008, %swap3A_1009] {strides = array<i32>} : memref<64x128xf32, #tpu.memory_space<vmem>>, vector<16xf32>,
    tpu.vector_store %arg29[%swap3A_1008, %swap3A_1009], %broadcast_in_dim3A_3 {strides = array<i32>} : memref<64x128xf32, #tpu.memory_space<vmem>>, vector<16xf32>,
    %swap3A_1011 = arith.constant 31 : i32
    %swap3A_1012 = arith.index_cast %swap3A_1011 : i32 to index
    %swap3A_1013 = arith.constant 64 : index
    %swap3A_1014 = tpu.vector_load %arg29[%swap3A_1012, %swap3A_1013] {strides = array<i32>} : memref<64x128xf32, #tpu.memory_space<vmem>>, vector<16xf32>,
    tpu.vector_store %arg29[%swap3A_1012, %swap3A_1013], %broadcast_in_dim3A_3 {strides = array<i32>} : memref<64x128xf32, #tpu.memory_space<vmem>>, vector<16xf32>,
    %swap3A_1015 = arith.constant 31 : i32
    %swap3A_1016 = arith.index_cast %swap3A_1015 : i32 to index
    %swap3A_1017 = arith.constant 80 : index
    %swap3A_1018 = tpu.vector_load %arg29[%swap3A_1016, %swap3A_1017] {strides = array<i32>} : memref<64x128xf32, #tpu.memory_space<vmem>>, vector<16xf32>,
    tpu.vector_store %arg29[%swap3A_1016, %swap3A_1017], %broadcast_in_dim3A_3 {strides = array<i32>} : memref<64x128xf32, #tpu.memory_space<vmem>>, vector<16xf32>,
    %swap3A_1019 = arith.constant 31 : i32
    %swap3A_1020 = arith.index_cast %swap3A_1019 : i32 to index
    %swap3A_1021 = arith.constant 96 : index
    %swap3A_1022 = tpu.vector_load %arg29[%swap3A_1020, %swap3A_1021] {strides = array<i32>} : memref<64x128xf32, #tpu.memory_space<vmem>>, vector<16xf32>,
    tpu.vector_store %arg29[%swap3A_1020, %swap3A_1021], %broadcast_in_dim3A_3 {strides = array<i32>} : memref<64x128xf32, #tpu.memory_space<vmem>>, vector<16xf32>,
    %swap3A_1023 = arith.constant 31 : i32
    %swap3A_1024 = arith.index_cast %swap3A_1023 : i32 to index
    %swap3A_1025 = arith.constant 112 : index
    %swap3A_1026 = tpu.vector_load %arg29[%swap3A_1024, %swap3A_1025] {strides = array<i32>} : memref<64x128xf32, #tpu.memory_space<vmem>>, vector<16xf32>,
    tpu.vector_store %arg29[%swap3A_1024, %swap3A_1025], %broadcast_in_dim3A_3 {strides = array<i32>} : memref<64x128xf32, #tpu.memory_space<vmem>>, vector<16xf32>,
    %swap3A_1027 = arith.constant 32 : i32
    %swap3A_1028 = arith.index_cast %swap3A_1027 : i32 to index
    %swap3A_1029 = arith.constant 0 : index
    %swap3A_1030 = tpu.vector_load %arg29[%swap3A_1028, %swap3A_1029] {strides = array<i32>} : memref<64x128xf32, #tpu.memory_space<vmem>>, vector<16xf32>,
    tpu.vector_store %arg29[%swap3A_1028, %swap3A_1029], %broadcast_in_dim3A_3 {strides = array<i32>} : memref<64x128xf32, #tpu.memory_space<vmem>>, vector<16xf32>,
    %swap3A_1031 = arith.constant 32 : i32
    %swap3A_1032 = arith.index_cast %swap3A_1031 : i32 to index
    %swap3A_1033 = arith.constant 16 : index
    %swap3A_1034 = tpu.vector_load %arg29[%swap3A_1032, %swap3A_1033] {strides = array<i32>} : memref<64x128xf32, #tpu.memory_space<vmem>>, vector<16xf32>,
    tpu.vector_store %arg29[%swap3A_1032, %swap3A_1033], %broadcast_in_dim3A_3 {strides = array<i32>} : memref<64x128xf32, #tpu.memory_space<vmem>>, vector<16xf32>,
    %swap3A_1035 = arith.constant 32 : i32
    %swap3A_1036 = arith.index_cast %swap3A_1035 : i32 to index
    %swap3A_1037 = arith.constant 32 : index
    %swap3A_1038 = tpu.vector_load %arg29[%swap3A_1036, %swap3A_1037] {strides = array<i32>} : memref<64x128xf32, #tpu.memory_space<vmem>>, vector<16xf32>,
    tpu.vector_store %arg29[%swap3A_1036, %swap3A_1037], %broadcast_in_dim3A_3 {strides = array<i32>} : memref<64x128xf32, #tpu.memory_space<vmem>>, vector<16xf32>,
    %swap3A_1039 = arith.constant 32 : i32
    %swap3A_1040 = arith.index_cast %swap3A_1039 : i32 to index
    %swap3A_1041 = arith.constant 48 : index
    %swap3A_1042 = tpu.vector_load %arg29[%swap3A_1040, %swap3A_1041] {strides = array<i32>} : memref<64x128xf32, #tpu.memory_space<vmem>>, vector<16xf32>,
    tpu.vector_store %arg29[%swap3A_1040, %swap3A_1041], %broadcast_in_dim3A_3 {strides = array<i32>} : memref<64x128xf32, #tpu.memory_space<vmem>>, vector<16xf32>,
    %swap3A_1043 = arith.constant 32 : i32
    %swap3A_1044 = arith.index_cast %swap3A_1043 : i32 to index
    %swap3A_1045 = arith.constant 64 : index
    %swap3A_1046 = tpu.vector_load %arg29[%swap3A_1044, %swap3A_1045] {strides = array<i32>} : memref<64x128xf32, #tpu.memory_space<vmem>>, vector<16xf32>,
    tpu.vector_store %arg29[%swap3A_1044, %swap3A_1045], %broadcast_in_dim3A_3 {strides = array<i32>} : memref<64x128xf32, #tpu.memory_space<vmem>>, vector<16xf32>,
    %swap3A_1047 = arith.constant 32 : i32
    %swap3A_1048 = arith.index_cast %swap3A_1047 : i32 to index
    %swap3A_1049 = arith.constant 80 : index
    %swap3A_1050 = tpu.vector_load %arg29[%swap3A_1048, %swap3A_1049] {strides = array<i32>} : memref<64x128xf32, #tpu.memory_space<vmem>>, vector<16xf32>,
    tpu.vector_store %arg29[%swap3A_1048, %swap3A_1049], %broadcast_in_dim3A_3 {strides = array<i32>} : memref<64x128xf32, #tpu.memory_space<vmem>>, vector<16xf32>,
    %swap3A_1051 = arith.constant 32 : i32
    %swap3A_1052 = arith.index_cast %swap3A_1051 : i32 to index
    %swap3A_1053 = arith.constant 96 : index
    %swap3A_1054 = tpu.vector_load %arg29[%swap3A_1052, %swap3A_1053] {strides = array<i32>} : memref<64x128xf32, #tpu.memory_space<vmem>>, vector<16xf32>,
    tpu.vector_store %arg29[%swap3A_1052, %swap3A_1053], %broadcast_in_dim3A_3 {strides = array<i32>} : memref<64x128xf32, #tpu.memory_space<vmem>>, vector<16xf32>,
    %swap3A_1055 = arith.constant 32 : i32
    %swap3A_1056 = arith.index_cast %swap3A_1055 : i32 to index
    %swap3A_1057 = arith.constant 112 : index
    %swap3A_1058 = tpu.vector_load %arg29[%swap3A_1056, %swap3A_1057] {strides = array<i32>} : memref<64x128xf32, #tpu.memory_space<vmem>>, vector<16xf32>,
    tpu.vector_store %arg29[%swap3A_1056, %swap3A_1057], %broadcast_in_dim3A_3 {strides = array<i32>} : memref<64x128xf32, #tpu.memory_space<vmem>>, vector<16xf32>,
    %swap3A_1059 = arith.constant 33 : i32
    %swap3A_1060 = arith.index_cast %swap3A_1059 : i32 to index
    %swap3A_1061 = arith.constant 0 : index
    %swap3A_1062 = tpu.vector_load %arg29[%swap3A_1060, %swap3A_1061] {strides = array<i32>} : memref<64x128xf32, #tpu.memory_space<vmem>>, vector<16xf32>,
    tpu.vector_store %arg29[%swap3A_1060, %swap3A_1061], %broadcast_in_dim3A_3 {strides = array<i32>} : memref<64x128xf32, #tpu.memory_space<vmem>>, vector<16xf32>,
    %swap3A_1063 = arith.constant 33 : i32
    %swap3A_1064 = arith.index_cast %swap3A_1063 : i32 to index
    %swap3A_1065 = arith.constant 16 : index
    %swap3A_1066 = tpu.vector_load %arg29[%swap3A_1064, %swap3A_1065] {strides = array<i32>} : memref<64x128xf32, #tpu.memory_space<vmem>>, vector<16xf32>,
    tpu.vector_store %arg29[%swap3A_1064, %swap3A_1065], %broadcast_in_dim3A_3 {strides = array<i32>} : memref<64x128xf32, #tpu.memory_space<vmem>>, vector<16xf32>,
    %swap3A_1067 = arith.constant 33 : i32
    %swap3A_1068 = arith.index_cast %swap3A_1067 : i32 to index
    %swap3A_1069 = arith.constant 32 : index
    %swap3A_1070 = tpu.vector_load %arg29[%swap3A_1068, %swap3A_1069] {strides = array<i32>} : memref<64x128xf32, #tpu.memory_space<vmem>>, vector<16xf32>,
    tpu.vector_store %arg29[%swap3A_1068, %swap3A_1069], %broadcast_in_dim3A_3 {strides = array<i32>} : memref<64x128xf32, #tpu.memory_space<vmem>>, vector<16xf32>,
    %swap3A_1071 = arith.constant 33 : i32
    %swap3A_1072 = arith.index_cast %swap3A_1071 : i32 to index
    %swap3A_1073 = arith.constant 48 : index
    %swap3A_1074 = tpu.vector_load %arg29[%swap3A_1072, %swap3A_1073] {strides = array<i32>} : memref<64x128xf32, #tpu.memory_space<vmem>>, vector<16xf32>,
    tpu.vector_store %arg29[%swap3A_1072, %swap3A_1073], %broadcast_in_dim3A_3 {strides = array<i32>} : memref<64x128xf32, #tpu.memory_space<vmem>>, vector<16xf32>,
    %swap3A_1075 = arith.constant 33 : i32
    %swap3A_1076 = arith.index_cast %swap3A_1075 : i32 to index
    %swap3A_1077 = arith.constant 64 : index
    %swap3A_1078 = tpu.vector_load %arg29[%swap3A_1076, %swap3A_1077] {strides = array<i32>} : memref<64x128xf32, #tpu.memory_space<vmem>>, vector<16xf32>,
    tpu.vector_store %arg29[%swap3A_1076, %swap3A_1077], %broadcast_in_dim3A_3 {strides = array<i32>} : memref<64x128xf32, #tpu.memory_space<vmem>>, vector<16xf32>,
    %swap3A_1079 = arith.constant 33 : i32
    %swap3A_1080 = arith.index_cast %swap3A_1079 : i32 to index
    %swap3A_1081 = arith.constant 80 : index
    %swap3A_1082 = tpu.vector_load %arg29[%swap3A_1080, %swap3A_1081] {strides = array<i32>} : memref<64x128xf32, #tpu.memory_space<vmem>>, vector<16xf32>,
    tpu.vector_store %arg29[%swap3A_1080, %swap3A_1081], %broadcast_in_dim3A_3 {strides = array<i32>} : memref<64x128xf32, #tpu.memory_space<vmem>>, vector<16xf32>,
    %swap3A_1083 = arith.constant 33 : i32
    %swap3A_1084 = arith.index_cast %swap3A_1083 : i32 to index
    %swap3A_1085 = arith.constant 96 : index
    %swap3A_1086 = tpu.vector_load %arg29[%swap3A_1084, %swap3A_1085] {strides = array<i32>} : memref<64x128xf32, #tpu.memory_space<vmem>>, vector<16xf32>,
    tpu.vector_store %arg29[%swap3A_1084, %swap3A_1085], %broadcast_in_dim3A_3 {strides = array<i32>} : memref<64x128xf32, #tpu.memory_space<vmem>>, vector<16xf32>,
    %swap3A_1087 = arith.constant 33 : i32
    %swap3A_1088 = arith.index_cast %swap3A_1087 : i32 to index
    %swap3A_1089 = arith.constant 112 : index
    %swap3A_1090 = tpu.vector_load %arg29[%swap3A_1088, %swap3A_1089] {strides = array<i32>} : memref<64x128xf32, #tpu.memory_space<vmem>>, vector<16xf32>,
    tpu.vector_store %arg29[%swap3A_1088, %swap3A_1089], %broadcast_in_dim3A_3 {strides = array<i32>} : memref<64x128xf32, #tpu.memory_space<vmem>>, vector<16xf32>,
    %swap3A_1091 = arith.constant 34 : i32
    %swap3A_1092 = arith.index_cast %swap3A_1091 : i32 to index
    %swap3A_1093 = arith.constant 0 : index
    %swap3A_1094 = tpu.vector_load %arg29[%swap3A_1092, %swap3A_1093] {strides = array<i32>} : memref<64x128xf32, #tpu.memory_space<vmem>>, vector<16xf32>,
    tpu.vector_store %arg29[%swap3A_1092, %swap3A_1093], %broadcast_in_dim3A_3 {strides = array<i32>} : memref<64x128xf32, #tpu.memory_space<vmem>>, vector<16xf32>,
    %swap3A_1095 = arith.constant 34 : i32
    %swap3A_1096 = arith.index_cast %swap3A_1095 : i32 to index
    %swap3A_1097 = arith.constant 16 : index
    %swap3A_1098 = tpu.vector_load %arg29[%swap3A_1096, %swap3A_1097] {strides = array<i32>} : memref<64x128xf32, #tpu.memory_space<vmem>>, vector<16xf32>,
    tpu.vector_store %arg29[%swap3A_1096, %swap3A_1097], %broadcast_in_dim3A_3 {strides = array<i32>} : memref<64x128xf32, #tpu.memory_space<vmem>>, vector<16xf32>,
    %swap3A_1099 = arith.constant 34 : i32
    %swap3A_1100 = arith.index_cast %swap3A_1099 : i32 to index
    %swap3A_1101 = arith.constant 32 : index
    %swap3A_1102 = tpu.vector_load %arg29[%swap3A_1100, %swap3A_1101] {strides = array<i32>} : memref<64x128xf32, #tpu.memory_space<vmem>>, vector<16xf32>,
    tpu.vector_store %arg29[%swap3A_1100, %swap3A_1101], %broadcast_in_dim3A_3 {strides = array<i32>} : memref<64x128xf32, #tpu.memory_space<vmem>>, vector<16xf32>,
    %swap3A_1103 = arith.constant 34 : i32
    %swap3A_1104 = arith.index_cast %swap3A_1103 : i32 to index
    %swap3A_1105 = arith.constant 48 : index
    %swap3A_1106 = tpu.vector_load %arg29[%swap3A_1104, %swap3A_1105] {strides = array<i32>} : memref<64x128xf32, #tpu.memory_space<vmem>>, vector<16xf32>,
    tpu.vector_store %arg29[%swap3A_1104, %swap3A_1105], %broadcast_in_dim3A_3 {strides = array<i32>} : memref<64x128xf32, #tpu.memory_space<vmem>>, vector<16xf32>,
    %swap3A_1107 = arith.constant 34 : i32
    %swap3A_1108 = arith.index_cast %swap3A_1107 : i32 to index
    %swap3A_1109 = arith.constant 64 : index
    %swap3A_1110 = tpu.vector_load %arg29[%swap3A_1108, %swap3A_1109] {strides = array<i32>} : memref<64x128xf32, #tpu.memory_space<vmem>>, vector<16xf32>,
    tpu.vector_store %arg29[%swap3A_1108, %swap3A_1109], %broadcast_in_dim3A_3 {strides = array<i32>} : memref<64x128xf32, #tpu.memory_space<vmem>>, vector<16xf32>,
    %swap3A_1111 = arith.constant 34 : i32
    %swap3A_1112 = arith.index_cast %swap3A_1111 : i32 to index
    %swap3A_1113 = arith.constant 80 : index
    %swap3A_1114 = tpu.vector_load %arg29[%swap3A_1112, %swap3A_1113] {strides = array<i32>} : memref<64x128xf32, #tpu.memory_space<vmem>>, vector<16xf32>,
    tpu.vector_store %arg29[%swap3A_1112, %swap3A_1113], %broadcast_in_dim3A_3 {strides = array<i32>} : memref<64x128xf32, #tpu.memory_space<vmem>>, vector<16xf32>,
    %swap3A_1115 = arith.constant 34 : i32
    %swap3A_1116 = arith.index_cast %swap3A_1115 : i32 to index
    %swap3A_1117 = arith.constant 96 : index
    %swap3A_1118 = tpu.vector_load %arg29[%swap3A_1116, %swap3A_1117] {strides = array<i32>} : memref<64x128xf32, #tpu.memory_space<vmem>>, vector<16xf32>,
    tpu.vector_store %arg29[%swap3A_1116, %swap3A_1117], %broadcast_in_dim3A_3 {strides = array<i32>} : memref<64x128xf32, #tpu.memory_space<vmem>>, vector<16xf32>,
    %swap3A_1119 = arith.constant 34 : i32
    %swap3A_1120 = arith.index_cast %swap3A_1119 : i32 to index
    %swap3A_1121 = arith.constant 112 : index
    %swap3A_1122 = tpu.vector_load %arg29[%swap3A_1120, %swap3A_1121] {strides = array<i32>} : memref<64x128xf32, #tpu.memory_space<vmem>>, vector<16xf32>,
    tpu.vector_store %arg29[%swap3A_1120, %swap3A_1121], %broadcast_in_dim3A_3 {strides = array<i32>} : memref<64x128xf32, #tpu.memory_space<vmem>>, vector<16xf32>,
    %swap3A_1123 = arith.constant 35 : i32
    %swap3A_1124 = arith.index_cast %swap3A_1123 : i32 to index
    %swap3A_1125 = arith.constant 0 : index
    %swap3A_1126 = tpu.vector_load %arg29[%swap3A_1124, %swap3A_1125] {strides = array<i32>} : memref<64x128xf32, #tpu.memory_space<vmem>>, vector<16xf32>,
    tpu.vector_store %arg29[%swap3A_1124, %swap3A_1125], %broadcast_in_dim3A_3 {strides = array<i32>} : memref<64x128xf32, #tpu.memory_space<vmem>>, vector<16xf32>,
    %swap3A_1127 = arith.constant 35 : i32
    %swap3A_1128 = arith.index_cast %swap3A_1127 : i32 to index
    %swap3A_1129 = arith.constant 16 : index
    %swap3A_1130 = tpu.vector_load %arg29[%swap3A_1128, %swap3A_1129] {strides = array<i32>} : memref<64x128xf32, #tpu.memory_space<vmem>>, vector<16xf32>,
    tpu.vector_store %arg29[%swap3A_1128, %swap3A_1129], %broadcast_in_dim3A_3 {strides = array<i32>} : memref<64x128xf32, #tpu.memory_space<vmem>>, vector<16xf32>,
    %swap3A_1131 = arith.constant 35 : i32
    %swap3A_1132 = arith.index_cast %swap3A_1131 : i32 to index
    %swap3A_1133 = arith.constant 32 : index
    %swap3A_1134 = tpu.vector_load %arg29[%swap3A_1132, %swap3A_1133] {strides = array<i32>} : memref<64x128xf32, #tpu.memory_space<vmem>>, vector<16xf32>,
    tpu.vector_store %arg29[%swap3A_1132, %swap3A_1133], %broadcast_in_dim3A_3 {strides = array<i32>} : memref<64x128xf32, #tpu.memory_space<vmem>>, vector<16xf32>,
    %swap3A_1135 = arith.constant 35 : i32
    %swap3A_1136 = arith.index_cast %swap3A_1135 : i32 to index
    %swap3A_1137 = arith.constant 48 : index
    %swap3A_1138 = tpu.vector_load %arg29[%swap3A_1136, %swap3A_1137] {strides = array<i32>} : memref<64x128xf32, #tpu.memory_space<vmem>>, vector<16xf32>,
    tpu.vector_store %arg29[%swap3A_1136, %swap3A_1137], %broadcast_in_dim3A_3 {strides = array<i32>} : memref<64x128xf32, #tpu.memory_space<vmem>>, vector<16xf32>,
    %swap3A_1139 = arith.constant 35 : i32
    %swap3A_1140 = arith.index_cast %swap3A_1139 : i32 to index
    %swap3A_1141 = arith.constant 64 : index
    %swap3A_1142 = tpu.vector_load %arg29[%swap3A_1140, %swap3A_1141] {strides = array<i32>} : memref<64x128xf32, #tpu.memory_space<vmem>>, vector<16xf32>,
    tpu.vector_store %arg29[%swap3A_1140, %swap3A_1141], %broadcast_in_dim3A_3 {strides = array<i32>} : memref<64x128xf32, #tpu.memory_space<vmem>>, vector<16xf32>,
    %swap3A_1143 = arith.constant 35 : i32
    %swap3A_1144 = arith.index_cast %swap3A_1143 : i32 to index
    %swap3A_1145 = arith.constant 80 : index
    %swap3A_1146 = tpu.vector_load %arg29[%swap3A_1144, %swap3A_1145] {strides = array<i32>} : memref<64x128xf32, #tpu.memory_space<vmem>>, vector<16xf32>,
    tpu.vector_store %arg29[%swap3A_1144, %swap3A_1145], %broadcast_in_dim3A_3 {strides = array<i32>} : memref<64x128xf32, #tpu.memory_space<vmem>>, vector<16xf32>,
    %swap3A_1147 = arith.constant 35 : i32
    %swap3A_1148 = arith.index_cast %swap3A_1147 : i32 to index
    %swap3A_1149 = arith.constant 96 : index
    %swap3A_1150 = tpu.vector_load %arg29[%swap3A_1148, %swap3A_1149] {strides = array<i32>} : memref<64x128xf32, #tpu.memory_space<vmem>>, vector<16xf32>,
    tpu.vector_store %arg29[%swap3A_1148, %swap3A_1149], %broadcast_in_dim3A_3 {strides = array<i32>} : memref<64x128xf32, #tpu.memory_space<vmem>>, vector<16xf32>,
    %swap3A_1151 = arith.constant 35 : i32
    %swap3A_1152 = arith.index_cast %swap3A_1151 : i32 to index
    %swap3A_1153 = arith.constant 112 : index
    %swap3A_1154 = tpu.vector_load %arg29[%swap3A_1152, %swap3A_1153] {strides = array<i32>} : memref<64x128xf32, #tpu.memory_space<vmem>>, vector<16xf32>,
    tpu.vector_store %arg29[%swap3A_1152, %swap3A_1153], %broadcast_in_dim3A_3 {strides = array<i32>} : memref<64x128xf32, #tpu.memory_space<vmem>>, vector<16xf32>,
    %swap3A_1155 = arith.constant 36 : i32
    %swap3A_1156 = arith.index_cast %swap3A_1155 : i32 to index
    %swap3A_1157 = arith.constant 0 : index
    %swap3A_1158 = tpu.vector_load %arg29[%swap3A_1156, %swap3A_1157] {strides = array<i32>} : memref<64x128xf32, #tpu.memory_space<vmem>>, vector<16xf32>,
    tpu.vector_store %arg29[%swap3A_1156, %swap3A_1157], %broadcast_in_dim3A_3 {strides = array<i32>} : memref<64x128xf32, #tpu.memory_space<vmem>>, vector<16xf32>,
    %swap3A_1159 = arith.constant 36 : i32
    %swap3A_1160 = arith.index_cast %swap3A_1159 : i32 to index
    %swap3A_1161 = arith.constant 16 : index
    %swap3A_1162 = tpu.vector_load %arg29[%swap3A_1160, %swap3A_1161] {strides = array<i32>} : memref<64x128xf32, #tpu.memory_space<vmem>>, vector<16xf32>,
    tpu.vector_store %arg29[%swap3A_1160, %swap3A_1161], %broadcast_in_dim3A_3 {strides = array<i32>} : memref<64x128xf32, #tpu.memory_space<vmem>>, vector<16xf32>,
    %swap3A_1163 = arith.constant 36 : i32
    %swap3A_1164 = arith.index_cast %swap3A_1163 : i32 to index
    %swap3A_1165 = arith.constant 32 : index
    %swap3A_1166 = tpu.vector_load %arg29[%swap3A_1164, %swap3A_1165] {strides = array<i32>} : memref<64x128xf32, #tpu.memory_space<vmem>>, vector<16xf32>,
    tpu.vector_store %arg29[%swap3A_1164, %swap3A_1165], %broadcast_in_dim3A_3 {strides = array<i32>} : memref<64x128xf32, #tpu.memory_space<vmem>>, vector<16xf32>,
    %swap3A_1167 = arith.constant 36 : i32
    %swap3A_1168 = arith.index_cast %swap3A_1167 : i32 to index
    %swap3A_1169 = arith.constant 48 : index
    %swap3A_1170 = tpu.vector_load %arg29[%swap3A_1168, %swap3A_1169] {strides = array<i32>} : memref<64x128xf32, #tpu.memory_space<vmem>>, vector<16xf32>,
    tpu.vector_store %arg29[%swap3A_1168, %swap3A_1169], %broadcast_in_dim3A_3 {strides = array<i32>} : memref<64x128xf32, #tpu.memory_space<vmem>>, vector<16xf32>,
    %swap3A_1171 = arith.constant 36 : i32
    %swap3A_1172 = arith.index_cast %swap3A_1171 : i32 to index
    %swap3A_1173 = arith.constant 64 : index
    %swap3A_1174 = tpu.vector_load %arg29[%swap3A_1172, %swap3A_1173] {strides = array<i32>} : memref<64x128xf32, #tpu.memory_space<vmem>>, vector<16xf32>,
    tpu.vector_store %arg29[%swap3A_1172, %swap3A_1173], %broadcast_in_dim3A_3 {strides = array<i32>} : memref<64x128xf32, #tpu.memory_space<vmem>>, vector<16xf32>,
    %swap3A_1175 = arith.constant 36 : i32
    %swap3A_1176 = arith.index_cast %swap3A_1175 : i32 to index
    %swap3A_1177 = arith.constant 80 : index
    %swap3A_1178 = tpu.vector_load %arg29[%swap3A_1176, %swap3A_1177] {strides = array<i32>} : memref<64x128xf32, #tpu.memory_space<vmem>>, vector<16xf32>,
    tpu.vector_store %arg29[%swap3A_1176, %swap3A_1177], %broadcast_in_dim3A_3 {strides = array<i32>} : memref<64x128xf32, #tpu.memory_space<vmem>>, vector<16xf32>,
    %swap3A_1179 = arith.constant 36 : i32
    %swap3A_1180 = arith.index_cast %swap3A_1179 : i32 to index
    %swap3A_1181 = arith.constant 96 : index
    %swap3A_1182 = tpu.vector_load %arg29[%swap3A_1180, %swap3A_1181] {strides = array<i32>} : memref<64x128xf32, #tpu.memory_space<vmem>>, vector<16xf32>,
    tpu.vector_store %arg29[%swap3A_1180, %swap3A_1181], %broadcast_in_dim3A_3 {strides = array<i32>} : memref<64x128xf32, #tpu.memory_space<vmem>>, vector<16xf32>,
    %swap3A_1183 = arith.constant 36 : i32
    %swap3A_1184 = arith.index_cast %swap3A_1183 : i32 to index
    %swap3A_1185 = arith.constant 112 : index
    %swap3A_1186 = tpu.vector_load %arg29[%swap3A_1184, %swap3A_1185] {strides = array<i32>} : memref<64x128xf32, #tpu.memory_space<vmem>>, vector<16xf32>,
    tpu.vector_store %arg29[%swap3A_1184, %swap3A_1185], %broadcast_in_dim3A_3 {strides = array<i32>} : memref<64x128xf32, #tpu.memory_space<vmem>>, vector<16xf32>,
    %swap3A_1187 = arith.constant 37 : i32
    %swap3A_1188 = arith.index_cast %swap3A_1187 : i32 to index
    %swap3A_1189 = arith.constant 0 : index
    %swap3A_1190 = tpu.vector_load %arg29[%swap3A_1188, %swap3A_1189] {strides = array<i32>} : memref<64x128xf32, #tpu.memory_space<vmem>>, vector<16xf32>,
    tpu.vector_store %arg29[%swap3A_1188, %swap3A_1189], %broadcast_in_dim3A_3 {strides = array<i32>} : memref<64x128xf32, #tpu.memory_space<vmem>>, vector<16xf32>,
    %swap3A_1191 = arith.constant 37 : i32
    %swap3A_1192 = arith.index_cast %swap3A_1191 : i32 to index
    %swap3A_1193 = arith.constant 16 : index
    %swap3A_1194 = tpu.vector_load %arg29[%swap3A_1192, %swap3A_1193] {strides = array<i32>} : memref<64x128xf32, #tpu.memory_space<vmem>>, vector<16xf32>,
    tpu.vector_store %arg29[%swap3A_1192, %swap3A_1193], %broadcast_in_dim3A_3 {strides = array<i32>} : memref<64x128xf32, #tpu.memory_space<vmem>>, vector<16xf32>,
    %swap3A_1195 = arith.constant 37 : i32
    %swap3A_1196 = arith.index_cast %swap3A_1195 : i32 to index
    %swap3A_1197 = arith.constant 32 : index
    %swap3A_1198 = tpu.vector_load %arg29[%swap3A_1196, %swap3A_1197] {strides = array<i32>} : memref<64x128xf32, #tpu.memory_space<vmem>>, vector<16xf32>,
    tpu.vector_store %arg29[%swap3A_1196, %swap3A_1197], %broadcast_in_dim3A_3 {strides = array<i32>} : memref<64x128xf32, #tpu.memory_space<vmem>>, vector<16xf32>,
    %swap3A_1199 = arith.constant 37 : i32
    %swap3A_1200 = arith.index_cast %swap3A_1199 : i32 to index
    %swap3A_1201 = arith.constant 48 : index
    %swap3A_1202 = tpu.vector_load %arg29[%swap3A_1200, %swap3A_1201] {strides = array<i32>} : memref<64x128xf32, #tpu.memory_space<vmem>>, vector<16xf32>,
    tpu.vector_store %arg29[%swap3A_1200, %swap3A_1201], %broadcast_in_dim3A_3 {strides = array<i32>} : memref<64x128xf32, #tpu.memory_space<vmem>>, vector<16xf32>,
    %swap3A_1203 = arith.constant 37 : i32
    %swap3A_1204 = arith.index_cast %swap3A_1203 : i32 to index
    %swap3A_1205 = arith.constant 64 : index
    %swap3A_1206 = tpu.vector_load %arg29[%swap3A_1204, %swap3A_1205] {strides = array<i32>} : memref<64x128xf32, #tpu.memory_space<vmem>>, vector<16xf32>,
    tpu.vector_store %arg29[%swap3A_1204, %swap3A_1205], %broadcast_in_dim3A_3 {strides = array<i32>} : memref<64x128xf32, #tpu.memory_space<vmem>>, vector<16xf32>,
    %swap3A_1207 = arith.constant 37 : i32
    %swap3A_1208 = arith.index_cast %swap3A_1207 : i32 to index
    %swap3A_1209 = arith.constant 80 : index
    %swap3A_1210 = tpu.vector_load %arg29[%swap3A_1208, %swap3A_1209] {strides = array<i32>} : memref<64x128xf32, #tpu.memory_space<vmem>>, vector<16xf32>,
    tpu.vector_store %arg29[%swap3A_1208, %swap3A_1209], %broadcast_in_dim3A_3 {strides = array<i32>} : memref<64x128xf32, #tpu.memory_space<vmem>>, vector<16xf32>,
    %swap3A_1211 = arith.constant 37 : i32
    %swap3A_1212 = arith.index_cast %swap3A_1211 : i32 to index
    %swap3A_1213 = arith.constant 96 : index
    %swap3A_1214 = tpu.vector_load %arg29[%swap3A_1212, %swap3A_1213] {strides = array<i32>} : memref<64x128xf32, #tpu.memory_space<vmem>>, vector<16xf32>,
    tpu.vector_store %arg29[%swap3A_1212, %swap3A_1213], %broadcast_in_dim3A_3 {strides = array<i32>} : memref<64x128xf32, #tpu.memory_space<vmem>>, vector<16xf32>,
    %swap3A_1215 = arith.constant 37 : i32
    %swap3A_1216 = arith.index_cast %swap3A_1215 : i32 to index
    %swap3A_1217 = arith.constant 112 : index
    %swap3A_1218 = tpu.vector_load %arg29[%swap3A_1216, %swap3A_1217] {strides = array<i32>} : memref<64x128xf32, #tpu.memory_space<vmem>>, vector<16xf32>,
    tpu.vector_store %arg29[%swap3A_1216, %swap3A_1217], %broadcast_in_dim3A_3 {strides = array<i32>} : memref<64x128xf32, #tpu.memory_space<vmem>>, vector<16xf32>,
    %swap3A_1219 = arith.constant 38 : i32
    %swap3A_1220 = arith.index_cast %swap3A_1219 : i32 to index
    %swap3A_1221 = arith.constant 0 : index
    %swap3A_1222 = tpu.vector_load %arg29[%swap3A_1220, %swap3A_1221] {strides = array<i32>} : memref<64x128xf32, #tpu.memory_space<vmem>>, vector<16xf32>,
    tpu.vector_store %arg29[%swap3A_1220, %swap3A_1221], %broadcast_in_dim3A_3 {strides = array<i32>} : memref<64x128xf32, #tpu.memory_space<vmem>>, vector<16xf32>,
    %swap3A_1223 = arith.constant 38 : i32
    %swap3A_1224 = arith.index_cast %swap3A_1223 : i32 to index
    %swap3A_1225 = arith.constant 16 : index
    %swap3A_1226 = tpu.vector_load %arg29[%swap3A_1224, %swap3A_1225] {strides = array<i32>} : memref<64x128xf32, #tpu.memory_space<vmem>>, vector<16xf32>,
    tpu.vector_store %arg29[%swap3A_1224, %swap3A_1225], %broadcast_in_dim3A_3 {strides = array<i32>} : memref<64x128xf32, #tpu.memory_space<vmem>>, vector<16xf32>,
    %swap3A_1227 = arith.constant 38 : i32
    %swap3A_1228 = arith.index_cast %swap3A_1227 : i32 to index
    %swap3A_1229 = arith.constant 32 : index
    %swap3A_1230 = tpu.vector_load %arg29[%swap3A_1228, %swap3A_1229] {strides = array<i32>} : memref<64x128xf32, #tpu.memory_space<vmem>>, vector<16xf32>,
    tpu.vector_store %arg29[%swap3A_1228, %swap3A_1229], %broadcast_in_dim3A_3 {strides = array<i32>} : memref<64x128xf32, #tpu.memory_space<vmem>>, vector<16xf32>,
    %swap3A_1231 = arith.constant 38 : i32
    %swap3A_1232 = arith.index_cast %swap3A_1231 : i32 to index
    %swap3A_1233 = arith.constant 48 : index
    %swap3A_1234 = tpu.vector_load %arg29[%swap3A_1232, %swap3A_1233] {strides = array<i32>} : memref<64x128xf32, #tpu.memory_space<vmem>>, vector<16xf32>,
    tpu.vector_store %arg29[%swap3A_1232, %swap3A_1233], %broadcast_in_dim3A_3 {strides = array<i32>} : memref<64x128xf32, #tpu.memory_space<vmem>>, vector<16xf32>,
    %swap3A_1235 = arith.constant 38 : i32
    %swap3A_1236 = arith.index_cast %swap3A_1235 : i32 to index
    %swap3A_1237 = arith.constant 64 : index
    %swap3A_1238 = tpu.vector_load %arg29[%swap3A_1236, %swap3A_1237] {strides = array<i32>} : memref<64x128xf32, #tpu.memory_space<vmem>>, vector<16xf32>,
    tpu.vector_store %arg29[%swap3A_1236, %swap3A_1237], %broadcast_in_dim3A_3 {strides = array<i32>} : memref<64x128xf32, #tpu.memory_space<vmem>>, vector<16xf32>,
    %swap3A_1239 = arith.constant 38 : i32
    %swap3A_1240 = arith.index_cast %swap3A_1239 : i32 to index
    %swap3A_1241 = arith.constant 80 : index
    %swap3A_1242 = tpu.vector_load %arg29[%swap3A_1240, %swap3A_1241] {strides = array<i32>} : memref<64x128xf32, #tpu.memory_space<vmem>>, vector<16xf32>,
    tpu.vector_store %arg29[%swap3A_1240, %swap3A_1241], %broadcast_in_dim3A_3 {strides = array<i32>} : memref<64x128xf32, #tpu.memory_space<vmem>>, vector<16xf32>,
    %swap3A_1243 = arith.constant 38 : i32
    %swap3A_1244 = arith.index_cast %swap3A_1243 : i32 to index
    %swap3A_1245 = arith.constant 96 : index
    %swap3A_1246 = tpu.vector_load %arg29[%swap3A_1244, %swap3A_1245] {strides = array<i32>} : memref<64x128xf32, #tpu.memory_space<vmem>>, vector<16xf32>,
    tpu.vector_store %arg29[%swap3A_1244, %swap3A_1245], %broadcast_in_dim3A_3 {strides = array<i32>} : memref<64x128xf32, #tpu.memory_space<vmem>>, vector<16xf32>,
    %swap3A_1247 = arith.constant 38 : i32
    %swap3A_1248 = arith.index_cast %swap3A_1247 : i32 to index
    %swap3A_1249 = arith.constant 112 : index
    %swap3A_1250 = tpu.vector_load %arg29[%swap3A_1248, %swap3A_1249] {strides = array<i32>} : memref<64x128xf32, #tpu.memory_space<vmem>>, vector<16xf32>,
    tpu.vector_store %arg29[%swap3A_1248, %swap3A_1249], %broadcast_in_dim3A_3 {strides = array<i32>} : memref<64x128xf32, #tpu.memory_space<vmem>>, vector<16xf32>,
    %swap3A_1251 = arith.constant 39 : i32
    %swap3A_1252 = arith.index_cast %swap3A_1251 : i32 to index
    %swap3A_1253 = arith.constant 0 : index
    %swap3A_1254 = tpu.vector_load %arg29[%swap3A_1252, %swap3A_1253] {strides = array<i32>} : memref<64x128xf32, #tpu.memory_space<vmem>>, vector<16xf32>,
    tpu.vector_store %arg29[%swap3A_1252, %swap3A_1253], %broadcast_in_dim3A_3 {strides = array<i32>} : memref<64x128xf32, #tpu.memory_space<vmem>>, vector<16xf32>,
    %swap3A_1255 = arith.constant 39 : i32
    %swap3A_1256 = arith.index_cast %swap3A_1255 : i32 to index
    %swap3A_1257 = arith.constant 16 : index
    %swap3A_1258 = tpu.vector_load %arg29[%swap3A_1256, %swap3A_1257] {strides = array<i32>} : memref<64x128xf32, #tpu.memory_space<vmem>>, vector<16xf32>,
    tpu.vector_store %arg29[%swap3A_1256, %swap3A_1257], %broadcast_in_dim3A_3 {strides = array<i32>} : memref<64x128xf32, #tpu.memory_space<vmem>>, vector<16xf32>,
    %swap3A_1259 = arith.constant 39 : i32
    %swap3A_1260 = arith.index_cast %swap3A_1259 : i32 to index
    %swap3A_1261 = arith.constant 32 : index
    %swap3A_1262 = tpu.vector_load %arg29[%swap3A_1260, %swap3A_1261] {strides = array<i32>} : memref<64x128xf32, #tpu.memory_space<vmem>>, vector<16xf32>,
    tpu.vector_store %arg29[%swap3A_1260, %swap3A_1261], %broadcast_in_dim3A_3 {strides = array<i32>} : memref<64x128xf32, #tpu.memory_space<vmem>>, vector<16xf32>,
    %swap3A_1263 = arith.constant 39 : i32
    %swap3A_1264 = arith.index_cast %swap3A_1263 : i32 to index
    %swap3A_1265 = arith.constant 48 : index
    %swap3A_1266 = tpu.vector_load %arg29[%swap3A_1264, %swap3A_1265] {strides = array<i32>} : memref<64x128xf32, #tpu.memory_space<vmem>>, vector<16xf32>,
    tpu.vector_store %arg29[%swap3A_1264, %swap3A_1265], %broadcast_in_dim3A_3 {strides = array<i32>} : memref<64x128xf32, #tpu.memory_space<vmem>>, vector<16xf32>,
    %swap3A_1267 = arith.constant 39 : i32
    %swap3A_1268 = arith.index_cast %swap3A_1267 : i32 to index
    %swap3A_1269 = arith.constant 64 : index
    %swap3A_1270 = tpu.vector_load %arg29[%swap3A_1268, %swap3A_1269] {strides = array<i32>} : memref<64x128xf32, #tpu.memory_space<vmem>>, vector<16xf32>,
    tpu.vector_store %arg29[%swap3A_1268, %swap3A_1269], %broadcast_in_dim3A_3 {strides = array<i32>} : memref<64x128xf32, #tpu.memory_space<vmem>>, vector<16xf32>,
    %swap3A_1271 = arith.constant 39 : i32
    %swap3A_1272 = arith.index_cast %swap3A_1271 : i32 to index
    %swap3A_1273 = arith.constant 80 : index
    %swap3A_1274 = tpu.vector_load %arg29[%swap3A_1272, %swap3A_1273] {strides = array<i32>} : memref<64x128xf32, #tpu.memory_space<vmem>>, vector<16xf32>,
    tpu.vector_store %arg29[%swap3A_1272, %swap3A_1273], %broadcast_in_dim3A_3 {strides = array<i32>} : memref<64x128xf32, #tpu.memory_space<vmem>>, vector<16xf32>,
    %swap3A_1275 = arith.constant 39 : i32
    %swap3A_1276 = arith.index_cast %swap3A_1275 : i32 to index
    %swap3A_1277 = arith.constant 96 : index
    %swap3A_1278 = tpu.vector_load %arg29[%swap3A_1276, %swap3A_1277] {strides = array<i32>} : memref<64x128xf32, #tpu.memory_space<vmem>>, vector<16xf32>,
    tpu.vector_store %arg29[%swap3A_1276, %swap3A_1277], %broadcast_in_dim3A_3 {strides = array<i32>} : memref<64x128xf32, #tpu.memory_space<vmem>>, vector<16xf32>,
    %swap3A_1279 = arith.constant 39 : i32
    %swap3A_1280 = arith.index_cast %swap3A_1279 : i32 to index
    %swap3A_1281 = arith.constant 112 : index
    %swap3A_1282 = tpu.vector_load %arg29[%swap3A_1280, %swap3A_1281] {strides = array<i32>} : memref<64x128xf32, #tpu.memory_space<vmem>>, vector<16xf32>,
    tpu.vector_store %arg29[%swap3A_1280, %swap3A_1281], %broadcast_in_dim3A_3 {strides = array<i32>} : memref<64x128xf32, #tpu.memory_space<vmem>>, vector<16xf32>,
    %swap3A_1283 = arith.constant 40 : i32
    %swap3A_1284 = arith.index_cast %swap3A_1283 : i32 to index
    %swap3A_1285 = arith.constant 0 : index
    %swap3A_1286 = tpu.vector_load %arg29[%swap3A_1284, %swap3A_1285] {strides = array<i32>} : memref<64x128xf32, #tpu.memory_space<vmem>>, vector<16xf32>,
    tpu.vector_store %arg29[%swap3A_1284, %swap3A_1285], %broadcast_in_dim3A_3 {strides = array<i32>} : memref<64x128xf32, #tpu.memory_space<vmem>>, vector<16xf32>,
    %swap3A_1287 = arith.constant 40 : i32
    %swap3A_1288 = arith.index_cast %swap3A_1287 : i32 to index
    %swap3A_1289 = arith.constant 16 : index
    %swap3A_1290 = tpu.vector_load %arg29[%swap3A_1288, %swap3A_1289] {strides = array<i32>} : memref<64x128xf32, #tpu.memory_space<vmem>>, vector<16xf32>,
    tpu.vector_store %arg29[%swap3A_1288, %swap3A_1289], %broadcast_in_dim3A_3 {strides = array<i32>} : memref<64x128xf32, #tpu.memory_space<vmem>>, vector<16xf32>,
    %swap3A_1291 = arith.constant 40 : i32
    %swap3A_1292 = arith.index_cast %swap3A_1291 : i32 to index
    %swap3A_1293 = arith.constant 32 : index
    %swap3A_1294 = tpu.vector_load %arg29[%swap3A_1292, %swap3A_1293] {strides = array<i32>} : memref<64x128xf32, #tpu.memory_space<vmem>>, vector<16xf32>,
    tpu.vector_store %arg29[%swap3A_1292, %swap3A_1293], %broadcast_in_dim3A_3 {strides = array<i32>} : memref<64x128xf32, #tpu.memory_space<vmem>>, vector<16xf32>,
    %swap3A_1295 = arith.constant 40 : i32
    %swap3A_1296 = arith.index_cast %swap3A_1295 : i32 to index
    %swap3A_1297 = arith.constant 48 : index
    %swap3A_1298 = tpu.vector_load %arg29[%swap3A_1296, %swap3A_1297] {strides = array<i32>} : memref<64x128xf32, #tpu.memory_space<vmem>>, vector<16xf32>,
    tpu.vector_store %arg29[%swap3A_1296, %swap3A_1297], %broadcast_in_dim3A_3 {strides = array<i32>} : memref<64x128xf32, #tpu.memory_space<vmem>>, vector<16xf32>,
    %swap3A_1299 = arith.constant 40 : i32
    %swap3A_1300 = arith.index_cast %swap3A_1299 : i32 to index
    %swap3A_1301 = arith.constant 64 : index
    %swap3A_1302 = tpu.vector_load %arg29[%swap3A_1300, %swap3A_1301] {strides = array<i32>} : memref<64x128xf32, #tpu.memory_space<vmem>>, vector<16xf32>,
    tpu.vector_store %arg29[%swap3A_1300, %swap3A_1301], %broadcast_in_dim3A_3 {strides = array<i32>} : memref<64x128xf32, #tpu.memory_space<vmem>>, vector<16xf32>,
    %swap3A_1303 = arith.constant 40 : i32
    %swap3A_1304 = arith.index_cast %swap3A_1303 : i32 to index
    %swap3A_1305 = arith.constant 80 : index
    %swap3A_1306 = tpu.vector_load %arg29[%swap3A_1304, %swap3A_1305] {strides = array<i32>} : memref<64x128xf32, #tpu.memory_space<vmem>>, vector<16xf32>,
    tpu.vector_store %arg29[%swap3A_1304, %swap3A_1305], %broadcast_in_dim3A_3 {strides = array<i32>} : memref<64x128xf32, #tpu.memory_space<vmem>>, vector<16xf32>,
    %swap3A_1307 = arith.constant 40 : i32
    %swap3A_1308 = arith.index_cast %swap3A_1307 : i32 to index
    %swap3A_1309 = arith.constant 96 : index
    %swap3A_1310 = tpu.vector_load %arg29[%swap3A_1308, %swap3A_1309] {strides = array<i32>} : memref<64x128xf32, #tpu.memory_space<vmem>>, vector<16xf32>,
    tpu.vector_store %arg29[%swap3A_1308, %swap3A_1309], %broadcast_in_dim3A_3 {strides = array<i32>} : memref<64x128xf32, #tpu.memory_space<vmem>>, vector<16xf32>,
    %swap3A_1311 = arith.constant 40 : i32
    %swap3A_1312 = arith.index_cast %swap3A_1311 : i32 to index
    %swap3A_1313 = arith.constant 112 : index
    %swap3A_1314 = tpu.vector_load %arg29[%swap3A_1312, %swap3A_1313] {strides = array<i32>} : memref<64x128xf32, #tpu.memory_space<vmem>>, vector<16xf32>,
    tpu.vector_store %arg29[%swap3A_1312, %swap3A_1313], %broadcast_in_dim3A_3 {strides = array<i32>} : memref<64x128xf32, #tpu.memory_space<vmem>>, vector<16xf32>,
    %swap3A_1315 = arith.constant 41 : i32
    %swap3A_1316 = arith.index_cast %swap3A_1315 : i32 to index
    %swap3A_1317 = arith.constant 0 : index
    %swap3A_1318 = tpu.vector_load %arg29[%swap3A_1316, %swap3A_1317] {strides = array<i32>} : memref<64x128xf32, #tpu.memory_space<vmem>>, vector<16xf32>,
    tpu.vector_store %arg29[%swap3A_1316, %swap3A_1317], %broadcast_in_dim3A_3 {strides = array<i32>} : memref<64x128xf32, #tpu.memory_space<vmem>>, vector<16xf32>,
    %swap3A_1319 = arith.constant 41 : i32
    %swap3A_1320 = arith.index_cast %swap3A_1319 : i32 to index
    %swap3A_1321 = arith.constant 16 : index
    %swap3A_1322 = tpu.vector_load %arg29[%swap3A_1320, %swap3A_1321] {strides = array<i32>} : memref<64x128xf32, #tpu.memory_space<vmem>>, vector<16xf32>,
    tpu.vector_store %arg29[%swap3A_1320, %swap3A_1321], %broadcast_in_dim3A_3 {strides = array<i32>} : memref<64x128xf32, #tpu.memory_space<vmem>>, vector<16xf32>,
    %swap3A_1323 = arith.constant 41 : i32
    %swap3A_1324 = arith.index_cast %swap3A_1323 : i32 to index
    %swap3A_1325 = arith.constant 32 : index
    %swap3A_1326 = tpu.vector_load %arg29[%swap3A_1324, %swap3A_1325] {strides = array<i32>} : memref<64x128xf32, #tpu.memory_space<vmem>>, vector<16xf32>,
    tpu.vector_store %arg29[%swap3A_1324, %swap3A_1325], %broadcast_in_dim3A_3 {strides = array<i32>} : memref<64x128xf32, #tpu.memory_space<vmem>>, vector<16xf32>,
    %swap3A_1327 = arith.constant 41 : i32
    %swap3A_1328 = arith.index_cast %swap3A_1327 : i32 to index
    %swap3A_1329 = arith.constant 48 : index
    %swap3A_1330 = tpu.vector_load %arg29[%swap3A_1328, %swap3A_1329] {strides = array<i32>} : memref<64x128xf32, #tpu.memory_space<vmem>>, vector<16xf32>,
    tpu.vector_store %arg29[%swap3A_1328, %swap3A_1329], %broadcast_in_dim3A_3 {strides = array<i32>} : memref<64x128xf32, #tpu.memory_space<vmem>>, vector<16xf32>,
    %swap3A_1331 = arith.constant 41 : i32
    %swap3A_1332 = arith.index_cast %swap3A_1331 : i32 to index
    %swap3A_1333 = arith.constant 64 : index
    %swap3A_1334 = tpu.vector_load %arg29[%swap3A_1332, %swap3A_1333] {strides = array<i32>} : memref<64x128xf32, #tpu.memory_space<vmem>>, vector<16xf32>,
    tpu.vector_store %arg29[%swap3A_1332, %swap3A_1333], %broadcast_in_dim3A_3 {strides = array<i32>} : memref<64x128xf32, #tpu.memory_space<vmem>>, vector<16xf32>,
    %swap3A_1335 = arith.constant 41 : i32
    %swap3A_1336 = arith.index_cast %swap3A_1335 : i32 to index
    %swap3A_1337 = arith.constant 80 : index
    %swap3A_1338 = tpu.vector_load %arg29[%swap3A_1336, %swap3A_1337] {strides = array<i32>} : memref<64x128xf32, #tpu.memory_space<vmem>>, vector<16xf32>,
    tpu.vector_store %arg29[%swap3A_1336, %swap3A_1337], %broadcast_in_dim3A_3 {strides = array<i32>} : memref<64x128xf32, #tpu.memory_space<vmem>>, vector<16xf32>,
    %swap3A_1339 = arith.constant 41 : i32
    %swap3A_1340 = arith.index_cast %swap3A_1339 : i32 to index
    %swap3A_1341 = arith.constant 96 : index
    %swap3A_1342 = tpu.vector_load %arg29[%swap3A_1340, %swap3A_1341] {strides = array<i32>} : memref<64x128xf32, #tpu.memory_space<vmem>>, vector<16xf32>,
    tpu.vector_store %arg29[%swap3A_1340, %swap3A_1341], %broadcast_in_dim3A_3 {strides = array<i32>} : memref<64x128xf32, #tpu.memory_space<vmem>>, vector<16xf32>,
    %swap3A_1343 = arith.constant 41 : i32
    %swap3A_1344 = arith.index_cast %swap3A_1343 : i32 to index
    %swap3A_1345 = arith.constant 112 : index
    %swap3A_1346 = tpu.vector_load %arg29[%swap3A_1344, %swap3A_1345] {strides = array<i32>} : memref<64x128xf32, #tpu.memory_space<vmem>>, vector<16xf32>,
    tpu.vector_store %arg29[%swap3A_1344, %swap3A_1345], %broadcast_in_dim3A_3 {strides = array<i32>} : memref<64x128xf32, #tpu.memory_space<vmem>>, vector<16xf32>,
    %swap3A_1347 = arith.constant 42 : i32
    %swap3A_1348 = arith.index_cast %swap3A_1347 : i32 to index
    %swap3A_1349 = arith.constant 0 : index
    %swap3A_1350 = tpu.vector_load %arg29[%swap3A_1348, %swap3A_1349] {strides = array<i32>} : memref<64x128xf32, #tpu.memory_space<vmem>>, vector<16xf32>,
    tpu.vector_store %arg29[%swap3A_1348, %swap3A_1349], %broadcast_in_dim3A_3 {strides = array<i32>} : memref<64x128xf32, #tpu.memory_space<vmem>>, vector<16xf32>,
    %swap3A_1351 = arith.constant 42 : i32
    %swap3A_1352 = arith.index_cast %swap3A_1351 : i32 to index
    %swap3A_1353 = arith.constant 16 : index
    %swap3A_1354 = tpu.vector_load %arg29[%swap3A_1352, %swap3A_1353] {strides = array<i32>} : memref<64x128xf32, #tpu.memory_space<vmem>>, vector<16xf32>,
    tpu.vector_store %arg29[%swap3A_1352, %swap3A_1353], %broadcast_in_dim3A_3 {strides = array<i32>} : memref<64x128xf32, #tpu.memory_space<vmem>>, vector<16xf32>,
    %swap3A_1355 = arith.constant 42 : i32
    %swap3A_1356 = arith.index_cast %swap3A_1355 : i32 to index
    %swap3A_1357 = arith.constant 32 : index
    %swap3A_1358 = tpu.vector_load %arg29[%swap3A_1356, %swap3A_1357] {strides = array<i32>} : memref<64x128xf32, #tpu.memory_space<vmem>>, vector<16xf32>,
    tpu.vector_store %arg29[%swap3A_1356, %swap3A_1357], %broadcast_in_dim3A_3 {strides = array<i32>} : memref<64x128xf32, #tpu.memory_space<vmem>>, vector<16xf32>,
    %swap3A_1359 = arith.constant 42 : i32
    %swap3A_1360 = arith.index_cast %swap3A_1359 : i32 to index
    %swap3A_1361 = arith.constant 48 : index
    %swap3A_1362 = tpu.vector_load %arg29[%swap3A_1360, %swap3A_1361] {strides = array<i32>} : memref<64x128xf32, #tpu.memory_space<vmem>>, vector<16xf32>,
    tpu.vector_store %arg29[%swap3A_1360, %swap3A_1361], %broadcast_in_dim3A_3 {strides = array<i32>} : memref<64x128xf32, #tpu.memory_space<vmem>>, vector<16xf32>,
    %swap3A_1363 = arith.constant 42 : i32
    %swap3A_1364 = arith.index_cast %swap3A_1363 : i32 to index
    %swap3A_1365 = arith.constant 64 : index
    %swap3A_1366 = tpu.vector_load %arg29[%swap3A_1364, %swap3A_1365] {strides = array<i32>} : memref<64x128xf32, #tpu.memory_space<vmem>>, vector<16xf32>,
    tpu.vector_store %arg29[%swap3A_1364, %swap3A_1365], %broadcast_in_dim3A_3 {strides = array<i32>} : memref<64x128xf32, #tpu.memory_space<vmem>>, vector<16xf32>,
    %swap3A_1367 = arith.constant 42 : i32
    %swap3A_1368 = arith.index_cast %swap3A_1367 : i32 to index
    %swap3A_1369 = arith.constant 80 : index
    %swap3A_1370 = tpu.vector_load %arg29[%swap3A_1368, %swap3A_1369] {strides = array<i32>} : memref<64x128xf32, #tpu.memory_space<vmem>>, vector<16xf32>,
    tpu.vector_store %arg29[%swap3A_1368, %swap3A_1369], %broadcast_in_dim3A_3 {strides = array<i32>} : memref<64x128xf32, #tpu.memory_space<vmem>>, vector<16xf32>,
    %swap3A_1371 = arith.constant 42 : i32
    %swap3A_1372 = arith.index_cast %swap3A_1371 : i32 to index
    %swap3A_1373 = arith.constant 96 : index
    %swap3A_1374 = tpu.vector_load %arg29[%swap3A_1372, %swap3A_1373] {strides = array<i32>} : memref<64x128xf32, #tpu.memory_space<vmem>>, vector<16xf32>,
    tpu.vector_store %arg29[%swap3A_1372, %swap3A_1373], %broadcast_in_dim3A_3 {strides = array<i32>} : memref<64x128xf32, #tpu.memory_space<vmem>>, vector<16xf32>,
    %swap3A_1375 = arith.constant 42 : i32
    %swap3A_1376 = arith.index_cast %swap3A_1375 : i32 to index
    %swap3A_1377 = arith.constant 112 : index
    %swap3A_1378 = tpu.vector_load %arg29[%swap3A_1376, %swap3A_1377] {strides = array<i32>} : memref<64x128xf32, #tpu.memory_space<vmem>>, vector<16xf32>,
    tpu.vector_store %arg29[%swap3A_1376, %swap3A_1377], %broadcast_in_dim3A_3 {strides = array<i32>} : memref<64x128xf32, #tpu.memory_space<vmem>>, vector<16xf32>,
    %swap3A_1379 = arith.constant 43 : i32
    %swap3A_1380 = arith.index_cast %swap3A_1379 : i32 to index
    %swap3A_1381 = arith.constant 0 : index
    %swap3A_1382 = tpu.vector_load %arg29[%swap3A_1380, %swap3A_1381] {strides = array<i32>} : memref<64x128xf32, #tpu.memory_space<vmem>>, vector<16xf32>,
    tpu.vector_store %arg29[%swap3A_1380, %swap3A_1381], %broadcast_in_dim3A_3 {strides = array<i32>} : memref<64x128xf32, #tpu.memory_space<vmem>>, vector<16xf32>,
    %swap3A_1383 = arith.constant 43 : i32
    %swap3A_1384 = arith.index_cast %swap3A_1383 : i32 to index
    %swap3A_1385 = arith.constant 16 : index
    %swap3A_1386 = tpu.vector_load %arg29[%swap3A_1384, %swap3A_1385] {strides = array<i32>} : memref<64x128xf32, #tpu.memory_space<vmem>>, vector<16xf32>,
    tpu.vector_store %arg29[%swap3A_1384, %swap3A_1385], %broadcast_in_dim3A_3 {strides = array<i32>} : memref<64x128xf32, #tpu.memory_space<vmem>>, vector<16xf32>,
    %swap3A_1387 = arith.constant 43 : i32
    %swap3A_1388 = arith.index_cast %swap3A_1387 : i32 to index
    %swap3A_1389 = arith.constant 32 : index
    %swap3A_1390 = tpu.vector_load %arg29[%swap3A_1388, %swap3A_1389] {strides = array<i32>} : memref<64x128xf32, #tpu.memory_space<vmem>>, vector<16xf32>,
    tpu.vector_store %arg29[%swap3A_1388, %swap3A_1389], %broadcast_in_dim3A_3 {strides = array<i32>} : memref<64x128xf32, #tpu.memory_space<vmem>>, vector<16xf32>,
    %swap3A_1391 = arith.constant 43 : i32
    %swap3A_1392 = arith.index_cast %swap3A_1391 : i32 to index
    %swap3A_1393 = arith.constant 48 : index
    %swap3A_1394 = tpu.vector_load %arg29[%swap3A_1392, %swap3A_1393] {strides = array<i32>} : memref<64x128xf32, #tpu.memory_space<vmem>>, vector<16xf32>,
    tpu.vector_store %arg29[%swap3A_1392, %swap3A_1393], %broadcast_in_dim3A_3 {strides = array<i32>} : memref<64x128xf32, #tpu.memory_space<vmem>>, vector<16xf32>,
    %swap3A_1395 = arith.constant 43 : i32
    %swap3A_1396 = arith.index_cast %swap3A_1395 : i32 to index
    %swap3A_1397 = arith.constant 64 : index
    %swap3A_1398 = tpu.vector_load %arg29[%swap3A_1396, %swap3A_1397] {strides = array<i32>} : memref<64x128xf32, #tpu.memory_space<vmem>>, vector<16xf32>,
    tpu.vector_store %arg29[%swap3A_1396, %swap3A_1397], %broadcast_in_dim3A_3 {strides = array<i32>} : memref<64x128xf32, #tpu.memory_space<vmem>>, vector<16xf32>,
    %swap3A_1399 = arith.constant 43 : i32
    %swap3A_1400 = arith.index_cast %swap3A_1399 : i32 to index
    %swap3A_1401 = arith.constant 80 : index
    %swap3A_1402 = tpu.vector_load %arg29[%swap3A_1400, %swap3A_1401] {strides = array<i32>} : memref<64x128xf32, #tpu.memory_space<vmem>>, vector<16xf32>,
    tpu.vector_store %arg29[%swap3A_1400, %swap3A_1401], %broadcast_in_dim3A_3 {strides = array<i32>} : memref<64x128xf32, #tpu.memory_space<vmem>>, vector<16xf32>,
    %swap3A_1403 = arith.constant 43 : i32
    %swap3A_1404 = arith.index_cast %swap3A_1403 : i32 to index
    %swap3A_1405 = arith.constant 96 : index
    %swap3A_1406 = tpu.vector_load %arg29[%swap3A_1404, %swap3A_1405] {strides = array<i32>} : memref<64x128xf32, #tpu.memory_space<vmem>>, vector<16xf32>,
    tpu.vector_store %arg29[%swap3A_1404, %swap3A_1405], %broadcast_in_dim3A_3 {strides = array<i32>} : memref<64x128xf32, #tpu.memory_space<vmem>>, vector<16xf32>,
    %swap3A_1407 = arith.constant 43 : i32
    %swap3A_1408 = arith.index_cast %swap3A_1407 : i32 to index
    %swap3A_1409 = arith.constant 112 : index
    %swap3A_1410 = tpu.vector_load %arg29[%swap3A_1408, %swap3A_1409] {strides = array<i32>} : memref<64x128xf32, #tpu.memory_space<vmem>>, vector<16xf32>,
    tpu.vector_store %arg29[%swap3A_1408, %swap3A_1409], %broadcast_in_dim3A_3 {strides = array<i32>} : memref<64x128xf32, #tpu.memory_space<vmem>>, vector<16xf32>,
    %swap3A_1411 = arith.constant 44 : i32
    %swap3A_1412 = arith.index_cast %swap3A_1411 : i32 to index
    %swap3A_1413 = arith.constant 0 : index
    %swap3A_1414 = tpu.vector_load %arg29[%swap3A_1412, %swap3A_1413] {strides = array<i32>} : memref<64x128xf32, #tpu.memory_space<vmem>>, vector<16xf32>,
    tpu.vector_store %arg29[%swap3A_1412, %swap3A_1413], %broadcast_in_dim3A_3 {strides = array<i32>} : memref<64x128xf32, #tpu.memory_space<vmem>>, vector<16xf32>,
    %swap3A_1415 = arith.constant 44 : i32
    %swap3A_1416 = arith.index_cast %swap3A_1415 : i32 to index
    %swap3A_1417 = arith.constant 16 : index
    %swap3A_1418 = tpu.vector_load %arg29[%swap3A_1416, %swap3A_1417] {strides = array<i32>} : memref<64x128xf32, #tpu.memory_space<vmem>>, vector<16xf32>,
    tpu.vector_store %arg29[%swap3A_1416, %swap3A_1417], %broadcast_in_dim3A_3 {strides = array<i32>} : memref<64x128xf32, #tpu.memory_space<vmem>>, vector<16xf32>,
    %swap3A_1419 = arith.constant 44 : i32
    %swap3A_1420 = arith.index_cast %swap3A_1419 : i32 to index
    %swap3A_1421 = arith.constant 32 : index
    %swap3A_1422 = tpu.vector_load %arg29[%swap3A_1420, %swap3A_1421] {strides = array<i32>} : memref<64x128xf32, #tpu.memory_space<vmem>>, vector<16xf32>,
    tpu.vector_store %arg29[%swap3A_1420, %swap3A_1421], %broadcast_in_dim3A_3 {strides = array<i32>} : memref<64x128xf32, #tpu.memory_space<vmem>>, vector<16xf32>,
    %swap3A_1423 = arith.constant 44 : i32
    %swap3A_1424 = arith.index_cast %swap3A_1423 : i32 to index
    %swap3A_1425 = arith.constant 48 : index
    %swap3A_1426 = tpu.vector_load %arg29[%swap3A_1424, %swap3A_1425] {strides = array<i32>} : memref<64x128xf32, #tpu.memory_space<vmem>>, vector<16xf32>,
    tpu.vector_store %arg29[%swap3A_1424, %swap3A_1425], %broadcast_in_dim3A_3 {strides = array<i32>} : memref<64x128xf32, #tpu.memory_space<vmem>>, vector<16xf32>,
    %swap3A_1427 = arith.constant 44 : i32
    %swap3A_1428 = arith.index_cast %swap3A_1427 : i32 to index
    %swap3A_1429 = arith.constant 64 : index
    %swap3A_1430 = tpu.vector_load %arg29[%swap3A_1428, %swap3A_1429] {strides = array<i32>} : memref<64x128xf32, #tpu.memory_space<vmem>>, vector<16xf32>,
    tpu.vector_store %arg29[%swap3A_1428, %swap3A_1429], %broadcast_in_dim3A_3 {strides = array<i32>} : memref<64x128xf32, #tpu.memory_space<vmem>>, vector<16xf32>,
    %swap3A_1431 = arith.constant 44 : i32
    %swap3A_1432 = arith.index_cast %swap3A_1431 : i32 to index
    %swap3A_1433 = arith.constant 80 : index
    %swap3A_1434 = tpu.vector_load %arg29[%swap3A_1432, %swap3A_1433] {strides = array<i32>} : memref<64x128xf32, #tpu.memory_space<vmem>>, vector<16xf32>,
    tpu.vector_store %arg29[%swap3A_1432, %swap3A_1433], %broadcast_in_dim3A_3 {strides = array<i32>} : memref<64x128xf32, #tpu.memory_space<vmem>>, vector<16xf32>,
    %swap3A_1435 = arith.constant 44 : i32
    %swap3A_1436 = arith.index_cast %swap3A_1435 : i32 to index
    %swap3A_1437 = arith.constant 96 : index
    %swap3A_1438 = tpu.vector_load %arg29[%swap3A_1436, %swap3A_1437] {strides = array<i32>} : memref<64x128xf32, #tpu.memory_space<vmem>>, vector<16xf32>,
    tpu.vector_store %arg29[%swap3A_1436, %swap3A_1437], %broadcast_in_dim3A_3 {strides = array<i32>} : memref<64x128xf32, #tpu.memory_space<vmem>>, vector<16xf32>,
    %swap3A_1439 = arith.constant 44 : i32
    %swap3A_1440 = arith.index_cast %swap3A_1439 : i32 to index
    %swap3A_1441 = arith.constant 112 : index
    %swap3A_1442 = tpu.vector_load %arg29[%swap3A_1440, %swap3A_1441] {strides = array<i32>} : memref<64x128xf32, #tpu.memory_space<vmem>>, vector<16xf32>,
    tpu.vector_store %arg29[%swap3A_1440, %swap3A_1441], %broadcast_in_dim3A_3 {strides = array<i32>} : memref<64x128xf32, #tpu.memory_space<vmem>>, vector<16xf32>,
    %swap3A_1443 = arith.constant 45 : i32
    %swap3A_1444 = arith.index_cast %swap3A_1443 : i32 to index
    %swap3A_1445 = arith.constant 0 : index
    %swap3A_1446 = tpu.vector_load %arg29[%swap3A_1444, %swap3A_1445] {strides = array<i32>} : memref<64x128xf32, #tpu.memory_space<vmem>>, vector<16xf32>,
    tpu.vector_store %arg29[%swap3A_1444, %swap3A_1445], %broadcast_in_dim3A_3 {strides = array<i32>} : memref<64x128xf32, #tpu.memory_space<vmem>>, vector<16xf32>,
    %swap3A_1447 = arith.constant 45 : i32
    %swap3A_1448 = arith.index_cast %swap3A_1447 : i32 to index
    %swap3A_1449 = arith.constant 16 : index
    %swap3A_1450 = tpu.vector_load %arg29[%swap3A_1448, %swap3A_1449] {strides = array<i32>} : memref<64x128xf32, #tpu.memory_space<vmem>>, vector<16xf32>,
    tpu.vector_store %arg29[%swap3A_1448, %swap3A_1449], %broadcast_in_dim3A_3 {strides = array<i32>} : memref<64x128xf32, #tpu.memory_space<vmem>>, vector<16xf32>,
    %swap3A_1451 = arith.constant 45 : i32
    %swap3A_1452 = arith.index_cast %swap3A_1451 : i32 to index
    %swap3A_1453 = arith.constant 32 : index
    %swap3A_1454 = tpu.vector_load %arg29[%swap3A_1452, %swap3A_1453] {strides = array<i32>} : memref<64x128xf32, #tpu.memory_space<vmem>>, vector<16xf32>,
    tpu.vector_store %arg29[%swap3A_1452, %swap3A_1453], %broadcast_in_dim3A_3 {strides = array<i32>} : memref<64x128xf32, #tpu.memory_space<vmem>>, vector<16xf32>,
    %swap3A_1455 = arith.constant 45 : i32
    %swap3A_1456 = arith.index_cast %swap3A_1455 : i32 to index
    %swap3A_1457 = arith.constant 48 : index
    %swap3A_1458 = tpu.vector_load %arg29[%swap3A_1456, %swap3A_1457] {strides = array<i32>} : memref<64x128xf32, #tpu.memory_space<vmem>>, vector<16xf32>,
    tpu.vector_store %arg29[%swap3A_1456, %swap3A_1457], %broadcast_in_dim3A_3 {strides = array<i32>} : memref<64x128xf32, #tpu.memory_space<vmem>>, vector<16xf32>,
    %swap3A_1459 = arith.constant 45 : i32
    %swap3A_1460 = arith.index_cast %swap3A_1459 : i32 to index
    %swap3A_1461 = arith.constant 64 : index
    %swap3A_1462 = tpu.vector_load %arg29[%swap3A_1460, %swap3A_1461] {strides = array<i32>} : memref<64x128xf32, #tpu.memory_space<vmem>>, vector<16xf32>,
    tpu.vector_store %arg29[%swap3A_1460, %swap3A_1461], %broadcast_in_dim3A_3 {strides = array<i32>} : memref<64x128xf32, #tpu.memory_space<vmem>>, vector<16xf32>,
    %swap3A_1463 = arith.constant 45 : i32
    %swap3A_1464 = arith.index_cast %swap3A_1463 : i32 to index
    %swap3A_1465 = arith.constant 80 : index
    %swap3A_1466 = tpu.vector_load %arg29[%swap3A_1464, %swap3A_1465] {strides = array<i32>} : memref<64x128xf32, #tpu.memory_space<vmem>>, vector<16xf32>,
    tpu.vector_store %arg29[%swap3A_1464, %swap3A_1465], %broadcast_in_dim3A_3 {strides = array<i32>} : memref<64x128xf32, #tpu.memory_space<vmem>>, vector<16xf32>,
    %swap3A_1467 = arith.constant 45 : i32
    %swap3A_1468 = arith.index_cast %swap3A_1467 : i32 to index
    %swap3A_1469 = arith.constant 96 : index
    %swap3A_1470 = tpu.vector_load %arg29[%swap3A_1468, %swap3A_1469] {strides = array<i32>} : memref<64x128xf32, #tpu.memory_space<vmem>>, vector<16xf32>,
    tpu.vector_store %arg29[%swap3A_1468, %swap3A_1469], %broadcast_in_dim3A_3 {strides = array<i32>} : memref<64x128xf32, #tpu.memory_space<vmem>>, vector<16xf32>,
    %swap3A_1471 = arith.constant 45 : i32
    %swap3A_1472 = arith.index_cast %swap3A_1471 : i32 to index
    %swap3A_1473 = arith.constant 112 : index
    %swap3A_1474 = tpu.vector_load %arg29[%swap3A_1472, %swap3A_1473] {strides = array<i32>} : memref<64x128xf32, #tpu.memory_space<vmem>>, vector<16xf32>,
    tpu.vector_store %arg29[%swap3A_1472, %swap3A_1473], %broadcast_in_dim3A_3 {strides = array<i32>} : memref<64x128xf32, #tpu.memory_space<vmem>>, vector<16xf32>,
    %swap3A_1475 = arith.constant 46 : i32
    %swap3A_1476 = arith.index_cast %swap3A_1475 : i32 to index
    %swap3A_1477 = arith.constant 0 : index
    %swap3A_1478 = tpu.vector_load %arg29[%swap3A_1476, %swap3A_1477] {strides = array<i32>} : memref<64x128xf32, #tpu.memory_space<vmem>>, vector<16xf32>,
    tpu.vector_store %arg29[%swap3A_1476, %swap3A_1477], %broadcast_in_dim3A_3 {strides = array<i32>} : memref<64x128xf32, #tpu.memory_space<vmem>>, vector<16xf32>,
    %swap3A_1479 = arith.constant 46 : i32
    %swap3A_1480 = arith.index_cast %swap3A_1479 : i32 to index
    %swap3A_1481 = arith.constant 16 : index
    %swap3A_1482 = tpu.vector_load %arg29[%swap3A_1480, %swap3A_1481] {strides = array<i32>} : memref<64x128xf32, #tpu.memory_space<vmem>>, vector<16xf32>,
    tpu.vector_store %arg29[%swap3A_1480, %swap3A_1481], %broadcast_in_dim3A_3 {strides = array<i32>} : memref<64x128xf32, #tpu.memory_space<vmem>>, vector<16xf32>,
    %swap3A_1483 = arith.constant 46 : i32
    %swap3A_1484 = arith.index_cast %swap3A_1483 : i32 to index
    %swap3A_1485 = arith.constant 32 : index
    %swap3A_1486 = tpu.vector_load %arg29[%swap3A_1484, %swap3A_1485] {strides = array<i32>} : memref<64x128xf32, #tpu.memory_space<vmem>>, vector<16xf32>,
    tpu.vector_store %arg29[%swap3A_1484, %swap3A_1485], %broadcast_in_dim3A_3 {strides = array<i32>} : memref<64x128xf32, #tpu.memory_space<vmem>>, vector<16xf32>,
    %swap3A_1487 = arith.constant 46 : i32
    %swap3A_1488 = arith.index_cast %swap3A_1487 : i32 to index
    %swap3A_1489 = arith.constant 48 : index
    %swap3A_1490 = tpu.vector_load %arg29[%swap3A_1488, %swap3A_1489] {strides = array<i32>} : memref<64x128xf32, #tpu.memory_space<vmem>>, vector<16xf32>,
    tpu.vector_store %arg29[%swap3A_1488, %swap3A_1489], %broadcast_in_dim3A_3 {strides = array<i32>} : memref<64x128xf32, #tpu.memory_space<vmem>>, vector<16xf32>,
    %swap3A_1491 = arith.constant 46 : i32
    %swap3A_1492 = arith.index_cast %swap3A_1491 : i32 to index
    %swap3A_1493 = arith.constant 64 : index
    %swap3A_1494 = tpu.vector_load %arg29[%swap3A_1492, %swap3A_1493] {strides = array<i32>} : memref<64x128xf32, #tpu.memory_space<vmem>>, vector<16xf32>,
    tpu.vector_store %arg29[%swap3A_1492, %swap3A_1493], %broadcast_in_dim3A_3 {strides = array<i32>} : memref<64x128xf32, #tpu.memory_space<vmem>>, vector<16xf32>,
    %swap3A_1495 = arith.constant 46 : i32
    %swap3A_1496 = arith.index_cast %swap3A_1495 : i32 to index
    %swap3A_1497 = arith.constant 80 : index
    %swap3A_1498 = tpu.vector_load %arg29[%swap3A_1496, %swap3A_1497] {strides = array<i32>} : memref<64x128xf32, #tpu.memory_space<vmem>>, vector<16xf32>,
    tpu.vector_store %arg29[%swap3A_1496, %swap3A_1497], %broadcast_in_dim3A_3 {strides = array<i32>} : memref<64x128xf32, #tpu.memory_space<vmem>>, vector<16xf32>,
    %swap3A_1499 = arith.constant 46 : i32
    %swap3A_1500 = arith.index_cast %swap3A_1499 : i32 to index
    %swap3A_1501 = arith.constant 96 : index
    %swap3A_1502 = tpu.vector_load %arg29[%swap3A_1500, %swap3A_1501] {strides = array<i32>} : memref<64x128xf32, #tpu.memory_space<vmem>>, vector<16xf32>,
    tpu.vector_store %arg29[%swap3A_1500, %swap3A_1501], %broadcast_in_dim3A_3 {strides = array<i32>} : memref<64x128xf32, #tpu.memory_space<vmem>>, vector<16xf32>,
    %swap3A_1503 = arith.constant 46 : i32
    %swap3A_1504 = arith.index_cast %swap3A_1503 : i32 to index
    %swap3A_1505 = arith.constant 112 : index
    %swap3A_1506 = tpu.vector_load %arg29[%swap3A_1504, %swap3A_1505] {strides = array<i32>} : memref<64x128xf32, #tpu.memory_space<vmem>>, vector<16xf32>,
    tpu.vector_store %arg29[%swap3A_1504, %swap3A_1505], %broadcast_in_dim3A_3 {strides = array<i32>} : memref<64x128xf32, #tpu.memory_space<vmem>>, vector<16xf32>,
    %swap3A_1507 = arith.constant 47 : i32
    %swap3A_1508 = arith.index_cast %swap3A_1507 : i32 to index
    %swap3A_1509 = arith.constant 0 : index
    %swap3A_1510 = tpu.vector_load %arg29[%swap3A_1508, %swap3A_1509] {strides = array<i32>} : memref<64x128xf32, #tpu.memory_space<vmem>>, vector<16xf32>,
    tpu.vector_store %arg29[%swap3A_1508, %swap3A_1509], %broadcast_in_dim3A_3 {strides = array<i32>} : memref<64x128xf32, #tpu.memory_space<vmem>>, vector<16xf32>,
    %swap3A_1511 = arith.constant 47 : i32
    %swap3A_1512 = arith.index_cast %swap3A_1511 : i32 to index
    %swap3A_1513 = arith.constant 16 : index
    %swap3A_1514 = tpu.vector_load %arg29[%swap3A_1512, %swap3A_1513] {strides = array<i32>} : memref<64x128xf32, #tpu.memory_space<vmem>>, vector<16xf32>,
    tpu.vector_store %arg29[%swap3A_1512, %swap3A_1513], %broadcast_in_dim3A_3 {strides = array<i32>} : memref<64x128xf32, #tpu.memory_space<vmem>>, vector<16xf32>,
    %swap3A_1515 = arith.constant 47 : i32
    %swap3A_1516 = arith.index_cast %swap3A_1515 : i32 to index
    %swap3A_1517 = arith.constant 32 : index
    %swap3A_1518 = tpu.vector_load %arg29[%swap3A_1516, %swap3A_1517] {strides = array<i32>} : memref<64x128xf32, #tpu.memory_space<vmem>>, vector<16xf32>,
    tpu.vector_store %arg29[%swap3A_1516, %swap3A_1517], %broadcast_in_dim3A_3 {strides = array<i32>} : memref<64x128xf32, #tpu.memory_space<vmem>>, vector<16xf32>,
    %swap3A_1519 = arith.constant 47 : i32
    %swap3A_1520 = arith.index_cast %swap3A_1519 : i32 to index
    %swap3A_1521 = arith.constant 48 : index
    %swap3A_1522 = tpu.vector_load %arg29[%swap3A_1520, %swap3A_1521] {strides = array<i32>} : memref<64x128xf32, #tpu.memory_space<vmem>>, vector<16xf32>,
    tpu.vector_store %arg29[%swap3A_1520, %swap3A_1521], %broadcast_in_dim3A_3 {strides = array<i32>} : memref<64x128xf32, #tpu.memory_space<vmem>>, vector<16xf32>,
    %swap3A_1523 = arith.constant 47 : i32
    %swap3A_1524 = arith.index_cast %swap3A_1523 : i32 to index
    %swap3A_1525 = arith.constant 64 : index
    %swap3A_1526 = tpu.vector_load %arg29[%swap3A_1524, %swap3A_1525] {strides = array<i32>} : memref<64x128xf32, #tpu.memory_space<vmem>>, vector<16xf32>,
    tpu.vector_store %arg29[%swap3A_1524, %swap3A_1525], %broadcast_in_dim3A_3 {strides = array<i32>} : memref<64x128xf32, #tpu.memory_space<vmem>>, vector<16xf32>,
    %swap3A_1527 = arith.constant 47 : i32
    %swap3A_1528 = arith.index_cast %swap3A_1527 : i32 to index
    %swap3A_1529 = arith.constant 80 : index
    %swap3A_1530 = tpu.vector_load %arg29[%swap3A_1528, %swap3A_1529] {strides = array<i32>} : memref<64x128xf32, #tpu.memory_space<vmem>>, vector<16xf32>,
    tpu.vector_store %arg29[%swap3A_1528, %swap3A_1529], %broadcast_in_dim3A_3 {strides = array<i32>} : memref<64x128xf32, #tpu.memory_space<vmem>>, vector<16xf32>,
    %swap3A_1531 = arith.constant 47 : i32
    %swap3A_1532 = arith.index_cast %swap3A_1531 : i32 to index
    %swap3A_1533 = arith.constant 96 : index
    %swap3A_1534 = tpu.vector_load %arg29[%swap3A_1532, %swap3A_1533] {strides = array<i32>} : memref<64x128xf32, #tpu.memory_space<vmem>>, vector<16xf32>,
    tpu.vector_store %arg29[%swap3A_1532, %swap3A_1533], %broadcast_in_dim3A_3 {strides = array<i32>} : memref<64x128xf32, #tpu.memory_space<vmem>>, vector<16xf32>,
    %swap3A_1535 = arith.constant 47 : i32
    %swap3A_1536 = arith.index_cast %swap3A_1535 : i32 to index
    %swap3A_1537 = arith.constant 112 : index
    %swap3A_1538 = tpu.vector_load %arg29[%swap3A_1536, %swap3A_1537] {strides = array<i32>} : memref<64x128xf32, #tpu.memory_space<vmem>>, vector<16xf32>,
    tpu.vector_store %arg29[%swap3A_1536, %swap3A_1537], %broadcast_in_dim3A_3 {strides = array<i32>} : memref<64x128xf32, #tpu.memory_space<vmem>>, vector<16xf32>,
    %swap3A_1539 = arith.constant 48 : i32
    %swap3A_1540 = arith.index_cast %swap3A_1539 : i32 to index
    %swap3A_1541 = arith.constant 0 : index
    %swap3A_1542 = tpu.vector_load %arg29[%swap3A_1540, %swap3A_1541] {strides = array<i32>} : memref<64x128xf32, #tpu.memory_space<vmem>>, vector<16xf32>,
    tpu.vector_store %arg29[%swap3A_1540, %swap3A_1541], %broadcast_in_dim3A_3 {strides = array<i32>} : memref<64x128xf32, #tpu.memory_space<vmem>>, vector<16xf32>,
    %swap3A_1543 = arith.constant 48 : i32
    %swap3A_1544 = arith.index_cast %swap3A_1543 : i32 to index
    %swap3A_1545 = arith.constant 16 : index
    %swap3A_1546 = tpu.vector_load %arg29[%swap3A_1544, %swap3A_1545] {strides = array<i32>} : memref<64x128xf32, #tpu.memory_space<vmem>>, vector<16xf32>,
    tpu.vector_store %arg29[%swap3A_1544, %swap3A_1545], %broadcast_in_dim3A_3 {strides = array<i32>} : memref<64x128xf32, #tpu.memory_space<vmem>>, vector<16xf32>,
    %swap3A_1547 = arith.constant 48 : i32
    %swap3A_1548 = arith.index_cast %swap3A_1547 : i32 to index
    %swap3A_1549 = arith.constant 32 : index
    %swap3A_1550 = tpu.vector_load %arg29[%swap3A_1548, %swap3A_1549] {strides = array<i32>} : memref<64x128xf32, #tpu.memory_space<vmem>>, vector<16xf32>,
    tpu.vector_store %arg29[%swap3A_1548, %swap3A_1549], %broadcast_in_dim3A_3 {strides = array<i32>} : memref<64x128xf32, #tpu.memory_space<vmem>>, vector<16xf32>,
    %swap3A_1551 = arith.constant 48 : i32
    %swap3A_1552 = arith.index_cast %swap3A_1551 : i32 to index
    %swap3A_1553 = arith.constant 48 : index
    %swap3A_1554 = tpu.vector_load %arg29[%swap3A_1552, %swap3A_1553] {strides = array<i32>} : memref<64x128xf32, #tpu.memory_space<vmem>>, vector<16xf32>,
    tpu.vector_store %arg29[%swap3A_1552, %swap3A_1553], %broadcast_in_dim3A_3 {strides = array<i32>} : memref<64x128xf32, #tpu.memory_space<vmem>>, vector<16xf32>,
    %swap3A_1555 = arith.constant 48 : i32
    %swap3A_1556 = arith.index_cast %swap3A_1555 : i32 to index
    %swap3A_1557 = arith.constant 64 : index
    %swap3A_1558 = tpu.vector_load %arg29[%swap3A_1556, %swap3A_1557] {strides = array<i32>} : memref<64x128xf32, #tpu.memory_space<vmem>>, vector<16xf32>,
    tpu.vector_store %arg29[%swap3A_1556, %swap3A_1557], %broadcast_in_dim3A_3 {strides = array<i32>} : memref<64x128xf32, #tpu.memory_space<vmem>>, vector<16xf32>,
    %swap3A_1559 = arith.constant 48 : i32
    %swap3A_1560 = arith.index_cast %swap3A_1559 : i32 to index
    %swap3A_1561 = arith.constant 80 : index
    %swap3A_1562 = tpu.vector_load %arg29[%swap3A_1560, %swap3A_1561] {strides = array<i32>} : memref<64x128xf32, #tpu.memory_space<vmem>>, vector<16xf32>,
    tpu.vector_store %arg29[%swap3A_1560, %swap3A_1561], %broadcast_in_dim3A_3 {strides = array<i32>} : memref<64x128xf32, #tpu.memory_space<vmem>>, vector<16xf32>,
    %swap3A_1563 = arith.constant 48 : i32
    %swap3A_1564 = arith.index_cast %swap3A_1563 : i32 to index
    %swap3A_1565 = arith.constant 96 : index
    %swap3A_1566 = tpu.vector_load %arg29[%swap3A_1564, %swap3A_1565] {strides = array<i32>} : memref<64x128xf32, #tpu.memory_space<vmem>>, vector<16xf32>,
    tpu.vector_store %arg29[%swap3A_1564, %swap3A_1565], %broadcast_in_dim3A_3 {strides = array<i32>} : memref<64x128xf32, #tpu.memory_space<vmem>>, vector<16xf32>,
    %swap3A_1567 = arith.constant 48 : i32
    %swap3A_1568 = arith.index_cast %swap3A_1567 : i32 to index
    %swap3A_1569 = arith.constant 112 : index
    %swap3A_1570 = tpu.vector_load %arg29[%swap3A_1568, %swap3A_1569] {strides = array<i32>} : memref<64x128xf32, #tpu.memory_space<vmem>>, vector<16xf32>,
    tpu.vector_store %arg29[%swap3A_1568, %swap3A_1569], %broadcast_in_dim3A_3 {strides = array<i32>} : memref<64x128xf32, #tpu.memory_space<vmem>>, vector<16xf32>,
    %swap3A_1571 = arith.constant 49 : i32
    %swap3A_1572 = arith.index_cast %swap3A_1571 : i32 to index
    %swap3A_1573 = arith.constant 0 : index
    %swap3A_1574 = tpu.vector_load %arg29[%swap3A_1572, %swap3A_1573] {strides = array<i32>} : memref<64x128xf32, #tpu.memory_space<vmem>>, vector<16xf32>,
    tpu.vector_store %arg29[%swap3A_1572, %swap3A_1573], %broadcast_in_dim3A_3 {strides = array<i32>} : memref<64x128xf32, #tpu.memory_space<vmem>>, vector<16xf32>,
    %swap3A_1575 = arith.constant 49 : i32
    %swap3A_1576 = arith.index_cast %swap3A_1575 : i32 to index
    %swap3A_1577 = arith.constant 16 : index
    %swap3A_1578 = tpu.vector_load %arg29[%swap3A_1576, %swap3A_1577] {strides = array<i32>} : memref<64x128xf32, #tpu.memory_space<vmem>>, vector<16xf32>,
    tpu.vector_store %arg29[%swap3A_1576, %swap3A_1577], %broadcast_in_dim3A_3 {strides = array<i32>} : memref<64x128xf32, #tpu.memory_space<vmem>>, vector<16xf32>,
    %swap3A_1579 = arith.constant 49 : i32
    %swap3A_1580 = arith.index_cast %swap3A_1579 : i32 to index
    %swap3A_1581 = arith.constant 32 : index
    %swap3A_1582 = tpu.vector_load %arg29[%swap3A_1580, %swap3A_1581] {strides = array<i32>} : memref<64x128xf32, #tpu.memory_space<vmem>>, vector<16xf32>,
    tpu.vector_store %arg29[%swap3A_1580, %swap3A_1581], %broadcast_in_dim3A_3 {strides = array<i32>} : memref<64x128xf32, #tpu.memory_space<vmem>>, vector<16xf32>,
    %swap3A_1583 = arith.constant 49 : i32
    %swap3A_1584 = arith.index_cast %swap3A_1583 : i32 to index
    %swap3A_1585 = arith.constant 48 : index
    %swap3A_1586 = tpu.vector_load %arg29[%swap3A_1584, %swap3A_1585] {strides = array<i32>} : memref<64x128xf32, #tpu.memory_space<vmem>>, vector<16xf32>,
    tpu.vector_store %arg29[%swap3A_1584, %swap3A_1585], %broadcast_in_dim3A_3 {strides = array<i32>} : memref<64x128xf32, #tpu.memory_space<vmem>>, vector<16xf32>,
    %swap3A_1587 = arith.constant 49 : i32
    %swap3A_1588 = arith.index_cast %swap3A_1587 : i32 to index
    %swap3A_1589 = arith.constant 64 : index
    %swap3A_1590 = tpu.vector_load %arg29[%swap3A_1588, %swap3A_1589] {strides = array<i32>} : memref<64x128xf32, #tpu.memory_space<vmem>>, vector<16xf32>,
    tpu.vector_store %arg29[%swap3A_1588, %swap3A_1589], %broadcast_in_dim3A_3 {strides = array<i32>} : memref<64x128xf32, #tpu.memory_space<vmem>>, vector<16xf32>,
    %swap3A_1591 = arith.constant 49 : i32
    %swap3A_1592 = arith.index_cast %swap3A_1591 : i32 to index
    %swap3A_1593 = arith.constant 80 : index
    %swap3A_1594 = tpu.vector_load %arg29[%swap3A_1592, %swap3A_1593] {strides = array<i32>} : memref<64x128xf32, #tpu.memory_space<vmem>>, vector<16xf32>,
    tpu.vector_store %arg29[%swap3A_1592, %swap3A_1593], %broadcast_in_dim3A_3 {strides = array<i32>} : memref<64x128xf32, #tpu.memory_space<vmem>>, vector<16xf32>,
    %swap3A_1595 = arith.constant 49 : i32
    %swap3A_1596 = arith.index_cast %swap3A_1595 : i32 to index
    %swap3A_1597 = arith.constant 96 : index
    %swap3A_1598 = tpu.vector_load %arg29[%swap3A_1596, %swap3A_1597] {strides = array<i32>} : memref<64x128xf32, #tpu.memory_space<vmem>>, vector<16xf32>,
    tpu.vector_store %arg29[%swap3A_1596, %swap3A_1597], %broadcast_in_dim3A_3 {strides = array<i32>} : memref<64x128xf32, #tpu.memory_space<vmem>>, vector<16xf32>,
    %swap3A_1599 = arith.constant 49 : i32
    %swap3A_1600 = arith.index_cast %swap3A_1599 : i32 to index
    %swap3A_1601 = arith.constant 112 : index
    %swap3A_1602 = tpu.vector_load %arg29[%swap3A_1600, %swap3A_1601] {strides = array<i32>} : memref<64x128xf32, #tpu.memory_space<vmem>>, vector<16xf32>,
    tpu.vector_store %arg29[%swap3A_1600, %swap3A_1601], %broadcast_in_dim3A_3 {strides = array<i32>} : memref<64x128xf32, #tpu.memory_space<vmem>>, vector<16xf32>,
    %swap3A_1603 = arith.constant 50 : i32
    %swap3A_1604 = arith.index_cast %swap3A_1603 : i32 to index
    %swap3A_1605 = arith.constant 0 : index
    %swap3A_1606 = tpu.vector_load %arg29[%swap3A_1604, %swap3A_1605] {strides = array<i32>} : memref<64x128xf32, #tpu.memory_space<vmem>>, vector<16xf32>,
    tpu.vector_store %arg29[%swap3A_1604, %swap3A_1605], %broadcast_in_dim3A_3 {strides = array<i32>} : memref<64x128xf32, #tpu.memory_space<vmem>>, vector<16xf32>,
    %swap3A_1607 = arith.constant 50 : i32
    %swap3A_1608 = arith.index_cast %swap3A_1607 : i32 to index
    %swap3A_1609 = arith.constant 16 : index
    %swap3A_1610 = tpu.vector_load %arg29[%swap3A_1608, %swap3A_1609] {strides = array<i32>} : memref<64x128xf32, #tpu.memory_space<vmem>>, vector<16xf32>,
    tpu.vector_store %arg29[%swap3A_1608, %swap3A_1609], %broadcast_in_dim3A_3 {strides = array<i32>} : memref<64x128xf32, #tpu.memory_space<vmem>>, vector<16xf32>,
    %swap3A_1611 = arith.constant 50 : i32
    %swap3A_1612 = arith.index_cast %swap3A_1611 : i32 to index
    %swap3A_1613 = arith.constant 32 : index
    %swap3A_1614 = tpu.vector_load %arg29[%swap3A_1612, %swap3A_1613] {strides = array<i32>} : memref<64x128xf32, #tpu.memory_space<vmem>>, vector<16xf32>,
    tpu.vector_store %arg29[%swap3A_1612, %swap3A_1613], %broadcast_in_dim3A_3 {strides = array<i32>} : memref<64x128xf32, #tpu.memory_space<vmem>>, vector<16xf32>,
    %swap3A_1615 = arith.constant 50 : i32
    %swap3A_1616 = arith.index_cast %swap3A_1615 : i32 to index
    %swap3A_1617 = arith.constant 48 : index
    %swap3A_1618 = tpu.vector_load %arg29[%swap3A_1616, %swap3A_1617] {strides = array<i32>} : memref<64x128xf32, #tpu.memory_space<vmem>>, vector<16xf32>,
    tpu.vector_store %arg29[%swap3A_1616, %swap3A_1617], %broadcast_in_dim3A_3 {strides = array<i32>} : memref<64x128xf32, #tpu.memory_space<vmem>>, vector<16xf32>,
    %swap3A_1619 = arith.constant 50 : i32
    %swap3A_1620 = arith.index_cast %swap3A_1619 : i32 to index
    %swap3A_1621 = arith.constant 64 : index
    %swap3A_1622 = tpu.vector_load %arg29[%swap3A_1620, %swap3A_1621] {strides = array<i32>} : memref<64x128xf32, #tpu.memory_space<vmem>>, vector<16xf32>,
    tpu.vector_store %arg29[%swap3A_1620, %swap3A_1621], %broadcast_in_dim3A_3 {strides = array<i32>} : memref<64x128xf32, #tpu.memory_space<vmem>>, vector<16xf32>,
    %swap3A_1623 = arith.constant 50 : i32
    %swap3A_1624 = arith.index_cast %swap3A_1623 : i32 to index
    %swap3A_1625 = arith.constant 80 : index
    %swap3A_1626 = tpu.vector_load %arg29[%swap3A_1624, %swap3A_1625] {strides = array<i32>} : memref<64x128xf32, #tpu.memory_space<vmem>>, vector<16xf32>,
    tpu.vector_store %arg29[%swap3A_1624, %swap3A_1625], %broadcast_in_dim3A_3 {strides = array<i32>} : memref<64x128xf32, #tpu.memory_space<vmem>>, vector<16xf32>,
    %swap3A_1627 = arith.constant 50 : i32
    %swap3A_1628 = arith.index_cast %swap3A_1627 : i32 to index
    %swap3A_1629 = arith.constant 96 : index
    %swap3A_1630 = tpu.vector_load %arg29[%swap3A_1628, %swap3A_1629] {strides = array<i32>} : memref<64x128xf32, #tpu.memory_space<vmem>>, vector<16xf32>,
    tpu.vector_store %arg29[%swap3A_1628, %swap3A_1629], %broadcast_in_dim3A_3 {strides = array<i32>} : memref<64x128xf32, #tpu.memory_space<vmem>>, vector<16xf32>,
    %swap3A_1631 = arith.constant 50 : i32
    %swap3A_1632 = arith.index_cast %swap3A_1631 : i32 to index
    %swap3A_1633 = arith.constant 112 : index
    %swap3A_1634 = tpu.vector_load %arg29[%swap3A_1632, %swap3A_1633] {strides = array<i32>} : memref<64x128xf32, #tpu.memory_space<vmem>>, vector<16xf32>,
    tpu.vector_store %arg29[%swap3A_1632, %swap3A_1633], %broadcast_in_dim3A_3 {strides = array<i32>} : memref<64x128xf32, #tpu.memory_space<vmem>>, vector<16xf32>,
    %swap3A_1635 = arith.constant 51 : i32
    %swap3A_1636 = arith.index_cast %swap3A_1635 : i32 to index
    %swap3A_1637 = arith.constant 0 : index
    %swap3A_1638 = tpu.vector_load %arg29[%swap3A_1636, %swap3A_1637] {strides = array<i32>} : memref<64x128xf32, #tpu.memory_space<vmem>>, vector<16xf32>,
    tpu.vector_store %arg29[%swap3A_1636, %swap3A_1637], %broadcast_in_dim3A_3 {strides = array<i32>} : memref<64x128xf32, #tpu.memory_space<vmem>>, vector<16xf32>,
    %swap3A_1639 = arith.constant 51 : i32
    %swap3A_1640 = arith.index_cast %swap3A_1639 : i32 to index
    %swap3A_1641 = arith.constant 16 : index
    %swap3A_1642 = tpu.vector_load %arg29[%swap3A_1640, %swap3A_1641] {strides = array<i32>} : memref<64x128xf32, #tpu.memory_space<vmem>>, vector<16xf32>,
    tpu.vector_store %arg29[%swap3A_1640, %swap3A_1641], %broadcast_in_dim3A_3 {strides = array<i32>} : memref<64x128xf32, #tpu.memory_space<vmem>>, vector<16xf32>,
    %swap3A_1643 = arith.constant 51 : i32
    %swap3A_1644 = arith.index_cast %swap3A_1643 : i32 to index
    %swap3A_1645 = arith.constant 32 : index
    %swap3A_1646 = tpu.vector_load %arg29[%swap3A_1644, %swap3A_1645] {strides = array<i32>} : memref<64x128xf32, #tpu.memory_space<vmem>>, vector<16xf32>,
    tpu.vector_store %arg29[%swap3A_1644, %swap3A_1645], %broadcast_in_dim3A_3 {strides = array<i32>} : memref<64x128xf32, #tpu.memory_space<vmem>>, vector<16xf32>,
    %swap3A_1647 = arith.constant 51 : i32
    %swap3A_1648 = arith.index_cast %swap3A_1647 : i32 to index
    %swap3A_1649 = arith.constant 48 : index
    %swap3A_1650 = tpu.vector_load %arg29[%swap3A_1648, %swap3A_1649] {strides = array<i32>} : memref<64x128xf32, #tpu.memory_space<vmem>>, vector<16xf32>,
    tpu.vector_store %arg29[%swap3A_1648, %swap3A_1649], %broadcast_in_dim3A_3 {strides = array<i32>} : memref<64x128xf32, #tpu.memory_space<vmem>>, vector<16xf32>,
    %swap3A_1651 = arith.constant 51 : i32
    %swap3A_1652 = arith.index_cast %swap3A_1651 : i32 to index
    %swap3A_1653 = arith.constant 64 : index
    %swap3A_1654 = tpu.vector_load %arg29[%swap3A_1652, %swap3A_1653] {strides = array<i32>} : memref<64x128xf32, #tpu.memory_space<vmem>>, vector<16xf32>,
    tpu.vector_store %arg29[%swap3A_1652, %swap3A_1653], %broadcast_in_dim3A_3 {strides = array<i32>} : memref<64x128xf32, #tpu.memory_space<vmem>>, vector<16xf32>,
    %swap3A_1655 = arith.constant 51 : i32
    %swap3A_1656 = arith.index_cast %swap3A_1655 : i32 to index
    %swap3A_1657 = arith.constant 80 : index
    %swap3A_1658 = tpu.vector_load %arg29[%swap3A_1656, %swap3A_1657] {strides = array<i32>} : memref<64x128xf32, #tpu.memory_space<vmem>>, vector<16xf32>,
    tpu.vector_store %arg29[%swap3A_1656, %swap3A_1657], %broadcast_in_dim3A_3 {strides = array<i32>} : memref<64x128xf32, #tpu.memory_space<vmem>>, vector<16xf32>,
    %swap3A_1659 = arith.constant 51 : i32
    %swap3A_1660 = arith.index_cast %swap3A_1659 : i32 to index
    %swap3A_1661 = arith.constant 96 : index
    %swap3A_1662 = tpu.vector_load %arg29[%swap3A_1660, %swap3A_1661] {strides = array<i32>} : memref<64x128xf32, #tpu.memory_space<vmem>>, vector<16xf32>,
    tpu.vector_store %arg29[%swap3A_1660, %swap3A_1661], %broadcast_in_dim3A_3 {strides = array<i32>} : memref<64x128xf32, #tpu.memory_space<vmem>>, vector<16xf32>,
    %swap3A_1663 = arith.constant 51 : i32
    %swap3A_1664 = arith.index_cast %swap3A_1663 : i32 to index
    %swap3A_1665 = arith.constant 112 : index
    %swap3A_1666 = tpu.vector_load %arg29[%swap3A_1664, %swap3A_1665] {strides = array<i32>} : memref<64x128xf32, #tpu.memory_space<vmem>>, vector<16xf32>,
    tpu.vector_store %arg29[%swap3A_1664, %swap3A_1665], %broadcast_in_dim3A_3 {strides = array<i32>} : memref<64x128xf32, #tpu.memory_space<vmem>>, vector<16xf32>,
    %swap3A_1667 = arith.constant 52 : i32
    %swap3A_1668 = arith.index_cast %swap3A_1667 : i32 to index
    %swap3A_1669 = arith.constant 0 : index
    %swap3A_1670 = tpu.vector_load %arg29[%swap3A_1668, %swap3A_1669] {strides = array<i32>} : memref<64x128xf32, #tpu.memory_space<vmem>>, vector<16xf32>,
    tpu.vector_store %arg29[%swap3A_1668, %swap3A_1669], %broadcast_in_dim3A_3 {strides = array<i32>} : memref<64x128xf32, #tpu.memory_space<vmem>>, vector<16xf32>,
    %swap3A_1671 = arith.constant 52 : i32
    %swap3A_1672 = arith.index_cast %swap3A_1671 : i32 to index
    %swap3A_1673 = arith.constant 16 : index
    %swap3A_1674 = tpu.vector_load %arg29[%swap3A_1672, %swap3A_1673] {strides = array<i32>} : memref<64x128xf32, #tpu.memory_space<vmem>>, vector<16xf32>,
    tpu.vector_store %arg29[%swap3A_1672, %swap3A_1673], %broadcast_in_dim3A_3 {strides = array<i32>} : memref<64x128xf32, #tpu.memory_space<vmem>>, vector<16xf32>,
    %swap3A_1675 = arith.constant 52 : i32
    %swap3A_1676 = arith.index_cast %swap3A_1675 : i32 to index
    %swap3A_1677 = arith.constant 32 : index
    %swap3A_1678 = tpu.vector_load %arg29[%swap3A_1676, %swap3A_1677] {strides = array<i32>} : memref<64x128xf32, #tpu.memory_space<vmem>>, vector<16xf32>,
    tpu.vector_store %arg29[%swap3A_1676, %swap3A_1677], %broadcast_in_dim3A_3 {strides = array<i32>} : memref<64x128xf32, #tpu.memory_space<vmem>>, vector<16xf32>,
    %swap3A_1679 = arith.constant 52 : i32
    %swap3A_1680 = arith.index_cast %swap3A_1679 : i32 to index
    %swap3A_1681 = arith.constant 48 : index
    %swap3A_1682 = tpu.vector_load %arg29[%swap3A_1680, %swap3A_1681] {strides = array<i32>} : memref<64x128xf32, #tpu.memory_space<vmem>>, vector<16xf32>,
    tpu.vector_store %arg29[%swap3A_1680, %swap3A_1681], %broadcast_in_dim3A_3 {strides = array<i32>} : memref<64x128xf32, #tpu.memory_space<vmem>>, vector<16xf32>,
    %swap3A_1683 = arith.constant 52 : i32
    %swap3A_1684 = arith.index_cast %swap3A_1683 : i32 to index
    %swap3A_1685 = arith.constant 64 : index
    %swap3A_1686 = tpu.vector_load %arg29[%swap3A_1684, %swap3A_1685] {strides = array<i32>} : memref<64x128xf32, #tpu.memory_space<vmem>>, vector<16xf32>,
    tpu.vector_store %arg29[%swap3A_1684, %swap3A_1685], %broadcast_in_dim3A_3 {strides = array<i32>} : memref<64x128xf32, #tpu.memory_space<vmem>>, vector<16xf32>,
    %swap3A_1687 = arith.constant 52 : i32
    %swap3A_1688 = arith.index_cast %swap3A_1687 : i32 to index
    %swap3A_1689 = arith.constant 80 : index
    %swap3A_1690 = tpu.vector_load %arg29[%swap3A_1688, %swap3A_1689] {strides = array<i32>} : memref<64x128xf32, #tpu.memory_space<vmem>>, vector<16xf32>,
    tpu.vector_store %arg29[%swap3A_1688, %swap3A_1689], %broadcast_in_dim3A_3 {strides = array<i32>} : memref<64x128xf32, #tpu.memory_space<vmem>>, vector<16xf32>,
    %swap3A_1691 = arith.constant 52 : i32
    %swap3A_1692 = arith.index_cast %swap3A_1691 : i32 to index
    %swap3A_1693 = arith.constant 96 : index
    %swap3A_1694 = tpu.vector_load %arg29[%swap3A_1692, %swap3A_1693] {strides = array<i32>} : memref<64x128xf32, #tpu.memory_space<vmem>>, vector<16xf32>,
    tpu.vector_store %arg29[%swap3A_1692, %swap3A_1693], %broadcast_in_dim3A_3 {strides = array<i32>} : memref<64x128xf32, #tpu.memory_space<vmem>>, vector<16xf32>,
    %swap3A_1695 = arith.constant 52 : i32
    %swap3A_1696 = arith.index_cast %swap3A_1695 : i32 to index
    %swap3A_1697 = arith.constant 112 : index
    %swap3A_1698 = tpu.vector_load %arg29[%swap3A_1696, %swap3A_1697] {strides = array<i32>} : memref<64x128xf32, #tpu.memory_space<vmem>>, vector<16xf32>,
    tpu.vector_store %arg29[%swap3A_1696, %swap3A_1697], %broadcast_in_dim3A_3 {strides = array<i32>} : memref<64x128xf32, #tpu.memory_space<vmem>>, vector<16xf32>,
    %swap3A_1699 = arith.constant 53 : i32
    %swap3A_1700 = arith.index_cast %swap3A_1699 : i32 to index
    %swap3A_1701 = arith.constant 0 : index
    %swap3A_1702 = tpu.vector_load %arg29[%swap3A_1700, %swap3A_1701] {strides = array<i32>} : memref<64x128xf32, #tpu.memory_space<vmem>>, vector<16xf32>,
    tpu.vector_store %arg29[%swap3A_1700, %swap3A_1701], %broadcast_in_dim3A_3 {strides = array<i32>} : memref<64x128xf32, #tpu.memory_space<vmem>>, vector<16xf32>,
    %swap3A_1703 = arith.constant 53 : i32
    %swap3A_1704 = arith.index_cast %swap3A_1703 : i32 to index
    %swap3A_1705 = arith.constant 16 : index
    %swap3A_1706 = tpu.vector_load %arg29[%swap3A_1704, %swap3A_1705] {strides = array<i32>} : memref<64x128xf32, #tpu.memory_space<vmem>>, vector<16xf32>,
    tpu.vector_store %arg29[%swap3A_1704, %swap3A_1705], %broadcast_in_dim3A_3 {strides = array<i32>} : memref<64x128xf32, #tpu.memory_space<vmem>>, vector<16xf32>,
    %swap3A_1707 = arith.constant 53 : i32
    %swap3A_1708 = arith.index_cast %swap3A_1707 : i32 to index
    %swap3A_1709 = arith.constant 32 : index
    %swap3A_1710 = tpu.vector_load %arg29[%swap3A_1708, %swap3A_1709] {strides = array<i32>} : memref<64x128xf32, #tpu.memory_space<vmem>>, vector<16xf32>,
    tpu.vector_store %arg29[%swap3A_1708, %swap3A_1709], %broadcast_in_dim3A_3 {strides = array<i32>} : memref<64x128xf32, #tpu.memory_space<vmem>>, vector<16xf32>,
    %swap3A_1711 = arith.constant 53 : i32
    %swap3A_1712 = arith.index_cast %swap3A_1711 : i32 to index
    %swap3A_1713 = arith.constant 48 : index
    %swap3A_1714 = tpu.vector_load %arg29[%swap3A_1712, %swap3A_1713] {strides = array<i32>} : memref<64x128xf32, #tpu.memory_space<vmem>>, vector<16xf32>,
    tpu.vector_store %arg29[%swap3A_1712, %swap3A_1713], %broadcast_in_dim3A_3 {strides = array<i32>} : memref<64x128xf32, #tpu.memory_space<vmem>>, vector<16xf32>,
    %swap3A_1715 = arith.constant 53 : i32
    %swap3A_1716 = arith.index_cast %swap3A_1715 : i32 to index
    %swap3A_1717 = arith.constant 64 : index
    %swap3A_1718 = tpu.vector_load %arg29[%swap3A_1716, %swap3A_1717] {strides = array<i32>} : memref<64x128xf32, #tpu.memory_space<vmem>>, vector<16xf32>,
    tpu.vector_store %arg29[%swap3A_1716, %swap3A_1717], %broadcast_in_dim3A_3 {strides = array<i32>} : memref<64x128xf32, #tpu.memory_space<vmem>>, vector<16xf32>,
    %swap3A_1719 = arith.constant 53 : i32
    %swap3A_1720 = arith.index_cast %swap3A_1719 : i32 to index
    %swap3A_1721 = arith.constant 80 : index
    %swap3A_1722 = tpu.vector_load %arg29[%swap3A_1720, %swap3A_1721] {strides = array<i32>} : memref<64x128xf32, #tpu.memory_space<vmem>>, vector<16xf32>,
    tpu.vector_store %arg29[%swap3A_1720, %swap3A_1721], %broadcast_in_dim3A_3 {strides = array<i32>} : memref<64x128xf32, #tpu.memory_space<vmem>>, vector<16xf32>,
    %swap3A_1723 = arith.constant 53 : i32
    %swap3A_1724 = arith.index_cast %swap3A_1723 : i32 to index
    %swap3A_1725 = arith.constant 96 : index
    %swap3A_1726 = tpu.vector_load %arg29[%swap3A_1724, %swap3A_1725] {strides = array<i32>} : memref<64x128xf32, #tpu.memory_space<vmem>>, vector<16xf32>,
    tpu.vector_store %arg29[%swap3A_1724, %swap3A_1725], %broadcast_in_dim3A_3 {strides = array<i32>} : memref<64x128xf32, #tpu.memory_space<vmem>>, vector<16xf32>,
    %swap3A_1727 = arith.constant 53 : i32
    %swap3A_1728 = arith.index_cast %swap3A_1727 : i32 to index
    %swap3A_1729 = arith.constant 112 : index
    %swap3A_1730 = tpu.vector_load %arg29[%swap3A_1728, %swap3A_1729] {strides = array<i32>} : memref<64x128xf32, #tpu.memory_space<vmem>>, vector<16xf32>,
    tpu.vector_store %arg29[%swap3A_1728, %swap3A_1729], %broadcast_in_dim3A_3 {strides = array<i32>} : memref<64x128xf32, #tpu.memory_space<vmem>>, vector<16xf32>,
    %swap3A_1731 = arith.constant 54 : i32
    %swap3A_1732 = arith.index_cast %swap3A_1731 : i32 to index
    %swap3A_1733 = arith.constant 0 : index
    %swap3A_1734 = tpu.vector_load %arg29[%swap3A_1732, %swap3A_1733] {strides = array<i32>} : memref<64x128xf32, #tpu.memory_space<vmem>>, vector<16xf32>,
    tpu.vector_store %arg29[%swap3A_1732, %swap3A_1733], %broadcast_in_dim3A_3 {strides = array<i32>} : memref<64x128xf32, #tpu.memory_space<vmem>>, vector<16xf32>,
    %swap3A_1735 = arith.constant 54 : i32
    %swap3A_1736 = arith.index_cast %swap3A_1735 : i32 to index
    %swap3A_1737 = arith.constant 16 : index
    %swap3A_1738 = tpu.vector_load %arg29[%swap3A_1736, %swap3A_1737] {strides = array<i32>} : memref<64x128xf32, #tpu.memory_space<vmem>>, vector<16xf32>,
    tpu.vector_store %arg29[%swap3A_1736, %swap3A_1737], %broadcast_in_dim3A_3 {strides = array<i32>} : memref<64x128xf32, #tpu.memory_space<vmem>>, vector<16xf32>,
    %swap3A_1739 = arith.constant 54 : i32
    %swap3A_1740 = arith.index_cast %swap3A_1739 : i32 to index
    %swap3A_1741 = arith.constant 32 : index
    %swap3A_1742 = tpu.vector_load %arg29[%swap3A_1740, %swap3A_1741] {strides = array<i32>} : memref<64x128xf32, #tpu.memory_space<vmem>>, vector<16xf32>,
    tpu.vector_store %arg29[%swap3A_1740, %swap3A_1741], %broadcast_in_dim3A_3 {strides = array<i32>} : memref<64x128xf32, #tpu.memory_space<vmem>>, vector<16xf32>,
    %swap3A_1743 = arith.constant 54 : i32
    %swap3A_1744 = arith.index_cast %swap3A_1743 : i32 to index
    %swap3A_1745 = arith.constant 48 : index
    %swap3A_1746 = tpu.vector_load %arg29[%swap3A_1744, %swap3A_1745] {strides = array<i32>} : memref<64x128xf32, #tpu.memory_space<vmem>>, vector<16xf32>,
    tpu.vector_store %arg29[%swap3A_1744, %swap3A_1745], %broadcast_in_dim3A_3 {strides = array<i32>} : memref<64x128xf32, #tpu.memory_space<vmem>>, vector<16xf32>,
    %swap3A_1747 = arith.constant 54 : i32
    %swap3A_1748 = arith.index_cast %swap3A_1747 : i32 to index
    %swap3A_1749 = arith.constant 64 : index
    %swap3A_1750 = tpu.vector_load %arg29[%swap3A_1748, %swap3A_1749] {strides = array<i32>} : memref<64x128xf32, #tpu.memory_space<vmem>>, vector<16xf32>,
    tpu.vector_store %arg29[%swap3A_1748, %swap3A_1749], %broadcast_in_dim3A_3 {strides = array<i32>} : memref<64x128xf32, #tpu.memory_space<vmem>>, vector<16xf32>,
    %swap3A_1751 = arith.constant 54 : i32
    %swap3A_1752 = arith.index_cast %swap3A_1751 : i32 to index
    %swap3A_1753 = arith.constant 80 : index
    %swap3A_1754 = tpu.vector_load %arg29[%swap3A_1752, %swap3A_1753] {strides = array<i32>} : memref<64x128xf32, #tpu.memory_space<vmem>>, vector<16xf32>,
    tpu.vector_store %arg29[%swap3A_1752, %swap3A_1753], %broadcast_in_dim3A_3 {strides = array<i32>} : memref<64x128xf32, #tpu.memory_space<vmem>>, vector<16xf32>,
    %swap3A_1755 = arith.constant 54 : i32
    %swap3A_1756 = arith.index_cast %swap3A_1755 : i32 to index
    %swap3A_1757 = arith.constant 96 : index
    %swap3A_1758 = tpu.vector_load %arg29[%swap3A_1756, %swap3A_1757] {strides = array<i32>} : memref<64x128xf32, #tpu.memory_space<vmem>>, vector<16xf32>,
    tpu.vector_store %arg29[%swap3A_1756, %swap3A_1757], %broadcast_in_dim3A_3 {strides = array<i32>} : memref<64x128xf32, #tpu.memory_space<vmem>>, vector<16xf32>,
    %swap3A_1759 = arith.constant 54 : i32
    %swap3A_1760 = arith.index_cast %swap3A_1759 : i32 to index
    %swap3A_1761 = arith.constant 112 : index
    %swap3A_1762 = tpu.vector_load %arg29[%swap3A_1760, %swap3A_1761] {strides = array<i32>} : memref<64x128xf32, #tpu.memory_space<vmem>>, vector<16xf32>,
    tpu.vector_store %arg29[%swap3A_1760, %swap3A_1761], %broadcast_in_dim3A_3 {strides = array<i32>} : memref<64x128xf32, #tpu.memory_space<vmem>>, vector<16xf32>,
    %swap3A_1763 = arith.constant 55 : i32
    %swap3A_1764 = arith.index_cast %swap3A_1763 : i32 to index
    %swap3A_1765 = arith.constant 0 : index
    %swap3A_1766 = tpu.vector_load %arg29[%swap3A_1764, %swap3A_1765] {strides = array<i32>} : memref<64x128xf32, #tpu.memory_space<vmem>>, vector<16xf32>,
    tpu.vector_store %arg29[%swap3A_1764, %swap3A_1765], %broadcast_in_dim3A_3 {strides = array<i32>} : memref<64x128xf32, #tpu.memory_space<vmem>>, vector<16xf32>,
    %swap3A_1767 = arith.constant 55 : i32
    %swap3A_1768 = arith.index_cast %swap3A_1767 : i32 to index
    %swap3A_1769 = arith.constant 16 : index
    %swap3A_1770 = tpu.vector_load %arg29[%swap3A_1768, %swap3A_1769] {strides = array<i32>} : memref<64x128xf32, #tpu.memory_space<vmem>>, vector<16xf32>,
    tpu.vector_store %arg29[%swap3A_1768, %swap3A_1769], %broadcast_in_dim3A_3 {strides = array<i32>} : memref<64x128xf32, #tpu.memory_space<vmem>>, vector<16xf32>,
    %swap3A_1771 = arith.constant 55 : i32
    %swap3A_1772 = arith.index_cast %swap3A_1771 : i32 to index
    %swap3A_1773 = arith.constant 32 : index
    %swap3A_1774 = tpu.vector_load %arg29[%swap3A_1772, %swap3A_1773] {strides = array<i32>} : memref<64x128xf32, #tpu.memory_space<vmem>>, vector<16xf32>,
    tpu.vector_store %arg29[%swap3A_1772, %swap3A_1773], %broadcast_in_dim3A_3 {strides = array<i32>} : memref<64x128xf32, #tpu.memory_space<vmem>>, vector<16xf32>,
    %swap3A_1775 = arith.constant 55 : i32
    %swap3A_1776 = arith.index_cast %swap3A_1775 : i32 to index
    %swap3A_1777 = arith.constant 48 : index
    %swap3A_1778 = tpu.vector_load %arg29[%swap3A_1776, %swap3A_1777] {strides = array<i32>} : memref<64x128xf32, #tpu.memory_space<vmem>>, vector<16xf32>,
    tpu.vector_store %arg29[%swap3A_1776, %swap3A_1777], %broadcast_in_dim3A_3 {strides = array<i32>} : memref<64x128xf32, #tpu.memory_space<vmem>>, vector<16xf32>,
    %swap3A_1779 = arith.constant 55 : i32
    %swap3A_1780 = arith.index_cast %swap3A_1779 : i32 to index
    %swap3A_1781 = arith.constant 64 : index
    %swap3A_1782 = tpu.vector_load %arg29[%swap3A_1780, %swap3A_1781] {strides = array<i32>} : memref<64x128xf32, #tpu.memory_space<vmem>>, vector<16xf32>,
    tpu.vector_store %arg29[%swap3A_1780, %swap3A_1781], %broadcast_in_dim3A_3 {strides = array<i32>} : memref<64x128xf32, #tpu.memory_space<vmem>>, vector<16xf32>,
    %swap3A_1783 = arith.constant 55 : i32
    %swap3A_1784 = arith.index_cast %swap3A_1783 : i32 to index
    %swap3A_1785 = arith.constant 80 : index
    %swap3A_1786 = tpu.vector_load %arg29[%swap3A_1784, %swap3A_1785] {strides = array<i32>} : memref<64x128xf32, #tpu.memory_space<vmem>>, vector<16xf32>,
    tpu.vector_store %arg29[%swap3A_1784, %swap3A_1785], %broadcast_in_dim3A_3 {strides = array<i32>} : memref<64x128xf32, #tpu.memory_space<vmem>>, vector<16xf32>,
    %swap3A_1787 = arith.constant 55 : i32
    %swap3A_1788 = arith.index_cast %swap3A_1787 : i32 to index
    %swap3A_1789 = arith.constant 96 : index
    %swap3A_1790 = tpu.vector_load %arg29[%swap3A_1788, %swap3A_1789] {strides = array<i32>} : memref<64x128xf32, #tpu.memory_space<vmem>>, vector<16xf32>,
    tpu.vector_store %arg29[%swap3A_1788, %swap3A_1789], %broadcast_in_dim3A_3 {strides = array<i32>} : memref<64x128xf32, #tpu.memory_space<vmem>>, vector<16xf32>,
    %swap3A_1791 = arith.constant 55 : i32
    %swap3A_1792 = arith.index_cast %swap3A_1791 : i32 to index
    %swap3A_1793 = arith.constant 112 : index
    %swap3A_1794 = tpu.vector_load %arg29[%swap3A_1792, %swap3A_1793] {strides = array<i32>} : memref<64x128xf32, #tpu.memory_space<vmem>>, vector<16xf32>,
    tpu.vector_store %arg29[%swap3A_1792, %swap3A_1793], %broadcast_in_dim3A_3 {strides = array<i32>} : memref<64x128xf32, #tpu.memory_space<vmem>>, vector<16xf32>,
    %swap3A_1795 = arith.constant 56 : i32
    %swap3A_1796 = arith.index_cast %swap3A_1795 : i32 to index
    %swap3A_1797 = arith.constant 0 : index
    %swap3A_1798 = tpu.vector_load %arg29[%swap3A_1796, %swap3A_1797] {strides = array<i32>} : memref<64x128xf32, #tpu.memory_space<vmem>>, vector<16xf32>,
    tpu.vector_store %arg29[%swap3A_1796, %swap3A_1797], %broadcast_in_dim3A_3 {strides = array<i32>} : memref<64x128xf32, #tpu.memory_space<vmem>>, vector<16xf32>,
    %swap3A_1799 = arith.constant 56 : i32
    %swap3A_1800 = arith.index_cast %swap3A_1799 : i32 to index
    %swap3A_1801 = arith.constant 16 : index
    %swap3A_1802 = tpu.vector_load %arg29[%swap3A_1800, %swap3A_1801] {strides = array<i32>} : memref<64x128xf32, #tpu.memory_space<vmem>>, vector<16xf32>,
    tpu.vector_store %arg29[%swap3A_1800, %swap3A_1801], %broadcast_in_dim3A_3 {strides = array<i32>} : memref<64x128xf32, #tpu.memory_space<vmem>>, vector<16xf32>,
    %swap3A_1803 = arith.constant 56 : i32
    %swap3A_1804 = arith.index_cast %swap3A_1803 : i32 to index
    %swap3A_1805 = arith.constant 32 : index
    %swap3A_1806 = tpu.vector_load %arg29[%swap3A_1804, %swap3A_1805] {strides = array<i32>} : memref<64x128xf32, #tpu.memory_space<vmem>>, vector<16xf32>,
    tpu.vector_store %arg29[%swap3A_1804, %swap3A_1805], %broadcast_in_dim3A_3 {strides = array<i32>} : memref<64x128xf32, #tpu.memory_space<vmem>>, vector<16xf32>,
    %swap3A_1807 = arith.constant 56 : i32
    %swap3A_1808 = arith.index_cast %swap3A_1807 : i32 to index
    %swap3A_1809 = arith.constant 48 : index
    %swap3A_1810 = tpu.vector_load %arg29[%swap3A_1808, %swap3A_1809] {strides = array<i32>} : memref<64x128xf32, #tpu.memory_space<vmem>>, vector<16xf32>,
    tpu.vector_store %arg29[%swap3A_1808, %swap3A_1809], %broadcast_in_dim3A_3 {strides = array<i32>} : memref<64x128xf32, #tpu.memory_space<vmem>>, vector<16xf32>,
    %swap3A_1811 = arith.constant 56 : i32
    %swap3A_1812 = arith.index_cast %swap3A_1811 : i32 to index
    %swap3A_1813 = arith.constant 64 : index
    %swap3A_1814 = tpu.vector_load %arg29[%swap3A_1812, %swap3A_1813] {strides = array<i32>} : memref<64x128xf32, #tpu.memory_space<vmem>>, vector<16xf32>,
    tpu.vector_store %arg29[%swap3A_1812, %swap3A_1813], %broadcast_in_dim3A_3 {strides = array<i32>} : memref<64x128xf32, #tpu.memory_space<vmem>>, vector<16xf32>,
    %swap3A_1815 = arith.constant 56 : i32
    %swap3A_1816 = arith.index_cast %swap3A_1815 : i32 to index
    %swap3A_1817 = arith.constant 80 : index
    %swap3A_1818 = tpu.vector_load %arg29[%swap3A_1816, %swap3A_1817] {strides = array<i32>} : memref<64x128xf32, #tpu.memory_space<vmem>>, vector<16xf32>,
    tpu.vector_store %arg29[%swap3A_1816, %swap3A_1817], %broadcast_in_dim3A_3 {strides = array<i32>} : memref<64x128xf32, #tpu.memory_space<vmem>>, vector<16xf32>,
    %swap3A_1819 = arith.constant 56 : i32
    %swap3A_1820 = arith.index_cast %swap3A_1819 : i32 to index
    %swap3A_1821 = arith.constant 96 : index
    %swap3A_1822 = tpu.vector_load %arg29[%swap3A_1820, %swap3A_1821] {strides = array<i32>} : memref<64x128xf32, #tpu.memory_space<vmem>>, vector<16xf32>,
    tpu.vector_store %arg29[%swap3A_1820, %swap3A_1821], %broadcast_in_dim3A_3 {strides = array<i32>} : memref<64x128xf32, #tpu.memory_space<vmem>>, vector<16xf32>,
    %swap3A_1823 = arith.constant 56 : i32
    %swap3A_1824 = arith.index_cast %swap3A_1823 : i32 to index
    %swap3A_1825 = arith.constant 112 : index
    %swap3A_1826 = tpu.vector_load %arg29[%swap3A_1824, %swap3A_1825] {strides = array<i32>} : memref<64x128xf32, #tpu.memory_space<vmem>>, vector<16xf32>,
    tpu.vector_store %arg29[%swap3A_1824, %swap3A_1825], %broadcast_in_dim3A_3 {strides = array<i32>} : memref<64x128xf32, #tpu.memory_space<vmem>>, vector<16xf32>,
    %swap3A_1827 = arith.constant 57 : i32
    %swap3A_1828 = arith.index_cast %swap3A_1827 : i32 to index
    %swap3A_1829 = arith.constant 0 : index
    %swap3A_1830 = tpu.vector_load %arg29[%swap3A_1828, %swap3A_1829] {strides = array<i32>} : memref<64x128xf32, #tpu.memory_space<vmem>>, vector<16xf32>,
    tpu.vector_store %arg29[%swap3A_1828, %swap3A_1829], %broadcast_in_dim3A_3 {strides = array<i32>} : memref<64x128xf32, #tpu.memory_space<vmem>>, vector<16xf32>,
    %swap3A_1831 = arith.constant 57 : i32
    %swap3A_1832 = arith.index_cast %swap3A_1831 : i32 to index
    %swap3A_1833 = arith.constant 16 : index
    %swap3A_1834 = tpu.vector_load %arg29[%swap3A_1832, %swap3A_1833] {strides = array<i32>} : memref<64x128xf32, #tpu.memory_space<vmem>>, vector<16xf32>,
    tpu.vector_store %arg29[%swap3A_1832, %swap3A_1833], %broadcast_in_dim3A_3 {strides = array<i32>} : memref<64x128xf32, #tpu.memory_space<vmem>>, vector<16xf32>,
    %swap3A_1835 = arith.constant 57 : i32
    %swap3A_1836 = arith.index_cast %swap3A_1835 : i32 to index
    %swap3A_1837 = arith.constant 32 : index
    %swap3A_1838 = tpu.vector_load %arg29[%swap3A_1836, %swap3A_1837] {strides = array<i32>} : memref<64x128xf32, #tpu.memory_space<vmem>>, vector<16xf32>,
    tpu.vector_store %arg29[%swap3A_1836, %swap3A_1837], %broadcast_in_dim3A_3 {strides = array<i32>} : memref<64x128xf32, #tpu.memory_space<vmem>>, vector<16xf32>,
    %swap3A_1839 = arith.constant 57 : i32
    %swap3A_1840 = arith.index_cast %swap3A_1839 : i32 to index
    %swap3A_1841 = arith.constant 48 : index
    %swap3A_1842 = tpu.vector_load %arg29[%swap3A_1840, %swap3A_1841] {strides = array<i32>} : memref<64x128xf32, #tpu.memory_space<vmem>>, vector<16xf32>,
    tpu.vector_store %arg29[%swap3A_1840, %swap3A_1841], %broadcast_in_dim3A_3 {strides = array<i32>} : memref<64x128xf32, #tpu.memory_space<vmem>>, vector<16xf32>,
    %swap3A_1843 = arith.constant 57 : i32
    %swap3A_1844 = arith.index_cast %swap3A_1843 : i32 to index
    %swap3A_1845 = arith.constant 64 : index
    %swap3A_1846 = tpu.vector_load %arg29[%swap3A_1844, %swap3A_1845] {strides = array<i32>} : memref<64x128xf32, #tpu.memory_space<vmem>>, vector<16xf32>,
    tpu.vector_store %arg29[%swap3A_1844, %swap3A_1845], %broadcast_in_dim3A_3 {strides = array<i32>} : memref<64x128xf32, #tpu.memory_space<vmem>>, vector<16xf32>,
    %swap3A_1847 = arith.constant 57 : i32
    %swap3A_1848 = arith.index_cast %swap3A_1847 : i32 to index
    %swap3A_1849 = arith.constant 80 : index
    %swap3A_1850 = tpu.vector_load %arg29[%swap3A_1848, %swap3A_1849] {strides = array<i32>} : memref<64x128xf32, #tpu.memory_space<vmem>>, vector<16xf32>,
    tpu.vector_store %arg29[%swap3A_1848, %swap3A_1849], %broadcast_in_dim3A_3 {strides = array<i32>} : memref<64x128xf32, #tpu.memory_space<vmem>>, vector<16xf32>,
    %swap3A_1851 = arith.constant 57 : i32
    %swap3A_1852 = arith.index_cast %swap3A_1851 : i32 to index
    %swap3A_1853 = arith.constant 96 : index
    %swap3A_1854 = tpu.vector_load %arg29[%swap3A_1852, %swap3A_1853] {strides = array<i32>} : memref<64x128xf32, #tpu.memory_space<vmem>>, vector<16xf32>,
    tpu.vector_store %arg29[%swap3A_1852, %swap3A_1853], %broadcast_in_dim3A_3 {strides = array<i32>} : memref<64x128xf32, #tpu.memory_space<vmem>>, vector<16xf32>,
    %swap3A_1855 = arith.constant 57 : i32
    %swap3A_1856 = arith.index_cast %swap3A_1855 : i32 to index
    %swap3A_1857 = arith.constant 112 : index
    %swap3A_1858 = tpu.vector_load %arg29[%swap3A_1856, %swap3A_1857] {strides = array<i32>} : memref<64x128xf32, #tpu.memory_space<vmem>>, vector<16xf32>,
    tpu.vector_store %arg29[%swap3A_1856, %swap3A_1857], %broadcast_in_dim3A_3 {strides = array<i32>} : memref<64x128xf32, #tpu.memory_space<vmem>>, vector<16xf32>,
    %swap3A_1859 = arith.constant 58 : i32
    %swap3A_1860 = arith.index_cast %swap3A_1859 : i32 to index
    %swap3A_1861 = arith.constant 0 : index
    %swap3A_1862 = tpu.vector_load %arg29[%swap3A_1860, %swap3A_1861] {strides = array<i32>} : memref<64x128xf32, #tpu.memory_space<vmem>>, vector<16xf32>,
    tpu.vector_store %arg29[%swap3A_1860, %swap3A_1861], %broadcast_in_dim3A_3 {strides = array<i32>} : memref<64x128xf32, #tpu.memory_space<vmem>>, vector<16xf32>,
    %swap3A_1863 = arith.constant 58 : i32
    %swap3A_1864 = arith.index_cast %swap3A_1863 : i32 to index
    %swap3A_1865 = arith.constant 16 : index
    %swap3A_1866 = tpu.vector_load %arg29[%swap3A_1864, %swap3A_1865] {strides = array<i32>} : memref<64x128xf32, #tpu.memory_space<vmem>>, vector<16xf32>,
    tpu.vector_store %arg29[%swap3A_1864, %swap3A_1865], %broadcast_in_dim3A_3 {strides = array<i32>} : memref<64x128xf32, #tpu.memory_space<vmem>>, vector<16xf32>,
    %swap3A_1867 = arith.constant 58 : i32
    %swap3A_1868 = arith.index_cast %swap3A_1867 : i32 to index
    %swap3A_1869 = arith.constant 32 : index
    %swap3A_1870 = tpu.vector_load %arg29[%swap3A_1868, %swap3A_1869] {strides = array<i32>} : memref<64x128xf32, #tpu.memory_space<vmem>>, vector<16xf32>,
    tpu.vector_store %arg29[%swap3A_1868, %swap3A_1869], %broadcast_in_dim3A_3 {strides = array<i32>} : memref<64x128xf32, #tpu.memory_space<vmem>>, vector<16xf32>,
    %swap3A_1871 = arith.constant 58 : i32
    %swap3A_1872 = arith.index_cast %swap3A_1871 : i32 to index
    %swap3A_1873 = arith.constant 48 : index
    %swap3A_1874 = tpu.vector_load %arg29[%swap3A_1872, %swap3A_1873] {strides = array<i32>} : memref<64x128xf32, #tpu.memory_space<vmem>>, vector<16xf32>,
    tpu.vector_store %arg29[%swap3A_1872, %swap3A_1873], %broadcast_in_dim3A_3 {strides = array<i32>} : memref<64x128xf32, #tpu.memory_space<vmem>>, vector<16xf32>,
    %swap3A_1875 = arith.constant 58 : i32
    %swap3A_1876 = arith.index_cast %swap3A_1875 : i32 to index
    %swap3A_1877 = arith.constant 64 : index
    %swap3A_1878 = tpu.vector_load %arg29[%swap3A_1876, %swap3A_1877] {strides = array<i32>} : memref<64x128xf32, #tpu.memory_space<vmem>>, vector<16xf32>,
    tpu.vector_store %arg29[%swap3A_1876, %swap3A_1877], %broadcast_in_dim3A_3 {strides = array<i32>} : memref<64x128xf32, #tpu.memory_space<vmem>>, vector<16xf32>,
    %swap3A_1879 = arith.constant 58 : i32
    %swap3A_1880 = arith.index_cast %swap3A_1879 : i32 to index
    %swap3A_1881 = arith.constant 80 : index
    %swap3A_1882 = tpu.vector_load %arg29[%swap3A_1880, %swap3A_1881] {strides = array<i32>} : memref<64x128xf32, #tpu.memory_space<vmem>>, vector<16xf32>,
    tpu.vector_store %arg29[%swap3A_1880, %swap3A_1881], %broadcast_in_dim3A_3 {strides = array<i32>} : memref<64x128xf32, #tpu.memory_space<vmem>>, vector<16xf32>,
    %swap3A_1883 = arith.constant 58 : i32
    %swap3A_1884 = arith.index_cast %swap3A_1883 : i32 to index
    %swap3A_1885 = arith.constant 96 : index
    %swap3A_1886 = tpu.vector_load %arg29[%swap3A_1884, %swap3A_1885] {strides = array<i32>} : memref<64x128xf32, #tpu.memory_space<vmem>>, vector<16xf32>,
    tpu.vector_store %arg29[%swap3A_1884, %swap3A_1885], %broadcast_in_dim3A_3 {strides = array<i32>} : memref<64x128xf32, #tpu.memory_space<vmem>>, vector<16xf32>,
    %swap3A_1887 = arith.constant 58 : i32
    %swap3A_1888 = arith.index_cast %swap3A_1887 : i32 to index
    %swap3A_1889 = arith.constant 112 : index
    %swap3A_1890 = tpu.vector_load %arg29[%swap3A_1888, %swap3A_1889] {strides = array<i32>} : memref<64x128xf32, #tpu.memory_space<vmem>>, vector<16xf32>,
    tpu.vector_store %arg29[%swap3A_1888, %swap3A_1889], %broadcast_in_dim3A_3 {strides = array<i32>} : memref<64x128xf32, #tpu.memory_space<vmem>>, vector<16xf32>,
    %swap3A_1891 = arith.constant 59 : i32
    %swap3A_1892 = arith.index_cast %swap3A_1891 : i32 to index
    %swap3A_1893 = arith.constant 0 : index
    %swap3A_1894 = tpu.vector_load %arg29[%swap3A_1892, %swap3A_1893] {strides = array<i32>} : memref<64x128xf32, #tpu.memory_space<vmem>>, vector<16xf32>,
    tpu.vector_store %arg29[%swap3A_1892, %swap3A_1893], %broadcast_in_dim3A_3 {strides = array<i32>} : memref<64x128xf32, #tpu.memory_space<vmem>>, vector<16xf32>,
    %swap3A_1895 = arith.constant 59 : i32
    %swap3A_1896 = arith.index_cast %swap3A_1895 : i32 to index
    %swap3A_1897 = arith.constant 16 : index
    %swap3A_1898 = tpu.vector_load %arg29[%swap3A_1896, %swap3A_1897] {strides = array<i32>} : memref<64x128xf32, #tpu.memory_space<vmem>>, vector<16xf32>,
    tpu.vector_store %arg29[%swap3A_1896, %swap3A_1897], %broadcast_in_dim3A_3 {strides = array<i32>} : memref<64x128xf32, #tpu.memory_space<vmem>>, vector<16xf32>,
    %swap3A_1899 = arith.constant 59 : i32
    %swap3A_1900 = arith.index_cast %swap3A_1899 : i32 to index
    %swap3A_1901 = arith.constant 32 : index
    %swap3A_1902 = tpu.vector_load %arg29[%swap3A_1900, %swap3A_1901] {strides = array<i32>} : memref<64x128xf32, #tpu.memory_space<vmem>>, vector<16xf32>,
    tpu.vector_store %arg29[%swap3A_1900, %swap3A_1901], %broadcast_in_dim3A_3 {strides = array<i32>} : memref<64x128xf32, #tpu.memory_space<vmem>>, vector<16xf32>,
    %swap3A_1903 = arith.constant 59 : i32
    %swap3A_1904 = arith.index_cast %swap3A_1903 : i32 to index
    %swap3A_1905 = arith.constant 48 : index
    %swap3A_1906 = tpu.vector_load %arg29[%swap3A_1904, %swap3A_1905] {strides = array<i32>} : memref<64x128xf32, #tpu.memory_space<vmem>>, vector<16xf32>,
    tpu.vector_store %arg29[%swap3A_1904, %swap3A_1905], %broadcast_in_dim3A_3 {strides = array<i32>} : memref<64x128xf32, #tpu.memory_space<vmem>>, vector<16xf32>,
    %swap3A_1907 = arith.constant 59 : i32
    %swap3A_1908 = arith.index_cast %swap3A_1907 : i32 to index
    %swap3A_1909 = arith.constant 64 : index
    %swap3A_1910 = tpu.vector_load %arg29[%swap3A_1908, %swap3A_1909] {strides = array<i32>} : memref<64x128xf32, #tpu.memory_space<vmem>>, vector<16xf32>,
    tpu.vector_store %arg29[%swap3A_1908, %swap3A_1909], %broadcast_in_dim3A_3 {strides = array<i32>} : memref<64x128xf32, #tpu.memory_space<vmem>>, vector<16xf32>,
    %swap3A_1911 = arith.constant 59 : i32
    %swap3A_1912 = arith.index_cast %swap3A_1911 : i32 to index
    %swap3A_1913 = arith.constant 80 : index
    %swap3A_1914 = tpu.vector_load %arg29[%swap3A_1912, %swap3A_1913] {strides = array<i32>} : memref<64x128xf32, #tpu.memory_space<vmem>>, vector<16xf32>,
    tpu.vector_store %arg29[%swap3A_1912, %swap3A_1913], %broadcast_in_dim3A_3 {strides = array<i32>} : memref<64x128xf32, #tpu.memory_space<vmem>>, vector<16xf32>,
    %swap3A_1915 = arith.constant 59 : i32
    %swap3A_1916 = arith.index_cast %swap3A_1915 : i32 to index
    %swap3A_1917 = arith.constant 96 : index
    %swap3A_1918 = tpu.vector_load %arg29[%swap3A_1916, %swap3A_1917] {strides = array<i32>} : memref<64x128xf32, #tpu.memory_space<vmem>>, vector<16xf32>,
    tpu.vector_store %arg29[%swap3A_1916, %swap3A_1917], %broadcast_in_dim3A_3 {strides = array<i32>} : memref<64x128xf32, #tpu.memory_space<vmem>>, vector<16xf32>,
    %swap3A_1919 = arith.constant 59 : i32
    %swap3A_1920 = arith.index_cast %swap3A_1919 : i32 to index
    %swap3A_1921 = arith.constant 112 : index
    %swap3A_1922 = tpu.vector_load %arg29[%swap3A_1920, %swap3A_1921] {strides = array<i32>} : memref<64x128xf32, #tpu.memory_space<vmem>>, vector<16xf32>,
    tpu.vector_store %arg29[%swap3A_1920, %swap3A_1921], %broadcast_in_dim3A_3 {strides = array<i32>} : memref<64x128xf32, #tpu.memory_space<vmem>>, vector<16xf32>,
    %swap3A_1923 = arith.constant 60 : i32
    %swap3A_1924 = arith.index_cast %swap3A_1923 : i32 to index
    %swap3A_1925 = arith.constant 0 : index
    %swap3A_1926 = tpu.vector_load %arg29[%swap3A_1924, %swap3A_1925] {strides = array<i32>} : memref<64x128xf32, #tpu.memory_space<vmem>>, vector<16xf32>,
    tpu.vector_store %arg29[%swap3A_1924, %swap3A_1925], %broadcast_in_dim3A_3 {strides = array<i32>} : memref<64x128xf32, #tpu.memory_space<vmem>>, vector<16xf32>,
    %swap3A_1927 = arith.constant 60 : i32
    %swap3A_1928 = arith.index_cast %swap3A_1927 : i32 to index
    %swap3A_1929 = arith.constant 16 : index
    %swap3A_1930 = tpu.vector_load %arg29[%swap3A_1928, %swap3A_1929] {strides = array<i32>} : memref<64x128xf32, #tpu.memory_space<vmem>>, vector<16xf32>,
    tpu.vector_store %arg29[%swap3A_1928, %swap3A_1929], %broadcast_in_dim3A_3 {strides = array<i32>} : memref<64x128xf32, #tpu.memory_space<vmem>>, vector<16xf32>,
    %swap3A_1931 = arith.constant 60 : i32
    %swap3A_1932 = arith.index_cast %swap3A_1931 : i32 to index
    %swap3A_1933 = arith.constant 32 : index
    %swap3A_1934 = tpu.vector_load %arg29[%swap3A_1932, %swap3A_1933] {strides = array<i32>} : memref<64x128xf32, #tpu.memory_space<vmem>>, vector<16xf32>,
    tpu.vector_store %arg29[%swap3A_1932, %swap3A_1933], %broadcast_in_dim3A_3 {strides = array<i32>} : memref<64x128xf32, #tpu.memory_space<vmem>>, vector<16xf32>,
    %swap3A_1935 = arith.constant 60 : i32
    %swap3A_1936 = arith.index_cast %swap3A_1935 : i32 to index
    %swap3A_1937 = arith.constant 48 : index
    %swap3A_1938 = tpu.vector_load %arg29[%swap3A_1936, %swap3A_1937] {strides = array<i32>} : memref<64x128xf32, #tpu.memory_space<vmem>>, vector<16xf32>,
    tpu.vector_store %arg29[%swap3A_1936, %swap3A_1937], %broadcast_in_dim3A_3 {strides = array<i32>} : memref<64x128xf32, #tpu.memory_space<vmem>>, vector<16xf32>,
    %swap3A_1939 = arith.constant 60 : i32
    %swap3A_1940 = arith.index_cast %swap3A_1939 : i32 to index
    %swap3A_1941 = arith.constant 64 : index
    %swap3A_1942 = tpu.vector_load %arg29[%swap3A_1940, %swap3A_1941] {strides = array<i32>} : memref<64x128xf32, #tpu.memory_space<vmem>>, vector<16xf32>,
    tpu.vector_store %arg29[%swap3A_1940, %swap3A_1941], %broadcast_in_dim3A_3 {strides = array<i32>} : memref<64x128xf32, #tpu.memory_space<vmem>>, vector<16xf32>,
    %swap3A_1943 = arith.constant 60 : i32
    %swap3A_1944 = arith.index_cast %swap3A_1943 : i32 to index
    %swap3A_1945 = arith.constant 80 : index
    %swap3A_1946 = tpu.vector_load %arg29[%swap3A_1944, %swap3A_1945] {strides = array<i32>} : memref<64x128xf32, #tpu.memory_space<vmem>>, vector<16xf32>,
    tpu.vector_store %arg29[%swap3A_1944, %swap3A_1945], %broadcast_in_dim3A_3 {strides = array<i32>} : memref<64x128xf32, #tpu.memory_space<vmem>>, vector<16xf32>,
    %swap3A_1947 = arith.constant 60 : i32
    %swap3A_1948 = arith.index_cast %swap3A_1947 : i32 to index
    %swap3A_1949 = arith.constant 96 : index
    %swap3A_1950 = tpu.vector_load %arg29[%swap3A_1948, %swap3A_1949] {strides = array<i32>} : memref<64x128xf32, #tpu.memory_space<vmem>>, vector<16xf32>,
    tpu.vector_store %arg29[%swap3A_1948, %swap3A_1949], %broadcast_in_dim3A_3 {strides = array<i32>} : memref<64x128xf32, #tpu.memory_space<vmem>>, vector<16xf32>,
    %swap3A_1951 = arith.constant 60 : i32
    %swap3A_1952 = arith.index_cast %swap3A_1951 : i32 to index
    %swap3A_1953 = arith.constant 112 : index
    %swap3A_1954 = tpu.vector_load %arg29[%swap3A_1952, %swap3A_1953] {strides = array<i32>} : memref<64x128xf32, #tpu.memory_space<vmem>>, vector<16xf32>,
    tpu.vector_store %arg29[%swap3A_1952, %swap3A_1953], %broadcast_in_dim3A_3 {strides = array<i32>} : memref<64x128xf32, #tpu.memory_space<vmem>>, vector<16xf32>,
    %swap3A_1955 = arith.constant 61 : i32
    %swap3A_1956 = arith.index_cast %swap3A_1955 : i32 to index
    %swap3A_1957 = arith.constant 0 : index
    %swap3A_1958 = tpu.vector_load %arg29[%swap3A_1956, %swap3A_1957] {strides = array<i32>} : memref<64x128xf32, #tpu.memory_space<vmem>>, vector<16xf32>,
    tpu.vector_store %arg29[%swap3A_1956, %swap3A_1957], %broadcast_in_dim3A_3 {strides = array<i32>} : memref<64x128xf32, #tpu.memory_space<vmem>>, vector<16xf32>,
    %swap3A_1959 = arith.constant 61 : i32
    %swap3A_1960 = arith.index_cast %swap3A_1959 : i32 to index
    %swap3A_1961 = arith.constant 16 : index
    %swap3A_1962 = tpu.vector_load %arg29[%swap3A_1960, %swap3A_1961] {strides = array<i32>} : memref<64x128xf32, #tpu.memory_space<vmem>>, vector<16xf32>,
    tpu.vector_store %arg29[%swap3A_1960, %swap3A_1961], %broadcast_in_dim3A_3 {strides = array<i32>} : memref<64x128xf32, #tpu.memory_space<vmem>>, vector<16xf32>,
    %swap3A_1963 = arith.constant 61 : i32
    %swap3A_1964 = arith.index_cast %swap3A_1963 : i32 to index
    %swap3A_1965 = arith.constant 32 : index
    %swap3A_1966 = tpu.vector_load %arg29[%swap3A_1964, %swap3A_1965] {strides = array<i32>} : memref<64x128xf32, #tpu.memory_space<vmem>>, vector<16xf32>,
    tpu.vector_store %arg29[%swap3A_1964, %swap3A_1965], %broadcast_in_dim3A_3 {strides = array<i32>} : memref<64x128xf32, #tpu.memory_space<vmem>>, vector<16xf32>,
    %swap3A_1967 = arith.constant 61 : i32
    %swap3A_1968 = arith.index_cast %swap3A_1967 : i32 to index
    %swap3A_1969 = arith.constant 48 : index
    %swap3A_1970 = tpu.vector_load %arg29[%swap3A_1968, %swap3A_1969] {strides = array<i32>} : memref<64x128xf32, #tpu.memory_space<vmem>>, vector<16xf32>,
    tpu.vector_store %arg29[%swap3A_1968, %swap3A_1969], %broadcast_in_dim3A_3 {strides = array<i32>} : memref<64x128xf32, #tpu.memory_space<vmem>>, vector<16xf32>,
    %swap3A_1971 = arith.constant 61 : i32
    %swap3A_1972 = arith.index_cast %swap3A_1971 : i32 to index
    %swap3A_1973 = arith.constant 64 : index
    %swap3A_1974 = tpu.vector_load %arg29[%swap3A_1972, %swap3A_1973] {strides = array<i32>} : memref<64x128xf32, #tpu.memory_space<vmem>>, vector<16xf32>,
    tpu.vector_store %arg29[%swap3A_1972, %swap3A_1973], %broadcast_in_dim3A_3 {strides = array<i32>} : memref<64x128xf32, #tpu.memory_space<vmem>>, vector<16xf32>,
    %swap3A_1975 = arith.constant 61 : i32
    %swap3A_1976 = arith.index_cast %swap3A_1975 : i32 to index
    %swap3A_1977 = arith.constant 80 : index
    %swap3A_1978 = tpu.vector_load %arg29[%swap3A_1976, %swap3A_1977] {strides = array<i32>} : memref<64x128xf32, #tpu.memory_space<vmem>>, vector<16xf32>,
    tpu.vector_store %arg29[%swap3A_1976, %swap3A_1977], %broadcast_in_dim3A_3 {strides = array<i32>} : memref<64x128xf32, #tpu.memory_space<vmem>>, vector<16xf32>,
    %swap3A_1979 = arith.constant 61 : i32
    %swap3A_1980 = arith.index_cast %swap3A_1979 : i32 to index
    %swap3A_1981 = arith.constant 96 : index
    %swap3A_1982 = tpu.vector_load %arg29[%swap3A_1980, %swap3A_1981] {strides = array<i32>} : memref<64x128xf32, #tpu.memory_space<vmem>>, vector<16xf32>,
    tpu.vector_store %arg29[%swap3A_1980, %swap3A_1981], %broadcast_in_dim3A_3 {strides = array<i32>} : memref<64x128xf32, #tpu.memory_space<vmem>>, vector<16xf32>,
    %swap3A_1983 = arith.constant 61 : i32
    %swap3A_1984 = arith.index_cast %swap3A_1983 : i32 to index
    %swap3A_1985 = arith.constant 112 : index
    %swap3A_1986 = tpu.vector_load %arg29[%swap3A_1984, %swap3A_1985] {strides = array<i32>} : memref<64x128xf32, #tpu.memory_space<vmem>>, vector<16xf32>,
    tpu.vector_store %arg29[%swap3A_1984, %swap3A_1985], %broadcast_in_dim3A_3 {strides = array<i32>} : memref<64x128xf32, #tpu.memory_space<vmem>>, vector<16xf32>,
    %swap3A_1987 = arith.constant 62 : i32
    %swap3A_1988 = arith.index_cast %swap3A_1987 : i32 to index
    %swap3A_1989 = arith.constant 0 : index
    %swap3A_1990 = tpu.vector_load %arg29[%swap3A_1988, %swap3A_1989] {strides = array<i32>} : memref<64x128xf32, #tpu.memory_space<vmem>>, vector<16xf32>,
    tpu.vector_store %arg29[%swap3A_1988, %swap3A_1989], %broadcast_in_dim3A_3 {strides = array<i32>} : memref<64x128xf32, #tpu.memory_space<vmem>>, vector<16xf32>,
    %swap3A_1991 = arith.constant 62 : i32
    %swap3A_1992 = arith.index_cast %swap3A_1991 : i32 to index
    %swap3A_1993 = arith.constant 16 : index
    %swap3A_1994 = tpu.vector_load %arg29[%swap3A_1992, %swap3A_1993] {strides = array<i32>} : memref<64x128xf32, #tpu.memory_space<vmem>>, vector<16xf32>,
    tpu.vector_store %arg29[%swap3A_1992, %swap3A_1993], %broadcast_in_dim3A_3 {strides = array<i32>} : memref<64x128xf32, #tpu.memory_space<vmem>>, vector<16xf32>,
    %swap3A_1995 = arith.constant 62 : i32
    %swap3A_1996 = arith.index_cast %swap3A_1995 : i32 to index
    %swap3A_1997 = arith.constant 32 : index
    %swap3A_1998 = tpu.vector_load %arg29[%swap3A_1996, %swap3A_1997] {strides = array<i32>} : memref<64x128xf32, #tpu.memory_space<vmem>>, vector<16xf32>,
    tpu.vector_store %arg29[%swap3A_1996, %swap3A_1997], %broadcast_in_dim3A_3 {strides = array<i32>} : memref<64x128xf32, #tpu.memory_space<vmem>>, vector<16xf32>,
    %swap3A_1999 = arith.constant 62 : i32
    %swap3A_2000 = arith.index_cast %swap3A_1999 : i32 to index
    %swap3A_2001 = arith.constant 48 : index
    %swap3A_2002 = tpu.vector_load %arg29[%swap3A_2000, %swap3A_2001] {strides = array<i32>} : memref<64x128xf32, #tpu.memory_space<vmem>>, vector<16xf32>,
    tpu.vector_store %arg29[%swap3A_2000, %swap3A_2001], %broadcast_in_dim3A_3 {strides = array<i32>} : memref<64x128xf32, #tpu.memory_space<vmem>>, vector<16xf32>,
    %swap3A_2003 = arith.constant 62 : i32
    %swap3A_2004 = arith.index_cast %swap3A_2003 : i32 to index
    %swap3A_2005 = arith.constant 64 : index
    %swap3A_2006 = tpu.vector_load %arg29[%swap3A_2004, %swap3A_2005] {strides = array<i32>} : memref<64x128xf32, #tpu.memory_space<vmem>>, vector<16xf32>,
    tpu.vector_store %arg29[%swap3A_2004, %swap3A_2005], %broadcast_in_dim3A_3 {strides = array<i32>} : memref<64x128xf32, #tpu.memory_space<vmem>>, vector<16xf32>,
    %swap3A_2007 = arith.constant 62 : i32
    %swap3A_2008 = arith.index_cast %swap3A_2007 : i32 to index
    %swap3A_2009 = arith.constant 80 : index
    %swap3A_2010 = tpu.vector_load %arg29[%swap3A_2008, %swap3A_2009] {strides = array<i32>} : memref<64x128xf32, #tpu.memory_space<vmem>>, vector<16xf32>,
    tpu.vector_store %arg29[%swap3A_2008, %swap3A_2009], %broadcast_in_dim3A_3 {strides = array<i32>} : memref<64x128xf32, #tpu.memory_space<vmem>>, vector<16xf32>,
    %swap3A_2011 = arith.constant 62 : i32
    %swap3A_2012 = arith.index_cast %swap3A_2011 : i32 to index
    %swap3A_2013 = arith.constant 96 : index
    %swap3A_2014 = tpu.vector_load %arg29[%swap3A_2012, %swap3A_2013] {strides = array<i32>} : memref<64x128xf32, #tpu.memory_space<vmem>>, vector<16xf32>,
    tpu.vector_store %arg29[%swap3A_2012, %swap3A_2013], %broadcast_in_dim3A_3 {strides = array<i32>} : memref<64x128xf32, #tpu.memory_space<vmem>>, vector<16xf32>,
    %swap3A_2015 = arith.constant 62 : i32
    %swap3A_2016 = arith.index_cast %swap3A_2015 : i32 to index
    %swap3A_2017 = arith.constant 112 : index
    %swap3A_2018 = tpu.vector_load %arg29[%swap3A_2016, %swap3A_2017] {strides = array<i32>} : memref<64x128xf32, #tpu.memory_space<vmem>>, vector<16xf32>,
    tpu.vector_store %arg29[%swap3A_2016, %swap3A_2017], %broadcast_in_dim3A_3 {strides = array<i32>} : memref<64x128xf32, #tpu.memory_space<vmem>>, vector<16xf32>,
    %swap3A_2019 = arith.constant 63 : i32
    %swap3A_2020 = arith.index_cast %swap3A_2019 : i32 to index
    %swap3A_2021 = arith.constant 0 : index
    %swap3A_2022 = tpu.vector_load %arg29[%swap3A_2020, %swap3A_2021] {strides = array<i32>} : memref<64x128xf32, #tpu.memory_space<vmem>>, vector<16xf32>,
    tpu.vector_store %arg29[%swap3A_2020, %swap3A_2021], %broadcast_in_dim3A_3 {strides = array<i32>} : memref<64x128xf32, #tpu.memory_space<vmem>>, vector<16xf32>,
    %swap3A_2023 = arith.constant 63 : i32
    %swap3A_2024 = arith.index_cast %swap3A_2023 : i32 to index
    %swap3A_2025 = arith.constant 16 : index
    %swap3A_2026 = tpu.vector_load %arg29[%swap3A_2024, %swap3A_2025] {strides = array<i32>} : memref<64x128xf32, #tpu.memory_space<vmem>>, vector<16xf32>,
    tpu.vector_store %arg29[%swap3A_2024, %swap3A_2025], %broadcast_in_dim3A_3 {strides = array<i32>} : memref<64x128xf32, #tpu.memory_space<vmem>>, vector<16xf32>,
    %swap3A_2027 = arith.constant 63 : i32
    %swap3A_2028 = arith.index_cast %swap3A_2027 : i32 to index
    %swap3A_2029 = arith.constant 32 : index
    %swap3A_2030 = tpu.vector_load %arg29[%swap3A_2028, %swap3A_2029] {strides = array<i32>} : memref<64x128xf32, #tpu.memory_space<vmem>>, vector<16xf32>,
    tpu.vector_store %arg29[%swap3A_2028, %swap3A_2029], %broadcast_in_dim3A_3 {strides = array<i32>} : memref<64x128xf32, #tpu.memory_space<vmem>>, vector<16xf32>,
    %swap3A_2031 = arith.constant 63 : i32
    %swap3A_2032 = arith.index_cast %swap3A_2031 : i32 to index
    %swap3A_2033 = arith.constant 48 : index
    %swap3A_2034 = tpu.vector_load %arg29[%swap3A_2032, %swap3A_2033] {strides = array<i32>} : memref<64x128xf32, #tpu.memory_space<vmem>>, vector<16xf32>,
    tpu.vector_store %arg29[%swap3A_2032, %swap3A_2033], %broadcast_in_dim3A_3 {strides = array<i32>} : memref<64x128xf32, #tpu.memory_space<vmem>>, vector<16xf32>,
    %swap3A_2035 = arith.constant 63 : i32
    %swap3A_2036 = arith.index_cast %swap3A_2035 : i32 to index
    %swap3A_2037 = arith.constant 64 : index
    %swap3A_2038 = tpu.vector_load %arg29[%swap3A_2036, %swap3A_2037] {strides = array<i32>} : memref<64x128xf32, #tpu.memory_space<vmem>>, vector<16xf32>,
    tpu.vector_store %arg29[%swap3A_2036, %swap3A_2037], %broadcast_in_dim3A_3 {strides = array<i32>} : memref<64x128xf32, #tpu.memory_space<vmem>>, vector<16xf32>,
    %swap3A_2039 = arith.constant 63 : i32
    %swap3A_2040 = arith.index_cast %swap3A_2039 : i32 to index
    %swap3A_2041 = arith.constant 80 : index
    %swap3A_2042 = tpu.vector_load %arg29[%swap3A_2040, %swap3A_2041] {strides = array<i32>} : memref<64x128xf32, #tpu.memory_space<vmem>>, vector<16xf32>,
    tpu.vector_store %arg29[%swap3A_2040, %swap3A_2041], %broadcast_in_dim3A_3 {strides = array<i32>} : memref<64x128xf32, #tpu.memory_space<vmem>>, vector<16xf32>,
    %swap3A_2043 = arith.constant 63 : i32
    %swap3A_2044 = arith.index_cast %swap3A_2043 : i32 to index
    %swap3A_2045 = arith.constant 96 : index
    %swap3A_2046 = tpu.vector_load %arg29[%swap3A_2044, %swap3A_2045] {strides = array<i32>} : memref<64x128xf32, #tpu.memory_space<vmem>>, vector<16xf32>,
    tpu.vector_store %arg29[%swap3A_2044, %swap3A_2045], %broadcast_in_dim3A_3 {strides = array<i32>} : memref<64x128xf32, #tpu.memory_space<vmem>>, vector<16xf32>,
    %swap3A_2047 = arith.constant 63 : i32
    %swap3A_2048 = arith.index_cast %swap3A_2047 : i32 to index
    %swap3A_2049 = arith.constant 112 : index
    %swap3A_2050 = tpu.vector_load %arg29[%swap3A_2048, %swap3A_2049] {strides = array<i32>} : memref<64x128xf32, #tpu.memory_space<vmem>>, vector<16xf32>,
    tpu.vector_store %arg29[%swap3A_2048, %swap3A_2049], %broadcast_in_dim3A_3 {strides = array<i32>} : memref<64x128xf32, #tpu.memory_space<vmem>>, vector<16xf32>,
    %add3A = arith.constant 0 : i32
    %add3A_2051 = arith.addi %mul3A_0, %add3A : i32
    "tpu.region"() ({
      %run_scoped3A = tpu.sem_alloc : memref<!tpu.dma_semaphore, #tpu.memory_space<semaphore_mem>>
      %dma_start3A_2707 = arith.constant 0 : i32
      %dma_start3A_2708 = tpu.memref_slice %arg9[%add3A_2051, %dma_start3A_2707] : memref<10112x128xf32, #tpu.memory_space<vmem_shared>> -> memref<64x128xf32, #tpu.memory_space<vmem_shared>>
      %dma_start3A_2709 = arith.constant 0 : i32
      %dma_start3A_2710 = tpu.memref_slice %arg9[%add3A_2051, %dma_start3A_2709] : memref<10112x128xf32, #tpu.memory_space<vmem_shared>> -> memref<64x128xf32, #tpu.memory_space<vmem_shared>>
      tpu.enqueue_dma source(%arg29 : memref<64x128xf32, #tpu.memory_space<vmem>>) target(%dma_start3A_2710 : memref<64x128xf32, #tpu.memory_space<vmem_shared>>) target_semaphore(%run_scoped3A : memref<!tpu.dma_semaphore, #tpu.memory_space<semaphore_mem>>)
      %dma_wait3A_2711 = arith.constant 0 : i32
      %dma_wait3A_2712 = tpu.memref_slice %arg9[%add3A_2051, %dma_wait3A_2711] : memref<10112x128xf32, #tpu.memory_space<vmem_shared>> -> memref<64x128xf32, #tpu.memory_space<vmem_shared>>
      %dma_wait3A_2713 = arith.constant 0 : i32
      %dma_wait3A_2714 = tpu.memref_slice %arg9[%add3A_2051, %dma_wait3A_2713] : memref<10112x128xf32, #tpu.memory_space<vmem_shared>> -> memref<64x128xf32, #tpu.memory_space<vmem_shared>>
      tpu.wait_dma2 semaphore(%run_scoped3A : memref<!tpu.dma_semaphore, #tpu.memory_space<semaphore_mem>>) src(%arg29 : memref<64x128xf32, #tpu.memory_space<vmem>>) dst(%dma_wait3A_2714 : memref<64x128xf32, #tpu.memory_space<vmem_shared>>)
      tpu.yield
    }) : () -> ()
    %add3A_2052 = arith.constant 64 : i32
    %add3A_2053 = arith.addi %mul3A_0, %add3A_2052 : i32
    "tpu.region"() ({
      %run_scoped3A = tpu.sem_alloc : memref<!tpu.dma_semaphore, #tpu.memory_space<semaphore_mem>>
      %dma_start3A_2707 = arith.constant 0 : i32
      %dma_start3A_2708 = tpu.memref_slice %arg9[%add3A_2053, %dma_start3A_2707] : memref<10112x128xf32, #tpu.memory_space<vmem_shared>> -> memref<64x128xf32, #tpu.memory_space<vmem_shared>>
      %dma_start3A_2709 = arith.constant 0 : i32
      %dma_start3A_2710 = tpu.memref_slice %arg9[%add3A_2053, %dma_start3A_2709] : memref<10112x128xf32, #tpu.memory_space<vmem_shared>> -> memref<64x128xf32, #tpu.memory_space<vmem_shared>>
      tpu.enqueue_dma source(%arg29 : memref<64x128xf32, #tpu.memory_space<vmem>>) target(%dma_start3A_2710 : memref<64x128xf32, #tpu.memory_space<vmem_shared>>) target_semaphore(%run_scoped3A : memref<!tpu.dma_semaphore, #tpu.memory_space<semaphore_mem>>)
      %dma_wait3A_2711 = arith.constant 0 : i32
      %dma_wait3A_2712 = tpu.memref_slice %arg9[%add3A_2053, %dma_wait3A_2711] : memref<10112x128xf32, #tpu.memory_space<vmem_shared>> -> memref<64x128xf32, #tpu.memory_space<vmem_shared>>
      %dma_wait3A_2713 = arith.constant 0 : i32
      %dma_wait3A_2714 = tpu.memref_slice %arg9[%add3A_2053, %dma_wait3A_2713] : memref<10112x128xf32, #tpu.memory_space<vmem_shared>> -> memref<64x128xf32, #tpu.memory_space<vmem_shared>>
      tpu.wait_dma2 semaphore(%run_scoped3A : memref<!tpu.dma_semaphore, #tpu.memory_space<semaphore_mem>>) src(%arg29 : memref<64x128xf32, #tpu.memory_space<vmem>>) dst(%dma_wait3A_2714 : memref<64x128xf32, #tpu.memory_space<vmem_shared>>)
      tpu.yield
    }) : () -> ()
    %add3A_2054 = arith.constant 128 : i32
    %add3A_2055 = arith.addi %mul3A_0, %add3A_2054 : i32
    "tpu.region"() ({
      %run_scoped3A = tpu.sem_alloc : memref<!tpu.dma_semaphore, #tpu.memory_space<semaphore_mem>>
      %dma_start3A_2707 = arith.constant 0 : i32
      %dma_start3A_2708 = tpu.memref_slice %arg9[%add3A_2055, %dma_start3A_2707] : memref<10112x128xf32, #tpu.memory_space<vmem_shared>> -> memref<64x128xf32, #tpu.memory_space<vmem_shared>>
      %dma_start3A_2709 = arith.constant 0 : i32
      %dma_start3A_2710 = tpu.memref_slice %arg9[%add3A_2055, %dma_start3A_2709] : memref<10112x128xf32, #tpu.memory_space<vmem_shared>> -> memref<64x128xf32, #tpu.memory_space<vmem_shared>>
      tpu.enqueue_dma source(%arg29 : memref<64x128xf32, #tpu.memory_space<vmem>>) target(%dma_start3A_2710 : memref<64x128xf32, #tpu.memory_space<vmem_shared>>) target_semaphore(%run_scoped3A : memref<!tpu.dma_semaphore, #tpu.memory_space<semaphore_mem>>)
      %dma_wait3A_2711 = arith.constant 0 : i32
      %dma_wait3A_2712 = tpu.memref_slice %arg9[%add3A_2055, %dma_wait3A_2711] : memref<10112x128xf32, #tpu.memory_space<vmem_shared>> -> memref<64x128xf32, #tpu.memory_space<vmem_shared>>
      %dma_wait3A_2713 = arith.constant 0 : i32
      %dma_wait3A_2714 = tpu.memref_slice %arg9[%add3A_2055, %dma_wait3A_2713] : memref<10112x128xf32, #tpu.memory_space<vmem_shared>> -> memref<64x128xf32, #tpu.memory_space<vmem_shared>>
      tpu.wait_dma2 semaphore(%run_scoped3A : memref<!tpu.dma_semaphore, #tpu.memory_space<semaphore_mem>>) src(%arg29 : memref<64x128xf32, #tpu.memory_space<vmem>>) dst(%dma_wait3A_2714 : memref<64x128xf32, #tpu.memory_space<vmem_shared>>)
      tpu.yield
    }) : () -> ()
    %add3A_2056 = arith.constant 192 : i32
    %add3A_2057 = arith.addi %mul3A_0, %add3A_2056 : i32
    "tpu.region"() ({
      %run_scoped3A = tpu.sem_alloc : memref<!tpu.dma_semaphore, #tpu.memory_space<semaphore_mem>>
      %dma_start3A_2707 = arith.constant 0 : i32
      %dma_start3A_2708 = tpu.memref_slice %arg9[%add3A_2057, %dma_start3A_2707] : memref<10112x128xf32, #tpu.memory_space<vmem_shared>> -> memref<64x128xf32, #tpu.memory_space<vmem_shared>>
      %dma_start3A_2709 = arith.constant 0 : i32
      %dma_start3A_2710 = tpu.memref_slice %arg9[%add3A_2057, %dma_start3A_2709] : memref<10112x128xf32, #tpu.memory_space<vmem_shared>> -> memref<64x128xf32, #tpu.memory_space<vmem_shared>>
      tpu.enqueue_dma source(%arg29 : memref<64x128xf32, #tpu.memory_space<vmem>>) target(%dma_start3A_2710 : memref<64x128xf32, #tpu.memory_space<vmem_shared>>) target_semaphore(%run_scoped3A : memref<!tpu.dma_semaphore, #tpu.memory_space<semaphore_mem>>)
      %dma_wait3A_2711 = arith.constant 0 : i32
      %dma_wait3A_2712 = tpu.memref_slice %arg9[%add3A_2057, %dma_wait3A_2711] : memref<10112x128xf32, #tpu.memory_space<vmem_shared>> -> memref<64x128xf32, #tpu.memory_space<vmem_shared>>
      %dma_wait3A_2713 = arith.constant 0 : i32
      %dma_wait3A_2714 = tpu.memref_slice %arg9[%add3A_2057, %dma_wait3A_2713] : memref<10112x128xf32, #tpu.memory_space<vmem_shared>> -> memref<64x128xf32, #tpu.memory_space<vmem_shared>>
      tpu.wait_dma2 semaphore(%run_scoped3A : memref<!tpu.dma_semaphore, #tpu.memory_space<semaphore_mem>>) src(%arg29 : memref<64x128xf32, #tpu.memory_space<vmem>>) dst(%dma_wait3A_2714 : memref<64x128xf32, #tpu.memory_space<vmem_shared>>)
      tpu.yield
    }) : () -> ()
    %add3A_2058 = arith.constant 256 : i32
    %add3A_2059 = arith.addi %mul3A_0, %add3A_2058 : i32
    "tpu.region"() ({
      %run_scoped3A = tpu.sem_alloc : memref<!tpu.dma_semaphore, #tpu.memory_space<semaphore_mem>>
      %dma_start3A_2707 = arith.constant 0 : i32
      %dma_start3A_2708 = tpu.memref_slice %arg9[%add3A_2059, %dma_start3A_2707] : memref<10112x128xf32, #tpu.memory_space<vmem_shared>> -> memref<64x128xf32, #tpu.memory_space<vmem_shared>>
      %dma_start3A_2709 = arith.constant 0 : i32
      %dma_start3A_2710 = tpu.memref_slice %arg9[%add3A_2059, %dma_start3A_2709] : memref<10112x128xf32, #tpu.memory_space<vmem_shared>> -> memref<64x128xf32, #tpu.memory_space<vmem_shared>>
      tpu.enqueue_dma source(%arg29 : memref<64x128xf32, #tpu.memory_space<vmem>>) target(%dma_start3A_2710 : memref<64x128xf32, #tpu.memory_space<vmem_shared>>) target_semaphore(%run_scoped3A : memref<!tpu.dma_semaphore, #tpu.memory_space<semaphore_mem>>)
      %dma_wait3A_2711 = arith.constant 0 : i32
      %dma_wait3A_2712 = tpu.memref_slice %arg9[%add3A_2059, %dma_wait3A_2711] : memref<10112x128xf32, #tpu.memory_space<vmem_shared>> -> memref<64x128xf32, #tpu.memory_space<vmem_shared>>
      %dma_wait3A_2713 = arith.constant 0 : i32
      %dma_wait3A_2714 = tpu.memref_slice %arg9[%add3A_2059, %dma_wait3A_2713] : memref<10112x128xf32, #tpu.memory_space<vmem_shared>> -> memref<64x128xf32, #tpu.memory_space<vmem_shared>>
      tpu.wait_dma2 semaphore(%run_scoped3A : memref<!tpu.dma_semaphore, #tpu.memory_space<semaphore_mem>>) src(%arg29 : memref<64x128xf32, #tpu.memory_space<vmem>>) dst(%dma_wait3A_2714 : memref<64x128xf32, #tpu.memory_space<vmem_shared>>)
      tpu.yield
    }) : () -> ()
    %add3A_2060 = arith.constant 320 : i32
    %add3A_2061 = arith.addi %mul3A_0, %add3A_2060 : i32
    "tpu.region"() ({
      %run_scoped3A = tpu.sem_alloc : memref<!tpu.dma_semaphore, #tpu.memory_space<semaphore_mem>>
      %dma_start3A_2707 = arith.constant 0 : i32
      %dma_start3A_2708 = tpu.memref_slice %arg9[%add3A_2061, %dma_start3A_2707] : memref<10112x128xf32, #tpu.memory_space<vmem_shared>> -> memref<64x128xf32, #tpu.memory_space<vmem_shared>>
      %dma_start3A_2709 = arith.constant 0 : i32
      %dma_start3A_2710 = tpu.memref_slice %arg9[%add3A_2061, %dma_start3A_2709] : memref<10112x128xf32, #tpu.memory_space<vmem_shared>> -> memref<64x128xf32, #tpu.memory_space<vmem_shared>>
      tpu.enqueue_dma source(%arg29 : memref<64x128xf32, #tpu.memory_space<vmem>>) target(%dma_start3A_2710 : memref<64x128xf32, #tpu.memory_space<vmem_shared>>) target_semaphore(%run_scoped3A : memref<!tpu.dma_semaphore, #tpu.memory_space<semaphore_mem>>)
      %dma_wait3A_2711 = arith.constant 0 : i32
      %dma_wait3A_2712 = tpu.memref_slice %arg9[%add3A_2061, %dma_wait3A_2711] : memref<10112x128xf32, #tpu.memory_space<vmem_shared>> -> memref<64x128xf32, #tpu.memory_space<vmem_shared>>
      %dma_wait3A_2713 = arith.constant 0 : i32
      %dma_wait3A_2714 = tpu.memref_slice %arg9[%add3A_2061, %dma_wait3A_2713] : memref<10112x128xf32, #tpu.memory_space<vmem_shared>> -> memref<64x128xf32, #tpu.memory_space<vmem_shared>>
      tpu.wait_dma2 semaphore(%run_scoped3A : memref<!tpu.dma_semaphore, #tpu.memory_space<semaphore_mem>>) src(%arg29 : memref<64x128xf32, #tpu.memory_space<vmem>>) dst(%dma_wait3A_2714 : memref<64x128xf32, #tpu.memory_space<vmem_shared>>)
      tpu.yield
    }) : () -> ()
    %add3A_2062 = arith.constant 384 : i32
    %add3A_2063 = arith.addi %mul3A_0, %add3A_2062 : i32
    "tpu.region"() ({
      %run_scoped3A = tpu.sem_alloc : memref<!tpu.dma_semaphore, #tpu.memory_space<semaphore_mem>>
      %dma_start3A_2707 = arith.constant 0 : i32
      %dma_start3A_2708 = tpu.memref_slice %arg9[%add3A_2063, %dma_start3A_2707] : memref<10112x128xf32, #tpu.memory_space<vmem_shared>> -> memref<64x128xf32, #tpu.memory_space<vmem_shared>>
      %dma_start3A_2709 = arith.constant 0 : i32
      %dma_start3A_2710 = tpu.memref_slice %arg9[%add3A_2063, %dma_start3A_2709] : memref<10112x128xf32, #tpu.memory_space<vmem_shared>> -> memref<64x128xf32, #tpu.memory_space<vmem_shared>>
      tpu.enqueue_dma source(%arg29 : memref<64x128xf32, #tpu.memory_space<vmem>>) target(%dma_start3A_2710 : memref<64x128xf32, #tpu.memory_space<vmem_shared>>) target_semaphore(%run_scoped3A : memref<!tpu.dma_semaphore, #tpu.memory_space<semaphore_mem>>)
      %dma_wait3A_2711 = arith.constant 0 : i32
      %dma_wait3A_2712 = tpu.memref_slice %arg9[%add3A_2063, %dma_wait3A_2711] : memref<10112x128xf32, #tpu.memory_space<vmem_shared>> -> memref<64x128xf32, #tpu.memory_space<vmem_shared>>
      %dma_wait3A_2713 = arith.constant 0 : i32
      %dma_wait3A_2714 = tpu.memref_slice %arg9[%add3A_2063, %dma_wait3A_2713] : memref<10112x128xf32, #tpu.memory_space<vmem_shared>> -> memref<64x128xf32, #tpu.memory_space<vmem_shared>>
      tpu.wait_dma2 semaphore(%run_scoped3A : memref<!tpu.dma_semaphore, #tpu.memory_space<semaphore_mem>>) src(%arg29 : memref<64x128xf32, #tpu.memory_space<vmem>>) dst(%dma_wait3A_2714 : memref<64x128xf32, #tpu.memory_space<vmem_shared>>)
      tpu.yield
    }) : () -> ()
    %add3A_2064 = arith.constant 448 : i32
    %add3A_2065 = arith.addi %mul3A_0, %add3A_2064 : i32
    "tpu.region"() ({
      %run_scoped3A = tpu.sem_alloc : memref<!tpu.dma_semaphore, #tpu.memory_space<semaphore_mem>>
      %dma_start3A_2707 = arith.constant 0 : i32
      %dma_start3A_2708 = tpu.memref_slice %arg9[%add3A_2065, %dma_start3A_2707] : memref<10112x128xf32, #tpu.memory_space<vmem_shared>> -> memref<64x128xf32, #tpu.memory_space<vmem_shared>>
      %dma_start3A_2709 = arith.constant 0 : i32
      %dma_start3A_2710 = tpu.memref_slice %arg9[%add3A_2065, %dma_start3A_2709] : memref<10112x128xf32, #tpu.memory_space<vmem_shared>> -> memref<64x128xf32, #tpu.memory_space<vmem_shared>>
      tpu.enqueue_dma source(%arg29 : memref<64x128xf32, #tpu.memory_space<vmem>>) target(%dma_start3A_2710 : memref<64x128xf32, #tpu.memory_space<vmem_shared>>) target_semaphore(%run_scoped3A : memref<!tpu.dma_semaphore, #tpu.memory_space<semaphore_mem>>)
      %dma_wait3A_2711 = arith.constant 0 : i32
      %dma_wait3A_2712 = tpu.memref_slice %arg9[%add3A_2065, %dma_wait3A_2711] : memref<10112x128xf32, #tpu.memory_space<vmem_shared>> -> memref<64x128xf32, #tpu.memory_space<vmem_shared>>
      %dma_wait3A_2713 = arith.constant 0 : i32
      %dma_wait3A_2714 = tpu.memref_slice %arg9[%add3A_2065, %dma_wait3A_2713] : memref<10112x128xf32, #tpu.memory_space<vmem_shared>> -> memref<64x128xf32, #tpu.memory_space<vmem_shared>>
      tpu.wait_dma2 semaphore(%run_scoped3A : memref<!tpu.dma_semaphore, #tpu.memory_space<semaphore_mem>>) src(%arg29 : memref<64x128xf32, #tpu.memory_space<vmem>>) dst(%dma_wait3A_2714 : memref<64x128xf32, #tpu.memory_space<vmem_shared>>)
      tpu.yield
    }) : () -> ()
    %add3A_2066 = arith.constant 512 : i32
    %add3A_2067 = arith.addi %mul3A_0, %add3A_2066 : i32
    "tpu.region"() ({
      %run_scoped3A = tpu.sem_alloc : memref<!tpu.dma_semaphore, #tpu.memory_space<semaphore_mem>>
      %dma_start3A_2707 = arith.constant 0 : i32
      %dma_start3A_2708 = tpu.memref_slice %arg9[%add3A_2067, %dma_start3A_2707] : memref<10112x128xf32, #tpu.memory_space<vmem_shared>> -> memref<64x128xf32, #tpu.memory_space<vmem_shared>>
      %dma_start3A_2709 = arith.constant 0 : i32
      %dma_start3A_2710 = tpu.memref_slice %arg9[%add3A_2067, %dma_start3A_2709] : memref<10112x128xf32, #tpu.memory_space<vmem_shared>> -> memref<64x128xf32, #tpu.memory_space<vmem_shared>>
      tpu.enqueue_dma source(%arg29 : memref<64x128xf32, #tpu.memory_space<vmem>>) target(%dma_start3A_2710 : memref<64x128xf32, #tpu.memory_space<vmem_shared>>) target_semaphore(%run_scoped3A : memref<!tpu.dma_semaphore, #tpu.memory_space<semaphore_mem>>)
      %dma_wait3A_2711 = arith.constant 0 : i32
      %dma_wait3A_2712 = tpu.memref_slice %arg9[%add3A_2067, %dma_wait3A_2711] : memref<10112x128xf32, #tpu.memory_space<vmem_shared>> -> memref<64x128xf32, #tpu.memory_space<vmem_shared>>
      %dma_wait3A_2713 = arith.constant 0 : i32
      %dma_wait3A_2714 = tpu.memref_slice %arg9[%add3A_2067, %dma_wait3A_2713] : memref<10112x128xf32, #tpu.memory_space<vmem_shared>> -> memref<64x128xf32, #tpu.memory_space<vmem_shared>>
      tpu.wait_dma2 semaphore(%run_scoped3A : memref<!tpu.dma_semaphore, #tpu.memory_space<semaphore_mem>>) src(%arg29 : memref<64x128xf32, #tpu.memory_space<vmem>>) dst(%dma_wait3A_2714 : memref<64x128xf32, #tpu.memory_space<vmem_shared>>)
      tpu.yield
    }) : () -> ()
    %add3A_2068 = arith.constant 576 : i32
    %add3A_2069 = arith.addi %mul3A_0, %add3A_2068 : i32
    "tpu.region"() ({
      %run_scoped3A = tpu.sem_alloc : memref<!tpu.dma_semaphore, #tpu.memory_space<semaphore_mem>>
      %dma_start3A_2707 = arith.constant 0 : i32
      %dma_start3A_2708 = arith.constant 0 : i32
      %dma_start3A_2709 = tpu.memref_slice %arg29[%dma_start3A_2707, %dma_start3A_2708] : memref<64x128xf32, #tpu.memory_space<vmem>> -> memref<56x128xf32, #tpu.memory_space<vmem>>
      %dma_start3A_2710 = arith.constant 0 : i32
      %dma_start3A_2711 = tpu.memref_slice %arg9[%add3A_2069, %dma_start3A_2710] : memref<10112x128xf32, #tpu.memory_space<vmem_shared>> -> memref<56x128xf32, #tpu.memory_space<vmem_shared>>
      %dma_start3A_2712 = arith.constant 0 : i32
      %dma_start3A_2713 = tpu.memref_slice %arg9[%add3A_2069, %dma_start3A_2712] : memref<10112x128xf32, #tpu.memory_space<vmem_shared>> -> memref<56x128xf32, #tpu.memory_space<vmem_shared>>
      %dma_start3A_2714 = arith.constant 0 : i32
      %dma_start3A_2715 = arith.constant 0 : i32
      %dma_start3A_2716 = tpu.memref_slice %arg29[%dma_start3A_2714, %dma_start3A_2715] : memref<64x128xf32, #tpu.memory_space<vmem>> -> memref<56x128xf32, #tpu.memory_space<vmem>>
      tpu.enqueue_dma source(%dma_start3A_2716 : memref<56x128xf32, #tpu.memory_space<vmem>>) target(%dma_start3A_2713 : memref<56x128xf32, #tpu.memory_space<vmem_shared>>) target_semaphore(%run_scoped3A : memref<!tpu.dma_semaphore, #tpu.memory_space<semaphore_mem>>)
      %dma_wait3A_2717 = arith.constant 0 : i32
      %dma_wait3A_2718 = arith.constant 0 : i32
      %dma_wait3A_2719 = tpu.memref_slice %arg29[%dma_wait3A_2717, %dma_wait3A_2718] : memref<64x128xf32, #tpu.memory_space<vmem>> -> memref<56x128xf32, #tpu.memory_space<vmem>>
      %dma_wait3A_2720 = arith.constant 0 : i32
      %dma_wait3A_2721 = tpu.memref_slice %arg9[%add3A_2069, %dma_wait3A_2720] : memref<10112x128xf32, #tpu.memory_space<vmem_shared>> -> memref<56x128xf32, #tpu.memory_space<vmem_shared>>
      %dma_wait3A_2722 = arith.constant 0 : i32
      %dma_wait3A_2723 = tpu.memref_slice %arg9[%add3A_2069, %dma_wait3A_2722] : memref<10112x128xf32, #tpu.memory_space<vmem_shared>> -> memref<56x128xf32, #tpu.memory_space<vmem_shared>>
      %dma_wait3A_2724 = arith.constant 0 : i32
      %dma_wait3A_2725 = arith.constant 0 : i32
      %dma_wait3A_2726 = tpu.memref_slice %arg29[%dma_wait3A_2724, %dma_wait3A_2725] : memref<64x128xf32, #tpu.memory_space<vmem>> -> memref<56x128xf32, #tpu.memory_space<vmem>>
      tpu.wait_dma2 semaphore(%run_scoped3A : memref<!tpu.dma_semaphore, #tpu.memory_space<semaphore_mem>>) src(%dma_wait3A_2726 : memref<56x128xf32, #tpu.memory_space<vmem>>) dst(%dma_wait3A_2723 : memref<56x128xf32, #tpu.memory_space<vmem_shared>>)
      tpu.yield
    }) : () -> ()
    "tpu.region"() ({
      %run_scoped3A = tpu.sem_alloc : memref<!tpu.dma_semaphore, #tpu.memory_space<semaphore_mem>>
      %dma_start3A_2707 = tpu.memref_slice %arg10[%mul3A_2] : memref<161792xf32, #tpu.memory_space<vmem_shared>> -> memref<10112xf32, #tpu.memory_space<vmem_shared>>
      %dma_start3A_2708 = tpu.memref_slice %arg6[%mul3A_2] : memref<161792xf32, #tpu.memory_space<hbm>> -> memref<10112xf32, #tpu.memory_space<hbm>>
      tpu.enqueue_dma source(%dma_start3A_2708 : memref<10112xf32, #tpu.memory_space<hbm>>) target(%dma_start3A_2707 : memref<10112xf32, #tpu.memory_space<vmem_shared>>) target_semaphore(%run_scoped3A : memref<!tpu.dma_semaphore, #tpu.memory_space<semaphore_mem>>)
      %dma_wait3A_2709 = tpu.memref_slice %arg10[%mul3A_2] : memref<161792xf32, #tpu.memory_space<vmem_shared>> -> memref<10112xf32, #tpu.memory_space<vmem_shared>>
      %dma_wait3A_2710 = tpu.memref_slice %arg6[%mul3A_2] : memref<161792xf32, #tpu.memory_space<hbm>> -> memref<10112xf32, #tpu.memory_space<hbm>>
      tpu.wait_dma2 semaphore(%run_scoped3A : memref<!tpu.dma_semaphore, #tpu.memory_space<semaphore_mem>>) src(%dma_wait3A_2710 : memref<10112xf32, #tpu.memory_space<hbm>>) dst(%dma_wait3A_2709 : memref<10112xf32, #tpu.memory_space<vmem_shared>>)
      tpu.yield
    }) : () -> ()
    "tpu.region"() ({
      %run_scoped3A = tpu.sem_alloc : memref<!tpu.dma_semaphore, #tpu.memory_space<semaphore_mem>>
      tpu.enqueue_dma source(%arg5 : memref<1264xi32, #tpu.memory_space<hbm>>) target(%arg11 : memref<1264xi32, #tpu.memory_space<vmem>>) target_semaphore(%run_scoped3A : memref<!tpu.dma_semaphore, #tpu.memory_space<semaphore_mem>>)
      tpu.wait_dma2 semaphore(%run_scoped3A : memref<!tpu.dma_semaphore, #tpu.memory_space<semaphore_mem>>) src(%arg5 : memref<1264xi32, #tpu.memory_space<hbm>>) dst(%arg11 : memref<1264xi32, #tpu.memory_space<vmem>>)
      tpu.yield
    }) : () -> ()
    %broadcast_in_dim3A_2070 = arith.constant 1.000000e+00 : f32
    %broadcast_in_dim3A_2071 = vector.broadcast %broadcast_in_dim3A_2070 : f32 to vector<16xf32>
    %swap3A_2072 = arith.constant 0 : index
    %swap3A_2073 = tpu.vector_load %arg28[%swap3A_2072] {strides = array<i32>} : memref<64xf32, #tpu.memory_space<vmem>>, vector<16xf32>,
    tpu.vector_store %arg28[%swap3A_2072], %broadcast_in_dim3A_2071 {strides = array<i32>} : memref<64xf32, #tpu.memory_space<vmem>>, vector<16xf32>,
    %broadcast_in_dim3A_2074 = arith.constant 1.000000e+00 : f32
    %broadcast_in_dim3A_2075 = vector.broadcast %broadcast_in_dim3A_2074 : f32 to vector<16xf32>
    %swap3A_2076 = arith.constant 16 : index
    %swap3A_2077 = tpu.vector_load %arg28[%swap3A_2076] {strides = array<i32>} : memref<64xf32, #tpu.memory_space<vmem>>, vector<16xf32>,
    tpu.vector_store %arg28[%swap3A_2076], %broadcast_in_dim3A_2075 {strides = array<i32>} : memref<64xf32, #tpu.memory_space<vmem>>, vector<16xf32>,
    %broadcast_in_dim3A_2078 = arith.constant 1.000000e+00 : f32
    %broadcast_in_dim3A_2079 = vector.broadcast %broadcast_in_dim3A_2078 : f32 to vector<16xf32>
    %swap3A_2080 = arith.constant 32 : index
    %swap3A_2081 = tpu.vector_load %arg28[%swap3A_2080] {strides = array<i32>} : memref<64xf32, #tpu.memory_space<vmem>>, vector<16xf32>,
    tpu.vector_store %arg28[%swap3A_2080], %broadcast_in_dim3A_2079 {strides = array<i32>} : memref<64xf32, #tpu.memory_space<vmem>>, vector<16xf32>,
    %broadcast_in_dim3A_2082 = arith.constant 1.000000e+00 : f32
    %broadcast_in_dim3A_2083 = vector.broadcast %broadcast_in_dim3A_2082 : f32 to vector<16xf32>
    %swap3A_2084 = arith.constant 48 : index
    %swap3A_2085 = tpu.vector_load %arg28[%swap3A_2084] {strides = array<i32>} : memref<64xf32, #tpu.memory_space<vmem>>, vector<16xf32>,
    tpu.vector_store %arg28[%swap3A_2084], %broadcast_in_dim3A_2083 {strides = array<i32>} : memref<64xf32, #tpu.memory_space<vmem>>, vector<16xf32>,
    %barrier3A = arith.constant 0 : index
    tpu.barrier barrier_id(%barrier3A)
    %mul3A_2086 = arith.constant 16 : i32
    %mul3A_2087 = arith.muli %arg0, %mul3A_2086 : i32
    %add3A_2088 = arith.addi %mul3A_2087, %arg1 : i32
    %mul3A_2089 = arith.constant 10240 : i32
    %mul3A_2090 = arith.muli %add3A_2088, %mul3A_2089 : i32
    %add3A_2091 = arith.constant 0 : i32
    %add3A_2092 = arith.addi %mul3A_2090, %add3A_2091 : i32
    %dma_start3A = tpu.memref_slice %arg3[%add3A_2092] : memref<327936xi32, #tpu.memory_space<hbm>> -> memref<64xi32, #tpu.memory_space<hbm>>
    %dma_start3A_2093 = tpu.memref_slice %arg3[%add3A_2092] : memref<327936xi32, #tpu.memory_space<hbm>> -> memref<64xi32, #tpu.memory_space<hbm>>
    tpu.enqueue_dma source(%dma_start3A_2093 : memref<64xi32, #tpu.memory_space<hbm>>) target(%arg12 : memref<64xi32, #tpu.memory_space<vmem>>) target_semaphore(%arg41 : memref<!tpu.dma_semaphore, #tpu.memory_space<semaphore_mem>>)
    %dma_start3A_2094 = tpu.memref_slice %arg4[%add3A_2092] : memref<327936xi32, #tpu.memory_space<hbm>> -> memref<64xi32, #tpu.memory_space<hbm>>
    %dma_start3A_2095 = tpu.memref_slice %arg4[%add3A_2092] : memref<327936xi32, #tpu.memory_space<hbm>> -> memref<64xi32, #tpu.memory_space<hbm>>
    tpu.enqueue_dma source(%dma_start3A_2095 : memref<64xi32, #tpu.memory_space<hbm>>) target(%arg16 : memref<64xi32, #tpu.memory_space<vmem>>) target_semaphore(%arg41 : memref<!tpu.dma_semaphore, #tpu.memory_space<semaphore_mem>>)
    %dma_wait3A = arith.constant 0 : i32
    %dma_wait3A_2096 = tpu.memref_slice %arg3[%dma_wait3A] : memref<327936xi32, #tpu.memory_space<hbm>> -> memref<64xi32, #tpu.memory_space<hbm>>
    %dma_wait3A_2097 = arith.constant 0 : i32
    %dma_wait3A_2098 = tpu.memref_slice %arg3[%dma_wait3A_2097] : memref<327936xi32, #tpu.memory_space<hbm>> -> memref<64xi32, #tpu.memory_space<hbm>>
    tpu.wait_dma2 semaphore(%arg41 : memref<!tpu.dma_semaphore, #tpu.memory_space<semaphore_mem>>) src(%dma_wait3A_2098 : memref<64xi32, #tpu.memory_space<hbm>>) dst(%arg12 : memref<64xi32, #tpu.memory_space<vmem>>)
    %dma_wait3A_2099 = arith.constant 0 : i32
    %dma_wait3A_2100 = tpu.memref_slice %arg4[%dma_wait3A_2099] : memref<327936xi32, #tpu.memory_space<hbm>> -> memref<64xi32, #tpu.memory_space<hbm>>
    %dma_wait3A_2101 = arith.constant 0 : i32
    %dma_wait3A_2102 = tpu.memref_slice %arg4[%dma_wait3A_2101] : memref<327936xi32, #tpu.memory_space<hbm>> -> memref<64xi32, #tpu.memory_space<hbm>>
    tpu.wait_dma2 semaphore(%arg41 : memref<!tpu.dma_semaphore, #tpu.memory_space<semaphore_mem>>) src(%dma_wait3A_2102 : memref<64xi32, #tpu.memory_space<hbm>>) dst(%arg16 : memref<64xi32, #tpu.memory_space<vmem>>)
    %dma_start3A_2103 = arith.constant 0 : i32
    %dma_start3A_2104 = arith.constant 0 : i32
    %dma_start3A_2105 = tpu.memref_slice %arg2[%dma_start3A_2103, %dma_start3A_2104] : memref<10112x128xf32, #tpu.memory_space<hbm>> -> memref<10112x128xf32, #tpu.memory_space<hbm>>
    tpu.enqueue_indirect_dma source(%dma_start3A_2105 : memref<10112x128xf32, #tpu.memory_space<hbm>>) target(%arg29 : memref<64x128xf32, #tpu.memory_space<vmem>>) offsets(%arg12 : memref<64xi32, #tpu.memory_space<vmem>>) semaphore(%arg33 : memref<!tpu.dma_semaphore, #tpu.memory_space<semaphore_mem>>)
    %add3A_2106 = arith.constant 64 : i32
    %add3A_2107 = arith.addi %mul3A_2090, %add3A_2106 : i32
    %dma_start3A_2108 = tpu.memref_slice %arg3[%add3A_2107] : memref<327936xi32, #tpu.memory_space<hbm>> -> memref<64xi32, #tpu.memory_space<hbm>>
    %dma_start3A_2109 = tpu.memref_slice %arg3[%add3A_2107] : memref<327936xi32, #tpu.memory_space<hbm>> -> memref<64xi32, #tpu.memory_space<hbm>>
    tpu.enqueue_dma source(%dma_start3A_2109 : memref<64xi32, #tpu.memory_space<hbm>>) target(%arg13 : memref<64xi32, #tpu.memory_space<vmem>>) target_semaphore(%arg42 : memref<!tpu.dma_semaphore, #tpu.memory_space<semaphore_mem>>)
    %dma_start3A_2110 = tpu.memref_slice %arg4[%add3A_2107] : memref<327936xi32, #tpu.memory_space<hbm>> -> memref<64xi32, #tpu.memory_space<hbm>>
    %dma_start3A_2111 = tpu.memref_slice %arg4[%add3A_2107] : memref<327936xi32, #tpu.memory_space<hbm>> -> memref<64xi32, #tpu.memory_space<hbm>>
    tpu.enqueue_dma source(%dma_start3A_2111 : memref<64xi32, #tpu.memory_space<hbm>>) target(%arg17 : memref<64xi32, #tpu.memory_space<vmem>>) target_semaphore(%arg42 : memref<!tpu.dma_semaphore, #tpu.memory_space<semaphore_mem>>)
    %dma_wait3A_2112 = arith.constant 0 : i32
    %dma_wait3A_2113 = tpu.memref_slice %arg3[%dma_wait3A_2112] : memref<327936xi32, #tpu.memory_space<hbm>> -> memref<64xi32, #tpu.memory_space<hbm>>
    %dma_wait3A_2114 = arith.constant 0 : i32
    %dma_wait3A_2115 = tpu.memref_slice %arg3[%dma_wait3A_2114] : memref<327936xi32, #tpu.memory_space<hbm>> -> memref<64xi32, #tpu.memory_space<hbm>>
    tpu.wait_dma2 semaphore(%arg42 : memref<!tpu.dma_semaphore, #tpu.memory_space<semaphore_mem>>) src(%dma_wait3A_2115 : memref<64xi32, #tpu.memory_space<hbm>>) dst(%arg13 : memref<64xi32, #tpu.memory_space<vmem>>)
    %dma_wait3A_2116 = arith.constant 0 : i32
    %dma_wait3A_2117 = tpu.memref_slice %arg4[%dma_wait3A_2116] : memref<327936xi32, #tpu.memory_space<hbm>> -> memref<64xi32, #tpu.memory_space<hbm>>
    %dma_wait3A_2118 = arith.constant 0 : i32
    %dma_wait3A_2119 = tpu.memref_slice %arg4[%dma_wait3A_2118] : memref<327936xi32, #tpu.memory_space<hbm>> -> memref<64xi32, #tpu.memory_space<hbm>>
    tpu.wait_dma2 semaphore(%arg42 : memref<!tpu.dma_semaphore, #tpu.memory_space<semaphore_mem>>) src(%dma_wait3A_2119 : memref<64xi32, #tpu.memory_space<hbm>>) dst(%arg17 : memref<64xi32, #tpu.memory_space<vmem>>)
    %dma_start3A_2120 = arith.constant 0 : i32
    %dma_start3A_2121 = arith.constant 0 : i32
    %dma_start3A_2122 = tpu.memref_slice %arg2[%dma_start3A_2120, %dma_start3A_2121] : memref<10112x128xf32, #tpu.memory_space<hbm>> -> memref<10112x128xf32, #tpu.memory_space<hbm>>
    tpu.enqueue_indirect_dma source(%dma_start3A_2122 : memref<10112x128xf32, #tpu.memory_space<hbm>>) target(%arg30 : memref<64x128xf32, #tpu.memory_space<vmem>>) offsets(%arg13 : memref<64xi32, #tpu.memory_space<vmem>>) semaphore(%arg34 : memref<!tpu.dma_semaphore, #tpu.memory_space<semaphore_mem>>)
    %add3A_2123 = arith.constant 128 : i32
    %add3A_2124 = arith.addi %mul3A_2090, %add3A_2123 : i32
    %dma_start3A_2125 = tpu.memref_slice %arg3[%add3A_2124] : memref<327936xi32, #tpu.memory_space<hbm>> -> memref<64xi32, #tpu.memory_space<hbm>>
    %dma_start3A_2126 = tpu.memref_slice %arg3[%add3A_2124] : memref<327936xi32, #tpu.memory_space<hbm>> -> memref<64xi32, #tpu.memory_space<hbm>>
    tpu.enqueue_dma source(%dma_start3A_2126 : memref<64xi32, #tpu.memory_space<hbm>>) target(%arg14 : memref<64xi32, #tpu.memory_space<vmem>>) target_semaphore(%arg43 : memref<!tpu.dma_semaphore, #tpu.memory_space<semaphore_mem>>)
    %dma_start3A_2127 = tpu.memref_slice %arg4[%add3A_2124] : memref<327936xi32, #tpu.memory_space<hbm>> -> memref<64xi32, #tpu.memory_space<hbm>>
    %dma_start3A_2128 = tpu.memref_slice %arg4[%add3A_2124] : memref<327936xi32, #tpu.memory_space<hbm>> -> memref<64xi32, #tpu.memory_space<hbm>>
    tpu.enqueue_dma source(%dma_start3A_2128 : memref<64xi32, #tpu.memory_space<hbm>>) target(%arg18 : memref<64xi32, #tpu.memory_space<vmem>>) target_semaphore(%arg43 : memref<!tpu.dma_semaphore, #tpu.memory_space<semaphore_mem>>)
    %dma_wait3A_2129 = arith.constant 0 : i32
    %dma_wait3A_2130 = tpu.memref_slice %arg3[%dma_wait3A_2129] : memref<327936xi32, #tpu.memory_space<hbm>> -> memref<64xi32, #tpu.memory_space<hbm>>
    %dma_wait3A_2131 = arith.constant 0 : i32
    %dma_wait3A_2132 = tpu.memref_slice %arg3[%dma_wait3A_2131] : memref<327936xi32, #tpu.memory_space<hbm>> -> memref<64xi32, #tpu.memory_space<hbm>>
    tpu.wait_dma2 semaphore(%arg43 : memref<!tpu.dma_semaphore, #tpu.memory_space<semaphore_mem>>) src(%dma_wait3A_2132 : memref<64xi32, #tpu.memory_space<hbm>>) dst(%arg14 : memref<64xi32, #tpu.memory_space<vmem>>)
    %dma_wait3A_2133 = arith.constant 0 : i32
    %dma_wait3A_2134 = tpu.memref_slice %arg4[%dma_wait3A_2133] : memref<327936xi32, #tpu.memory_space<hbm>> -> memref<64xi32, #tpu.memory_space<hbm>>
    %dma_wait3A_2135 = arith.constant 0 : i32
    %dma_wait3A_2136 = tpu.memref_slice %arg4[%dma_wait3A_2135] : memref<327936xi32, #tpu.memory_space<hbm>> -> memref<64xi32, #tpu.memory_space<hbm>>
    tpu.wait_dma2 semaphore(%arg43 : memref<!tpu.dma_semaphore, #tpu.memory_space<semaphore_mem>>) src(%dma_wait3A_2136 : memref<64xi32, #tpu.memory_space<hbm>>) dst(%arg18 : memref<64xi32, #tpu.memory_space<vmem>>)
    %dma_start3A_2137 = arith.constant 0 : i32
    %dma_start3A_2138 = arith.constant 0 : i32
    %dma_start3A_2139 = tpu.memref_slice %arg2[%dma_start3A_2137, %dma_start3A_2138] : memref<10112x128xf32, #tpu.memory_space<hbm>> -> memref<10112x128xf32, #tpu.memory_space<hbm>>
    tpu.enqueue_indirect_dma source(%dma_start3A_2139 : memref<10112x128xf32, #tpu.memory_space<hbm>>) target(%arg31 : memref<64x128xf32, #tpu.memory_space<vmem>>) offsets(%arg14 : memref<64xi32, #tpu.memory_space<vmem>>) semaphore(%arg35 : memref<!tpu.dma_semaphore, #tpu.memory_space<semaphore_mem>>)
    %add3A_2140 = arith.constant 192 : i32
    %add3A_2141 = arith.addi %mul3A_2090, %add3A_2140 : i32
    %dma_start3A_2142 = tpu.memref_slice %arg3[%add3A_2141] : memref<327936xi32, #tpu.memory_space<hbm>> -> memref<64xi32, #tpu.memory_space<hbm>>
    %dma_start3A_2143 = tpu.memref_slice %arg3[%add3A_2141] : memref<327936xi32, #tpu.memory_space<hbm>> -> memref<64xi32, #tpu.memory_space<hbm>>
    tpu.enqueue_dma source(%dma_start3A_2143 : memref<64xi32, #tpu.memory_space<hbm>>) target(%arg15 : memref<64xi32, #tpu.memory_space<vmem>>) target_semaphore(%arg44 : memref<!tpu.dma_semaphore, #tpu.memory_space<semaphore_mem>>)
    %dma_start3A_2144 = tpu.memref_slice %arg4[%add3A_2141] : memref<327936xi32, #tpu.memory_space<hbm>> -> memref<64xi32, #tpu.memory_space<hbm>>
    %dma_start3A_2145 = tpu.memref_slice %arg4[%add3A_2141] : memref<327936xi32, #tpu.memory_space<hbm>> -> memref<64xi32, #tpu.memory_space<hbm>>
    tpu.enqueue_dma source(%dma_start3A_2145 : memref<64xi32, #tpu.memory_space<hbm>>) target(%arg19 : memref<64xi32, #tpu.memory_space<vmem>>) target_semaphore(%arg44 : memref<!tpu.dma_semaphore, #tpu.memory_space<semaphore_mem>>)
    %dma_wait3A_2146 = arith.constant 0 : i32
    %dma_wait3A_2147 = arith.constant 0 : i32
    %dma_wait3A_2148 = tpu.memref_slice %arg2[%dma_wait3A_2146, %dma_wait3A_2147] : memref<10112x128xf32, #tpu.memory_space<hbm>> -> memref<10112x128xf32, #tpu.memory_space<hbm>>
    tpu.wait_indirect_dma semaphore(%arg33 : memref<!tpu.dma_semaphore, #tpu.memory_space<semaphore_mem>>) src(%dma_wait3A_2148 : memref<10112x128xf32, #tpu.memory_space<hbm>>) dst(%arg29 : memref<64x128xf32, #tpu.memory_space<vmem>>)
    %get3A = arith.constant 0 : index
    %get3A_2149 = tpu.vector_load %arg12[%get3A] {strides = array<i32>} : memref<64xi32, #tpu.memory_space<vmem>>, vector<16xi32>,
    %get3A_2150 = arith.constant 0 : index
    %get3A_2151 = tpu.vector_load %arg16[%get3A_2150] {strides = array<i32>} : memref<64xi32, #tpu.memory_space<vmem>>, vector<16xi32>,
    %swap3A_2152 = arith.constant 0 : index
    %swap3A_2153 = tpu.vector_load %arg20[%swap3A_2152] {strides = array<i32>} : memref<64xi32, #tpu.memory_space<vmem>>, vector<16xi32>,
    tpu.vector_store %arg20[%swap3A_2152], %get3A_2151 {strides = array<i32>} : memref<64xi32, #tpu.memory_space<vmem>>, vector<16xi32>,
    %shift_right_arithmetic3A = arith.constant 3 : i32
    %shift_right_arithmetic3A_2154 = vector.broadcast %shift_right_arithmetic3A : i32 to vector<16xi32>
    %shift_right_arithmetic3A_2155 = arith.shrsi %get3A_2151, %shift_right_arithmetic3A_2154 : vector<16xi32>
    %gather3A = tpu.vector_load_idx %arg11[%shift_right_arithmetic3A_2155] : memref<1264xi32, #tpu.memory_space<vmem>>[vector<16xi32>], vector<16xi32>,
    %and3A = arith.constant 7 : i32
    %and3A_2156 = vector.broadcast %and3A : i32 to vector<16xi32>
    %and3A_2157 = arith.andi %get3A_2151, %and3A_2156 : vector<16xi32>
    %mul3A_2158 = arith.constant 4 : i32
    %mul3A_2159 = vector.broadcast %mul3A_2158 : i32 to vector<16xi32>
    %mul3A_2160 = arith.muli %and3A_2157, %mul3A_2159 : vector<16xi32>
    %shift_right_arithmetic3A_2161 = arith.shrsi %gather3A, %mul3A_2160 : vector<16xi32>
    %and3A_2162 = arith.constant 15 : i32
    %and3A_2163 = vector.broadcast %and3A_2162 : i32 to vector<16xi32>
    %and3A_2164 = arith.andi %shift_right_arithmetic3A_2161, %and3A_2163 : vector<16xi32>
    %mul3A_2165 = arith.constant 16 : i32
    %mul3A_2166 = vector.broadcast %mul3A_2165 : i32 to vector<16xi32>
    %mul3A_2167 = arith.muli %get3A_2149, %mul3A_2166 : vector<16xi32>
    %add3A_2168 = arith.addi %mul3A_2167, %and3A_2164 : vector<16xi32>
    %swap3A_2169 = arith.constant 0 : index
    %swap3A_2170 = tpu.vector_load %arg24[%swap3A_2169] {strides = array<i32>} : memref<64xi32, #tpu.memory_space<vmem>>, vector<16xi32>,
    tpu.vector_store %arg24[%swap3A_2169], %add3A_2168 {strides = array<i32>} : memref<64xi32, #tpu.memory_space<vmem>>, vector<16xi32>,
    %get3A_2171 = arith.constant 16 : index
    %get3A_2172 = tpu.vector_load %arg12[%get3A_2171] {strides = array<i32>} : memref<64xi32, #tpu.memory_space<vmem>>, vector<16xi32>,
    %get3A_2173 = arith.constant 16 : index
    %get3A_2174 = tpu.vector_load %arg16[%get3A_2173] {strides = array<i32>} : memref<64xi32, #tpu.memory_space<vmem>>, vector<16xi32>,
    %swap3A_2175 = arith.constant 16 : index
    %swap3A_2176 = tpu.vector_load %arg20[%swap3A_2175] {strides = array<i32>} : memref<64xi32, #tpu.memory_space<vmem>>, vector<16xi32>,
    tpu.vector_store %arg20[%swap3A_2175], %get3A_2174 {strides = array<i32>} : memref<64xi32, #tpu.memory_space<vmem>>, vector<16xi32>,
    %shift_right_arithmetic3A_2177 = arith.constant 3 : i32
    %shift_right_arithmetic3A_2178 = vector.broadcast %shift_right_arithmetic3A_2177 : i32 to vector<16xi32>
    %shift_right_arithmetic3A_2179 = arith.shrsi %get3A_2174, %shift_right_arithmetic3A_2178 : vector<16xi32>
    %gather3A_2180 = tpu.vector_load_idx %arg11[%shift_right_arithmetic3A_2179] : memref<1264xi32, #tpu.memory_space<vmem>>[vector<16xi32>], vector<16xi32>,
    %and3A_2181 = arith.constant 7 : i32
    %and3A_2182 = vector.broadcast %and3A_2181 : i32 to vector<16xi32>
    %and3A_2183 = arith.andi %get3A_2174, %and3A_2182 : vector<16xi32>
    %mul3A_2184 = arith.constant 4 : i32
    %mul3A_2185 = vector.broadcast %mul3A_2184 : i32 to vector<16xi32>
    %mul3A_2186 = arith.muli %and3A_2183, %mul3A_2185 : vector<16xi32>
    %shift_right_arithmetic3A_2187 = arith.shrsi %gather3A_2180, %mul3A_2186 : vector<16xi32>
    %and3A_2188 = arith.constant 15 : i32
    %and3A_2189 = vector.broadcast %and3A_2188 : i32 to vector<16xi32>
    %and3A_2190 = arith.andi %shift_right_arithmetic3A_2187, %and3A_2189 : vector<16xi32>
    %mul3A_2191 = arith.constant 16 : i32
    %mul3A_2192 = vector.broadcast %mul3A_2191 : i32 to vector<16xi32>
    %mul3A_2193 = arith.muli %get3A_2172, %mul3A_2192 : vector<16xi32>
    %add3A_2194 = arith.addi %mul3A_2193, %and3A_2190 : vector<16xi32>
    %swap3A_2195 = arith.constant 16 : index
    %swap3A_2196 = tpu.vector_load %arg24[%swap3A_2195] {strides = array<i32>} : memref<64xi32, #tpu.memory_space<vmem>>, vector<16xi32>,
    tpu.vector_store %arg24[%swap3A_2195], %add3A_2194 {strides = array<i32>} : memref<64xi32, #tpu.memory_space<vmem>>, vector<16xi32>,
    %get3A_2197 = arith.constant 32 : index
    %get3A_2198 = tpu.vector_load %arg12[%get3A_2197] {strides = array<i32>} : memref<64xi32, #tpu.memory_space<vmem>>, vector<16xi32>,
    %get3A_2199 = arith.constant 32 : index
    %get3A_2200 = tpu.vector_load %arg16[%get3A_2199] {strides = array<i32>} : memref<64xi32, #tpu.memory_space<vmem>>, vector<16xi32>,
    %swap3A_2201 = arith.constant 32 : index
    %swap3A_2202 = tpu.vector_load %arg20[%swap3A_2201] {strides = array<i32>} : memref<64xi32, #tpu.memory_space<vmem>>, vector<16xi32>,
    tpu.vector_store %arg20[%swap3A_2201], %get3A_2200 {strides = array<i32>} : memref<64xi32, #tpu.memory_space<vmem>>, vector<16xi32>,
    %shift_right_arithmetic3A_2203 = arith.constant 3 : i32
    %shift_right_arithmetic3A_2204 = vector.broadcast %shift_right_arithmetic3A_2203 : i32 to vector<16xi32>
    %shift_right_arithmetic3A_2205 = arith.shrsi %get3A_2200, %shift_right_arithmetic3A_2204 : vector<16xi32>
    %gather3A_2206 = tpu.vector_load_idx %arg11[%shift_right_arithmetic3A_2205] : memref<1264xi32, #tpu.memory_space<vmem>>[vector<16xi32>], vector<16xi32>,
    %and3A_2207 = arith.constant 7 : i32
    %and3A_2208 = vector.broadcast %and3A_2207 : i32 to vector<16xi32>
    %and3A_2209 = arith.andi %get3A_2200, %and3A_2208 : vector<16xi32>
    %mul3A_2210 = arith.constant 4 : i32
    %mul3A_2211 = vector.broadcast %mul3A_2210 : i32 to vector<16xi32>
    %mul3A_2212 = arith.muli %and3A_2209, %mul3A_2211 : vector<16xi32>
    %shift_right_arithmetic3A_2213 = arith.shrsi %gather3A_2206, %mul3A_2212 : vector<16xi32>
    %and3A_2214 = arith.constant 15 : i32
    %and3A_2215 = vector.broadcast %and3A_2214 : i32 to vector<16xi32>
    %and3A_2216 = arith.andi %shift_right_arithmetic3A_2213, %and3A_2215 : vector<16xi32>
    %mul3A_2217 = arith.constant 16 : i32
    %mul3A_2218 = vector.broadcast %mul3A_2217 : i32 to vector<16xi32>
    %mul3A_2219 = arith.muli %get3A_2198, %mul3A_2218 : vector<16xi32>
    %add3A_2220 = arith.addi %mul3A_2219, %and3A_2216 : vector<16xi32>
    %swap3A_2221 = arith.constant 32 : index
    %swap3A_2222 = tpu.vector_load %arg24[%swap3A_2221] {strides = array<i32>} : memref<64xi32, #tpu.memory_space<vmem>>, vector<16xi32>,
    tpu.vector_store %arg24[%swap3A_2221], %add3A_2220 {strides = array<i32>} : memref<64xi32, #tpu.memory_space<vmem>>, vector<16xi32>,
    %get3A_2223 = arith.constant 48 : index
    %get3A_2224 = tpu.vector_load %arg12[%get3A_2223] {strides = array<i32>} : memref<64xi32, #tpu.memory_space<vmem>>, vector<16xi32>,
    %get3A_2225 = arith.constant 48 : index
    %get3A_2226 = tpu.vector_load %arg16[%get3A_2225] {strides = array<i32>} : memref<64xi32, #tpu.memory_space<vmem>>, vector<16xi32>,
    %swap3A_2227 = arith.constant 48 : index
    %swap3A_2228 = tpu.vector_load %arg20[%swap3A_2227] {strides = array<i32>} : memref<64xi32, #tpu.memory_space<vmem>>, vector<16xi32>,
    tpu.vector_store %arg20[%swap3A_2227], %get3A_2226 {strides = array<i32>} : memref<64xi32, #tpu.memory_space<vmem>>, vector<16xi32>,
    %shift_right_arithmetic3A_2229 = arith.constant 3 : i32
    %shift_right_arithmetic3A_2230 = vector.broadcast %shift_right_arithmetic3A_2229 : i32 to vector<16xi32>
    %shift_right_arithmetic3A_2231 = arith.shrsi %get3A_2226, %shift_right_arithmetic3A_2230 : vector<16xi32>
    %gather3A_2232 = tpu.vector_load_idx %arg11[%shift_right_arithmetic3A_2231] : memref<1264xi32, #tpu.memory_space<vmem>>[vector<16xi32>], vector<16xi32>,
    %and3A_2233 = arith.constant 7 : i32
    %and3A_2234 = vector.broadcast %and3A_2233 : i32 to vector<16xi32>
    %and3A_2235 = arith.andi %get3A_2226, %and3A_2234 : vector<16xi32>
    %mul3A_2236 = arith.constant 4 : i32
    %mul3A_2237 = vector.broadcast %mul3A_2236 : i32 to vector<16xi32>
    %mul3A_2238 = arith.muli %and3A_2235, %mul3A_2237 : vector<16xi32>
    %shift_right_arithmetic3A_2239 = arith.shrsi %gather3A_2232, %mul3A_2238 : vector<16xi32>
    %and3A_2240 = arith.constant 15 : i32
    %and3A_2241 = vector.broadcast %and3A_2240 : i32 to vector<16xi32>
    %and3A_2242 = arith.andi %shift_right_arithmetic3A_2239, %and3A_2241 : vector<16xi32>
    %mul3A_2243 = arith.constant 16 : i32
    %mul3A_2244 = vector.broadcast %mul3A_2243 : i32 to vector<16xi32>
    %mul3A_2245 = arith.muli %get3A_2224, %mul3A_2244 : vector<16xi32>
    %add3A_2246 = arith.addi %mul3A_2245, %and3A_2242 : vector<16xi32>
    %swap3A_2247 = arith.constant 48 : index
    %swap3A_2248 = tpu.vector_load %arg24[%swap3A_2247] {strides = array<i32>} : memref<64xi32, #tpu.memory_space<vmem>>, vector<16xi32>,
    tpu.vector_store %arg24[%swap3A_2247], %add3A_2246 {strides = array<i32>} : memref<64xi32, #tpu.memory_space<vmem>>, vector<16xi32>,
    %dma_start3A_2249 = arith.constant 0 : i32
    %dma_start3A_2250 = arith.constant 0 : i32
    %dma_start3A_2251 = tpu.memref_slice %arg9[%dma_start3A_2249, %dma_start3A_2250] : memref<10112x128xf32, #tpu.memory_space<vmem_shared>> -> memref<10112x128xf32, #tpu.memory_space<vmem_shared>>
    tpu.enqueue_indirect_dma source(%arg29 : memref<64x128xf32, #tpu.memory_space<vmem>>) target(%dma_start3A_2251 : memref<10112x128xf32, #tpu.memory_space<vmem_shared>>) offsets(%arg20 : memref<64xi32, #tpu.memory_space<vmem>>) semaphore(%arg37 : memref<!tpu.dma_semaphore, #tpu.memory_space<semaphore_mem>>) {add = true}
    %dma_start3A_2252 = arith.constant 0 : i32
    %dma_start3A_2253 = tpu.memref_slice %arg10[%dma_start3A_2252] : memref<161792xf32, #tpu.memory_space<vmem_shared>> -> memref<161792xf32, #tpu.memory_space<vmem_shared>>
    tpu.enqueue_indirect_dma source(%arg28 : memref<64xf32, #tpu.memory_space<vmem>>) target(%dma_start3A_2253 : memref<161792xf32, #tpu.memory_space<vmem_shared>>) offsets(%arg24 : memref<64xi32, #tpu.memory_space<vmem>>) semaphore(%arg45 : memref<!tpu.dma_semaphore, #tpu.memory_space<semaphore_mem>>) {add = true}
    %dma_wait3A_2254 = arith.constant 0 : i32
    %dma_wait3A_2255 = tpu.memref_slice %arg3[%dma_wait3A_2254] : memref<327936xi32, #tpu.memory_space<hbm>> -> memref<64xi32, #tpu.memory_space<hbm>>
    %dma_wait3A_2256 = arith.constant 0 : i32
    %dma_wait3A_2257 = tpu.memref_slice %arg3[%dma_wait3A_2256] : memref<327936xi32, #tpu.memory_space<hbm>> -> memref<64xi32, #tpu.memory_space<hbm>>
    tpu.wait_dma2 semaphore(%arg44 : memref<!tpu.dma_semaphore, #tpu.memory_space<semaphore_mem>>) src(%dma_wait3A_2257 : memref<64xi32, #tpu.memory_space<hbm>>) dst(%arg15 : memref<64xi32, #tpu.memory_space<vmem>>)
    %dma_wait3A_2258 = arith.constant 0 : i32
    %dma_wait3A_2259 = tpu.memref_slice %arg4[%dma_wait3A_2258] : memref<327936xi32, #tpu.memory_space<hbm>> -> memref<64xi32, #tpu.memory_space<hbm>>
    %dma_wait3A_2260 = arith.constant 0 : i32
    %dma_wait3A_2261 = tpu.memref_slice %arg4[%dma_wait3A_2260] : memref<327936xi32, #tpu.memory_space<hbm>> -> memref<64xi32, #tpu.memory_space<hbm>>
    tpu.wait_dma2 semaphore(%arg44 : memref<!tpu.dma_semaphore, #tpu.memory_space<semaphore_mem>>) src(%dma_wait3A_2261 : memref<64xi32, #tpu.memory_space<hbm>>) dst(%arg19 : memref<64xi32, #tpu.memory_space<vmem>>)
    %dma_start3A_2262 = arith.constant 0 : i32
    %dma_start3A_2263 = arith.constant 0 : i32
    %dma_start3A_2264 = tpu.memref_slice %arg2[%dma_start3A_2262, %dma_start3A_2263] : memref<10112x128xf32, #tpu.memory_space<hbm>> -> memref<10112x128xf32, #tpu.memory_space<hbm>>
    tpu.enqueue_indirect_dma source(%dma_start3A_2264 : memref<10112x128xf32, #tpu.memory_space<hbm>>) target(%arg32 : memref<64x128xf32, #tpu.memory_space<vmem>>) offsets(%arg15 : memref<64xi32, #tpu.memory_space<vmem>>) semaphore(%arg36 : memref<!tpu.dma_semaphore, #tpu.memory_space<semaphore_mem>>)
    %add3A_2265 = arith.constant 256 : i32
    %add3A_2266 = arith.addi %mul3A_2090, %add3A_2265 : i32
    %dma_start3A_2267 = tpu.memref_slice %arg3[%add3A_2266] : memref<327936xi32, #tpu.memory_space<hbm>> -> memref<64xi32, #tpu.memory_space<hbm>>
    %dma_start3A_2268 = tpu.memref_slice %arg3[%add3A_2266] : memref<327936xi32, #tpu.memory_space<hbm>> -> memref<64xi32, #tpu.memory_space<hbm>>
    tpu.enqueue_dma source(%dma_start3A_2268 : memref<64xi32, #tpu.memory_space<hbm>>) target(%arg12 : memref<64xi32, #tpu.memory_space<vmem>>) target_semaphore(%arg41 : memref<!tpu.dma_semaphore, #tpu.memory_space<semaphore_mem>>)
    %dma_start3A_2269 = tpu.memref_slice %arg4[%add3A_2266] : memref<327936xi32, #tpu.memory_space<hbm>> -> memref<64xi32, #tpu.memory_space<hbm>>
    %dma_start3A_2270 = tpu.memref_slice %arg4[%add3A_2266] : memref<327936xi32, #tpu.memory_space<hbm>> -> memref<64xi32, #tpu.memory_space<hbm>>
    tpu.enqueue_dma source(%dma_start3A_2270 : memref<64xi32, #tpu.memory_space<hbm>>) target(%arg16 : memref<64xi32, #tpu.memory_space<vmem>>) target_semaphore(%arg41 : memref<!tpu.dma_semaphore, #tpu.memory_space<semaphore_mem>>)
    %dma_wait3A_2271 = arith.constant 0 : i32
    %dma_wait3A_2272 = arith.constant 0 : i32
    %dma_wait3A_2273 = tpu.memref_slice %arg2[%dma_wait3A_2271, %dma_wait3A_2272] : memref<10112x128xf32, #tpu.memory_space<hbm>> -> memref<10112x128xf32, #tpu.memory_space<hbm>>
    tpu.wait_indirect_dma semaphore(%arg34 : memref<!tpu.dma_semaphore, #tpu.memory_space<semaphore_mem>>) src(%dma_wait3A_2273 : memref<10112x128xf32, #tpu.memory_space<hbm>>) dst(%arg30 : memref<64x128xf32, #tpu.memory_space<vmem>>)
    %get3A_2274 = arith.constant 0 : index
    %get3A_2275 = tpu.vector_load %arg13[%get3A_2274] {strides = array<i32>} : memref<64xi32, #tpu.memory_space<vmem>>, vector<16xi32>,
    %get3A_2276 = arith.constant 0 : index
    %get3A_2277 = tpu.vector_load %arg17[%get3A_2276] {strides = array<i32>} : memref<64xi32, #tpu.memory_space<vmem>>, vector<16xi32>,
    %swap3A_2278 = arith.constant 0 : index
    %swap3A_2279 = tpu.vector_load %arg21[%swap3A_2278] {strides = array<i32>} : memref<64xi32, #tpu.memory_space<vmem>>, vector<16xi32>,
    tpu.vector_store %arg21[%swap3A_2278], %get3A_2277 {strides = array<i32>} : memref<64xi32, #tpu.memory_space<vmem>>, vector<16xi32>,
    %shift_right_arithmetic3A_2280 = arith.constant 3 : i32
    %shift_right_arithmetic3A_2281 = vector.broadcast %shift_right_arithmetic3A_2280 : i32 to vector<16xi32>
    %shift_right_arithmetic3A_2282 = arith.shrsi %get3A_2277, %shift_right_arithmetic3A_2281 : vector<16xi32>
    %gather3A_2283 = tpu.vector_load_idx %arg11[%shift_right_arithmetic3A_2282] : memref<1264xi32, #tpu.memory_space<vmem>>[vector<16xi32>], vector<16xi32>,
    %and3A_2284 = arith.constant 7 : i32
    %and3A_2285 = vector.broadcast %and3A_2284 : i32 to vector<16xi32>
    %and3A_2286 = arith.andi %get3A_2277, %and3A_2285 : vector<16xi32>
    %mul3A_2287 = arith.constant 4 : i32
    %mul3A_2288 = vector.broadcast %mul3A_2287 : i32 to vector<16xi32>
    %mul3A_2289 = arith.muli %and3A_2286, %mul3A_2288 : vector<16xi32>
    %shift_right_arithmetic3A_2290 = arith.shrsi %gather3A_2283, %mul3A_2289 : vector<16xi32>
    %and3A_2291 = arith.constant 15 : i32
    %and3A_2292 = vector.broadcast %and3A_2291 : i32 to vector<16xi32>
    %and3A_2293 = arith.andi %shift_right_arithmetic3A_2290, %and3A_2292 : vector<16xi32>
    %mul3A_2294 = arith.constant 16 : i32
    %mul3A_2295 = vector.broadcast %mul3A_2294 : i32 to vector<16xi32>
    %mul3A_2296 = arith.muli %get3A_2275, %mul3A_2295 : vector<16xi32>
    %add3A_2297 = arith.addi %mul3A_2296, %and3A_2293 : vector<16xi32>
    %swap3A_2298 = arith.constant 0 : index
    %swap3A_2299 = tpu.vector_load %arg25[%swap3A_2298] {strides = array<i32>} : memref<64xi32, #tpu.memory_space<vmem>>, vector<16xi32>,
    tpu.vector_store %arg25[%swap3A_2298], %add3A_2297 {strides = array<i32>} : memref<64xi32, #tpu.memory_space<vmem>>, vector<16xi32>,
    %get3A_2300 = arith.constant 16 : index
    %get3A_2301 = tpu.vector_load %arg13[%get3A_2300] {strides = array<i32>} : memref<64xi32, #tpu.memory_space<vmem>>, vector<16xi32>,
    %get3A_2302 = arith.constant 16 : index
    %get3A_2303 = tpu.vector_load %arg17[%get3A_2302] {strides = array<i32>} : memref<64xi32, #tpu.memory_space<vmem>>, vector<16xi32>,
    %swap3A_2304 = arith.constant 16 : index
    %swap3A_2305 = tpu.vector_load %arg21[%swap3A_2304] {strides = array<i32>} : memref<64xi32, #tpu.memory_space<vmem>>, vector<16xi32>,
    tpu.vector_store %arg21[%swap3A_2304], %get3A_2303 {strides = array<i32>} : memref<64xi32, #tpu.memory_space<vmem>>, vector<16xi32>,
    %shift_right_arithmetic3A_2306 = arith.constant 3 : i32
    %shift_right_arithmetic3A_2307 = vector.broadcast %shift_right_arithmetic3A_2306 : i32 to vector<16xi32>
    %shift_right_arithmetic3A_2308 = arith.shrsi %get3A_2303, %shift_right_arithmetic3A_2307 : vector<16xi32>
    %gather3A_2309 = tpu.vector_load_idx %arg11[%shift_right_arithmetic3A_2308] : memref<1264xi32, #tpu.memory_space<vmem>>[vector<16xi32>], vector<16xi32>,
    %and3A_2310 = arith.constant 7 : i32
    %and3A_2311 = vector.broadcast %and3A_2310 : i32 to vector<16xi32>
    %and3A_2312 = arith.andi %get3A_2303, %and3A_2311 : vector<16xi32>
    %mul3A_2313 = arith.constant 4 : i32
    %mul3A_2314 = vector.broadcast %mul3A_2313 : i32 to vector<16xi32>
    %mul3A_2315 = arith.muli %and3A_2312, %mul3A_2314 : vector<16xi32>
    %shift_right_arithmetic3A_2316 = arith.shrsi %gather3A_2309, %mul3A_2315 : vector<16xi32>
    %and3A_2317 = arith.constant 15 : i32
    %and3A_2318 = vector.broadcast %and3A_2317 : i32 to vector<16xi32>
    %and3A_2319 = arith.andi %shift_right_arithmetic3A_2316, %and3A_2318 : vector<16xi32>
    %mul3A_2320 = arith.constant 16 : i32
    %mul3A_2321 = vector.broadcast %mul3A_2320 : i32 to vector<16xi32>
    %mul3A_2322 = arith.muli %get3A_2301, %mul3A_2321 : vector<16xi32>
    %add3A_2323 = arith.addi %mul3A_2322, %and3A_2319 : vector<16xi32>
    %swap3A_2324 = arith.constant 16 : index
    %swap3A_2325 = tpu.vector_load %arg25[%swap3A_2324] {strides = array<i32>} : memref<64xi32, #tpu.memory_space<vmem>>, vector<16xi32>,
    tpu.vector_store %arg25[%swap3A_2324], %add3A_2323 {strides = array<i32>} : memref<64xi32, #tpu.memory_space<vmem>>, vector<16xi32>,
    %get3A_2326 = arith.constant 32 : index
    %get3A_2327 = tpu.vector_load %arg13[%get3A_2326] {strides = array<i32>} : memref<64xi32, #tpu.memory_space<vmem>>, vector<16xi32>,
    %get3A_2328 = arith.constant 32 : index
    %get3A_2329 = tpu.vector_load %arg17[%get3A_2328] {strides = array<i32>} : memref<64xi32, #tpu.memory_space<vmem>>, vector<16xi32>,
    %swap3A_2330 = arith.constant 32 : index
    %swap3A_2331 = tpu.vector_load %arg21[%swap3A_2330] {strides = array<i32>} : memref<64xi32, #tpu.memory_space<vmem>>, vector<16xi32>,
    tpu.vector_store %arg21[%swap3A_2330], %get3A_2329 {strides = array<i32>} : memref<64xi32, #tpu.memory_space<vmem>>, vector<16xi32>,
    %shift_right_arithmetic3A_2332 = arith.constant 3 : i32
    %shift_right_arithmetic3A_2333 = vector.broadcast %shift_right_arithmetic3A_2332 : i32 to vector<16xi32>
    %shift_right_arithmetic3A_2334 = arith.shrsi %get3A_2329, %shift_right_arithmetic3A_2333 : vector<16xi32>
    %gather3A_2335 = tpu.vector_load_idx %arg11[%shift_right_arithmetic3A_2334] : memref<1264xi32, #tpu.memory_space<vmem>>[vector<16xi32>], vector<16xi32>,
    %and3A_2336 = arith.constant 7 : i32
    %and3A_2337 = vector.broadcast %and3A_2336 : i32 to vector<16xi32>
    %and3A_2338 = arith.andi %get3A_2329, %and3A_2337 : vector<16xi32>
    %mul3A_2339 = arith.constant 4 : i32
    %mul3A_2340 = vector.broadcast %mul3A_2339 : i32 to vector<16xi32>
    %mul3A_2341 = arith.muli %and3A_2338, %mul3A_2340 : vector<16xi32>
    %shift_right_arithmetic3A_2342 = arith.shrsi %gather3A_2335, %mul3A_2341 : vector<16xi32>
    %and3A_2343 = arith.constant 15 : i32
    %and3A_2344 = vector.broadcast %and3A_2343 : i32 to vector<16xi32>
    %and3A_2345 = arith.andi %shift_right_arithmetic3A_2342, %and3A_2344 : vector<16xi32>
    %mul3A_2346 = arith.constant 16 : i32
    %mul3A_2347 = vector.broadcast %mul3A_2346 : i32 to vector<16xi32>
    %mul3A_2348 = arith.muli %get3A_2327, %mul3A_2347 : vector<16xi32>
    %add3A_2349 = arith.addi %mul3A_2348, %and3A_2345 : vector<16xi32>
    %swap3A_2350 = arith.constant 32 : index
    %swap3A_2351 = tpu.vector_load %arg25[%swap3A_2350] {strides = array<i32>} : memref<64xi32, #tpu.memory_space<vmem>>, vector<16xi32>,
    tpu.vector_store %arg25[%swap3A_2350], %add3A_2349 {strides = array<i32>} : memref<64xi32, #tpu.memory_space<vmem>>, vector<16xi32>,
    %get3A_2352 = arith.constant 48 : index
    %get3A_2353 = tpu.vector_load %arg13[%get3A_2352] {strides = array<i32>} : memref<64xi32, #tpu.memory_space<vmem>>, vector<16xi32>,
    %get3A_2354 = arith.constant 48 : index
    %get3A_2355 = tpu.vector_load %arg17[%get3A_2354] {strides = array<i32>} : memref<64xi32, #tpu.memory_space<vmem>>, vector<16xi32>,
    %swap3A_2356 = arith.constant 48 : index
    %swap3A_2357 = tpu.vector_load %arg21[%swap3A_2356] {strides = array<i32>} : memref<64xi32, #tpu.memory_space<vmem>>, vector<16xi32>,
    tpu.vector_store %arg21[%swap3A_2356], %get3A_2355 {strides = array<i32>} : memref<64xi32, #tpu.memory_space<vmem>>, vector<16xi32>,
    %shift_right_arithmetic3A_2358 = arith.constant 3 : i32
    %shift_right_arithmetic3A_2359 = vector.broadcast %shift_right_arithmetic3A_2358 : i32 to vector<16xi32>
    %shift_right_arithmetic3A_2360 = arith.shrsi %get3A_2355, %shift_right_arithmetic3A_2359 : vector<16xi32>
    %gather3A_2361 = tpu.vector_load_idx %arg11[%shift_right_arithmetic3A_2360] : memref<1264xi32, #tpu.memory_space<vmem>>[vector<16xi32>], vector<16xi32>,
    %and3A_2362 = arith.constant 7 : i32
    %and3A_2363 = vector.broadcast %and3A_2362 : i32 to vector<16xi32>
    %and3A_2364 = arith.andi %get3A_2355, %and3A_2363 : vector<16xi32>
    %mul3A_2365 = arith.constant 4 : i32
    %mul3A_2366 = vector.broadcast %mul3A_2365 : i32 to vector<16xi32>
    %mul3A_2367 = arith.muli %and3A_2364, %mul3A_2366 : vector<16xi32>
    %shift_right_arithmetic3A_2368 = arith.shrsi %gather3A_2361, %mul3A_2367 : vector<16xi32>
    %and3A_2369 = arith.constant 15 : i32
    %and3A_2370 = vector.broadcast %and3A_2369 : i32 to vector<16xi32>
    %and3A_2371 = arith.andi %shift_right_arithmetic3A_2368, %and3A_2370 : vector<16xi32>
    %mul3A_2372 = arith.constant 16 : i32
    %mul3A_2373 = vector.broadcast %mul3A_2372 : i32 to vector<16xi32>
    %mul3A_2374 = arith.muli %get3A_2353, %mul3A_2373 : vector<16xi32>
    %add3A_2375 = arith.addi %mul3A_2374, %and3A_2371 : vector<16xi32>
    %swap3A_2376 = arith.constant 48 : index
    %swap3A_2377 = tpu.vector_load %arg25[%swap3A_2376] {strides = array<i32>} : memref<64xi32, #tpu.memory_space<vmem>>, vector<16xi32>,
    tpu.vector_store %arg25[%swap3A_2376], %add3A_2375 {strides = array<i32>} : memref<64xi32, #tpu.memory_space<vmem>>, vector<16xi32>,
    %dma_start3A_2378 = arith.constant 0 : i32
    %dma_start3A_2379 = arith.constant 0 : i32
    %dma_start3A_2380 = tpu.memref_slice %arg9[%dma_start3A_2378, %dma_start3A_2379] : memref<10112x128xf32, #tpu.memory_space<vmem_shared>> -> memref<10112x128xf32, #tpu.memory_space<vmem_shared>>
    tpu.enqueue_indirect_dma source(%arg30 : memref<64x128xf32, #tpu.memory_space<vmem>>) target(%dma_start3A_2380 : memref<10112x128xf32, #tpu.memory_space<vmem_shared>>) offsets(%arg21 : memref<64xi32, #tpu.memory_space<vmem>>) semaphore(%arg38 : memref<!tpu.dma_semaphore, #tpu.memory_space<semaphore_mem>>) {add = true}
    %dma_start3A_2381 = arith.constant 0 : i32
    %dma_start3A_2382 = tpu.memref_slice %arg10[%dma_start3A_2381] : memref<161792xf32, #tpu.memory_space<vmem_shared>> -> memref<161792xf32, #tpu.memory_space<vmem_shared>>
    tpu.enqueue_indirect_dma source(%arg28 : memref<64xf32, #tpu.memory_space<vmem>>) target(%dma_start3A_2382 : memref<161792xf32, #tpu.memory_space<vmem_shared>>) offsets(%arg25 : memref<64xi32, #tpu.memory_space<vmem>>) semaphore(%arg46 : memref<!tpu.dma_semaphore, #tpu.memory_space<semaphore_mem>>) {add = true}
    %dma_wait3A_2383 = arith.constant 0 : i32
    %dma_wait3A_2384 = tpu.memref_slice %arg3[%dma_wait3A_2383] : memref<327936xi32, #tpu.memory_space<hbm>> -> memref<64xi32, #tpu.memory_space<hbm>>
    %dma_wait3A_2385 = arith.constant 0 : i32
    %dma_wait3A_2386 = tpu.memref_slice %arg3[%dma_wait3A_2385] : memref<327936xi32, #tpu.memory_space<hbm>> -> memref<64xi32, #tpu.memory_space<hbm>>
    tpu.wait_dma2 semaphore(%arg41 : memref<!tpu.dma_semaphore, #tpu.memory_space<semaphore_mem>>) src(%dma_wait3A_2386 : memref<64xi32, #tpu.memory_space<hbm>>) dst(%arg12 : memref<64xi32, #tpu.memory_space<vmem>>)
    %dma_wait3A_2387 = arith.constant 0 : i32
    %dma_wait3A_2388 = tpu.memref_slice %arg4[%dma_wait3A_2387] : memref<327936xi32, #tpu.memory_space<hbm>> -> memref<64xi32, #tpu.memory_space<hbm>>
    %dma_wait3A_2389 = arith.constant 0 : i32
    %dma_wait3A_2390 = tpu.memref_slice %arg4[%dma_wait3A_2389] : memref<327936xi32, #tpu.memory_space<hbm>> -> memref<64xi32, #tpu.memory_space<hbm>>
    tpu.wait_dma2 semaphore(%arg41 : memref<!tpu.dma_semaphore, #tpu.memory_space<semaphore_mem>>) src(%dma_wait3A_2390 : memref<64xi32, #tpu.memory_space<hbm>>) dst(%arg16 : memref<64xi32, #tpu.memory_space<vmem>>)
    %dma_wait3A_2391 = arith.constant 0 : i32
    %dma_wait3A_2392 = arith.constant 0 : i32
    %dma_wait3A_2393 = tpu.memref_slice %arg9[%dma_wait3A_2391, %dma_wait3A_2392] : memref<10112x128xf32, #tpu.memory_space<vmem_shared>> -> memref<10112x128xf32, #tpu.memory_space<vmem_shared>>
    tpu.wait_indirect_dma semaphore(%arg37 : memref<!tpu.dma_semaphore, #tpu.memory_space<semaphore_mem>>) src(%arg29 : memref<64x128xf32, #tpu.memory_space<vmem>>) dst(%dma_wait3A_2393 : memref<10112x128xf32, #tpu.memory_space<vmem_shared>>)
    %dma_start3A_2394 = arith.constant 0 : i32
    %dma_start3A_2395 = arith.constant 0 : i32
    %dma_start3A_2396 = tpu.memref_slice %arg2[%dma_start3A_2394, %dma_start3A_2395] : memref<10112x128xf32, #tpu.memory_space<hbm>> -> memref<10112x128xf32, #tpu.memory_space<hbm>>
    tpu.enqueue_indirect_dma source(%dma_start3A_2396 : memref<10112x128xf32, #tpu.memory_space<hbm>>) target(%arg29 : memref<64x128xf32, #tpu.memory_space<vmem>>) offsets(%arg12 : memref<64xi32, #tpu.memory_space<vmem>>) semaphore(%arg33 : memref<!tpu.dma_semaphore, #tpu.memory_space<semaphore_mem>>)
    %add3A_2397 = arith.constant 320 : i32
    %add3A_2398 = arith.addi %mul3A_2090, %add3A_2397 : i32
    %dma_start3A_2399 = tpu.memref_slice %arg3[%add3A_2398] : memref<327936xi32, #tpu.memory_space<hbm>> -> memref<64xi32, #tpu.memory_space<hbm>>
    %dma_start3A_2400 = tpu.memref_slice %arg3[%add3A_2398] : memref<327936xi32, #tpu.memory_space<hbm>> -> memref<64xi32, #tpu.memory_space<hbm>>
    tpu.enqueue_dma source(%dma_start3A_2400 : memref<64xi32, #tpu.memory_space<hbm>>) target(%arg13 : memref<64xi32, #tpu.memory_space<vmem>>) target_semaphore(%arg42 : memref<!tpu.dma_semaphore, #tpu.memory_space<semaphore_mem>>)
    %dma_start3A_2401 = tpu.memref_slice %arg4[%add3A_2398] : memref<327936xi32, #tpu.memory_space<hbm>> -> memref<64xi32, #tpu.memory_space<hbm>>
    %dma_start3A_2402 = tpu.memref_slice %arg4[%add3A_2398] : memref<327936xi32, #tpu.memory_space<hbm>> -> memref<64xi32, #tpu.memory_space<hbm>>
    tpu.enqueue_dma source(%dma_start3A_2402 : memref<64xi32, #tpu.memory_space<hbm>>) target(%arg17 : memref<64xi32, #tpu.memory_space<vmem>>) target_semaphore(%arg42 : memref<!tpu.dma_semaphore, #tpu.memory_space<semaphore_mem>>)
    %dma_wait3A_2403 = arith.constant 0 : i32
    %dma_wait3A_2404 = arith.constant 0 : i32
    %dma_wait3A_2405 = tpu.memref_slice %arg2[%dma_wait3A_2403, %dma_wait3A_2404] : memref<10112x128xf32, #tpu.memory_space<hbm>> -> memref<10112x128xf32, #tpu.memory_space<hbm>>
    tpu.wait_indirect_dma semaphore(%arg35 : memref<!tpu.dma_semaphore, #tpu.memory_space<semaphore_mem>>) src(%dma_wait3A_2405 : memref<10112x128xf32, #tpu.memory_space<hbm>>) dst(%arg31 : memref<64x128xf32, #tpu.memory_space<vmem>>)
    %get3A_2406 = arith.constant 0 : index
    %get3A_2407 = tpu.vector_load %arg14[%get3A_2406] {strides = array<i32>} : memref<64xi32, #tpu.memory_space<vmem>>, vector<16xi32>,
    %get3A_2408 = arith.constant 0 : index
    %get3A_2409 = tpu.vector_load %arg18[%get3A_2408] {strides = array<i32>} : memref<64xi32, #tpu.memory_space<vmem>>, vector<16xi32>,
    %swap3A_2410 = arith.constant 0 : index
    %swap3A_2411 = tpu.vector_load %arg22[%swap3A_2410] {strides = array<i32>} : memref<64xi32, #tpu.memory_space<vmem>>, vector<16xi32>,
    tpu.vector_store %arg22[%swap3A_2410], %get3A_2409 {strides = array<i32>} : memref<64xi32, #tpu.memory_space<vmem>>, vector<16xi32>,
    %shift_right_arithmetic3A_2412 = arith.constant 3 : i32
    %shift_right_arithmetic3A_2413 = vector.broadcast %shift_right_arithmetic3A_2412 : i32 to vector<16xi32>
    %shift_right_arithmetic3A_2414 = arith.shrsi %get3A_2409, %shift_right_arithmetic3A_2413 : vector<16xi32>
    %gather3A_2415 = tpu.vector_load_idx %arg11[%shift_right_arithmetic3A_2414] : memref<1264xi32, #tpu.memory_space<vmem>>[vector<16xi32>], vector<16xi32>,
    %and3A_2416 = arith.constant 7 : i32
    %and3A_2417 = vector.broadcast %and3A_2416 : i32 to vector<16xi32>
    %and3A_2418 = arith.andi %get3A_2409, %and3A_2417 : vector<16xi32>
    %mul3A_2419 = arith.constant 4 : i32
    %mul3A_2420 = vector.broadcast %mul3A_2419 : i32 to vector<16xi32>
    %mul3A_2421 = arith.muli %and3A_2418, %mul3A_2420 : vector<16xi32>
    %shift_right_arithmetic3A_2422 = arith.shrsi %gather3A_2415, %mul3A_2421 : vector<16xi32>
    %and3A_2423 = arith.constant 15 : i32
    %and3A_2424 = vector.broadcast %and3A_2423 : i32 to vector<16xi32>
    %and3A_2425 = arith.andi %shift_right_arithmetic3A_2422, %and3A_2424 : vector<16xi32>
    %mul3A_2426 = arith.constant 16 : i32
    %mul3A_2427 = vector.broadcast %mul3A_2426 : i32 to vector<16xi32>
    %mul3A_2428 = arith.muli %get3A_2407, %mul3A_2427 : vector<16xi32>
    %add3A_2429 = arith.addi %mul3A_2428, %and3A_2425 : vector<16xi32>
    %swap3A_2430 = arith.constant 0 : index
    %swap3A_2431 = tpu.vector_load %arg26[%swap3A_2430] {strides = array<i32>} : memref<64xi32, #tpu.memory_space<vmem>>, vector<16xi32>,
    tpu.vector_store %arg26[%swap3A_2430], %add3A_2429 {strides = array<i32>} : memref<64xi32, #tpu.memory_space<vmem>>, vector<16xi32>,
    %get3A_2432 = arith.constant 16 : index
    %get3A_2433 = tpu.vector_load %arg14[%get3A_2432] {strides = array<i32>} : memref<64xi32, #tpu.memory_space<vmem>>, vector<16xi32>,
    %get3A_2434 = arith.constant 16 : index
    %get3A_2435 = tpu.vector_load %arg18[%get3A_2434] {strides = array<i32>} : memref<64xi32, #tpu.memory_space<vmem>>, vector<16xi32>,
    %swap3A_2436 = arith.constant 16 : index
    %swap3A_2437 = tpu.vector_load %arg22[%swap3A_2436] {strides = array<i32>} : memref<64xi32, #tpu.memory_space<vmem>>, vector<16xi32>,
    tpu.vector_store %arg22[%swap3A_2436], %get3A_2435 {strides = array<i32>} : memref<64xi32, #tpu.memory_space<vmem>>, vector<16xi32>,
    %shift_right_arithmetic3A_2438 = arith.constant 3 : i32
    %shift_right_arithmetic3A_2439 = vector.broadcast %shift_right_arithmetic3A_2438 : i32 to vector<16xi32>
    %shift_right_arithmetic3A_2440 = arith.shrsi %get3A_2435, %shift_right_arithmetic3A_2439 : vector<16xi32>
    %gather3A_2441 = tpu.vector_load_idx %arg11[%shift_right_arithmetic3A_2440] : memref<1264xi32, #tpu.memory_space<vmem>>[vector<16xi32>], vector<16xi32>,
    %and3A_2442 = arith.constant 7 : i32
    %and3A_2443 = vector.broadcast %and3A_2442 : i32 to vector<16xi32>
    %and3A_2444 = arith.andi %get3A_2435, %and3A_2443 : vector<16xi32>
    %mul3A_2445 = arith.constant 4 : i32
    %mul3A_2446 = vector.broadcast %mul3A_2445 : i32 to vector<16xi32>
    %mul3A_2447 = arith.muli %and3A_2444, %mul3A_2446 : vector<16xi32>
    %shift_right_arithmetic3A_2448 = arith.shrsi %gather3A_2441, %mul3A_2447 : vector<16xi32>
    %and3A_2449 = arith.constant 15 : i32
    %and3A_2450 = vector.broadcast %and3A_2449 : i32 to vector<16xi32>
    %and3A_2451 = arith.andi %shift_right_arithmetic3A_2448, %and3A_2450 : vector<16xi32>
    %mul3A_2452 = arith.constant 16 : i32
    %mul3A_2453 = vector.broadcast %mul3A_2452 : i32 to vector<16xi32>
    %mul3A_2454 = arith.muli %get3A_2433, %mul3A_2453 : vector<16xi32>
    %add3A_2455 = arith.addi %mul3A_2454, %and3A_2451 : vector<16xi32>
    %swap3A_2456 = arith.constant 16 : index
    %swap3A_2457 = tpu.vector_load %arg26[%swap3A_2456] {strides = array<i32>} : memref<64xi32, #tpu.memory_space<vmem>>, vector<16xi32>,
    tpu.vector_store %arg26[%swap3A_2456], %add3A_2455 {strides = array<i32>} : memref<64xi32, #tpu.memory_space<vmem>>, vector<16xi32>,
    %get3A_2458 = arith.constant 32 : index
    %get3A_2459 = tpu.vector_load %arg14[%get3A_2458] {strides = array<i32>} : memref<64xi32, #tpu.memory_space<vmem>>, vector<16xi32>,
    %get3A_2460 = arith.constant 32 : index
    %get3A_2461 = tpu.vector_load %arg18[%get3A_2460] {strides = array<i32>} : memref<64xi32, #tpu.memory_space<vmem>>, vector<16xi32>,
    %swap3A_2462 = arith.constant 32 : index
    %swap3A_2463 = tpu.vector_load %arg22[%swap3A_2462] {strides = array<i32>} : memref<64xi32, #tpu.memory_space<vmem>>, vector<16xi32>,
    tpu.vector_store %arg22[%swap3A_2462], %get3A_2461 {strides = array<i32>} : memref<64xi32, #tpu.memory_space<vmem>>, vector<16xi32>,
    %shift_right_arithmetic3A_2464 = arith.constant 3 : i32
    %shift_right_arithmetic3A_2465 = vector.broadcast %shift_right_arithmetic3A_2464 : i32 to vector<16xi32>
    %shift_right_arithmetic3A_2466 = arith.shrsi %get3A_2461, %shift_right_arithmetic3A_2465 : vector<16xi32>
    %gather3A_2467 = tpu.vector_load_idx %arg11[%shift_right_arithmetic3A_2466] : memref<1264xi32, #tpu.memory_space<vmem>>[vector<16xi32>], vector<16xi32>,
    %and3A_2468 = arith.constant 7 : i32
    %and3A_2469 = vector.broadcast %and3A_2468 : i32 to vector<16xi32>
    %and3A_2470 = arith.andi %get3A_2461, %and3A_2469 : vector<16xi32>
    %mul3A_2471 = arith.constant 4 : i32
    %mul3A_2472 = vector.broadcast %mul3A_2471 : i32 to vector<16xi32>
    %mul3A_2473 = arith.muli %and3A_2470, %mul3A_2472 : vector<16xi32>
    %shift_right_arithmetic3A_2474 = arith.shrsi %gather3A_2467, %mul3A_2473 : vector<16xi32>
    %and3A_2475 = arith.constant 15 : i32
    %and3A_2476 = vector.broadcast %and3A_2475 : i32 to vector<16xi32>
    %and3A_2477 = arith.andi %shift_right_arithmetic3A_2474, %and3A_2476 : vector<16xi32>
    %mul3A_2478 = arith.constant 16 : i32
    %mul3A_2479 = vector.broadcast %mul3A_2478 : i32 to vector<16xi32>
    %mul3A_2480 = arith.muli %get3A_2459, %mul3A_2479 : vector<16xi32>
    %add3A_2481 = arith.addi %mul3A_2480, %and3A_2477 : vector<16xi32>
    %swap3A_2482 = arith.constant 32 : index
    %swap3A_2483 = tpu.vector_load %arg26[%swap3A_2482] {strides = array<i32>} : memref<64xi32, #tpu.memory_space<vmem>>, vector<16xi32>,
    tpu.vector_store %arg26[%swap3A_2482], %add3A_2481 {strides = array<i32>} : memref<64xi32, #tpu.memory_space<vmem>>, vector<16xi32>,
    %get3A_2484 = arith.constant 48 : index
    %get3A_2485 = tpu.vector_load %arg14[%get3A_2484] {strides = array<i32>} : memref<64xi32, #tpu.memory_space<vmem>>, vector<16xi32>,
    %get3A_2486 = arith.constant 48 : index
    %get3A_2487 = tpu.vector_load %arg18[%get3A_2486] {strides = array<i32>} : memref<64xi32, #tpu.memory_space<vmem>>, vector<16xi32>,
    %swap3A_2488 = arith.constant 48 : index
    %swap3A_2489 = tpu.vector_load %arg22[%swap3A_2488] {strides = array<i32>} : memref<64xi32, #tpu.memory_space<vmem>>, vector<16xi32>,
    tpu.vector_store %arg22[%swap3A_2488], %get3A_2487 {strides = array<i32>} : memref<64xi32, #tpu.memory_space<vmem>>, vector<16xi32>,
    %shift_right_arithmetic3A_2490 = arith.constant 3 : i32
    %shift_right_arithmetic3A_2491 = vector.broadcast %shift_right_arithmetic3A_2490 : i32 to vector<16xi32>
    %shift_right_arithmetic3A_2492 = arith.shrsi %get3A_2487, %shift_right_arithmetic3A_2491 : vector<16xi32>
    %gather3A_2493 = tpu.vector_load_idx %arg11[%shift_right_arithmetic3A_2492] : memref<1264xi32, #tpu.memory_space<vmem>>[vector<16xi32>], vector<16xi32>,
    %and3A_2494 = arith.constant 7 : i32
    %and3A_2495 = vector.broadcast %and3A_2494 : i32 to vector<16xi32>
    %and3A_2496 = arith.andi %get3A_2487, %and3A_2495 : vector<16xi32>
    %mul3A_2497 = arith.constant 4 : i32
    %mul3A_2498 = vector.broadcast %mul3A_2497 : i32 to vector<16xi32>
    %mul3A_2499 = arith.muli %and3A_2496, %mul3A_2498 : vector<16xi32>
    %shift_right_arithmetic3A_2500 = arith.shrsi %gather3A_2493, %mul3A_2499 : vector<16xi32>
    %and3A_2501 = arith.constant 15 : i32
    %and3A_2502 = vector.broadcast %and3A_2501 : i32 to vector<16xi32>
    %and3A_2503 = arith.andi %shift_right_arithmetic3A_2500, %and3A_2502 : vector<16xi32>
    %mul3A_2504 = arith.constant 16 : i32
    %mul3A_2505 = vector.broadcast %mul3A_2504 : i32 to vector<16xi32>
    %mul3A_2506 = arith.muli %get3A_2485, %mul3A_2505 : vector<16xi32>
    %add3A_2507 = arith.addi %mul3A_2506, %and3A_2503 : vector<16xi32>
    %swap3A_2508 = arith.constant 48 : index
    %swap3A_2509 = tpu.vector_load %arg26[%swap3A_2508] {strides = array<i32>} : memref<64xi32, #tpu.memory_space<vmem>>, vector<16xi32>,
    tpu.vector_store %arg26[%swap3A_2508], %add3A_2507 {strides = array<i32>} : memref<64xi32, #tpu.memory_space<vmem>>, vector<16xi32>,
    %dma_start3A_2510 = arith.constant 0 : i32
    %dma_start3A_2511 = arith.constant 0 : i32
    %dma_start3A_2512 = tpu.memref_slice %arg9[%dma_start3A_2510, %dma_start3A_2511] : memref<10112x128xf32, #tpu.memory_space<vmem_shared>> -> memref<10112x128xf32, #tpu.memory_space<vmem_shared>>
    tpu.enqueue_indirect_dma source(%arg31 : memref<64x128xf32, #tpu.memory_space<vmem>>) target(%dma_start3A_2512 : memref<10112x128xf32, #tpu.memory_space<vmem_shared>>) offsets(%arg22 : memref<64xi32, #tpu.memory_space<vmem>>) semaphore(%arg39 : memref<!tpu.dma_semaphore, #tpu.memory_space<semaphore_mem>>) {add = true}
    %dma_start3A_2513 = arith.constant 0 : i32
    %dma_start3A_2514 = tpu.memref_slice %arg10[%dma_start3A_2513] : memref<161792xf32, #tpu.memory_space<vmem_shared>> -> memref<161792xf32, #tpu.memory_space<vmem_shared>>
    tpu.enqueue_indirect_dma source(%arg28 : memref<64xf32, #tpu.memory_space<vmem>>) target(%dma_start3A_2514 : memref<161792xf32, #tpu.memory_space<vmem_shared>>) offsets(%arg26 : memref<64xi32, #tpu.memory_space<vmem>>) semaphore(%arg47 : memref<!tpu.dma_semaphore, #tpu.memory_space<semaphore_mem>>) {add = true}
    %dma_wait3A_2515 = arith.constant 0 : i32
    %dma_wait3A_2516 = tpu.memref_slice %arg3[%dma_wait3A_2515] : memref<327936xi32, #tpu.memory_space<hbm>> -> memref<64xi32, #tpu.memory_space<hbm>>
    %dma_wait3A_2517 = arith.constant 0 : i32
    %dma_wait3A_2518 = tpu.memref_slice %arg3[%dma_wait3A_2517] : memref<327936xi32, #tpu.memory_space<hbm>> -> memref<64xi32, #tpu.memory_space<hbm>>
    tpu.wait_dma2 semaphore(%arg42 : memref<!tpu.dma_semaphore, #tpu.memory_space<semaphore_mem>>) src(%dma_wait3A_2518 : memref<64xi32, #tpu.memory_space<hbm>>) dst(%arg13 : memref<64xi32, #tpu.memory_space<vmem>>)
    %dma_wait3A_2519 = arith.constant 0 : i32
    %dma_wait3A_2520 = tpu.memref_slice %arg4[%dma_wait3A_2519] : memref<327936xi32, #tpu.memory_space<hbm>> -> memref<64xi32, #tpu.memory_space<hbm>>
    %dma_wait3A_2521 = arith.constant 0 : i32
    %dma_wait3A_2522 = tpu.memref_slice %arg4[%dma_wait3A_2521] : memref<327936xi32, #tpu.memory_space<hbm>> -> memref<64xi32, #tpu.memory_space<hbm>>
    tpu.wait_dma2 semaphore(%arg42 : memref<!tpu.dma_semaphore, #tpu.memory_space<semaphore_mem>>) src(%dma_wait3A_2522 : memref<64xi32, #tpu.memory_space<hbm>>) dst(%arg17 : memref<64xi32, #tpu.memory_space<vmem>>)
    %dma_wait3A_2523 = arith.constant 0 : i32
    %dma_wait3A_2524 = arith.constant 0 : i32
    %dma_wait3A_2525 = tpu.memref_slice %arg9[%dma_wait3A_2523, %dma_wait3A_2524] : memref<10112x128xf32, #tpu.memory_space<vmem_shared>> -> memref<10112x128xf32, #tpu.memory_space<vmem_shared>>
    tpu.wait_indirect_dma semaphore(%arg38 : memref<!tpu.dma_semaphore, #tpu.memory_space<semaphore_mem>>) src(%arg30 : memref<64x128xf32, #tpu.memory_space<vmem>>) dst(%dma_wait3A_2525 : memref<10112x128xf32, #tpu.memory_space<vmem_shared>>)
    %dma_start3A_2526 = arith.constant 0 : i32
    %dma_start3A_2527 = arith.constant 0 : i32
    %dma_start3A_2528 = tpu.memref_slice %arg2[%dma_start3A_2526, %dma_start3A_2527] : memref<10112x128xf32, #tpu.memory_space<hbm>> -> memref<10112x128xf32, #tpu.memory_space<hbm>>
    tpu.enqueue_indirect_dma source(%dma_start3A_2528 : memref<10112x128xf32, #tpu.memory_space<hbm>>) target(%arg30 : memref<64x128xf32, #tpu.memory_space<vmem>>) offsets(%arg13 : memref<64xi32, #tpu.memory_space<vmem>>) semaphore(%arg34 : memref<!tpu.dma_semaphore, #tpu.memory_space<semaphore_mem>>)
    %add3A_2529 = arith.constant 384 : i32
    %add3A_2530 = arith.addi %mul3A_2090, %add3A_2529 : i32
    %dma_start3A_2531 = tpu.memref_slice %arg3[%add3A_2530] : memref<327936xi32, #tpu.memory_space<hbm>> -> memref<64xi32, #tpu.memory_space<hbm>>
    %dma_start3A_2532 = tpu.memref_slice %arg3[%add3A_2530] : memref<327936xi32, #tpu.memory_space<hbm>> -> memref<64xi32, #tpu.memory_space<hbm>>
    tpu.enqueue_dma source(%dma_start3A_2532 : memref<64xi32, #tpu.memory_space<hbm>>) target(%arg14 : memref<64xi32, #tpu.memory_space<vmem>>) target_semaphore(%arg43 : memref<!tpu.dma_semaphore, #tpu.memory_space<semaphore_mem>>)
    %dma_start3A_2533 = tpu.memref_slice %arg4[%add3A_2530] : memref<327936xi32, #tpu.memory_space<hbm>> -> memref<64xi32, #tpu.memory_space<hbm>>
    %dma_start3A_2534 = tpu.memref_slice %arg4[%add3A_2530] : memref<327936xi32, #tpu.memory_space<hbm>> -> memref<64xi32, #tpu.memory_space<hbm>>
    tpu.enqueue_dma source(%dma_start3A_2534 : memref<64xi32, #tpu.memory_space<hbm>>) target(%arg18 : memref<64xi32, #tpu.memory_space<vmem>>) target_semaphore(%arg43 : memref<!tpu.dma_semaphore, #tpu.memory_space<semaphore_mem>>)
    %dma_wait3A_2535 = arith.constant 0 : i32
    %dma_wait3A_2536 = arith.constant 0 : i32
    %dma_wait3A_2537 = tpu.memref_slice %arg2[%dma_wait3A_2535, %dma_wait3A_2536] : memref<10112x128xf32, #tpu.memory_space<hbm>> -> memref<10112x128xf32, #tpu.memory_space<hbm>>
    tpu.wait_indirect_dma semaphore(%arg36 : memref<!tpu.dma_semaphore, #tpu.memory_space<semaphore_mem>>) src(%dma_wait3A_2537 : memref<10112x128xf32, #tpu.memory_space<hbm>>) dst(%arg32 : memref<64x128xf32, #tpu.memory_space<vmem>>)
    %get3A_2538 = arith.constant 0 : index
    %get3A_2539 = tpu.vector_load %arg15[%get3A_2538] {strides = array<i32>} : memref<64xi32, #tpu.memory_space<vmem>>, vector<16xi32>,
    %get3A_2540 = arith.constant 0 : index
    %get3A_2541 = tpu.vector_load %arg19[%get3A_2540] {strides = array<i32>} : memref<64xi32, #tpu.memory_space<vmem>>, vector<16xi32>,
    %swap3A_2542 = arith.constant 0 : index
    %swap3A_2543 = tpu.vector_load %arg23[%swap3A_2542] {strides = array<i32>} : memref<64xi32, #tpu.memory_space<vmem>>, vector<16xi32>,
    tpu.vector_store %arg23[%swap3A_2542], %get3A_2541 {strides = array<i32>} : memref<64xi32, #tpu.memory_space<vmem>>, vector<16xi32>,
    %shift_right_arithmetic3A_2544 = arith.constant 3 : i32
    %shift_right_arithmetic3A_2545 = vector.broadcast %shift_right_arithmetic3A_2544 : i32 to vector<16xi32>
    %shift_right_arithmetic3A_2546 = arith.shrsi %get3A_2541, %shift_right_arithmetic3A_2545 : vector<16xi32>
    %gather3A_2547 = tpu.vector_load_idx %arg11[%shift_right_arithmetic3A_2546] : memref<1264xi32, #tpu.memory_space<vmem>>[vector<16xi32>], vector<16xi32>,
    %and3A_2548 = arith.constant 7 : i32
    %and3A_2549 = vector.broadcast %and3A_2548 : i32 to vector<16xi32>
    %and3A_2550 = arith.andi %get3A_2541, %and3A_2549 : vector<16xi32>
    %mul3A_2551 = arith.constant 4 : i32
    %mul3A_2552 = vector.broadcast %mul3A_2551 : i32 to vector<16xi32>
    %mul3A_2553 = arith.muli %and3A_2550, %mul3A_2552 : vector<16xi32>
    %shift_right_arithmetic3A_2554 = arith.shrsi %gather3A_2547, %mul3A_2553 : vector<16xi32>
    %and3A_2555 = arith.constant 15 : i32
    %and3A_2556 = vector.broadcast %and3A_2555 : i32 to vector<16xi32>
    %and3A_2557 = arith.andi %shift_right_arithmetic3A_2554, %and3A_2556 : vector<16xi32>
    %mul3A_2558 = arith.constant 16 : i32
    %mul3A_2559 = vector.broadcast %mul3A_2558 : i32 to vector<16xi32>
    %mul3A_2560 = arith.muli %get3A_2539, %mul3A_2559 : vector<16xi32>
    %add3A_2561 = arith.addi %mul3A_2560, %and3A_2557 : vector<16xi32>
    %swap3A_2562 = arith.constant 0 : index
    %swap3A_2563 = tpu.vector_load %arg27[%swap3A_2562] {strides = array<i32>} : memref<64xi32, #tpu.memory_space<vmem>>, vector<16xi32>,
    tpu.vector_store %arg27[%swap3A_2562], %add3A_2561 {strides = array<i32>} : memref<64xi32, #tpu.memory_space<vmem>>, vector<16xi32>,
    %get3A_2564 = arith.constant 16 : index
    %get3A_2565 = tpu.vector_load %arg15[%get3A_2564] {strides = array<i32>} : memref<64xi32, #tpu.memory_space<vmem>>, vector<16xi32>,
    %get3A_2566 = arith.constant 16 : index
    %get3A_2567 = tpu.vector_load %arg19[%get3A_2566] {strides = array<i32>} : memref<64xi32, #tpu.memory_space<vmem>>, vector<16xi32>,
    %swap3A_2568 = arith.constant 16 : index
    %swap3A_2569 = tpu.vector_load %arg23[%swap3A_2568] {strides = array<i32>} : memref<64xi32, #tpu.memory_space<vmem>>, vector<16xi32>,
    tpu.vector_store %arg23[%swap3A_2568], %get3A_2567 {strides = array<i32>} : memref<64xi32, #tpu.memory_space<vmem>>, vector<16xi32>,
    %shift_right_arithmetic3A_2570 = arith.constant 3 : i32
    %shift_right_arithmetic3A_2571 = vector.broadcast %shift_right_arithmetic3A_2570 : i32 to vector<16xi32>
    %shift_right_arithmetic3A_2572 = arith.shrsi %get3A_2567, %shift_right_arithmetic3A_2571 : vector<16xi32>
    %gather3A_2573 = tpu.vector_load_idx %arg11[%shift_right_arithmetic3A_2572] : memref<1264xi32, #tpu.memory_space<vmem>>[vector<16xi32>], vector<16xi32>,
    %and3A_2574 = arith.constant 7 : i32
    %and3A_2575 = vector.broadcast %and3A_2574 : i32 to vector<16xi32>
    %and3A_2576 = arith.andi %get3A_2567, %and3A_2575 : vector<16xi32>
    %mul3A_2577 = arith.constant 4 : i32
    %mul3A_2578 = vector.broadcast %mul3A_2577 : i32 to vector<16xi32>
    %mul3A_2579 = arith.muli %and3A_2576, %mul3A_2578 : vector<16xi32>
    %shift_right_arithmetic3A_2580 = arith.shrsi %gather3A_2573, %mul3A_2579 : vector<16xi32>
    %and3A_2581 = arith.constant 15 : i32
    %and3A_2582 = vector.broadcast %and3A_2581 : i32 to vector<16xi32>
    %and3A_2583 = arith.andi %shift_right_arithmetic3A_2580, %and3A_2582 : vector<16xi32>
    %mul3A_2584 = arith.constant 16 : i32
    %mul3A_2585 = vector.broadcast %mul3A_2584 : i32 to vector<16xi32>
    %mul3A_2586 = arith.muli %get3A_2565, %mul3A_2585 : vector<16xi32>
    %add3A_2587 = arith.addi %mul3A_2586, %and3A_2583 : vector<16xi32>
    %swap3A_2588 = arith.constant 16 : index
    %swap3A_2589 = tpu.vector_load %arg27[%swap3A_2588] {strides = array<i32>} : memref<64xi32, #tpu.memory_space<vmem>>, vector<16xi32>,
    tpu.vector_store %arg27[%swap3A_2588], %add3A_2587 {strides = array<i32>} : memref<64xi32, #tpu.memory_space<vmem>>, vector<16xi32>,
    %get3A_2590 = arith.constant 32 : index
    %get3A_2591 = tpu.vector_load %arg15[%get3A_2590] {strides = array<i32>} : memref<64xi32, #tpu.memory_space<vmem>>, vector<16xi32>,
    %get3A_2592 = arith.constant 32 : index
    %get3A_2593 = tpu.vector_load %arg19[%get3A_2592] {strides = array<i32>} : memref<64xi32, #tpu.memory_space<vmem>>, vector<16xi32>,
    %swap3A_2594 = arith.constant 32 : index
    %swap3A_2595 = tpu.vector_load %arg23[%swap3A_2594] {strides = array<i32>} : memref<64xi32, #tpu.memory_space<vmem>>, vector<16xi32>,
    tpu.vector_store %arg23[%swap3A_2594], %get3A_2593 {strides = array<i32>} : memref<64xi32, #tpu.memory_space<vmem>>, vector<16xi32>,
    %shift_right_arithmetic3A_2596 = arith.constant 3 : i32
    %shift_right_arithmetic3A_2597 = vector.broadcast %shift_right_arithmetic3A_2596 : i32 to vector<16xi32>
    %shift_right_arithmetic3A_2598 = arith.shrsi %get3A_2593, %shift_right_arithmetic3A_2597 : vector<16xi32>
    %gather3A_2599 = tpu.vector_load_idx %arg11[%shift_right_arithmetic3A_2598] : memref<1264xi32, #tpu.memory_space<vmem>>[vector<16xi32>], vector<16xi32>,
    %and3A_2600 = arith.constant 7 : i32
    %and3A_2601 = vector.broadcast %and3A_2600 : i32 to vector<16xi32>
    %and3A_2602 = arith.andi %get3A_2593, %and3A_2601 : vector<16xi32>
    %mul3A_2603 = arith.constant 4 : i32
    %mul3A_2604 = vector.broadcast %mul3A_2603 : i32 to vector<16xi32>
    %mul3A_2605 = arith.muli %and3A_2602, %mul3A_2604 : vector<16xi32>
    %shift_right_arithmetic3A_2606 = arith.shrsi %gather3A_2599, %mul3A_2605 : vector<16xi32>
    %and3A_2607 = arith.constant 15 : i32
    %and3A_2608 = vector.broadcast %and3A_2607 : i32 to vector<16xi32>
    %and3A_2609 = arith.andi %shift_right_arithmetic3A_2606, %and3A_2608 : vector<16xi32>
    %mul3A_2610 = arith.constant 16 : i32
    %mul3A_2611 = vector.broadcast %mul3A_2610 : i32 to vector<16xi32>
    %mul3A_2612 = arith.muli %get3A_2591, %mul3A_2611 : vector<16xi32>
    %add3A_2613 = arith.addi %mul3A_2612, %and3A_2609 : vector<16xi32>
    %swap3A_2614 = arith.constant 32 : index
    %swap3A_2615 = tpu.vector_load %arg27[%swap3A_2614] {strides = array<i32>} : memref<64xi32, #tpu.memory_space<vmem>>, vector<16xi32>,
    tpu.vector_store %arg27[%swap3A_2614], %add3A_2613 {strides = array<i32>} : memref<64xi32, #tpu.memory_space<vmem>>, vector<16xi32>,
    %get3A_2616 = arith.constant 48 : index
    %get3A_2617 = tpu.vector_load %arg15[%get3A_2616] {strides = array<i32>} : memref<64xi32, #tpu.memory_space<vmem>>, vector<16xi32>,
    %get3A_2618 = arith.constant 48 : index
    %get3A_2619 = tpu.vector_load %arg19[%get3A_2618] {strides = array<i32>} : memref<64xi32, #tpu.memory_space<vmem>>, vector<16xi32>,
    %swap3A_2620 = arith.constant 48 : index
    %swap3A_2621 = tpu.vector_load %arg23[%swap3A_2620] {strides = array<i32>} : memref<64xi32, #tpu.memory_space<vmem>>, vector<16xi32>,
    tpu.vector_store %arg23[%swap3A_2620], %get3A_2619 {strides = array<i32>} : memref<64xi32, #tpu.memory_space<vmem>>, vector<16xi32>,
    %shift_right_arithmetic3A_2622 = arith.constant 3 : i32
    %shift_right_arithmetic3A_2623 = vector.broadcast %shift_right_arithmetic3A_2622 : i32 to vector<16xi32>
    %shift_right_arithmetic3A_2624 = arith.shrsi %get3A_2619, %shift_right_arithmetic3A_2623 : vector<16xi32>
    %gather3A_2625 = tpu.vector_load_idx %arg11[%shift_right_arithmetic3A_2624] : memref<1264xi32, #tpu.memory_space<vmem>>[vector<16xi32>], vector<16xi32>,
    %and3A_2626 = arith.constant 7 : i32
    %and3A_2627 = vector.broadcast %and3A_2626 : i32 to vector<16xi32>
    %and3A_2628 = arith.andi %get3A_2619, %and3A_2627 : vector<16xi32>
    %mul3A_2629 = arith.constant 4 : i32
    %mul3A_2630 = vector.broadcast %mul3A_2629 : i32 to vector<16xi32>
    %mul3A_2631 = arith.muli %and3A_2628, %mul3A_2630 : vector<16xi32>
    %shift_right_arithmetic3A_2632 = arith.shrsi %gather3A_2625, %mul3A_2631 : vector<16xi32>
    %and3A_2633 = arith.constant 15 : i32
    %and3A_2634 = vector.broadcast %and3A_2633 : i32 to vector<16xi32>
    %and3A_2635 = arith.andi %shift_right_arithmetic3A_2632, %and3A_2634 : vector<16xi32>
    %mul3A_2636 = arith.constant 16 : i32
    %mul3A_2637 = vector.broadcast %mul3A_2636 : i32 to vector<16xi32>
    %mul3A_2638 = arith.muli %get3A_2617, %mul3A_2637 : vector<16xi32>
    %add3A_2639 = arith.addi %mul3A_2638, %and3A_2635 : vector<16xi32>
    %swap3A_2640 = arith.constant 48 : index
    %swap3A_2641 = tpu.vector_load %arg27[%swap3A_2640] {strides = array<i32>} : memref<64xi32, #tpu.memory_space<vmem>>, vector<16xi32>,
    tpu.vector_store %arg27[%swap3A_2640], %add3A_2639 {strides = array<i32>} : memref<64xi32, #tpu.memory_space<vmem>>, vector<16xi32>,
    %dma_start3A_2642 = arith.constant 0 : i32
    %dma_start3A_2643 = arith.constant 0 : i32
    %dma_start3A_2644 = tpu.memref_slice %arg9[%dma_start3A_2642, %dma_start3A_2643] : memref<10112x128xf32, #tpu.memory_space<vmem_shared>> -> memref<10112x128xf32, #tpu.memory_space<vmem_shared>>
    tpu.enqueue_indirect_dma source(%arg32 : memref<64x128xf32, #tpu.memory_space<vmem>>) target(%dma_start3A_2644 : memref<10112x128xf32, #tpu.memory_space<vmem_shared>>) offsets(%arg23 : memref<64xi32, #tpu.memory_space<vmem>>) semaphore(%arg40 : memref<!tpu.dma_semaphore, #tpu.memory_space<semaphore_mem>>) {add = true}
    %dma_start3A_2645 = arith.constant 0 : i32
    %dma_start3A_2646 = tpu.memref_slice %arg10[%dma_start3A_2645] : memref<161792xf32, #tpu.memory_space<vmem_shared>> -> memref<161792xf32, #tpu.memory_space<vmem_shared>>
    tpu.enqueue_indirect_dma source(%arg28 : memref<64xf32, #tpu.memory_space<vmem>>) target(%dma_start3A_2646 : memref<161792xf32, #tpu.memory_space<vmem_shared>>) offsets(%arg27 : memref<64xi32, #tpu.memory_space<vmem>>) semaphore(%arg48 : memref<!tpu.dma_semaphore, #tpu.memory_space<semaphore_mem>>) {add = true}
    %dma_wait3A_2647 = arith.constant 0 : i32
    %dma_wait3A_2648 = tpu.memref_slice %arg3[%dma_wait3A_2647] : memref<327936xi32, #tpu.memory_space<hbm>> -> memref<64xi32, #tpu.memory_space<hbm>>
    %dma_wait3A_2649 = arith.constant 0 : i32
    %dma_wait3A_2650 = tpu.memref_slice %arg3[%dma_wait3A_2649] : memref<327936xi32, #tpu.memory_space<hbm>> -> memref<64xi32, #tpu.memory_space<hbm>>
    tpu.wait_dma2 semaphore(%arg43 : memref<!tpu.dma_semaphore, #tpu.memory_space<semaphore_mem>>) src(%dma_wait3A_2650 : memref<64xi32, #tpu.memory_space<hbm>>) dst(%arg14 : memref<64xi32, #tpu.memory_space<vmem>>)
    %dma_wait3A_2651 = arith.constant 0 : i32
    %dma_wait3A_2652 = tpu.memref_slice %arg4[%dma_wait3A_2651] : memref<327936xi32, #tpu.memory_space<hbm>> -> memref<64xi32, #tpu.memory_space<hbm>>
    %dma_wait3A_2653 = arith.constant 0 : i32
    %dma_wait3A_2654 = tpu.memref_slice %arg4[%dma_wait3A_2653] : memref<327936xi32, #tpu.memory_space<hbm>> -> memref<64xi32, #tpu.memory_space<hbm>>
    tpu.wait_dma2 semaphore(%arg43 : memref<!tpu.dma_semaphore, #tpu.memory_space<semaphore_mem>>) src(%dma_wait3A_2654 : memref<64xi32, #tpu.memory_space<hbm>>) dst(%arg18 : memref<64xi32, #tpu.memory_space<vmem>>)
    %dma_wait3A_2655 = arith.constant 0 : i32
    %dma_wait3A_2656 = arith.constant 0 : i32
    %dma_wait3A_2657 = tpu.memref_slice %arg9[%dma_wait3A_2655, %dma_wait3A_2656] : memref<10112x128xf32, #tpu.memory_space<vmem_shared>> -> memref<10112x128xf32, #tpu.memory_space<vmem_shared>>
    tpu.wait_indirect_dma semaphore(%arg39 : memref<!tpu.dma_semaphore, #tpu.memory_space<semaphore_mem>>) src(%arg31 : memref<64x128xf32, #tpu.memory_space<vmem>>) dst(%dma_wait3A_2657 : memref<10112x128xf32, #tpu.memory_space<vmem_shared>>)
    %dma_start3A_2658 = arith.constant 0 : i32
    %dma_start3A_2659 = arith.constant 0 : i32
    %dma_start3A_2660 = tpu.memref_slice %arg2[%dma_start3A_2658, %dma_start3A_2659] : memref<10112x128xf32, #tpu.memory_space<hbm>> -> memref<10112x128xf32, #tpu.memory_space<hbm>>
    tpu.enqueue_indirect_dma source(%dma_start3A_2660 : memref<10112x128xf32, #tpu.memory_space<hbm>>) target(%arg31 : memref<64x128xf32, #tpu.memory_space<vmem>>) offsets(%arg14 : memref<64xi32, #tpu.memory_space<vmem>>) semaphore(%arg35 : memref<!tpu.dma_semaphore, #tpu.memory_space<semaphore_mem>>)
    %add3A_2661 = arith.constant 448 : i32
    %add3A_2662 = arith.addi %mul3A_2090, %add3A_2661 : i32
    %dma_start3A_2663 = tpu.memref_slice %arg3[%add3A_2662] : memref<327936xi32, #tpu.memory_space<hbm>> -> memref<64xi32, #tpu.memory_space<hbm>>
    %dma_start3A_2664 = tpu.memref_slice %arg3[%add3A_2662] : memref<327936xi32, #tpu.memory_space<hbm>> -> memref<64xi32, #tpu.memory_space<hbm>>
    tpu.enqueue_dma source(%dma_start3A_2664 : memref<64xi32, #tpu.memory_space<hbm>>) target(%arg15 : memref<64xi32, #tpu.memory_space<vmem>>) target_semaphore(%arg44 : memref<!tpu.dma_semaphore, #tpu.memory_space<semaphore_mem>>)
    %dma_start3A_2665 = tpu.memref_slice %arg4[%add3A_2662] : memref<327936xi32, #tpu.memory_space<hbm>> -> memref<64xi32, #tpu.memory_space<hbm>>
    %dma_start3A_2666 = tpu.memref_slice %arg4[%add3A_2662] : memref<327936xi32, #tpu.memory_space<hbm>> -> memref<64xi32, #tpu.memory_space<hbm>>
    tpu.enqueue_dma source(%dma_start3A_2666 : memref<64xi32, #tpu.memory_space<hbm>>) target(%arg19 : memref<64xi32, #tpu.memory_space<vmem>>) target_semaphore(%arg44 : memref<!tpu.dma_semaphore, #tpu.memory_space<semaphore_mem>>)
    %scan3A = arith.constant 0 : i32
    %scan3A_2667 = arith.constant 0 : i32
    %scan3A_2668 = arith.constant 39 : i32
    %scan3A_2669 = arith.addi %scan3A_2667, %scan3A_2668 : i32
    %scan3A_2670 = arith.constant 1 : i32
    scf.for %scan3A_2707 = %scan3A_2667 to %scan3A_2669 step %scan3A_2670  : i32 {
      %mul3A_2708 = arith.constant 4 : i32
      %mul3A_2709 = arith.muli %mul3A_2708, %scan3A_2707 : i32
      %add3A_2710 = arith.constant 4 : i32
      %add3A_2711 = arith.addi %mul3A_2709, %add3A_2710 : i32
      %add3A_2712 = arith.constant 0 : i32
      %add3A_2713 = arith.addi %add3A_2711, %add3A_2712 : i32
      %dma_wait3A_2714 = arith.constant 0 : i32
      %dma_wait3A_2715 = arith.constant 0 : i32
      %dma_wait3A_2716 = tpu.memref_slice %arg2[%dma_wait3A_2714, %dma_wait3A_2715] : memref<10112x128xf32, #tpu.memory_space<hbm>> -> memref<10112x128xf32, #tpu.memory_space<hbm>>
      tpu.wait_indirect_dma semaphore(%arg33 : memref<!tpu.dma_semaphore, #tpu.memory_space<semaphore_mem>>) src(%dma_wait3A_2716 : memref<10112x128xf32, #tpu.memory_space<hbm>>) dst(%arg29 : memref<64x128xf32, #tpu.memory_space<vmem>>)
      %dma_wait3A_2717 = arith.constant 0 : i32
      %dma_wait3A_2718 = tpu.memref_slice %arg10[%dma_wait3A_2717] : memref<161792xf32, #tpu.memory_space<vmem_shared>> -> memref<161792xf32, #tpu.memory_space<vmem_shared>>
      tpu.wait_indirect_dma semaphore(%arg45 : memref<!tpu.dma_semaphore, #tpu.memory_space<semaphore_mem>>) src(%arg28 : memref<64xf32, #tpu.memory_space<vmem>>) dst(%dma_wait3A_2718 : memref<161792xf32, #tpu.memory_space<vmem_shared>>)
      %get3A_2719 = arith.constant 0 : index
      %get3A_2720 = tpu.vector_load %arg12[%get3A_2719] {strides = array<i32>} : memref<64xi32, #tpu.memory_space<vmem>>, vector<16xi32>,
      %get3A_2721 = arith.constant 0 : index
      %get3A_2722 = tpu.vector_load %arg16[%get3A_2721] {strides = array<i32>} : memref<64xi32, #tpu.memory_space<vmem>>, vector<16xi32>,
      %swap3A_2723 = arith.constant 0 : index
      %swap3A_2724 = tpu.vector_load %arg20[%swap3A_2723] {strides = array<i32>} : memref<64xi32, #tpu.memory_space<vmem>>, vector<16xi32>,
      tpu.vector_store %arg20[%swap3A_2723], %get3A_2722 {strides = array<i32>} : memref<64xi32, #tpu.memory_space<vmem>>, vector<16xi32>,
      %shift_right_arithmetic3A_2725 = arith.constant 3 : i32
      %shift_right_arithmetic3A_2726 = vector.broadcast %shift_right_arithmetic3A_2725 : i32 to vector<16xi32>
      %shift_right_arithmetic3A_2727 = arith.shrsi %get3A_2722, %shift_right_arithmetic3A_2726 : vector<16xi32>
      %gather3A_2728 = tpu.vector_load_idx %arg11[%shift_right_arithmetic3A_2727] : memref<1264xi32, #tpu.memory_space<vmem>>[vector<16xi32>], vector<16xi32>,
      %and3A_2729 = arith.constant 7 : i32
      %and3A_2730 = vector.broadcast %and3A_2729 : i32 to vector<16xi32>
      %and3A_2731 = arith.andi %get3A_2722, %and3A_2730 : vector<16xi32>
      %mul3A_2732 = arith.constant 4 : i32
      %mul3A_2733 = vector.broadcast %mul3A_2732 : i32 to vector<16xi32>
      %mul3A_2734 = arith.muli %and3A_2731, %mul3A_2733 : vector<16xi32>
      %shift_right_arithmetic3A_2735 = arith.shrsi %gather3A_2728, %mul3A_2734 : vector<16xi32>
      %and3A_2736 = arith.constant 15 : i32
      %and3A_2737 = vector.broadcast %and3A_2736 : i32 to vector<16xi32>
      %and3A_2738 = arith.andi %shift_right_arithmetic3A_2735, %and3A_2737 : vector<16xi32>
      %mul3A_2739 = arith.constant 16 : i32
      %mul3A_2740 = vector.broadcast %mul3A_2739 : i32 to vector<16xi32>
      %mul3A_2741 = arith.muli %get3A_2720, %mul3A_2740 : vector<16xi32>
      %add3A_2742 = arith.addi %mul3A_2741, %and3A_2738 : vector<16xi32>
      %swap3A_2743 = arith.constant 0 : index
      %swap3A_2744 = tpu.vector_load %arg24[%swap3A_2743] {strides = array<i32>} : memref<64xi32, #tpu.memory_space<vmem>>, vector<16xi32>,
      tpu.vector_store %arg24[%swap3A_2743], %add3A_2742 {strides = array<i32>} : memref<64xi32, #tpu.memory_space<vmem>>, vector<16xi32>,
      %get3A_2745 = arith.constant 16 : index
      %get3A_2746 = tpu.vector_load %arg12[%get3A_2745] {strides = array<i32>} : memref<64xi32, #tpu.memory_space<vmem>>, vector<16xi32>,
      %get3A_2747 = arith.constant 16 : index
      %get3A_2748 = tpu.vector_load %arg16[%get3A_2747] {strides = array<i32>} : memref<64xi32, #tpu.memory_space<vmem>>, vector<16xi32>,
      %swap3A_2749 = arith.constant 16 : index
      %swap3A_2750 = tpu.vector_load %arg20[%swap3A_2749] {strides = array<i32>} : memref<64xi32, #tpu.memory_space<vmem>>, vector<16xi32>,
      tpu.vector_store %arg20[%swap3A_2749], %get3A_2748 {strides = array<i32>} : memref<64xi32, #tpu.memory_space<vmem>>, vector<16xi32>,
      %shift_right_arithmetic3A_2751 = arith.constant 3 : i32
      %shift_right_arithmetic3A_2752 = vector.broadcast %shift_right_arithmetic3A_2751 : i32 to vector<16xi32>
      %shift_right_arithmetic3A_2753 = arith.shrsi %get3A_2748, %shift_right_arithmetic3A_2752 : vector<16xi32>
      %gather3A_2754 = tpu.vector_load_idx %arg11[%shift_right_arithmetic3A_2753] : memref<1264xi32, #tpu.memory_space<vmem>>[vector<16xi32>], vector<16xi32>,
      %and3A_2755 = arith.constant 7 : i32
      %and3A_2756 = vector.broadcast %and3A_2755 : i32 to vector<16xi32>
      %and3A_2757 = arith.andi %get3A_2748, %and3A_2756 : vector<16xi32>
      %mul3A_2758 = arith.constant 4 : i32
      %mul3A_2759 = vector.broadcast %mul3A_2758 : i32 to vector<16xi32>
      %mul3A_2760 = arith.muli %and3A_2757, %mul3A_2759 : vector<16xi32>
      %shift_right_arithmetic3A_2761 = arith.shrsi %gather3A_2754, %mul3A_2760 : vector<16xi32>
      %and3A_2762 = arith.constant 15 : i32
      %and3A_2763 = vector.broadcast %and3A_2762 : i32 to vector<16xi32>
      %and3A_2764 = arith.andi %shift_right_arithmetic3A_2761, %and3A_2763 : vector<16xi32>
      %mul3A_2765 = arith.constant 16 : i32
      %mul3A_2766 = vector.broadcast %mul3A_2765 : i32 to vector<16xi32>
      %mul3A_2767 = arith.muli %get3A_2746, %mul3A_2766 : vector<16xi32>
      %add3A_2768 = arith.addi %mul3A_2767, %and3A_2764 : vector<16xi32>
      %swap3A_2769 = arith.constant 16 : index
      %swap3A_2770 = tpu.vector_load %arg24[%swap3A_2769] {strides = array<i32>} : memref<64xi32, #tpu.memory_space<vmem>>, vector<16xi32>,
      tpu.vector_store %arg24[%swap3A_2769], %add3A_2768 {strides = array<i32>} : memref<64xi32, #tpu.memory_space<vmem>>, vector<16xi32>,
      %get3A_2771 = arith.constant 32 : index
      %get3A_2772 = tpu.vector_load %arg12[%get3A_2771] {strides = array<i32>} : memref<64xi32, #tpu.memory_space<vmem>>, vector<16xi32>,
      %get3A_2773 = arith.constant 32 : index
      %get3A_2774 = tpu.vector_load %arg16[%get3A_2773] {strides = array<i32>} : memref<64xi32, #tpu.memory_space<vmem>>, vector<16xi32>,
      %swap3A_2775 = arith.constant 32 : index
      %swap3A_2776 = tpu.vector_load %arg20[%swap3A_2775] {strides = array<i32>} : memref<64xi32, #tpu.memory_space<vmem>>, vector<16xi32>,
      tpu.vector_store %arg20[%swap3A_2775], %get3A_2774 {strides = array<i32>} : memref<64xi32, #tpu.memory_space<vmem>>, vector<16xi32>,
      %shift_right_arithmetic3A_2777 = arith.constant 3 : i32
      %shift_right_arithmetic3A_2778 = vector.broadcast %shift_right_arithmetic3A_2777 : i32 to vector<16xi32>
      %shift_right_arithmetic3A_2779 = arith.shrsi %get3A_2774, %shift_right_arithmetic3A_2778 : vector<16xi32>
      %gather3A_2780 = tpu.vector_load_idx %arg11[%shift_right_arithmetic3A_2779] : memref<1264xi32, #tpu.memory_space<vmem>>[vector<16xi32>], vector<16xi32>,
      %and3A_2781 = arith.constant 7 : i32
      %and3A_2782 = vector.broadcast %and3A_2781 : i32 to vector<16xi32>
      %and3A_2783 = arith.andi %get3A_2774, %and3A_2782 : vector<16xi32>
      %mul3A_2784 = arith.constant 4 : i32
      %mul3A_2785 = vector.broadcast %mul3A_2784 : i32 to vector<16xi32>
      %mul3A_2786 = arith.muli %and3A_2783, %mul3A_2785 : vector<16xi32>
      %shift_right_arithmetic3A_2787 = arith.shrsi %gather3A_2780, %mul3A_2786 : vector<16xi32>
      %and3A_2788 = arith.constant 15 : i32
      %and3A_2789 = vector.broadcast %and3A_2788 : i32 to vector<16xi32>
      %and3A_2790 = arith.andi %shift_right_arithmetic3A_2787, %and3A_2789 : vector<16xi32>
      %mul3A_2791 = arith.constant 16 : i32
      %mul3A_2792 = vector.broadcast %mul3A_2791 : i32 to vector<16xi32>
      %mul3A_2793 = arith.muli %get3A_2772, %mul3A_2792 : vector<16xi32>
      %add3A_2794 = arith.addi %mul3A_2793, %and3A_2790 : vector<16xi32>
      %swap3A_2795 = arith.constant 32 : index
      %swap3A_2796 = tpu.vector_load %arg24[%swap3A_2795] {strides = array<i32>} : memref<64xi32, #tpu.memory_space<vmem>>, vector<16xi32>,
      tpu.vector_store %arg24[%swap3A_2795], %add3A_2794 {strides = array<i32>} : memref<64xi32, #tpu.memory_space<vmem>>, vector<16xi32>,
      %get3A_2797 = arith.constant 48 : index
      %get3A_2798 = tpu.vector_load %arg12[%get3A_2797] {strides = array<i32>} : memref<64xi32, #tpu.memory_space<vmem>>, vector<16xi32>,
      %get3A_2799 = arith.constant 48 : index
      %get3A_2800 = tpu.vector_load %arg16[%get3A_2799] {strides = array<i32>} : memref<64xi32, #tpu.memory_space<vmem>>, vector<16xi32>,
      %swap3A_2801 = arith.constant 48 : index
      %swap3A_2802 = tpu.vector_load %arg20[%swap3A_2801] {strides = array<i32>} : memref<64xi32, #tpu.memory_space<vmem>>, vector<16xi32>,
      tpu.vector_store %arg20[%swap3A_2801], %get3A_2800 {strides = array<i32>} : memref<64xi32, #tpu.memory_space<vmem>>, vector<16xi32>,
      %shift_right_arithmetic3A_2803 = arith.constant 3 : i32
      %shift_right_arithmetic3A_2804 = vector.broadcast %shift_right_arithmetic3A_2803 : i32 to vector<16xi32>
      %shift_right_arithmetic3A_2805 = arith.shrsi %get3A_2800, %shift_right_arithmetic3A_2804 : vector<16xi32>
      %gather3A_2806 = tpu.vector_load_idx %arg11[%shift_right_arithmetic3A_2805] : memref<1264xi32, #tpu.memory_space<vmem>>[vector<16xi32>], vector<16xi32>,
      %and3A_2807 = arith.constant 7 : i32
      %and3A_2808 = vector.broadcast %and3A_2807 : i32 to vector<16xi32>
      %and3A_2809 = arith.andi %get3A_2800, %and3A_2808 : vector<16xi32>
      %mul3A_2810 = arith.constant 4 : i32
      %mul3A_2811 = vector.broadcast %mul3A_2810 : i32 to vector<16xi32>
      %mul3A_2812 = arith.muli %and3A_2809, %mul3A_2811 : vector<16xi32>
      %shift_right_arithmetic3A_2813 = arith.shrsi %gather3A_2806, %mul3A_2812 : vector<16xi32>
      %and3A_2814 = arith.constant 15 : i32
      %and3A_2815 = vector.broadcast %and3A_2814 : i32 to vector<16xi32>
      %and3A_2816 = arith.andi %shift_right_arithmetic3A_2813, %and3A_2815 : vector<16xi32>
      %mul3A_2817 = arith.constant 16 : i32
      %mul3A_2818 = vector.broadcast %mul3A_2817 : i32 to vector<16xi32>
      %mul3A_2819 = arith.muli %get3A_2798, %mul3A_2818 : vector<16xi32>
      %add3A_2820 = arith.addi %mul3A_2819, %and3A_2816 : vector<16xi32>
      %swap3A_2821 = arith.constant 48 : index
      %swap3A_2822 = tpu.vector_load %arg24[%swap3A_2821] {strides = array<i32>} : memref<64xi32, #tpu.memory_space<vmem>>, vector<16xi32>,
      tpu.vector_store %arg24[%swap3A_2821], %add3A_2820 {strides = array<i32>} : memref<64xi32, #tpu.memory_space<vmem>>, vector<16xi32>,
      %dma_start3A_2823 = arith.constant 0 : i32
      %dma_start3A_2824 = arith.constant 0 : i32
      %dma_start3A_2825 = tpu.memref_slice %arg9[%dma_start3A_2823, %dma_start3A_2824] : memref<10112x128xf32, #tpu.memory_space<vmem_shared>> -> memref<10112x128xf32, #tpu.memory_space<vmem_shared>>
      tpu.enqueue_indirect_dma source(%arg29 : memref<64x128xf32, #tpu.memory_space<vmem>>) target(%dma_start3A_2825 : memref<10112x128xf32, #tpu.memory_space<vmem_shared>>) offsets(%arg20 : memref<64xi32, #tpu.memory_space<vmem>>) semaphore(%arg37 : memref<!tpu.dma_semaphore, #tpu.memory_space<semaphore_mem>>) {add = true}
      %dma_start3A_2826 = arith.constant 0 : i32
      %dma_start3A_2827 = tpu.memref_slice %arg10[%dma_start3A_2826] : memref<161792xf32, #tpu.memory_space<vmem_shared>> -> memref<161792xf32, #tpu.memory_space<vmem_shared>>
      tpu.enqueue_indirect_dma source(%arg28 : memref<64xf32, #tpu.memory_space<vmem>>) target(%dma_start3A_2827 : memref<161792xf32, #tpu.memory_space<vmem_shared>>) offsets(%arg24 : memref<64xi32, #tpu.memory_space<vmem>>) semaphore(%arg45 : memref<!tpu.dma_semaphore, #tpu.memory_space<semaphore_mem>>) {add = true}
      %dma_wait3A_2828 = arith.constant 0 : i32
      %dma_wait3A_2829 = tpu.memref_slice %arg3[%dma_wait3A_2828] : memref<327936xi32, #tpu.memory_space<hbm>> -> memref<64xi32, #tpu.memory_space<hbm>>
      %dma_wait3A_2830 = arith.constant 0 : i32
      %dma_wait3A_2831 = tpu.memref_slice %arg3[%dma_wait3A_2830] : memref<327936xi32, #tpu.memory_space<hbm>> -> memref<64xi32, #tpu.memory_space<hbm>>
      tpu.wait_dma2 semaphore(%arg44 : memref<!tpu.dma_semaphore, #tpu.memory_space<semaphore_mem>>) src(%dma_wait3A_2831 : memref<64xi32, #tpu.memory_space<hbm>>) dst(%arg15 : memref<64xi32, #tpu.memory_space<vmem>>)
      %dma_wait3A_2832 = arith.constant 0 : i32
      %dma_wait3A_2833 = tpu.memref_slice %arg4[%dma_wait3A_2832] : memref<327936xi32, #tpu.memory_space<hbm>> -> memref<64xi32, #tpu.memory_space<hbm>>
      %dma_wait3A_2834 = arith.constant 0 : i32
      %dma_wait3A_2835 = tpu.memref_slice %arg4[%dma_wait3A_2834] : memref<327936xi32, #tpu.memory_space<hbm>> -> memref<64xi32, #tpu.memory_space<hbm>>
      tpu.wait_dma2 semaphore(%arg44 : memref<!tpu.dma_semaphore, #tpu.memory_space<semaphore_mem>>) src(%dma_wait3A_2835 : memref<64xi32, #tpu.memory_space<hbm>>) dst(%arg19 : memref<64xi32, #tpu.memory_space<vmem>>)
      %dma_wait3A_2836 = arith.constant 0 : i32
      %dma_wait3A_2837 = arith.constant 0 : i32
      %dma_wait3A_2838 = tpu.memref_slice %arg9[%dma_wait3A_2836, %dma_wait3A_2837] : memref<10112x128xf32, #tpu.memory_space<vmem_shared>> -> memref<10112x128xf32, #tpu.memory_space<vmem_shared>>
      tpu.wait_indirect_dma semaphore(%arg40 : memref<!tpu.dma_semaphore, #tpu.memory_space<semaphore_mem>>) src(%arg32 : memref<64x128xf32, #tpu.memory_space<vmem>>) dst(%dma_wait3A_2838 : memref<10112x128xf32, #tpu.memory_space<vmem_shared>>)
      %dma_start3A_2839 = arith.constant 0 : i32
      %dma_start3A_2840 = arith.constant 0 : i32
      %dma_start3A_2841 = tpu.memref_slice %arg2[%dma_start3A_2839, %dma_start3A_2840] : memref<10112x128xf32, #tpu.memory_space<hbm>> -> memref<10112x128xf32, #tpu.memory_space<hbm>>
      tpu.enqueue_indirect_dma source(%dma_start3A_2841 : memref<10112x128xf32, #tpu.memory_space<hbm>>) target(%arg32 : memref<64x128xf32, #tpu.memory_space<vmem>>) offsets(%arg15 : memref<64xi32, #tpu.memory_space<vmem>>) semaphore(%arg36 : memref<!tpu.dma_semaphore, #tpu.memory_space<semaphore_mem>>)
      %add3A_2842 = arith.constant 4 : i32
      %add3A_2843 = arith.addi %add3A_2713, %add3A_2842 : i32
      %mul3A_2844 = arith.constant 64 : i32
      %mul3A_2845 = arith.muli %add3A_2843, %mul3A_2844 : i32
      %add3A_2846 = arith.addi %mul3A_2090, %mul3A_2845 : i32
      %dma_start3A_2847 = tpu.memref_slice %arg3[%add3A_2846] : memref<327936xi32, #tpu.memory_space<hbm>> -> memref<64xi32, #tpu.memory_space<hbm>>
      %dma_start3A_2848 = tpu.memref_slice %arg3[%add3A_2846] : memref<327936xi32, #tpu.memory_space<hbm>> -> memref<64xi32, #tpu.memory_space<hbm>>
      tpu.enqueue_dma source(%dma_start3A_2848 : memref<64xi32, #tpu.memory_space<hbm>>) target(%arg12 : memref<64xi32, #tpu.memory_space<vmem>>) target_semaphore(%arg41 : memref<!tpu.dma_semaphore, #tpu.memory_space<semaphore_mem>>)
      %dma_start3A_2849 = tpu.memref_slice %arg4[%add3A_2846] : memref<327936xi32, #tpu.memory_space<hbm>> -> memref<64xi32, #tpu.memory_space<hbm>>
      %dma_start3A_2850 = tpu.memref_slice %arg4[%add3A_2846] : memref<327936xi32, #tpu.memory_space<hbm>> -> memref<64xi32, #tpu.memory_space<hbm>>
      tpu.enqueue_dma source(%dma_start3A_2850 : memref<64xi32, #tpu.memory_space<hbm>>) target(%arg16 : memref<64xi32, #tpu.memory_space<vmem>>) target_semaphore(%arg41 : memref<!tpu.dma_semaphore, #tpu.memory_space<semaphore_mem>>)
      %add3A_2851 = arith.constant 1 : i32
      %add3A_2852 = arith.addi %add3A_2711, %add3A_2851 : i32
      %dma_wait3A_2853 = arith.constant 0 : i32
      %dma_wait3A_2854 = arith.constant 0 : i32
      %dma_wait3A_2855 = tpu.memref_slice %arg2[%dma_wait3A_2853, %dma_wait3A_2854] : memref<10112x128xf32, #tpu.memory_space<hbm>> -> memref<10112x128xf32, #tpu.memory_space<hbm>>
      tpu.wait_indirect_dma semaphore(%arg34 : memref<!tpu.dma_semaphore, #tpu.memory_space<semaphore_mem>>) src(%dma_wait3A_2855 : memref<10112x128xf32, #tpu.memory_space<hbm>>) dst(%arg30 : memref<64x128xf32, #tpu.memory_space<vmem>>)
      %dma_wait3A_2856 = arith.constant 0 : i32
      %dma_wait3A_2857 = tpu.memref_slice %arg10[%dma_wait3A_2856] : memref<161792xf32, #tpu.memory_space<vmem_shared>> -> memref<161792xf32, #tpu.memory_space<vmem_shared>>
      tpu.wait_indirect_dma semaphore(%arg46 : memref<!tpu.dma_semaphore, #tpu.memory_space<semaphore_mem>>) src(%arg28 : memref<64xf32, #tpu.memory_space<vmem>>) dst(%dma_wait3A_2857 : memref<161792xf32, #tpu.memory_space<vmem_shared>>)
      %get3A_2858 = arith.constant 0 : index
      %get3A_2859 = tpu.vector_load %arg13[%get3A_2858] {strides = array<i32>} : memref<64xi32, #tpu.memory_space<vmem>>, vector<16xi32>,
      %get3A_2860 = arith.constant 0 : index
      %get3A_2861 = tpu.vector_load %arg17[%get3A_2860] {strides = array<i32>} : memref<64xi32, #tpu.memory_space<vmem>>, vector<16xi32>,
      %swap3A_2862 = arith.constant 0 : index
      %swap3A_2863 = tpu.vector_load %arg21[%swap3A_2862] {strides = array<i32>} : memref<64xi32, #tpu.memory_space<vmem>>, vector<16xi32>,
      tpu.vector_store %arg21[%swap3A_2862], %get3A_2861 {strides = array<i32>} : memref<64xi32, #tpu.memory_space<vmem>>, vector<16xi32>,
      %shift_right_arithmetic3A_2864 = arith.constant 3 : i32
      %shift_right_arithmetic3A_2865 = vector.broadcast %shift_right_arithmetic3A_2864 : i32 to vector<16xi32>
      %shift_right_arithmetic3A_2866 = arith.shrsi %get3A_2861, %shift_right_arithmetic3A_2865 : vector<16xi32>
      %gather3A_2867 = tpu.vector_load_idx %arg11[%shift_right_arithmetic3A_2866] : memref<1264xi32, #tpu.memory_space<vmem>>[vector<16xi32>], vector<16xi32>,
      %and3A_2868 = arith.constant 7 : i32
      %and3A_2869 = vector.broadcast %and3A_2868 : i32 to vector<16xi32>
      %and3A_2870 = arith.andi %get3A_2861, %and3A_2869 : vector<16xi32>
      %mul3A_2871 = arith.constant 4 : i32
      %mul3A_2872 = vector.broadcast %mul3A_2871 : i32 to vector<16xi32>
      %mul3A_2873 = arith.muli %and3A_2870, %mul3A_2872 : vector<16xi32>
      %shift_right_arithmetic3A_2874 = arith.shrsi %gather3A_2867, %mul3A_2873 : vector<16xi32>
      %and3A_2875 = arith.constant 15 : i32
      %and3A_2876 = vector.broadcast %and3A_2875 : i32 to vector<16xi32>
      %and3A_2877 = arith.andi %shift_right_arithmetic3A_2874, %and3A_2876 : vector<16xi32>
      %mul3A_2878 = arith.constant 16 : i32
      %mul3A_2879 = vector.broadcast %mul3A_2878 : i32 to vector<16xi32>
      %mul3A_2880 = arith.muli %get3A_2859, %mul3A_2879 : vector<16xi32>
      %add3A_2881 = arith.addi %mul3A_2880, %and3A_2877 : vector<16xi32>
      %swap3A_2882 = arith.constant 0 : index
      %swap3A_2883 = tpu.vector_load %arg25[%swap3A_2882] {strides = array<i32>} : memref<64xi32, #tpu.memory_space<vmem>>, vector<16xi32>,
      tpu.vector_store %arg25[%swap3A_2882], %add3A_2881 {strides = array<i32>} : memref<64xi32, #tpu.memory_space<vmem>>, vector<16xi32>,
      %get3A_2884 = arith.constant 16 : index
      %get3A_2885 = tpu.vector_load %arg13[%get3A_2884] {strides = array<i32>} : memref<64xi32, #tpu.memory_space<vmem>>, vector<16xi32>,
      %get3A_2886 = arith.constant 16 : index
      %get3A_2887 = tpu.vector_load %arg17[%get3A_2886] {strides = array<i32>} : memref<64xi32, #tpu.memory_space<vmem>>, vector<16xi32>,
      %swap3A_2888 = arith.constant 16 : index
      %swap3A_2889 = tpu.vector_load %arg21[%swap3A_2888] {strides = array<i32>} : memref<64xi32, #tpu.memory_space<vmem>>, vector<16xi32>,
      tpu.vector_store %arg21[%swap3A_2888], %get3A_2887 {strides = array<i32>} : memref<64xi32, #tpu.memory_space<vmem>>, vector<16xi32>,
      %shift_right_arithmetic3A_2890 = arith.constant 3 : i32
      %shift_right_arithmetic3A_2891 = vector.broadcast %shift_right_arithmetic3A_2890 : i32 to vector<16xi32>
      %shift_right_arithmetic3A_2892 = arith.shrsi %get3A_2887, %shift_right_arithmetic3A_2891 : vector<16xi32>
      %gather3A_2893 = tpu.vector_load_idx %arg11[%shift_right_arithmetic3A_2892] : memref<1264xi32, #tpu.memory_space<vmem>>[vector<16xi32>], vector<16xi32>,
      %and3A_2894 = arith.constant 7 : i32
      %and3A_2895 = vector.broadcast %and3A_2894 : i32 to vector<16xi32>
      %and3A_2896 = arith.andi %get3A_2887, %and3A_2895 : vector<16xi32>
      %mul3A_2897 = arith.constant 4 : i32
      %mul3A_2898 = vector.broadcast %mul3A_2897 : i32 to vector<16xi32>
      %mul3A_2899 = arith.muli %and3A_2896, %mul3A_2898 : vector<16xi32>
      %shift_right_arithmetic3A_2900 = arith.shrsi %gather3A_2893, %mul3A_2899 : vector<16xi32>
      %and3A_2901 = arith.constant 15 : i32
      %and3A_2902 = vector.broadcast %and3A_2901 : i32 to vector<16xi32>
      %and3A_2903 = arith.andi %shift_right_arithmetic3A_2900, %and3A_2902 : vector<16xi32>
      %mul3A_2904 = arith.constant 16 : i32
      %mul3A_2905 = vector.broadcast %mul3A_2904 : i32 to vector<16xi32>
      %mul3A_2906 = arith.muli %get3A_2885, %mul3A_2905 : vector<16xi32>
      %add3A_2907 = arith.addi %mul3A_2906, %and3A_2903 : vector<16xi32>
      %swap3A_2908 = arith.constant 16 : index
      %swap3A_2909 = tpu.vector_load %arg25[%swap3A_2908] {strides = array<i32>} : memref<64xi32, #tpu.memory_space<vmem>>, vector<16xi32>,
      tpu.vector_store %arg25[%swap3A_2908], %add3A_2907 {strides = array<i32>} : memref<64xi32, #tpu.memory_space<vmem>>, vector<16xi32>,
      %get3A_2910 = arith.constant 32 : index
      %get3A_2911 = tpu.vector_load %arg13[%get3A_2910] {strides = array<i32>} : memref<64xi32, #tpu.memory_space<vmem>>, vector<16xi32>,
      %get3A_2912 = arith.constant 32 : index
      %get3A_2913 = tpu.vector_load %arg17[%get3A_2912] {strides = array<i32>} : memref<64xi32, #tpu.memory_space<vmem>>, vector<16xi32>,
      %swap3A_2914 = arith.constant 32 : index
      %swap3A_2915 = tpu.vector_load %arg21[%swap3A_2914] {strides = array<i32>} : memref<64xi32, #tpu.memory_space<vmem>>, vector<16xi32>,
      tpu.vector_store %arg21[%swap3A_2914], %get3A_2913 {strides = array<i32>} : memref<64xi32, #tpu.memory_space<vmem>>, vector<16xi32>,
      %shift_right_arithmetic3A_2916 = arith.constant 3 : i32
      %shift_right_arithmetic3A_2917 = vector.broadcast %shift_right_arithmetic3A_2916 : i32 to vector<16xi32>
      %shift_right_arithmetic3A_2918 = arith.shrsi %get3A_2913, %shift_right_arithmetic3A_2917 : vector<16xi32>
      %gather3A_2919 = tpu.vector_load_idx %arg11[%shift_right_arithmetic3A_2918] : memref<1264xi32, #tpu.memory_space<vmem>>[vector<16xi32>], vector<16xi32>,
      %and3A_2920 = arith.constant 7 : i32
      %and3A_2921 = vector.broadcast %and3A_2920 : i32 to vector<16xi32>
      %and3A_2922 = arith.andi %get3A_2913, %and3A_2921 : vector<16xi32>
      %mul3A_2923 = arith.constant 4 : i32
      %mul3A_2924 = vector.broadcast %mul3A_2923 : i32 to vector<16xi32>
      %mul3A_2925 = arith.muli %and3A_2922, %mul3A_2924 : vector<16xi32>
      %shift_right_arithmetic3A_2926 = arith.shrsi %gather3A_2919, %mul3A_2925 : vector<16xi32>
      %and3A_2927 = arith.constant 15 : i32
      %and3A_2928 = vector.broadcast %and3A_2927 : i32 to vector<16xi32>
      %and3A_2929 = arith.andi %shift_right_arithmetic3A_2926, %and3A_2928 : vector<16xi32>
      %mul3A_2930 = arith.constant 16 : i32
      %mul3A_2931 = vector.broadcast %mul3A_2930 : i32 to vector<16xi32>
      %mul3A_2932 = arith.muli %get3A_2911, %mul3A_2931 : vector<16xi32>
      %add3A_2933 = arith.addi %mul3A_2932, %and3A_2929 : vector<16xi32>
      %swap3A_2934 = arith.constant 32 : index
      %swap3A_2935 = tpu.vector_load %arg25[%swap3A_2934] {strides = array<i32>} : memref<64xi32, #tpu.memory_space<vmem>>, vector<16xi32>,
      tpu.vector_store %arg25[%swap3A_2934], %add3A_2933 {strides = array<i32>} : memref<64xi32, #tpu.memory_space<vmem>>, vector<16xi32>,
      %get3A_2936 = arith.constant 48 : index
      %get3A_2937 = tpu.vector_load %arg13[%get3A_2936] {strides = array<i32>} : memref<64xi32, #tpu.memory_space<vmem>>, vector<16xi32>,
      %get3A_2938 = arith.constant 48 : index
      %get3A_2939 = tpu.vector_load %arg17[%get3A_2938] {strides = array<i32>} : memref<64xi32, #tpu.memory_space<vmem>>, vector<16xi32>,
      %swap3A_2940 = arith.constant 48 : index
      %swap3A_2941 = tpu.vector_load %arg21[%swap3A_2940] {strides = array<i32>} : memref<64xi32, #tpu.memory_space<vmem>>, vector<16xi32>,
      tpu.vector_store %arg21[%swap3A_2940], %get3A_2939 {strides = array<i32>} : memref<64xi32, #tpu.memory_space<vmem>>, vector<16xi32>,
      %shift_right_arithmetic3A_2942 = arith.constant 3 : i32
      %shift_right_arithmetic3A_2943 = vector.broadcast %shift_right_arithmetic3A_2942 : i32 to vector<16xi32>
      %shift_right_arithmetic3A_2944 = arith.shrsi %get3A_2939, %shift_right_arithmetic3A_2943 : vector<16xi32>
      %gather3A_2945 = tpu.vector_load_idx %arg11[%shift_right_arithmetic3A_2944] : memref<1264xi32, #tpu.memory_space<vmem>>[vector<16xi32>], vector<16xi32>,
      %and3A_2946 = arith.constant 7 : i32
      %and3A_2947 = vector.broadcast %and3A_2946 : i32 to vector<16xi32>
      %and3A_2948 = arith.andi %get3A_2939, %and3A_2947 : vector<16xi32>
      %mul3A_2949 = arith.constant 4 : i32
      %mul3A_2950 = vector.broadcast %mul3A_2949 : i32 to vector<16xi32>
      %mul3A_2951 = arith.muli %and3A_2948, %mul3A_2950 : vector<16xi32>
      %shift_right_arithmetic3A_2952 = arith.shrsi %gather3A_2945, %mul3A_2951 : vector<16xi32>
      %and3A_2953 = arith.constant 15 : i32
      %and3A_2954 = vector.broadcast %and3A_2953 : i32 to vector<16xi32>
      %and3A_2955 = arith.andi %shift_right_arithmetic3A_2952, %and3A_2954 : vector<16xi32>
      %mul3A_2956 = arith.constant 16 : i32
      %mul3A_2957 = vector.broadcast %mul3A_2956 : i32 to vector<16xi32>
      %mul3A_2958 = arith.muli %get3A_2937, %mul3A_2957 : vector<16xi32>
      %add3A_2959 = arith.addi %mul3A_2958, %and3A_2955 : vector<16xi32>
      %swap3A_2960 = arith.constant 48 : index
      %swap3A_2961 = tpu.vector_load %arg25[%swap3A_2960] {strides = array<i32>} : memref<64xi32, #tpu.memory_space<vmem>>, vector<16xi32>,
      tpu.vector_store %arg25[%swap3A_2960], %add3A_2959 {strides = array<i32>} : memref<64xi32, #tpu.memory_space<vmem>>, vector<16xi32>,
      %dma_start3A_2962 = arith.constant 0 : i32
      %dma_start3A_2963 = arith.constant 0 : i32
      %dma_start3A_2964 = tpu.memref_slice %arg9[%dma_start3A_2962, %dma_start3A_2963] : memref<10112x128xf32, #tpu.memory_space<vmem_shared>> -> memref<10112x128xf32, #tpu.memory_space<vmem_shared>>
      tpu.enqueue_indirect_dma source(%arg30 : memref<64x128xf32, #tpu.memory_space<vmem>>) target(%dma_start3A_2964 : memref<10112x128xf32, #tpu.memory_space<vmem_shared>>) offsets(%arg21 : memref<64xi32, #tpu.memory_space<vmem>>) semaphore(%arg38 : memref<!tpu.dma_semaphore, #tpu.memory_space<semaphore_mem>>) {add = true}
      %dma_start3A_2965 = arith.constant 0 : i32
      %dma_start3A_2966 = tpu.memref_slice %arg10[%dma_start3A_2965] : memref<161792xf32, #tpu.memory_space<vmem_shared>> -> memref<161792xf32, #tpu.memory_space<vmem_shared>>
      tpu.enqueue_indirect_dma source(%arg28 : memref<64xf32, #tpu.memory_space<vmem>>) target(%dma_start3A_2966 : memref<161792xf32, #tpu.memory_space<vmem_shared>>) offsets(%arg25 : memref<64xi32, #tpu.memory_space<vmem>>) semaphore(%arg46 : memref<!tpu.dma_semaphore, #tpu.memory_space<semaphore_mem>>) {add = true}
      %dma_wait3A_2967 = arith.constant 0 : i32
      %dma_wait3A_2968 = tpu.memref_slice %arg3[%dma_wait3A_2967] : memref<327936xi32, #tpu.memory_space<hbm>> -> memref<64xi32, #tpu.memory_space<hbm>>
      %dma_wait3A_2969 = arith.constant 0 : i32
      %dma_wait3A_2970 = tpu.memref_slice %arg3[%dma_wait3A_2969] : memref<327936xi32, #tpu.memory_space<hbm>> -> memref<64xi32, #tpu.memory_space<hbm>>
      tpu.wait_dma2 semaphore(%arg41 : memref<!tpu.dma_semaphore, #tpu.memory_space<semaphore_mem>>) src(%dma_wait3A_2970 : memref<64xi32, #tpu.memory_space<hbm>>) dst(%arg12 : memref<64xi32, #tpu.memory_space<vmem>>)
      %dma_wait3A_2971 = arith.constant 0 : i32
      %dma_wait3A_2972 = tpu.memref_slice %arg4[%dma_wait3A_2971] : memref<327936xi32, #tpu.memory_space<hbm>> -> memref<64xi32, #tpu.memory_space<hbm>>
      %dma_wait3A_2973 = arith.constant 0 : i32
      %dma_wait3A_2974 = tpu.memref_slice %arg4[%dma_wait3A_2973] : memref<327936xi32, #tpu.memory_space<hbm>> -> memref<64xi32, #tpu.memory_space<hbm>>
      tpu.wait_dma2 semaphore(%arg41 : memref<!tpu.dma_semaphore, #tpu.memory_space<semaphore_mem>>) src(%dma_wait3A_2974 : memref<64xi32, #tpu.memory_space<hbm>>) dst(%arg16 : memref<64xi32, #tpu.memory_space<vmem>>)
      %dma_wait3A_2975 = arith.constant 0 : i32
      %dma_wait3A_2976 = arith.constant 0 : i32
      %dma_wait3A_2977 = tpu.memref_slice %arg9[%dma_wait3A_2975, %dma_wait3A_2976] : memref<10112x128xf32, #tpu.memory_space<vmem_shared>> -> memref<10112x128xf32, #tpu.memory_space<vmem_shared>>
      tpu.wait_indirect_dma semaphore(%arg37 : memref<!tpu.dma_semaphore, #tpu.memory_space<semaphore_mem>>) src(%arg29 : memref<64x128xf32, #tpu.memory_space<vmem>>) dst(%dma_wait3A_2977 : memref<10112x128xf32, #tpu.memory_space<vmem_shared>>)
      %dma_start3A_2978 = arith.constant 0 : i32
      %dma_start3A_2979 = arith.constant 0 : i32
      %dma_start3A_2980 = tpu.memref_slice %arg2[%dma_start3A_2978, %dma_start3A_2979] : memref<10112x128xf32, #tpu.memory_space<hbm>> -> memref<10112x128xf32, #tpu.memory_space<hbm>>
      tpu.enqueue_indirect_dma source(%dma_start3A_2980 : memref<10112x128xf32, #tpu.memory_space<hbm>>) target(%arg29 : memref<64x128xf32, #tpu.memory_space<vmem>>) offsets(%arg12 : memref<64xi32, #tpu.memory_space<vmem>>) semaphore(%arg33 : memref<!tpu.dma_semaphore, #tpu.memory_space<semaphore_mem>>)
      %add3A_2981 = arith.constant 4 : i32
      %add3A_2982 = arith.addi %add3A_2852, %add3A_2981 : i32
      %mul3A_2983 = arith.constant 64 : i32
      %mul3A_2984 = arith.muli %add3A_2982, %mul3A_2983 : i32
      %add3A_2985 = arith.addi %mul3A_2090, %mul3A_2984 : i32
      %dma_start3A_2986 = tpu.memref_slice %arg3[%add3A_2985] : memref<327936xi32, #tpu.memory_space<hbm>> -> memref<64xi32, #tpu.memory_space<hbm>>
      %dma_start3A_2987 = tpu.memref_slice %arg3[%add3A_2985] : memref<327936xi32, #tpu.memory_space<hbm>> -> memref<64xi32, #tpu.memory_space<hbm>>
      tpu.enqueue_dma source(%dma_start3A_2987 : memref<64xi32, #tpu.memory_space<hbm>>) target(%arg13 : memref<64xi32, #tpu.memory_space<vmem>>) target_semaphore(%arg42 : memref<!tpu.dma_semaphore, #tpu.memory_space<semaphore_mem>>)
      %dma_start3A_2988 = tpu.memref_slice %arg4[%add3A_2985] : memref<327936xi32, #tpu.memory_space<hbm>> -> memref<64xi32, #tpu.memory_space<hbm>>
      %dma_start3A_2989 = tpu.memref_slice %arg4[%add3A_2985] : memref<327936xi32, #tpu.memory_space<hbm>> -> memref<64xi32, #tpu.memory_space<hbm>>
      tpu.enqueue_dma source(%dma_start3A_2989 : memref<64xi32, #tpu.memory_space<hbm>>) target(%arg17 : memref<64xi32, #tpu.memory_space<vmem>>) target_semaphore(%arg42 : memref<!tpu.dma_semaphore, #tpu.memory_space<semaphore_mem>>)
      %add3A_2990 = arith.constant 2 : i32
      %add3A_2991 = arith.addi %add3A_2711, %add3A_2990 : i32
      %dma_wait3A_2992 = arith.constant 0 : i32
      %dma_wait3A_2993 = arith.constant 0 : i32
      %dma_wait3A_2994 = tpu.memref_slice %arg2[%dma_wait3A_2992, %dma_wait3A_2993] : memref<10112x128xf32, #tpu.memory_space<hbm>> -> memref<10112x128xf32, #tpu.memory_space<hbm>>
      tpu.wait_indirect_dma semaphore(%arg35 : memref<!tpu.dma_semaphore, #tpu.memory_space<semaphore_mem>>) src(%dma_wait3A_2994 : memref<10112x128xf32, #tpu.memory_space<hbm>>) dst(%arg31 : memref<64x128xf32, #tpu.memory_space<vmem>>)
      %dma_wait3A_2995 = arith.constant 0 : i32
      %dma_wait3A_2996 = tpu.memref_slice %arg10[%dma_wait3A_2995] : memref<161792xf32, #tpu.memory_space<vmem_shared>> -> memref<161792xf32, #tpu.memory_space<vmem_shared>>
      tpu.wait_indirect_dma semaphore(%arg47 : memref<!tpu.dma_semaphore, #tpu.memory_space<semaphore_mem>>) src(%arg28 : memref<64xf32, #tpu.memory_space<vmem>>) dst(%dma_wait3A_2996 : memref<161792xf32, #tpu.memory_space<vmem_shared>>)
      %get3A_2997 = arith.constant 0 : index
      %get3A_2998 = tpu.vector_load %arg14[%get3A_2997] {strides = array<i32>} : memref<64xi32, #tpu.memory_space<vmem>>, vector<16xi32>,
      %get3A_2999 = arith.constant 0 : index
      %get3A_3000 = tpu.vector_load %arg18[%get3A_2999] {strides = array<i32>} : memref<64xi32, #tpu.memory_space<vmem>>, vector<16xi32>,
      %swap3A_3001 = arith.constant 0 : index
      %swap3A_3002 = tpu.vector_load %arg22[%swap3A_3001] {strides = array<i32>} : memref<64xi32, #tpu.memory_space<vmem>>, vector<16xi32>,
      tpu.vector_store %arg22[%swap3A_3001], %get3A_3000 {strides = array<i32>} : memref<64xi32, #tpu.memory_space<vmem>>, vector<16xi32>,
      %shift_right_arithmetic3A_3003 = arith.constant 3 : i32
      %shift_right_arithmetic3A_3004 = vector.broadcast %shift_right_arithmetic3A_3003 : i32 to vector<16xi32>
      %shift_right_arithmetic3A_3005 = arith.shrsi %get3A_3000, %shift_right_arithmetic3A_3004 : vector<16xi32>
      %gather3A_3006 = tpu.vector_load_idx %arg11[%shift_right_arithmetic3A_3005] : memref<1264xi32, #tpu.memory_space<vmem>>[vector<16xi32>], vector<16xi32>,
      %and3A_3007 = arith.constant 7 : i32
      %and3A_3008 = vector.broadcast %and3A_3007 : i32 to vector<16xi32>
      %and3A_3009 = arith.andi %get3A_3000, %and3A_3008 : vector<16xi32>
      %mul3A_3010 = arith.constant 4 : i32
      %mul3A_3011 = vector.broadcast %mul3A_3010 : i32 to vector<16xi32>
      %mul3A_3012 = arith.muli %and3A_3009, %mul3A_3011 : vector<16xi32>
      %shift_right_arithmetic3A_3013 = arith.shrsi %gather3A_3006, %mul3A_3012 : vector<16xi32>
      %and3A_3014 = arith.constant 15 : i32
      %and3A_3015 = vector.broadcast %and3A_3014 : i32 to vector<16xi32>
      %and3A_3016 = arith.andi %shift_right_arithmetic3A_3013, %and3A_3015 : vector<16xi32>
      %mul3A_3017 = arith.constant 16 : i32
      %mul3A_3018 = vector.broadcast %mul3A_3017 : i32 to vector<16xi32>
      %mul3A_3019 = arith.muli %get3A_2998, %mul3A_3018 : vector<16xi32>
      %add3A_3020 = arith.addi %mul3A_3019, %and3A_3016 : vector<16xi32>
      %swap3A_3021 = arith.constant 0 : index
      %swap3A_3022 = tpu.vector_load %arg26[%swap3A_3021] {strides = array<i32>} : memref<64xi32, #tpu.memory_space<vmem>>, vector<16xi32>,
      tpu.vector_store %arg26[%swap3A_3021], %add3A_3020 {strides = array<i32>} : memref<64xi32, #tpu.memory_space<vmem>>, vector<16xi32>,
      %get3A_3023 = arith.constant 16 : index
      %get3A_3024 = tpu.vector_load %arg14[%get3A_3023] {strides = array<i32>} : memref<64xi32, #tpu.memory_space<vmem>>, vector<16xi32>,
      %get3A_3025 = arith.constant 16 : index
      %get3A_3026 = tpu.vector_load %arg18[%get3A_3025] {strides = array<i32>} : memref<64xi32, #tpu.memory_space<vmem>>, vector<16xi32>,
      %swap3A_3027 = arith.constant 16 : index
      %swap3A_3028 = tpu.vector_load %arg22[%swap3A_3027] {strides = array<i32>} : memref<64xi32, #tpu.memory_space<vmem>>, vector<16xi32>,
      tpu.vector_store %arg22[%swap3A_3027], %get3A_3026 {strides = array<i32>} : memref<64xi32, #tpu.memory_space<vmem>>, vector<16xi32>,
      %shift_right_arithmetic3A_3029 = arith.constant 3 : i32
      %shift_right_arithmetic3A_3030 = vector.broadcast %shift_right_arithmetic3A_3029 : i32 to vector<16xi32>
      %shift_right_arithmetic3A_3031 = arith.shrsi %get3A_3026, %shift_right_arithmetic3A_3030 : vector<16xi32>
      %gather3A_3032 = tpu.vector_load_idx %arg11[%shift_right_arithmetic3A_3031] : memref<1264xi32, #tpu.memory_space<vmem>>[vector<16xi32>], vector<16xi32>,
      %and3A_3033 = arith.constant 7 : i32
      %and3A_3034 = vector.broadcast %and3A_3033 : i32 to vector<16xi32>
      %and3A_3035 = arith.andi %get3A_3026, %and3A_3034 : vector<16xi32>
      %mul3A_3036 = arith.constant 4 : i32
      %mul3A_3037 = vector.broadcast %mul3A_3036 : i32 to vector<16xi32>
      %mul3A_3038 = arith.muli %and3A_3035, %mul3A_3037 : vector<16xi32>
      %shift_right_arithmetic3A_3039 = arith.shrsi %gather3A_3032, %mul3A_3038 : vector<16xi32>
      %and3A_3040 = arith.constant 15 : i32
      %and3A_3041 = vector.broadcast %and3A_3040 : i32 to vector<16xi32>
      %and3A_3042 = arith.andi %shift_right_arithmetic3A_3039, %and3A_3041 : vector<16xi32>
      %mul3A_3043 = arith.constant 16 : i32
      %mul3A_3044 = vector.broadcast %mul3A_3043 : i32 to vector<16xi32>
      %mul3A_3045 = arith.muli %get3A_3024, %mul3A_3044 : vector<16xi32>
      %add3A_3046 = arith.addi %mul3A_3045, %and3A_3042 : vector<16xi32>
      %swap3A_3047 = arith.constant 16 : index
      %swap3A_3048 = tpu.vector_load %arg26[%swap3A_3047] {strides = array<i32>} : memref<64xi32, #tpu.memory_space<vmem>>, vector<16xi32>,
      tpu.vector_store %arg26[%swap3A_3047], %add3A_3046 {strides = array<i32>} : memref<64xi32, #tpu.memory_space<vmem>>, vector<16xi32>,
      %get3A_3049 = arith.constant 32 : index
      %get3A_3050 = tpu.vector_load %arg14[%get3A_3049] {strides = array<i32>} : memref<64xi32, #tpu.memory_space<vmem>>, vector<16xi32>,
      %get3A_3051 = arith.constant 32 : index
      %get3A_3052 = tpu.vector_load %arg18[%get3A_3051] {strides = array<i32>} : memref<64xi32, #tpu.memory_space<vmem>>, vector<16xi32>,
      %swap3A_3053 = arith.constant 32 : index
      %swap3A_3054 = tpu.vector_load %arg22[%swap3A_3053] {strides = array<i32>} : memref<64xi32, #tpu.memory_space<vmem>>, vector<16xi32>,
      tpu.vector_store %arg22[%swap3A_3053], %get3A_3052 {strides = array<i32>} : memref<64xi32, #tpu.memory_space<vmem>>, vector<16xi32>,
      %shift_right_arithmetic3A_3055 = arith.constant 3 : i32
      %shift_right_arithmetic3A_3056 = vector.broadcast %shift_right_arithmetic3A_3055 : i32 to vector<16xi32>
      %shift_right_arithmetic3A_3057 = arith.shrsi %get3A_3052, %shift_right_arithmetic3A_3056 : vector<16xi32>
      %gather3A_3058 = tpu.vector_load_idx %arg11[%shift_right_arithmetic3A_3057] : memref<1264xi32, #tpu.memory_space<vmem>>[vector<16xi32>], vector<16xi32>,
      %and3A_3059 = arith.constant 7 : i32
      %and3A_3060 = vector.broadcast %and3A_3059 : i32 to vector<16xi32>
      %and3A_3061 = arith.andi %get3A_3052, %and3A_3060 : vector<16xi32>
      %mul3A_3062 = arith.constant 4 : i32
      %mul3A_3063 = vector.broadcast %mul3A_3062 : i32 to vector<16xi32>
      %mul3A_3064 = arith.muli %and3A_3061, %mul3A_3063 : vector<16xi32>
      %shift_right_arithmetic3A_3065 = arith.shrsi %gather3A_3058, %mul3A_3064 : vector<16xi32>
      %and3A_3066 = arith.constant 15 : i32
      %and3A_3067 = vector.broadcast %and3A_3066 : i32 to vector<16xi32>
      %and3A_3068 = arith.andi %shift_right_arithmetic3A_3065, %and3A_3067 : vector<16xi32>
      %mul3A_3069 = arith.constant 16 : i32
      %mul3A_3070 = vector.broadcast %mul3A_3069 : i32 to vector<16xi32>
      %mul3A_3071 = arith.muli %get3A_3050, %mul3A_3070 : vector<16xi32>
      %add3A_3072 = arith.addi %mul3A_3071, %and3A_3068 : vector<16xi32>
      %swap3A_3073 = arith.constant 32 : index
      %swap3A_3074 = tpu.vector_load %arg26[%swap3A_3073] {strides = array<i32>} : memref<64xi32, #tpu.memory_space<vmem>>, vector<16xi32>,
      tpu.vector_store %arg26[%swap3A_3073], %add3A_3072 {strides = array<i32>} : memref<64xi32, #tpu.memory_space<vmem>>, vector<16xi32>,
      %get3A_3075 = arith.constant 48 : index
      %get3A_3076 = tpu.vector_load %arg14[%get3A_3075] {strides = array<i32>} : memref<64xi32, #tpu.memory_space<vmem>>, vector<16xi32>,
      %get3A_3077 = arith.constant 48 : index
      %get3A_3078 = tpu.vector_load %arg18[%get3A_3077] {strides = array<i32>} : memref<64xi32, #tpu.memory_space<vmem>>, vector<16xi32>,
      %swap3A_3079 = arith.constant 48 : index
      %swap3A_3080 = tpu.vector_load %arg22[%swap3A_3079] {strides = array<i32>} : memref<64xi32, #tpu.memory_space<vmem>>, vector<16xi32>,
      tpu.vector_store %arg22[%swap3A_3079], %get3A_3078 {strides = array<i32>} : memref<64xi32, #tpu.memory_space<vmem>>, vector<16xi32>,
      %shift_right_arithmetic3A_3081 = arith.constant 3 : i32
      %shift_right_arithmetic3A_3082 = vector.broadcast %shift_right_arithmetic3A_3081 : i32 to vector<16xi32>
      %shift_right_arithmetic3A_3083 = arith.shrsi %get3A_3078, %shift_right_arithmetic3A_3082 : vector<16xi32>
      %gather3A_3084 = tpu.vector_load_idx %arg11[%shift_right_arithmetic3A_3083] : memref<1264xi32, #tpu.memory_space<vmem>>[vector<16xi32>], vector<16xi32>,
      %and3A_3085 = arith.constant 7 : i32
      %and3A_3086 = vector.broadcast %and3A_3085 : i32 to vector<16xi32>
      %and3A_3087 = arith.andi %get3A_3078, %and3A_3086 : vector<16xi32>
      %mul3A_3088 = arith.constant 4 : i32
      %mul3A_3089 = vector.broadcast %mul3A_3088 : i32 to vector<16xi32>
      %mul3A_3090 = arith.muli %and3A_3087, %mul3A_3089 : vector<16xi32>
      %shift_right_arithmetic3A_3091 = arith.shrsi %gather3A_3084, %mul3A_3090 : vector<16xi32>
      %and3A_3092 = arith.constant 15 : i32
      %and3A_3093 = vector.broadcast %and3A_3092 : i32 to vector<16xi32>
      %and3A_3094 = arith.andi %shift_right_arithmetic3A_3091, %and3A_3093 : vector<16xi32>
      %mul3A_3095 = arith.constant 16 : i32
      %mul3A_3096 = vector.broadcast %mul3A_3095 : i32 to vector<16xi32>
      %mul3A_3097 = arith.muli %get3A_3076, %mul3A_3096 : vector<16xi32>
      %add3A_3098 = arith.addi %mul3A_3097, %and3A_3094 : vector<16xi32>
      %swap3A_3099 = arith.constant 48 : index
      %swap3A_3100 = tpu.vector_load %arg26[%swap3A_3099] {strides = array<i32>} : memref<64xi32, #tpu.memory_space<vmem>>, vector<16xi32>,
      tpu.vector_store %arg26[%swap3A_3099], %add3A_3098 {strides = array<i32>} : memref<64xi32, #tpu.memory_space<vmem>>, vector<16xi32>,
      %dma_start3A_3101 = arith.constant 0 : i32
      %dma_start3A_3102 = arith.constant 0 : i32
      %dma_start3A_3103 = tpu.memref_slice %arg9[%dma_start3A_3101, %dma_start3A_3102] : memref<10112x128xf32, #tpu.memory_space<vmem_shared>> -> memref<10112x128xf32, #tpu.memory_space<vmem_shared>>
      tpu.enqueue_indirect_dma source(%arg31 : memref<64x128xf32, #tpu.memory_space<vmem>>) target(%dma_start3A_3103 : memref<10112x128xf32, #tpu.memory_space<vmem_shared>>) offsets(%arg22 : memref<64xi32, #tpu.memory_space<vmem>>) semaphore(%arg39 : memref<!tpu.dma_semaphore, #tpu.memory_space<semaphore_mem>>) {add = true}
      %dma_start3A_3104 = arith.constant 0 : i32
      %dma_start3A_3105 = tpu.memref_slice %arg10[%dma_start3A_3104] : memref<161792xf32, #tpu.memory_space<vmem_shared>> -> memref<161792xf32, #tpu.memory_space<vmem_shared>>
      tpu.enqueue_indirect_dma source(%arg28 : memref<64xf32, #tpu.memory_space<vmem>>) target(%dma_start3A_3105 : memref<161792xf32, #tpu.memory_space<vmem_shared>>) offsets(%arg26 : memref<64xi32, #tpu.memory_space<vmem>>) semaphore(%arg47 : memref<!tpu.dma_semaphore, #tpu.memory_space<semaphore_mem>>) {add = true}
      %dma_wait3A_3106 = arith.constant 0 : i32
      %dma_wait3A_3107 = tpu.memref_slice %arg3[%dma_wait3A_3106] : memref<327936xi32, #tpu.memory_space<hbm>> -> memref<64xi32, #tpu.memory_space<hbm>>
      %dma_wait3A_3108 = arith.constant 0 : i32
      %dma_wait3A_3109 = tpu.memref_slice %arg3[%dma_wait3A_3108] : memref<327936xi32, #tpu.memory_space<hbm>> -> memref<64xi32, #tpu.memory_space<hbm>>
      tpu.wait_dma2 semaphore(%arg42 : memref<!tpu.dma_semaphore, #tpu.memory_space<semaphore_mem>>) src(%dma_wait3A_3109 : memref<64xi32, #tpu.memory_space<hbm>>) dst(%arg13 : memref<64xi32, #tpu.memory_space<vmem>>)
      %dma_wait3A_3110 = arith.constant 0 : i32
      %dma_wait3A_3111 = tpu.memref_slice %arg4[%dma_wait3A_3110] : memref<327936xi32, #tpu.memory_space<hbm>> -> memref<64xi32, #tpu.memory_space<hbm>>
      %dma_wait3A_3112 = arith.constant 0 : i32
      %dma_wait3A_3113 = tpu.memref_slice %arg4[%dma_wait3A_3112] : memref<327936xi32, #tpu.memory_space<hbm>> -> memref<64xi32, #tpu.memory_space<hbm>>
      tpu.wait_dma2 semaphore(%arg42 : memref<!tpu.dma_semaphore, #tpu.memory_space<semaphore_mem>>) src(%dma_wait3A_3113 : memref<64xi32, #tpu.memory_space<hbm>>) dst(%arg17 : memref<64xi32, #tpu.memory_space<vmem>>)
      %dma_wait3A_3114 = arith.constant 0 : i32
      %dma_wait3A_3115 = arith.constant 0 : i32
      %dma_wait3A_3116 = tpu.memref_slice %arg9[%dma_wait3A_3114, %dma_wait3A_3115] : memref<10112x128xf32, #tpu.memory_space<vmem_shared>> -> memref<10112x128xf32, #tpu.memory_space<vmem_shared>>
      tpu.wait_indirect_dma semaphore(%arg38 : memref<!tpu.dma_semaphore, #tpu.memory_space<semaphore_mem>>) src(%arg30 : memref<64x128xf32, #tpu.memory_space<vmem>>) dst(%dma_wait3A_3116 : memref<10112x128xf32, #tpu.memory_space<vmem_shared>>)
      %dma_start3A_3117 = arith.constant 0 : i32
      %dma_start3A_3118 = arith.constant 0 : i32
      %dma_start3A_3119 = tpu.memref_slice %arg2[%dma_start3A_3117, %dma_start3A_3118] : memref<10112x128xf32, #tpu.memory_space<hbm>> -> memref<10112x128xf32, #tpu.memory_space<hbm>>
      tpu.enqueue_indirect_dma source(%dma_start3A_3119 : memref<10112x128xf32, #tpu.memory_space<hbm>>) target(%arg30 : memref<64x128xf32, #tpu.memory_space<vmem>>) offsets(%arg13 : memref<64xi32, #tpu.memory_space<vmem>>) semaphore(%arg34 : memref<!tpu.dma_semaphore, #tpu.memory_space<semaphore_mem>>)
      %add3A_3120 = arith.constant 4 : i32
      %add3A_3121 = arith.addi %add3A_2991, %add3A_3120 : i32
      %mul3A_3122 = arith.constant 64 : i32
      %mul3A_3123 = arith.muli %add3A_3121, %mul3A_3122 : i32
      %add3A_3124 = arith.addi %mul3A_2090, %mul3A_3123 : i32
      %dma_start3A_3125 = tpu.memref_slice %arg3[%add3A_3124] : memref<327936xi32, #tpu.memory_space<hbm>> -> memref<64xi32, #tpu.memory_space<hbm>>
      %dma_start3A_3126 = tpu.memref_slice %arg3[%add3A_3124] : memref<327936xi32, #tpu.memory_space<hbm>> -> memref<64xi32, #tpu.memory_space<hbm>>
      tpu.enqueue_dma source(%dma_start3A_3126 : memref<64xi32, #tpu.memory_space<hbm>>) target(%arg14 : memref<64xi32, #tpu.memory_space<vmem>>) target_semaphore(%arg43 : memref<!tpu.dma_semaphore, #tpu.memory_space<semaphore_mem>>)
      %dma_start3A_3127 = tpu.memref_slice %arg4[%add3A_3124] : memref<327936xi32, #tpu.memory_space<hbm>> -> memref<64xi32, #tpu.memory_space<hbm>>
      %dma_start3A_3128 = tpu.memref_slice %arg4[%add3A_3124] : memref<327936xi32, #tpu.memory_space<hbm>> -> memref<64xi32, #tpu.memory_space<hbm>>
      tpu.enqueue_dma source(%dma_start3A_3128 : memref<64xi32, #tpu.memory_space<hbm>>) target(%arg18 : memref<64xi32, #tpu.memory_space<vmem>>) target_semaphore(%arg43 : memref<!tpu.dma_semaphore, #tpu.memory_space<semaphore_mem>>)
      %add3A_3129 = arith.constant 3 : i32
      %add3A_3130 = arith.addi %add3A_2711, %add3A_3129 : i32
      %dma_wait3A_3131 = arith.constant 0 : i32
      %dma_wait3A_3132 = arith.constant 0 : i32
      %dma_wait3A_3133 = tpu.memref_slice %arg2[%dma_wait3A_3131, %dma_wait3A_3132] : memref<10112x128xf32, #tpu.memory_space<hbm>> -> memref<10112x128xf32, #tpu.memory_space<hbm>>
      tpu.wait_indirect_dma semaphore(%arg36 : memref<!tpu.dma_semaphore, #tpu.memory_space<semaphore_mem>>) src(%dma_wait3A_3133 : memref<10112x128xf32, #tpu.memory_space<hbm>>) dst(%arg32 : memref<64x128xf32, #tpu.memory_space<vmem>>)
      %dma_wait3A_3134 = arith.constant 0 : i32
      %dma_wait3A_3135 = tpu.memref_slice %arg10[%dma_wait3A_3134] : memref<161792xf32, #tpu.memory_space<vmem_shared>> -> memref<161792xf32, #tpu.memory_space<vmem_shared>>
      tpu.wait_indirect_dma semaphore(%arg48 : memref<!tpu.dma_semaphore, #tpu.memory_space<semaphore_mem>>) src(%arg28 : memref<64xf32, #tpu.memory_space<vmem>>) dst(%dma_wait3A_3135 : memref<161792xf32, #tpu.memory_space<vmem_shared>>)
      %get3A_3136 = arith.constant 0 : index
      %get3A_3137 = tpu.vector_load %arg15[%get3A_3136] {strides = array<i32>} : memref<64xi32, #tpu.memory_space<vmem>>, vector<16xi32>,
      %get3A_3138 = arith.constant 0 : index
      %get3A_3139 = tpu.vector_load %arg19[%get3A_3138] {strides = array<i32>} : memref<64xi32, #tpu.memory_space<vmem>>, vector<16xi32>,
      %swap3A_3140 = arith.constant 0 : index
      %swap3A_3141 = tpu.vector_load %arg23[%swap3A_3140] {strides = array<i32>} : memref<64xi32, #tpu.memory_space<vmem>>, vector<16xi32>,
      tpu.vector_store %arg23[%swap3A_3140], %get3A_3139 {strides = array<i32>} : memref<64xi32, #tpu.memory_space<vmem>>, vector<16xi32>,
      %shift_right_arithmetic3A_3142 = arith.constant 3 : i32
      %shift_right_arithmetic3A_3143 = vector.broadcast %shift_right_arithmetic3A_3142 : i32 to vector<16xi32>
      %shift_right_arithmetic3A_3144 = arith.shrsi %get3A_3139, %shift_right_arithmetic3A_3143 : vector<16xi32>
      %gather3A_3145 = tpu.vector_load_idx %arg11[%shift_right_arithmetic3A_3144] : memref<1264xi32, #tpu.memory_space<vmem>>[vector<16xi32>], vector<16xi32>,
      %and3A_3146 = arith.constant 7 : i32
      %and3A_3147 = vector.broadcast %and3A_3146 : i32 to vector<16xi32>
      %and3A_3148 = arith.andi %get3A_3139, %and3A_3147 : vector<16xi32>
      %mul3A_3149 = arith.constant 4 : i32
      %mul3A_3150 = vector.broadcast %mul3A_3149 : i32 to vector<16xi32>
      %mul3A_3151 = arith.muli %and3A_3148, %mul3A_3150 : vector<16xi32>
      %shift_right_arithmetic3A_3152 = arith.shrsi %gather3A_3145, %mul3A_3151 : vector<16xi32>
      %and3A_3153 = arith.constant 15 : i32
      %and3A_3154 = vector.broadcast %and3A_3153 : i32 to vector<16xi32>
      %and3A_3155 = arith.andi %shift_right_arithmetic3A_3152, %and3A_3154 : vector<16xi32>
      %mul3A_3156 = arith.constant 16 : i32
      %mul3A_3157 = vector.broadcast %mul3A_3156 : i32 to vector<16xi32>
      %mul3A_3158 = arith.muli %get3A_3137, %mul3A_3157 : vector<16xi32>
      %add3A_3159 = arith.addi %mul3A_3158, %and3A_3155 : vector<16xi32>
      %swap3A_3160 = arith.constant 0 : index
      %swap3A_3161 = tpu.vector_load %arg27[%swap3A_3160] {strides = array<i32>} : memref<64xi32, #tpu.memory_space<vmem>>, vector<16xi32>,
      tpu.vector_store %arg27[%swap3A_3160], %add3A_3159 {strides = array<i32>} : memref<64xi32, #tpu.memory_space<vmem>>, vector<16xi32>,
      %get3A_3162 = arith.constant 16 : index
      %get3A_3163 = tpu.vector_load %arg15[%get3A_3162] {strides = array<i32>} : memref<64xi32, #tpu.memory_space<vmem>>, vector<16xi32>,
      %get3A_3164 = arith.constant 16 : index
      %get3A_3165 = tpu.vector_load %arg19[%get3A_3164] {strides = array<i32>} : memref<64xi32, #tpu.memory_space<vmem>>, vector<16xi32>,
      %swap3A_3166 = arith.constant 16 : index
      %swap3A_3167 = tpu.vector_load %arg23[%swap3A_3166] {strides = array<i32>} : memref<64xi32, #tpu.memory_space<vmem>>, vector<16xi32>,
      tpu.vector_store %arg23[%swap3A_3166], %get3A_3165 {strides = array<i32>} : memref<64xi32, #tpu.memory_space<vmem>>, vector<16xi32>,
      %shift_right_arithmetic3A_3168 = arith.constant 3 : i32
      %shift_right_arithmetic3A_3169 = vector.broadcast %shift_right_arithmetic3A_3168 : i32 to vector<16xi32>
      %shift_right_arithmetic3A_3170 = arith.shrsi %get3A_3165, %shift_right_arithmetic3A_3169 : vector<16xi32>
      %gather3A_3171 = tpu.vector_load_idx %arg11[%shift_right_arithmetic3A_3170] : memref<1264xi32, #tpu.memory_space<vmem>>[vector<16xi32>], vector<16xi32>,
      %and3A_3172 = arith.constant 7 : i32
      %and3A_3173 = vector.broadcast %and3A_3172 : i32 to vector<16xi32>
      %and3A_3174 = arith.andi %get3A_3165, %and3A_3173 : vector<16xi32>
      %mul3A_3175 = arith.constant 4 : i32
      %mul3A_3176 = vector.broadcast %mul3A_3175 : i32 to vector<16xi32>
      %mul3A_3177 = arith.muli %and3A_3174, %mul3A_3176 : vector<16xi32>
      %shift_right_arithmetic3A_3178 = arith.shrsi %gather3A_3171, %mul3A_3177 : vector<16xi32>
      %and3A_3179 = arith.constant 15 : i32
      %and3A_3180 = vector.broadcast %and3A_3179 : i32 to vector<16xi32>
      %and3A_3181 = arith.andi %shift_right_arithmetic3A_3178, %and3A_3180 : vector<16xi32>
      %mul3A_3182 = arith.constant 16 : i32
      %mul3A_3183 = vector.broadcast %mul3A_3182 : i32 to vector<16xi32>
      %mul3A_3184 = arith.muli %get3A_3163, %mul3A_3183 : vector<16xi32>
      %add3A_3185 = arith.addi %mul3A_3184, %and3A_3181 : vector<16xi32>
      %swap3A_3186 = arith.constant 16 : index
      %swap3A_3187 = tpu.vector_load %arg27[%swap3A_3186] {strides = array<i32>} : memref<64xi32, #tpu.memory_space<vmem>>, vector<16xi32>,
      tpu.vector_store %arg27[%swap3A_3186], %add3A_3185 {strides = array<i32>} : memref<64xi32, #tpu.memory_space<vmem>>, vector<16xi32>,
      %get3A_3188 = arith.constant 32 : index
      %get3A_3189 = tpu.vector_load %arg15[%get3A_3188] {strides = array<i32>} : memref<64xi32, #tpu.memory_space<vmem>>, vector<16xi32>,
      %get3A_3190 = arith.constant 32 : index
      %get3A_3191 = tpu.vector_load %arg19[%get3A_3190] {strides = array<i32>} : memref<64xi32, #tpu.memory_space<vmem>>, vector<16xi32>,
      %swap3A_3192 = arith.constant 32 : index
      %swap3A_3193 = tpu.vector_load %arg23[%swap3A_3192] {strides = array<i32>} : memref<64xi32, #tpu.memory_space<vmem>>, vector<16xi32>,
      tpu.vector_store %arg23[%swap3A_3192], %get3A_3191 {strides = array<i32>} : memref<64xi32, #tpu.memory_space<vmem>>, vector<16xi32>,
      %shift_right_arithmetic3A_3194 = arith.constant 3 : i32
      %shift_right_arithmetic3A_3195 = vector.broadcast %shift_right_arithmetic3A_3194 : i32 to vector<16xi32>
      %shift_right_arithmetic3A_3196 = arith.shrsi %get3A_3191, %shift_right_arithmetic3A_3195 : vector<16xi32>
      %gather3A_3197 = tpu.vector_load_idx %arg11[%shift_right_arithmetic3A_3196] : memref<1264xi32, #tpu.memory_space<vmem>>[vector<16xi32>], vector<16xi32>,
      %and3A_3198 = arith.constant 7 : i32
      %and3A_3199 = vector.broadcast %and3A_3198 : i32 to vector<16xi32>
      %and3A_3200 = arith.andi %get3A_3191, %and3A_3199 : vector<16xi32>
      %mul3A_3201 = arith.constant 4 : i32
      %mul3A_3202 = vector.broadcast %mul3A_3201 : i32 to vector<16xi32>
      %mul3A_3203 = arith.muli %and3A_3200, %mul3A_3202 : vector<16xi32>
      %shift_right_arithmetic3A_3204 = arith.shrsi %gather3A_3197, %mul3A_3203 : vector<16xi32>
      %and3A_3205 = arith.constant 15 : i32
      %and3A_3206 = vector.broadcast %and3A_3205 : i32 to vector<16xi32>
      %and3A_3207 = arith.andi %shift_right_arithmetic3A_3204, %and3A_3206 : vector<16xi32>
      %mul3A_3208 = arith.constant 16 : i32
      %mul3A_3209 = vector.broadcast %mul3A_3208 : i32 to vector<16xi32>
      %mul3A_3210 = arith.muli %get3A_3189, %mul3A_3209 : vector<16xi32>
      %add3A_3211 = arith.addi %mul3A_3210, %and3A_3207 : vector<16xi32>
      %swap3A_3212 = arith.constant 32 : index
      %swap3A_3213 = tpu.vector_load %arg27[%swap3A_3212] {strides = array<i32>} : memref<64xi32, #tpu.memory_space<vmem>>, vector<16xi32>,
      tpu.vector_store %arg27[%swap3A_3212], %add3A_3211 {strides = array<i32>} : memref<64xi32, #tpu.memory_space<vmem>>, vector<16xi32>,
      %get3A_3214 = arith.constant 48 : index
      %get3A_3215 = tpu.vector_load %arg15[%get3A_3214] {strides = array<i32>} : memref<64xi32, #tpu.memory_space<vmem>>, vector<16xi32>,
      %get3A_3216 = arith.constant 48 : index
      %get3A_3217 = tpu.vector_load %arg19[%get3A_3216] {strides = array<i32>} : memref<64xi32, #tpu.memory_space<vmem>>, vector<16xi32>,
      %swap3A_3218 = arith.constant 48 : index
      %swap3A_3219 = tpu.vector_load %arg23[%swap3A_3218] {strides = array<i32>} : memref<64xi32, #tpu.memory_space<vmem>>, vector<16xi32>,
      tpu.vector_store %arg23[%swap3A_3218], %get3A_3217 {strides = array<i32>} : memref<64xi32, #tpu.memory_space<vmem>>, vector<16xi32>,
      %shift_right_arithmetic3A_3220 = arith.constant 3 : i32
      %shift_right_arithmetic3A_3221 = vector.broadcast %shift_right_arithmetic3A_3220 : i32 to vector<16xi32>
      %shift_right_arithmetic3A_3222 = arith.shrsi %get3A_3217, %shift_right_arithmetic3A_3221 : vector<16xi32>
      %gather3A_3223 = tpu.vector_load_idx %arg11[%shift_right_arithmetic3A_3222] : memref<1264xi32, #tpu.memory_space<vmem>>[vector<16xi32>], vector<16xi32>,
      %and3A_3224 = arith.constant 7 : i32
      %and3A_3225 = vector.broadcast %and3A_3224 : i32 to vector<16xi32>
      %and3A_3226 = arith.andi %get3A_3217, %and3A_3225 : vector<16xi32>
      %mul3A_3227 = arith.constant 4 : i32
      %mul3A_3228 = vector.broadcast %mul3A_3227 : i32 to vector<16xi32>
      %mul3A_3229 = arith.muli %and3A_3226, %mul3A_3228 : vector<16xi32>
      %shift_right_arithmetic3A_3230 = arith.shrsi %gather3A_3223, %mul3A_3229 : vector<16xi32>
      %and3A_3231 = arith.constant 15 : i32
      %and3A_3232 = vector.broadcast %and3A_3231 : i32 to vector<16xi32>
      %and3A_3233 = arith.andi %shift_right_arithmetic3A_3230, %and3A_3232 : vector<16xi32>
      %mul3A_3234 = arith.constant 16 : i32
      %mul3A_3235 = vector.broadcast %mul3A_3234 : i32 to vector<16xi32>
      %mul3A_3236 = arith.muli %get3A_3215, %mul3A_3235 : vector<16xi32>
      %add3A_3237 = arith.addi %mul3A_3236, %and3A_3233 : vector<16xi32>
      %swap3A_3238 = arith.constant 48 : index
      %swap3A_3239 = tpu.vector_load %arg27[%swap3A_3238] {strides = array<i32>} : memref<64xi32, #tpu.memory_space<vmem>>, vector<16xi32>,
      tpu.vector_store %arg27[%swap3A_3238], %add3A_3237 {strides = array<i32>} : memref<64xi32, #tpu.memory_space<vmem>>, vector<16xi32>,
      %dma_start3A_3240 = arith.constant 0 : i32
      %dma_start3A_3241 = arith.constant 0 : i32
      %dma_start3A_3242 = tpu.memref_slice %arg9[%dma_start3A_3240, %dma_start3A_3241] : memref<10112x128xf32, #tpu.memory_space<vmem_shared>> -> memref<10112x128xf32, #tpu.memory_space<vmem_shared>>
      tpu.enqueue_indirect_dma source(%arg32 : memref<64x128xf32, #tpu.memory_space<vmem>>) target(%dma_start3A_3242 : memref<10112x128xf32, #tpu.memory_space<vmem_shared>>) offsets(%arg23 : memref<64xi32, #tpu.memory_space<vmem>>) semaphore(%arg40 : memref<!tpu.dma_semaphore, #tpu.memory_space<semaphore_mem>>) {add = true}
      %dma_start3A_3243 = arith.constant 0 : i32
      %dma_start3A_3244 = tpu.memref_slice %arg10[%dma_start3A_3243] : memref<161792xf32, #tpu.memory_space<vmem_shared>> -> memref<161792xf32, #tpu.memory_space<vmem_shared>>
      tpu.enqueue_indirect_dma source(%arg28 : memref<64xf32, #tpu.memory_space<vmem>>) target(%dma_start3A_3244 : memref<161792xf32, #tpu.memory_space<vmem_shared>>) offsets(%arg27 : memref<64xi32, #tpu.memory_space<vmem>>) semaphore(%arg48 : memref<!tpu.dma_semaphore, #tpu.memory_space<semaphore_mem>>) {add = true}
      %dma_wait3A_3245 = arith.constant 0 : i32
      %dma_wait3A_3246 = tpu.memref_slice %arg3[%dma_wait3A_3245] : memref<327936xi32, #tpu.memory_space<hbm>> -> memref<64xi32, #tpu.memory_space<hbm>>
      %dma_wait3A_3247 = arith.constant 0 : i32
      %dma_wait3A_3248 = tpu.memref_slice %arg3[%dma_wait3A_3247] : memref<327936xi32, #tpu.memory_space<hbm>> -> memref<64xi32, #tpu.memory_space<hbm>>
      tpu.wait_dma2 semaphore(%arg43 : memref<!tpu.dma_semaphore, #tpu.memory_space<semaphore_mem>>) src(%dma_wait3A_3248 : memref<64xi32, #tpu.memory_space<hbm>>) dst(%arg14 : memref<64xi32, #tpu.memory_space<vmem>>)
      %dma_wait3A_3249 = arith.constant 0 : i32
      %dma_wait3A_3250 = tpu.memref_slice %arg4[%dma_wait3A_3249] : memref<327936xi32, #tpu.memory_space<hbm>> -> memref<64xi32, #tpu.memory_space<hbm>>
      %dma_wait3A_3251 = arith.constant 0 : i32
      %dma_wait3A_3252 = tpu.memref_slice %arg4[%dma_wait3A_3251] : memref<327936xi32, #tpu.memory_space<hbm>> -> memref<64xi32, #tpu.memory_space<hbm>>
      tpu.wait_dma2 semaphore(%arg43 : memref<!tpu.dma_semaphore, #tpu.memory_space<semaphore_mem>>) src(%dma_wait3A_3252 : memref<64xi32, #tpu.memory_space<hbm>>) dst(%arg18 : memref<64xi32, #tpu.memory_space<vmem>>)
      %dma_wait3A_3253 = arith.constant 0 : i32
      %dma_wait3A_3254 = arith.constant 0 : i32
      %dma_wait3A_3255 = tpu.memref_slice %arg9[%dma_wait3A_3253, %dma_wait3A_3254] : memref<10112x128xf32, #tpu.memory_space<vmem_shared>> -> memref<10112x128xf32, #tpu.memory_space<vmem_shared>>
      tpu.wait_indirect_dma semaphore(%arg39 : memref<!tpu.dma_semaphore, #tpu.memory_space<semaphore_mem>>) src(%arg31 : memref<64x128xf32, #tpu.memory_space<vmem>>) dst(%dma_wait3A_3255 : memref<10112x128xf32, #tpu.memory_space<vmem_shared>>)
      %dma_start3A_3256 = arith.constant 0 : i32
      %dma_start3A_3257 = arith.constant 0 : i32
      %dma_start3A_3258 = tpu.memref_slice %arg2[%dma_start3A_3256, %dma_start3A_3257] : memref<10112x128xf32, #tpu.memory_space<hbm>> -> memref<10112x128xf32, #tpu.memory_space<hbm>>
      tpu.enqueue_indirect_dma source(%dma_start3A_3258 : memref<10112x128xf32, #tpu.memory_space<hbm>>) target(%arg31 : memref<64x128xf32, #tpu.memory_space<vmem>>) offsets(%arg14 : memref<64xi32, #tpu.memory_space<vmem>>) semaphore(%arg35 : memref<!tpu.dma_semaphore, #tpu.memory_space<semaphore_mem>>)
      %add3A_3259 = arith.constant 4 : i32
      %add3A_3260 = arith.addi %add3A_3130, %add3A_3259 : i32
      %mul3A_3261 = arith.constant 64 : i32
      %mul3A_3262 = arith.muli %add3A_3260, %mul3A_3261 : i32
      %add3A_3263 = arith.addi %mul3A_2090, %mul3A_3262 : i32
      %dma_start3A_3264 = tpu.memref_slice %arg3[%add3A_3263] : memref<327936xi32, #tpu.memory_space<hbm>> -> memref<64xi32, #tpu.memory_space<hbm>>
      %dma_start3A_3265 = tpu.memref_slice %arg3[%add3A_3263] : memref<327936xi32, #tpu.memory_space<hbm>> -> memref<64xi32, #tpu.memory_space<hbm>>
      tpu.enqueue_dma source(%dma_start3A_3265 : memref<64xi32, #tpu.memory_space<hbm>>) target(%arg15 : memref<64xi32, #tpu.memory_space<vmem>>) target_semaphore(%arg44 : memref<!tpu.dma_semaphore, #tpu.memory_space<semaphore_mem>>)
      %dma_start3A_3266 = tpu.memref_slice %arg4[%add3A_3263] : memref<327936xi32, #tpu.memory_space<hbm>> -> memref<64xi32, #tpu.memory_space<hbm>>
      %dma_start3A_3267 = tpu.memref_slice %arg4[%add3A_3263] : memref<327936xi32, #tpu.memory_space<hbm>> -> memref<64xi32, #tpu.memory_space<hbm>>
      tpu.enqueue_dma source(%dma_start3A_3267 : memref<64xi32, #tpu.memory_space<hbm>>) target(%arg19 : memref<64xi32, #tpu.memory_space<vmem>>) target_semaphore(%arg44 : memref<!tpu.dma_semaphore, #tpu.memory_space<semaphore_mem>>)
    }
    %scan3A_2671 = arith.constant 39 : i32
    %dma_wait3A_2672 = arith.constant 0 : i32
    %dma_wait3A_2673 = arith.constant 0 : i32
    %dma_wait3A_2674 = tpu.memref_slice %arg9[%dma_wait3A_2672, %dma_wait3A_2673] : memref<10112x128xf32, #tpu.memory_space<vmem_shared>> -> memref<10112x128xf32, #tpu.memory_space<vmem_shared>>
    tpu.wait_indirect_dma semaphore(%arg40 : memref<!tpu.dma_semaphore, #tpu.memory_space<semaphore_mem>>) src(%arg32 : memref<64x128xf32, #tpu.memory_space<vmem>>) dst(%dma_wait3A_2674 : memref<10112x128xf32, #tpu.memory_space<vmem_shared>>)
    %dma_wait3A_2675 = arith.constant 0 : i32
    %dma_wait3A_2676 = tpu.memref_slice %arg10[%dma_wait3A_2675] : memref<161792xf32, #tpu.memory_space<vmem_shared>> -> memref<161792xf32, #tpu.memory_space<vmem_shared>>
    tpu.wait_indirect_dma semaphore(%arg45 : memref<!tpu.dma_semaphore, #tpu.memory_space<semaphore_mem>>) src(%arg28 : memref<64xf32, #tpu.memory_space<vmem>>) dst(%dma_wait3A_2676 : memref<161792xf32, #tpu.memory_space<vmem_shared>>)
    %dma_wait3A_2677 = arith.constant 0 : i32
    %dma_wait3A_2678 = tpu.memref_slice %arg10[%dma_wait3A_2677] : memref<161792xf32, #tpu.memory_space<vmem_shared>> -> memref<161792xf32, #tpu.memory_space<vmem_shared>>
    tpu.wait_indirect_dma semaphore(%arg46 : memref<!tpu.dma_semaphore, #tpu.memory_space<semaphore_mem>>) src(%arg28 : memref<64xf32, #tpu.memory_space<vmem>>) dst(%dma_wait3A_2678 : memref<161792xf32, #tpu.memory_space<vmem_shared>>)
    %dma_wait3A_2679 = arith.constant 0 : i32
    %dma_wait3A_2680 = tpu.memref_slice %arg10[%dma_wait3A_2679] : memref<161792xf32, #tpu.memory_space<vmem_shared>> -> memref<161792xf32, #tpu.memory_space<vmem_shared>>
    tpu.wait_indirect_dma semaphore(%arg47 : memref<!tpu.dma_semaphore, #tpu.memory_space<semaphore_mem>>) src(%arg28 : memref<64xf32, #tpu.memory_space<vmem>>) dst(%dma_wait3A_2680 : memref<161792xf32, #tpu.memory_space<vmem_shared>>)
    %dma_wait3A_2681 = arith.constant 0 : i32
    %dma_wait3A_2682 = tpu.memref_slice %arg10[%dma_wait3A_2681] : memref<161792xf32, #tpu.memory_space<vmem_shared>> -> memref<161792xf32, #tpu.memory_space<vmem_shared>>
    tpu.wait_indirect_dma semaphore(%arg48 : memref<!tpu.dma_semaphore, #tpu.memory_space<semaphore_mem>>) src(%arg28 : memref<64xf32, #tpu.memory_space<vmem>>) dst(%dma_wait3A_2682 : memref<161792xf32, #tpu.memory_space<vmem_shared>>)
    %dma_wait3A_2683 = arith.constant 0 : i32
    %dma_wait3A_2684 = arith.constant 0 : i32
    %dma_wait3A_2685 = tpu.memref_slice %arg2[%dma_wait3A_2683, %dma_wait3A_2684] : memref<10112x128xf32, #tpu.memory_space<hbm>> -> memref<10112x128xf32, #tpu.memory_space<hbm>>
    tpu.wait_indirect_dma semaphore(%arg33 : memref<!tpu.dma_semaphore, #tpu.memory_space<semaphore_mem>>) src(%dma_wait3A_2685 : memref<10112x128xf32, #tpu.memory_space<hbm>>) dst(%arg29 : memref<64x128xf32, #tpu.memory_space<vmem>>)
    %dma_wait3A_2686 = arith.constant 0 : i32
    %dma_wait3A_2687 = arith.constant 0 : i32
    %dma_wait3A_2688 = tpu.memref_slice %arg2[%dma_wait3A_2686, %dma_wait3A_2687] : memref<10112x128xf32, #tpu.memory_space<hbm>> -> memref<10112x128xf32, #tpu.memory_space<hbm>>
    tpu.wait_indirect_dma semaphore(%arg34 : memref<!tpu.dma_semaphore, #tpu.memory_space<semaphore_mem>>) src(%dma_wait3A_2688 : memref<10112x128xf32, #tpu.memory_space<hbm>>) dst(%arg30 : memref<64x128xf32, #tpu.memory_space<vmem>>)
    %dma_wait3A_2689 = arith.constant 0 : i32
    %dma_wait3A_2690 = arith.constant 0 : i32
    %dma_wait3A_2691 = tpu.memref_slice %arg2[%dma_wait3A_2689, %dma_wait3A_2690] : memref<10112x128xf32, #tpu.memory_space<hbm>> -> memref<10112x128xf32, #tpu.memory_space<hbm>>
    tpu.wait_indirect_dma semaphore(%arg35 : memref<!tpu.dma_semaphore, #tpu.memory_space<semaphore_mem>>) src(%dma_wait3A_2691 : memref<10112x128xf32, #tpu.memory_space<hbm>>) dst(%arg31 : memref<64x128xf32, #tpu.memory_space<vmem>>)
    %dma_wait3A_2692 = arith.constant 0 : i32
    %dma_wait3A_2693 = tpu.memref_slice %arg3[%dma_wait3A_2692] : memref<327936xi32, #tpu.memory_space<hbm>> -> memref<64xi32, #tpu.memory_space<hbm>>
    %dma_wait3A_2694 = arith.constant 0 : i32
    %dma_wait3A_2695 = tpu.memref_slice %arg3[%dma_wait3A_2694] : memref<327936xi32, #tpu.memory_space<hbm>> -> memref<64xi32, #tpu.memory_space<hbm>>
    tpu.wait_dma2 semaphore(%arg44 : memref<!tpu.dma_semaphore, #tpu.memory_space<semaphore_mem>>) src(%dma_wait3A_2695 : memref<64xi32, #tpu.memory_space<hbm>>) dst(%arg15 : memref<64xi32, #tpu.memory_space<vmem>>)
    %dma_wait3A_2696 = arith.constant 0 : i32
    %dma_wait3A_2697 = tpu.memref_slice %arg4[%dma_wait3A_2696] : memref<327936xi32, #tpu.memory_space<hbm>> -> memref<64xi32, #tpu.memory_space<hbm>>
    %dma_wait3A_2698 = arith.constant 0 : i32
    %dma_wait3A_2699 = tpu.memref_slice %arg4[%dma_wait3A_2698] : memref<327936xi32, #tpu.memory_space<hbm>> -> memref<64xi32, #tpu.memory_space<hbm>>
    tpu.wait_dma2 semaphore(%arg44 : memref<!tpu.dma_semaphore, #tpu.memory_space<semaphore_mem>>) src(%dma_wait3A_2699 : memref<64xi32, #tpu.memory_space<hbm>>) dst(%arg19 : memref<64xi32, #tpu.memory_space<vmem>>)
    %barrier3A_2700 = arith.constant 0 : index
    tpu.barrier barrier_id(%barrier3A_2700)
    %mul3A_2701 = arith.constant 10112 : i32
    %mul3A_2702 = arith.muli %arg0, %mul3A_2701 : i32
    %add3A_2703 = arith.addi %mul3A_2702, %mul3A_0 : i32
    "tpu.region"() ({
      %run_scoped3A = tpu.sem_alloc : memref<!tpu.dma_semaphore, #tpu.memory_space<semaphore_mem>>
      %dma_start3A_2707 = arith.constant 0 : i32
      %dma_start3A_2708 = tpu.memref_slice %arg7[%add3A_2703, %dma_start3A_2707] : memref<20224x128xf32, #tpu.memory_space<hbm>> -> memref<632x128xf32, #tpu.memory_space<hbm>>
      %dma_start3A_2709 = arith.constant 0 : i32
      %dma_start3A_2710 = tpu.memref_slice %arg9[%mul3A_0, %dma_start3A_2709] : memref<10112x128xf32, #tpu.memory_space<vmem_shared>> -> memref<632x128xf32, #tpu.memory_space<vmem_shared>>
      tpu.enqueue_dma source(%dma_start3A_2710 : memref<632x128xf32, #tpu.memory_space<vmem_shared>>) target(%dma_start3A_2708 : memref<632x128xf32, #tpu.memory_space<hbm>>) target_semaphore(%run_scoped3A : memref<!tpu.dma_semaphore, #tpu.memory_space<semaphore_mem>>)
      %dma_wait3A_2711 = arith.constant 0 : i32
      %dma_wait3A_2712 = tpu.memref_slice %arg7[%add3A_2703, %dma_wait3A_2711] : memref<20224x128xf32, #tpu.memory_space<hbm>> -> memref<632x128xf32, #tpu.memory_space<hbm>>
      %dma_wait3A_2713 = arith.constant 0 : i32
      %dma_wait3A_2714 = tpu.memref_slice %arg9[%mul3A_0, %dma_wait3A_2713] : memref<10112x128xf32, #tpu.memory_space<vmem_shared>> -> memref<632x128xf32, #tpu.memory_space<vmem_shared>>
      tpu.wait_dma2 semaphore(%run_scoped3A : memref<!tpu.dma_semaphore, #tpu.memory_space<semaphore_mem>>) src(%dma_wait3A_2714 : memref<632x128xf32, #tpu.memory_space<vmem_shared>>) dst(%dma_wait3A_2712 : memref<632x128xf32, #tpu.memory_space<hbm>>)
      tpu.yield
    }) : () -> ()
    %mul3A_2704 = arith.constant 161792 : i32
    %mul3A_2705 = arith.muli %arg0, %mul3A_2704 : i32
    %add3A_2706 = arith.addi %mul3A_2705, %mul3A_2 : i32
    "tpu.region"() ({
      %run_scoped3A = tpu.sem_alloc : memref<!tpu.dma_semaphore, #tpu.memory_space<semaphore_mem>>
      %dma_start3A_2707 = tpu.memref_slice %arg8[%add3A_2706] : memref<323584xf32, #tpu.memory_space<hbm>> -> memref<10112xf32, #tpu.memory_space<hbm>>
      %dma_start3A_2708 = tpu.memref_slice %arg10[%mul3A_2] : memref<161792xf32, #tpu.memory_space<vmem_shared>> -> memref<10112xf32, #tpu.memory_space<vmem_shared>>
      tpu.enqueue_dma source(%dma_start3A_2708 : memref<10112xf32, #tpu.memory_space<vmem_shared>>) target(%dma_start3A_2707 : memref<10112xf32, #tpu.memory_space<hbm>>) target_semaphore(%run_scoped3A : memref<!tpu.dma_semaphore, #tpu.memory_space<semaphore_mem>>)
      %dma_wait3A_2709 = tpu.memref_slice %arg8[%add3A_2706] : memref<323584xf32, #tpu.memory_space<hbm>> -> memref<10112xf32, #tpu.memory_space<hbm>>
      %dma_wait3A_2710 = tpu.memref_slice %arg10[%mul3A_2] : memref<161792xf32, #tpu.memory_space<vmem_shared>> -> memref<10112xf32, #tpu.memory_space<vmem_shared>>
      tpu.wait_dma2 semaphore(%run_scoped3A : memref<!tpu.dma_semaphore, #tpu.memory_space<semaphore_mem>>) src(%dma_wait3A_2710 : memref<10112xf32, #tpu.memory_space<vmem_shared>>) dst(%dma_wait3A_2709 : memref<10112xf32, #tpu.memory_space<hbm>>)
      tpu.yield
    }) : () -> ()
    return
  }
}

module attributes {stable_mosaic.version = 14 : i64} {
  func.func @_tc_body(%arg0: i32, %arg1: memref<2x1264x128xf32, #tpu.memory_space<vmem>>, %arg2: memref<2x1264x16xf32, #tpu.memory_space<vmem>>, %arg3: memref<1264x128xf32, #tpu.memory_space<vmem>>, %arg4: memref<1264x1xi32, #tpu.memory_space<vmem>>, %arg5: memref<128x128xf32, #tpu.memory_space<vmem>>, %arg6: memref<128x128xf32, #tpu.memory_space<vmem>>, %arg7: memref<1x128xf32, #tpu.memory_space<vmem>>, %arg8: memref<128x128xf32, #tpu.memory_space<vmem>>, %arg9: memref<128x128xf32, #tpu.memory_space<vmem>>, %arg10: memref<1x128xf32, #tpu.memory_space<vmem>>, %arg11: memref<128x2048xf32, #tpu.memory_space<vmem>>, %arg12: memref<1x2048xf32, #tpu.memory_space<vmem>>, %arg13: memref<16x2048xf32, #tpu.memory_space<vmem>>, %arg14: memref<16x128xf32, #tpu.memory_space<vmem>>, %arg15: memref<16x128xf32, #tpu.memory_space<vmem>>, %arg16: memref<16x128xf32, #tpu.memory_space<vmem>>) attributes {dimension_semantics = [#tpu.dimension_semantics<arbitrary>], iteration_bounds = array<i64: 8>, scalar_prefetch = 0 : i64, scratch_operands = 3 : i64, tpu.core_type = #tpu.core_type<tc>, window_params = [{transform_indices = @transform_0, window_bounds = array<i64: 2, 1264, 128>}, {transform_indices = @transform_1, window_bounds = array<i64: 2, 1264, 16>}, {transform_indices = @transform_2, window_bounds = array<i64: 1264, 128>}, {transform_indices = @transform_3, window_bounds = array<i64: 1264, 1>}, {pipeline_mode = #tpu.pipeline_mode<synchronous>, transform_indices = @transform_4, window_bounds = array<i64: 128, 128>}, {pipeline_mode = #tpu.pipeline_mode<synchronous>, transform_indices = @transform_5, window_bounds = array<i64: 128, 128>}, {pipeline_mode = #tpu.pipeline_mode<synchronous>, transform_indices = @transform_6, window_bounds = array<i64: 1, 128>}, {pipeline_mode = #tpu.pipeline_mode<synchronous>, transform_indices = @transform_7, window_bounds = array<i64: 128, 128>}, {pipeline_mode = #tpu.pipeline_mode<synchronous>, transform_indices = @transform_8, window_bounds = array<i64: 128, 128>}, {pipeline_mode = #tpu.pipeline_mode<synchronous>, transform_indices = @transform_9, window_bounds = array<i64: 1, 128>}, {pipeline_mode = #tpu.pipeline_mode<synchronous>, transform_indices = @transform_10, window_bounds = array<i64: 128, 2048>}, {pipeline_mode = #tpu.pipeline_mode<synchronous>, transform_indices = @transform_11, window_bounds = array<i64: 1, 2048>}, {pipeline_mode = #tpu.pipeline_mode<synchronous>, transform_indices = @transform_12, window_bounds = array<i64: 16, 2048>}]} {
    %eq3A = arith.constant 0 : i32
    %eq3A_0 = arith.cmpi eq, %arg0, %eq3A : i32
    %convert_element_type3A = arith.extui %eq3A_0 : i1 to i32
    %cond3A = arith.constant 0 : i32
    %cond3A_1 = arith.cmpi ne, %convert_element_type3A, %cond3A : i32
    scf.if %cond3A_1 {
      %broadcast_in_dim3A_90 = arith.constant 0.000000e+00 : f32
      %broadcast_in_dim3A_91 = vector.broadcast %broadcast_in_dim3A_90 : f32 to vector<16x128xf32>
      %swap3A_92 = arith.constant 0 : index
      %swap3A_93 = arith.constant 0 : index
      %swap3A_94 = vector.load %arg14[%swap3A_92, %swap3A_93] : memref<16x128xf32, #tpu.memory_space<vmem>>, vector<16x128xf32>
      tpu.vector_store %arg14[%swap3A_92, %swap3A_93], %broadcast_in_dim3A_91 {strides = array<i32>} : memref<16x128xf32, #tpu.memory_space<vmem>>, vector<16x128xf32>,
      %broadcast_in_dim3A_95 = arith.constant 0.000000e+00 : f32
      %broadcast_in_dim3A_96 = vector.broadcast %broadcast_in_dim3A_95 : f32 to vector<16x128xf32>
      %swap3A_97 = arith.constant 0 : index
      %swap3A_98 = arith.constant 0 : index
      %swap3A_99 = vector.load %arg15[%swap3A_97, %swap3A_98] : memref<16x128xf32, #tpu.memory_space<vmem>>, vector<16x128xf32>
      tpu.vector_store %arg15[%swap3A_97, %swap3A_98], %broadcast_in_dim3A_96 {strides = array<i32>} : memref<16x128xf32, #tpu.memory_space<vmem>>, vector<16x128xf32>,
      %broadcast_in_dim3A_100 = arith.constant 0.000000e+00 : f32
      %broadcast_in_dim3A_101 = vector.broadcast %broadcast_in_dim3A_100 : f32 to vector<16x128xf32>
      %swap3A_102 = arith.constant 0 : index
      %swap3A_103 = arith.constant 0 : index
      %swap3A_104 = vector.load %arg16[%swap3A_102, %swap3A_103] : memref<16x128xf32, #tpu.memory_space<vmem>>, vector<16x128xf32>
      tpu.vector_store %arg16[%swap3A_102, %swap3A_103], %broadcast_in_dim3A_101 {strides = array<i32>} : memref<16x128xf32, #tpu.memory_space<vmem>>, vector<16x128xf32>,
    } else {
    }
    %get3A = arith.constant 0 : index
    %get3A_2 = arith.constant 0 : index
    %get3A_3 = arith.constant 0 : index
    %get3A_4 = vector.load %arg1[%get3A, %get3A_2, %get3A_3] : memref<2x1264x128xf32, #tpu.memory_space<vmem>>, vector<1x1264x128xf32>
    %get3A_5 = vector.shape_cast %get3A_4 : vector<1x1264x128xf32> to vector<1264x128xf32>
    %get3A_6 = arith.constant 1 : index
    %get3A_7 = arith.constant 0 : index
    %get3A_8 = arith.constant 0 : index
    %get3A_9 = vector.load %arg1[%get3A_6, %get3A_7, %get3A_8] : memref<2x1264x128xf32, #tpu.memory_space<vmem>>, vector<1x1264x128xf32>
    %get3A_10 = vector.shape_cast %get3A_9 : vector<1x1264x128xf32> to vector<1264x128xf32>
    %add3A = arith.addf %get3A_5, %get3A_10 : vector<1264x128xf32>
    %get3A_11 = arith.constant 0 : index
    %get3A_12 = arith.constant 0 : index
    %get3A_13 = vector.load %arg5[%get3A_11, %get3A_12] : memref<128x128xf32, #tpu.memory_space<vmem>>, vector<128x128xf32>
    %dot_general3A = arith.constant dense<0.000000e+00> : vector<1264x128xf32>
    %dot_general3A_14 = tpu.matmul %add3A, %get3A_13, %dot_general3A {dimension_numbers = #tpu.dot_dimension_numbers<[1], [0], [0], [1], [0, 0, 1, 1], [], []>, transpose_lhs_hint = false} : vector<1264x128xf32>, vector<128x128xf32>, vector<1264x128xf32> -> vector<1264x128xf32>
    %get3A_15 = arith.constant 0 : index
    %get3A_16 = arith.constant 0 : index
    %get3A_17 = vector.load %arg3[%get3A_15, %get3A_16] : memref<1264x128xf32, #tpu.memory_space<vmem>>, vector<1264x128xf32>
    %get3A_18 = arith.constant 0 : index
    %get3A_19 = arith.constant 0 : index
    %get3A_20 = vector.load %arg6[%get3A_18, %get3A_19] : memref<128x128xf32, #tpu.memory_space<vmem>>, vector<128x128xf32>
    %dot_general3A_21 = arith.constant dense<0.000000e+00> : vector<1264x128xf32>
    %dot_general3A_22 = tpu.matmul %get3A_17, %get3A_20, %dot_general3A_21 {dimension_numbers = #tpu.dot_dimension_numbers<[1], [0], [0], [1], [0, 0, 1, 1], [], []>, transpose_lhs_hint = false} : vector<1264x128xf32>, vector<128x128xf32>, vector<1264x128xf32> -> vector<1264x128xf32>
    %add3A_23 = arith.addf %dot_general3A_14, %dot_general3A_22 : vector<1264x128xf32>
    %get3A_24 = arith.constant 0 : index
    %get3A_25 = arith.constant 0 : index
    %get3A_26 = vector.load %arg7[%get3A_24, %get3A_25] : memref<1x128xf32, #tpu.memory_space<vmem>>, vector<1x128xf32>
    %add3A_27 = vector.broadcast %get3A_26 : vector<1x128xf32> to vector<1264x128xf32>
    %add3A_28 = arith.addf %add3A_23, %add3A_27 : vector<1264x128xf32>
    %max3A = arith.constant 0.000000e+00 : f32
    %max3A_29 = vector.broadcast %max3A : f32 to vector<1264x128xf32>
    %max3A_30 = arith.maximumf %add3A_28, %max3A_29 : vector<1264x128xf32>
    %mul3A = arith.constant 1264 : i32
    %mul3A_31 = arith.muli %arg0, %mul3A : i32
    %iota3A = tpu.iota {dimensions = array<i32: 0>} : vector<1264x1xi32>
    %add3A_32 = vector.broadcast %mul3A_31 : i32 to vector<1264x1xi32>
    %add3A_33 = arith.addi %add3A_32, %iota3A : vector<1264x1xi32>
    %lt3A = arith.constant 10000 : i32
    %lt3A_34 = vector.broadcast %lt3A : i32 to vector<1264x1xi32>
    %lt3A_35 = arith.cmpi slt, %add3A_33, %lt3A_34 : vector<1264x1xi32>
    %get3A_36 = arith.constant 0 : index
    %get3A_37 = arith.constant 0 : index
    %get3A_38 = arith.constant 0 : index
    %get3A_39 = vector.load %arg2[%get3A_36, %get3A_37, %get3A_38] : memref<2x1264x16xf32, #tpu.memory_space<vmem>>, vector<1x1264x16xf32>
    %get3A_40 = vector.shape_cast %get3A_39 : vector<1x1264x16xf32> to vector<1264x16xf32>
    %get3A_41 = arith.constant 1 : index
    %get3A_42 = arith.constant 0 : index
    %get3A_43 = arith.constant 0 : index
    %get3A_44 = vector.load %arg2[%get3A_41, %get3A_42, %get3A_43] : memref<2x1264x16xf32, #tpu.memory_space<vmem>>, vector<1x1264x16xf32>
    %get3A_45 = vector.shape_cast %get3A_44 : vector<1x1264x16xf32> to vector<1264x16xf32>
    %add3A_46 = arith.addf %get3A_40, %get3A_45 : vector<1264x16xf32>
    %jit3A = arith.constant 0.000000e+00 : f32
    %broadcast_in_dim3A = vector.shape_cast %lt3A_35 : vector<1264x1xi1> to vector<1264x1xi1>
    %broadcast_in_dim3A_47 = vector.broadcast %broadcast_in_dim3A : vector<1264x1xi1> to vector<1264x16xi1>
    %broadcast_in_dim3A_48 = vector.broadcast %jit3A : f32 to vector<1264x16xf32>
    %select_n3A = arith.select %broadcast_in_dim3A_47, %add3A_46, %broadcast_in_dim3A_48 : vector<1264x16xi1>, vector<1264x16xf32>
    %get3A_49 = arith.constant 0 : index
    %get3A_50 = arith.constant 0 : index
    %get3A_51 = vector.load %arg4[%get3A_49, %get3A_50] : memref<1264x1xi32, #tpu.memory_space<vmem>>, vector<1264x1xi32>
    %iota3A_52 = tpu.iota {dimensions = array<i32: 1>} : vector<1264x16xi32>
    %eq3A_53 = vector.broadcast %get3A_51 : vector<1264x1xi32> to vector<1264x16xi32>
    %eq3A_54 = arith.cmpi eq, %eq3A_53, %iota3A_52 : vector<1264x16xi32>
    %convert_element_type3A_55 = arith.extui %eq3A_54 : vector<1264x16xi1> to vector<1264x16xi32>
    %convert_element_type3A_56 = arith.sitofp %convert_element_type3A_55 : vector<1264x16xi32> to vector<1264x16xf32>
    %get3A_57 = arith.constant 0 : index
    %get3A_58 = arith.constant 0 : index
    %get3A_59 = vector.load %arg14[%get3A_57, %get3A_58] : memref<16x128xf32, #tpu.memory_space<vmem>>, vector<16x128xf32>
    %dot_general3A_60 = arith.constant dense<0.000000e+00> : vector<16x128xf32>
    %dot_general3A_61 = tpu.matmul %select_n3A, %max3A_30, %dot_general3A_60 {dimension_numbers = #tpu.dot_dimension_numbers<[0], [0], [1], [1], [0, 1, 1, 1], [], []>, transpose_lhs_hint = false} : vector<1264x16xf32>, vector<1264x128xf32>, vector<16x128xf32> -> vector<16x128xf32>
    %add3A_62 = arith.addf %get3A_59, %dot_general3A_61 : vector<16x128xf32>
    %swap3A = arith.constant 0 : index
    %swap3A_63 = arith.constant 0 : index
    %swap3A_64 = vector.load %arg14[%swap3A, %swap3A_63] : memref<16x128xf32, #tpu.memory_space<vmem>>, vector<16x128xf32>
    tpu.vector_store %arg14[%swap3A, %swap3A_63], %add3A_62 {strides = array<i32>} : memref<16x128xf32, #tpu.memory_space<vmem>>, vector<16x128xf32>,
    %get3A_65 = arith.constant 0 : index
    %get3A_66 = arith.constant 0 : index
    %get3A_67 = vector.load %arg15[%get3A_65, %get3A_66] : memref<16x128xf32, #tpu.memory_space<vmem>>, vector<16x128xf32>
    %dot_general3A_68 = arith.constant dense<0.000000e+00> : vector<16x128xf32>
    %dot_general3A_69 = tpu.matmul %convert_element_type3A_56, %max3A_30, %dot_general3A_68 {dimension_numbers = #tpu.dot_dimension_numbers<[0], [0], [1], [1], [0, 1, 1, 1], [], []>, transpose_lhs_hint = false} : vector<1264x16xf32>, vector<1264x128xf32>, vector<16x128xf32> -> vector<16x128xf32>
    %add3A_70 = arith.addf %get3A_67, %dot_general3A_69 : vector<16x128xf32>
    %swap3A_71 = arith.constant 0 : index
    %swap3A_72 = arith.constant 0 : index
    %swap3A_73 = vector.load %arg15[%swap3A_71, %swap3A_72] : memref<16x128xf32, #tpu.memory_space<vmem>>, vector<16x128xf32>
    tpu.vector_store %arg15[%swap3A_71, %swap3A_72], %add3A_70 {strides = array<i32>} : memref<16x128xf32, #tpu.memory_space<vmem>>, vector<16x128xf32>,
    %get3A_74 = arith.constant 0 : index
    %get3A_75 = arith.constant 0 : index
    %get3A_76 = vector.load %arg16[%get3A_74, %get3A_75] : memref<16x128xf32, #tpu.memory_space<vmem>>, vector<16x128xf32>
    %broadcast_in_dim3A_77 = arith.constant 1.000000e+00 : f32
    %broadcast_in_dim3A_78 = vector.broadcast %broadcast_in_dim3A_77 : f32 to vector<1264x128xf32>
    %dot_general3A_79 = arith.constant dense<0.000000e+00> : vector<16x128xf32>
    %dot_general3A_80 = tpu.matmul %convert_element_type3A_56, %broadcast_in_dim3A_78, %dot_general3A_79 {dimension_numbers = #tpu.dot_dimension_numbers<[0], [0], [1], [1], [0, 1, 1, 1], [], []>, transpose_lhs_hint = false} : vector<1264x16xf32>, vector<1264x128xf32>, vector<16x128xf32> -> vector<16x128xf32>
    %add3A_81 = arith.addf %get3A_76, %dot_general3A_80 : vector<16x128xf32>
    %swap3A_82 = arith.constant 0 : index
    %swap3A_83 = arith.constant 0 : index
    %swap3A_84 = vector.load %arg16[%swap3A_82, %swap3A_83] : memref<16x128xf32, #tpu.memory_space<vmem>>, vector<16x128xf32>
    tpu.vector_store %arg16[%swap3A_82, %swap3A_83], %add3A_81 {strides = array<i32>} : memref<16x128xf32, #tpu.memory_space<vmem>>, vector<16x128xf32>,
    %eq3A_85 = arith.constant 7 : i32
    %eq3A_86 = arith.cmpi eq, %arg0, %eq3A_85 : i32
    %convert_element_type3A_87 = arith.extui %eq3A_86 : i1 to i32
    %cond3A_88 = arith.constant 0 : i32
    %cond3A_89 = arith.cmpi ne, %convert_element_type3A_87, %cond3A_88 : i32
    scf.if %cond3A_89 {
      %get3A_90 = arith.constant 0 : index
      %get3A_91 = arith.constant 0 : index
      %get3A_92 = vector.load %arg14[%get3A_90, %get3A_91] : memref<16x128xf32, #tpu.memory_space<vmem>>, vector<16x128xf32>
      %get3A_93 = arith.constant 0 : index
      %get3A_94 = arith.constant 0 : index
      %get3A_95 = vector.load %arg8[%get3A_93, %get3A_94] : memref<128x128xf32, #tpu.memory_space<vmem>>, vector<128x128xf32>
      %dot_general3A_96 = arith.constant dense<0.000000e+00> : vector<16x128xf32>
      %dot_general3A_97 = tpu.matmul %get3A_92, %get3A_95, %dot_general3A_96 {dimension_numbers = #tpu.dot_dimension_numbers<[1], [0], [0], [1], [0, 0, 1, 1], [], []>, transpose_lhs_hint = false} : vector<16x128xf32>, vector<128x128xf32>, vector<16x128xf32> -> vector<16x128xf32>
      %get3A_98 = arith.constant 0 : index
      %get3A_99 = arith.constant 0 : index
      %get3A_100 = vector.load %arg15[%get3A_98, %get3A_99] : memref<16x128xf32, #tpu.memory_space<vmem>>, vector<16x128xf32>
      %get3A_101 = arith.constant 0 : index
      %get3A_102 = arith.constant 0 : index
      %get3A_103 = vector.load %arg9[%get3A_101, %get3A_102] : memref<128x128xf32, #tpu.memory_space<vmem>>, vector<128x128xf32>
      %dot_general3A_104 = arith.constant dense<0.000000e+00> : vector<16x128xf32>
      %dot_general3A_105 = tpu.matmul %get3A_100, %get3A_103, %dot_general3A_104 {dimension_numbers = #tpu.dot_dimension_numbers<[1], [0], [0], [1], [0, 0, 1, 1], [], []>, transpose_lhs_hint = false} : vector<16x128xf32>, vector<128x128xf32>, vector<16x128xf32> -> vector<16x128xf32>
      %add3A_106 = arith.addf %dot_general3A_97, %dot_general3A_105 : vector<16x128xf32>
      %get3A_107 = arith.constant 0 : index
      %get3A_108 = arith.constant 0 : index
      %get3A_109 = vector.load %arg16[%get3A_107, %get3A_108] : memref<16x128xf32, #tpu.memory_space<vmem>>, vector<16x128xf32>
      %get3A_110 = arith.constant 0 : index
      %get3A_111 = arith.constant 0 : index
      %get3A_112 = vector.load %arg10[%get3A_110, %get3A_111] : memref<1x128xf32, #tpu.memory_space<vmem>>, vector<1x128xf32>
      %mul3A_113 = vector.broadcast %get3A_112 : vector<1x128xf32> to vector<16x128xf32>
      %mul3A_114 = arith.mulf %get3A_109, %mul3A_113 : vector<16x128xf32>
      %add3A_115 = arith.addf %add3A_106, %mul3A_114 : vector<16x128xf32>
      %max3A_116 = arith.constant 1.000000e+00 : f32
      %max3A_117 = vector.broadcast %max3A_116 : f32 to vector<16x128xf32>
      %max3A_118 = arith.maximumf %get3A_109, %max3A_117 : vector<16x128xf32>
      %div3A = arith.divf %add3A_115, %max3A_118 : vector<16x128xf32>
      %get3A_119 = arith.constant 0 : index
      %get3A_120 = arith.constant 0 : index
      %get3A_121 = vector.load %arg11[%get3A_119, %get3A_120] : memref<128x2048xf32, #tpu.memory_space<vmem>>, vector<128x2048xf32>
      %dot_general3A_122 = arith.constant dense<0.000000e+00> : vector<16x2048xf32>
      %dot_general3A_123 = tpu.matmul %div3A, %get3A_121, %dot_general3A_122 {dimension_numbers = #tpu.dot_dimension_numbers<[1], [0], [0], [1], [0, 0, 1, 1], [], []>, transpose_lhs_hint = false} : vector<16x128xf32>, vector<128x2048xf32>, vector<16x2048xf32> -> vector<16x2048xf32>
      %get3A_124 = arith.constant 0 : index
      %get3A_125 = arith.constant 0 : index
      %get3A_126 = vector.load %arg12[%get3A_124, %get3A_125] : memref<1x2048xf32, #tpu.memory_space<vmem>>, vector<1x2048xf32>
      %add3A_127 = vector.broadcast %get3A_126 : vector<1x2048xf32> to vector<16x2048xf32>
      %add3A_128 = arith.addf %dot_general3A_123, %add3A_127 : vector<16x2048xf32>
      %swap3A_129 = arith.constant 0 : index
      %swap3A_130 = arith.constant 0 : index
      %swap3A_131 = vector.load %arg13[%swap3A_129, %swap3A_130] : memref<16x2048xf32, #tpu.memory_space<vmem>>, vector<16x2048xf32>
      tpu.vector_store %arg13[%swap3A_129, %swap3A_130], %add3A_128 {strides = array<i32>} : memref<16x2048xf32, #tpu.memory_space<vmem>>, vector<16x2048xf32>,
    } else {
    }
    return
  }
  func.func @transform_0(%arg0: i32) -> (i32, i32, i32) {
    %c0_i32 = arith.constant 0 : i32
    %c0_i32_0 = arith.constant 0 : i32
    %c0_i32_1 = arith.constant 0 : i32
    return %c0_i32, %arg0, %c0_i32_0 : i32, i32, i32
  }
  func.func @transform_1(%arg0: i32) -> (i32, i32, i32) {
    %c0_i32 = arith.constant 0 : i32
    %c0_i32_0 = arith.constant 0 : i32
    %c0_i32_1 = arith.constant 0 : i32
    return %c0_i32, %arg0, %c0_i32_0 : i32, i32, i32
  }
  func.func @transform_2(%arg0: i32) -> (i32, i32) {
    %c0_i32 = arith.constant 0 : i32
    %c0_i32_0 = arith.constant 0 : i32
    return %arg0, %c0_i32 : i32, i32
  }
  func.func @transform_3(%arg0: i32) -> (i32, i32) {
    %c0_i32 = arith.constant 0 : i32
    %c0_i32_0 = arith.constant 0 : i32
    return %arg0, %c0_i32 : i32, i32
  }
  func.func @transform_4(%arg0: i32) -> (i32, i32) {
    %c0_i32 = arith.constant 0 : i32
    %c0_i32_0 = arith.constant 0 : i32
    %c0_i32_1 = arith.constant 0 : i32
    return %c0_i32, %c0_i32_0 : i32, i32
  }
  func.func @transform_5(%arg0: i32) -> (i32, i32) {
    %c0_i32 = arith.constant 0 : i32
    %c0_i32_0 = arith.constant 0 : i32
    %c0_i32_1 = arith.constant 0 : i32
    return %c0_i32, %c0_i32_0 : i32, i32
  }
  func.func @transform_6(%arg0: i32) -> (i32, i32) {
    %c0_i32 = arith.constant 0 : i32
    %c0_i32_0 = arith.constant 0 : i32
    %c0_i32_1 = arith.constant 0 : i32
    return %c0_i32, %c0_i32_0 : i32, i32
  }
  func.func @transform_7(%arg0: i32) -> (i32, i32) {
    %c0_i32 = arith.constant 0 : i32
    %c0_i32_0 = arith.constant 0 : i32
    %c0_i32_1 = arith.constant 0 : i32
    return %c0_i32, %c0_i32_0 : i32, i32
  }
  func.func @transform_8(%arg0: i32) -> (i32, i32) {
    %c0_i32 = arith.constant 0 : i32
    %c0_i32_0 = arith.constant 0 : i32
    %c0_i32_1 = arith.constant 0 : i32
    return %c0_i32, %c0_i32_0 : i32, i32
  }
  func.func @transform_9(%arg0: i32) -> (i32, i32) {
    %c0_i32 = arith.constant 0 : i32
    %c0_i32_0 = arith.constant 0 : i32
    %c0_i32_1 = arith.constant 0 : i32
    return %c0_i32, %c0_i32_0 : i32, i32
  }
  func.func @transform_10(%arg0: i32) -> (i32, i32) {
    %c0_i32 = arith.constant 0 : i32
    %c0_i32_0 = arith.constant 0 : i32
    %c0_i32_1 = arith.constant 0 : i32
    return %c0_i32, %c0_i32_0 : i32, i32
  }
  func.func @transform_11(%arg0: i32) -> (i32, i32) {
    %c0_i32 = arith.constant 0 : i32
    %c0_i32_0 = arith.constant 0 : i32
    %c0_i32_1 = arith.constant 0 : i32
    return %c0_i32, %c0_i32_0 : i32, i32
  }
  func.func @transform_12(%arg0: i32) -> (i32, i32) {
    %c0_i32 = arith.constant 0 : i32
    %c0_i32_0 = arith.constant 0 : i32
    %c0_i32_1 = arith.constant 0 : i32
    return %c0_i32, %c0_i32_0 : i32, i32
  }
}

</mosaic_0001>

<sc_bundles>
// kernel: _impl.4.cloned.1.call-start
scs
__scs_entry_jumppad:
0x0: {  	(pc) =	sbr.rel $0x88, $3  }
0x1: {  	(tag) =	ssettag $0x0;
	lr =	simm.s32 $0x1  }
0x2: {  	[smem:$0x3F96] =	sst lr;
	_ =	strace $0xD0000000  }
0x3: {  	_ = 	snop  }
0x4: {  	_ = 	snop  }
0x5: {  	_ = 	snop  }
0x6: {  	_ = 	snop  }
0x7: {  	_ = 	snop  }
__scs_overlays_trampoline_lowered:
0x8: {  	[smem:$0x3FA5] =	sst s0  }
0x9: {  	[smem:$0x3FA6] =	sst s1  }
0xa: {  	[smem:$0x3FA7] =	sst s2  }
0xb: {  	[smem:$0x3FA8] =	sst s3  }
0xc: {  	[smem:$0x3FA9] =	sst s4  }
0xd: {  	[smem:$0x3FAA] =	sst s5  }
0xe: {  	[smem:$0x3FAB] =	sst s6  }
0xf: {  	[smem:$0x3FAC] =	sst s7  }
0x10: {  	[smem:$0x3FAD] =	sst s8  }
0x11: {  	[smem:$0x3FAE] =	sst s9;
	s0 =	simm.s32 @!p0 $0x0  }
0x12: {  	s1 =	sld [smem:$0x3F94];
	s0 =	simm.s32 @p0 $0x1  }
0x13: {  	[smem:$0x3FAF] =	sst s0;
	s0 =	simm.s32 @!p1 $0x0  }
0x14: {  	s2 =	sld [smem:$0x3F93];
	s0 =	simm.s32 @p1 $0x1  }
0x15: {  	[smem:$0x3FB0] =	sst s0;
	s0 =	simm.s32 @!p2 $0x0  }
0x16: {  	s3 =	sld [smem:$0x3FDB];
	s0 =	simm.s32 @p2 $0x1  }
0x17: {  	s4 =	simm.s32 $0x1BF5;
	[smem:$0x3FB2] =	sst s0  }
0x18: {  	s0 =	sld [smem:$0x3F95];
	_ =	swait.ge [sflag:s4], $0x0  }
0x19: {  	s7 =	sld [smem:$0x3F96]  }
0x1a: {  	s8 =	sadd.s32 $0xFFFFE003, lr  }
0x1b: {  	s9 =	sadd.s32 $0xFFFFFEF7, lr;
	s5 =	simm.s32 $0xFFFFFFFF;
	p2 =	slt.u32 s8, $0xFFFFF086  }
0x1c: {  	p1 =	slt.u32 s9, $0xF7A;
	s5 =	simm.s32 @!p2 $0x0  }
0x1d: {  	s5 =	simm.s32 @p1 $0x1;
	p0 =	seq.s32 s7, s2  }
0x1e: {  	s7 =	smul.u32 @!p0 $0xF7A, s2;
	p2 =	seq.s32 @!p0 s5, $0x0  }
0x1f: {  	s9 =	smul.u32 $0xF7A, s1;
	s8 =	simm.s32 @!p0 $0x1BF5;
	p2 =	por !p2, p0  }
0x20: {  	[sflag:s8] =	ssyncset.s32 @!p0 $0xFFFFF086;
	s6 =	sadd.s32 @!p0 s3, s7;
	s7 =	simm.s32 @!p0 $0x108  }
0x21: {  	s3 =	sadd.s32 s3, s9;
	s6 =	sadd.s32 @!p0 $0x88, s6;
	s7 =	simm.s32 @p2 $0x1082  }
0x22: {  	[simem:s7], [sflag:s8] =	dma.local @!p0 [hbm:s6], $0xF7A  }
0x23: {  	s9 =	sor.u32 $0xD0000000, s2;
	s6 =	simm.s32 $0x108;
	_ =	swait.ge @!p0 [sflag:s8], $0x0  }
0x24: {  	s3 =	sadd.s32 $0x88, s3;
	s6 =	simm.s32 @!p1 $0x1082;
	[sflag:s4] =	ssyncset.s32 $0xFFFFF086  }
0x25: {  	[simem:s6], [sflag:s4] =	dma.local [hbm:s3], $0xF7A  }
0x26: {  	[smem:$0x3F96] =	sst s1;
	(tag) =	ssettag s2;
	_ =	strace s9  }
0x27: {  	s1 =	sld [smem:$0x3FA6]  }
0x28: {  	s2 =	sld [smem:$0x3FA7]  }
0x29: {  	s4 =	sld [smem:$0x3FA9]  }
0x2a: {  	p0 =	seq.s32 s5, $0x0;
	s5 =	sld [smem:$0x3FAA]  }
0x2b: {  	s6 =	sld [smem:$0x3FAB]  }
0x2c: {  	s7 =	sld [smem:$0x3FAC]  }
0x2d: {  	s3 =	simm.s32 $0x108;
	s8 =	sld [smem:$0x3FAD]  }
0x2e: {  	s3 =	simm.s32 @!p0 $0x1082;
	s9 =	sld [smem:$0x3FAE]  }
0x2f: {  	lr =	sadd.s32 s0, s3;
	s0 =	sld [smem:$0x3FA5]  }
0x30: {  	s3 =	sld [smem:$0x3FA8]  }
0x31: {  	[smem:$0x3FB1] =	sst s10  }
0x32: {  	s10 =	sld [smem:$0x3FAF];
	_ =	sdelay $0x3  }
0x33: {  	p0 =	seq.s32 s10, $0x1;
	s10 =	sld [smem:$0x3FB1];
	_ =	sdelay $0x3  }
0x34: {  	[smem:$0x3FB1] =	sst s10  }
0x35: {  	s10 =	sld [smem:$0x3FB0];
	_ =	sdelay $0x3  }
0x36: {  	p1 =	seq.s32 s10, $0x1;
	s10 =	sld [smem:$0x3FB1];
	_ =	sdelay $0x3  }
0x37: {  	[smem:$0x3FB1] =	sst s10  }
0x38: {  	s10 =	sld [smem:$0x3FB2]  }
0x39: {  	_ = 	snop;
	(pc) =	sbr.ind lr, $3  }
0x3a: {  	_ = 	snop  }
0x3b: {  	_ = 	snop  }
0x3c: {  	p2 =	seq.s32 s10, $0x1;
	s10 =	sld [smem:$0x3FB1]  }
0x3d: {  	_ =	shalt  }
0x3e: {  	_ =	shalt  }
0x3f: {  	_ =	shalt  }
0x40: {  	_ =	shalt  }
0x41: {  	_ =	shalt  }
0x42: {  	_ =	shalt  }
0x43: {  	_ =	shalt  }
0x44: {  	_ =	shalt  }
0x45: {  	_ =	shalt  }
0x46: {  	_ =	shalt  }
0x47: {  	_ =	shalt  }
0x48: {  	_ =	shalt  }
0x49: {  	_ =	shalt  }
0x4a: {  	_ =	shalt  }
0x4b: {  	_ =	shalt  }
0x4c: {  	_ =	shalt  }
0x4d: {  	_ =	shalt  }
0x4e: {  	_ =	shalt  }
0x4f: {  	_ =	shalt  }
0x50: {  	_ =	shalt  }
0x51: {  	_ =	shalt  }
0x52: {  	_ =	shalt  }
0x53: {  	_ =	shalt  }
0x54: {  	_ =	shalt  }
0x55: {  	_ =	shalt  }
0x56: {  	_ =	shalt  }
0x57: {  	_ =	shalt  }
0x58: {  	_ =	shalt  }
0x59: {  	_ =	shalt  }
0x5a: {  	_ =	shalt  }
0x5b: {  	_ =	shalt  }
0x5c: {  	_ =	shalt  }
0x5d: {  	_ =	shalt  }
0x5e: {  	_ =	shalt  }
0x5f: {  	_ =	shalt  }
0x60: {  	_ =	shalt  }
0x61: {  	_ =	shalt  }
0x62: {  	_ =	shalt  }
0x63: {  	_ =	shalt  }
0x64: {  	_ =	shalt  }
0x65: {  	_ =	shalt  }
0x66: {  	_ =	shalt  }
0x67: {  	_ =	shalt  }
0x68: {  	_ =	shalt  }
0x69: {  	_ =	shalt  }
0x6a: {  	_ =	shalt  }
0x6b: {  	_ =	shalt  }
0x6c: {  	_ =	shalt  }
0x6d: {  	_ =	shalt  }
0x6e: {  	_ =	shalt  }
0x6f: {  	_ =	shalt  }
0x70: {  	_ =	shalt  }
0x71: {  	_ =	shalt  }
0x72: {  	_ =	shalt  }
0x73: {  	_ =	shalt  }
0x74: {  	_ =	shalt  }
0x75: {  	_ =	shalt  }
0x76: {  	_ =	shalt  }
0x77: {  	_ =	shalt  }
0x78: {  	_ =	shalt  }
0x79: {  	_ =	shalt  }
0x7a: {  	_ =	shalt  }
0x7b: {  	_ =	shalt  }
0x7c: {  	_ =	shalt  }
0x7d: {  	_ =	shalt  }
0x7e: {  	_ =	shalt  }
0x7f: {  	_ =	shalt  }
0x80: {  	_ =	shalt  }
0x81: {  	_ =	shalt  }
0x82: {  	_ =	shalt  }
0x83: {  	_ =	shalt  }
0x84: {  	_ =	shalt  }
0x85: {  	_ =	shalt  }
0x86: {  	_ =	shalt  }
0x87: {  	_ =	shalt  }
.Lfunc_end0:
.L_simem_size_0:
called_computation_lowered:
.L_overlay_start_0:
0x88: {  	s2 =	sld [smem:$0x3FD9]  }
0x89: {  	s3 =	sld [smem:$0x3FFE];
	_ =	sdelay $0x1  }
0x8a: {  	s1 =	srdreg.scid  }
0x8b: {  	s0 =	sand.u32 $0x1, s1  }
0x8c: {  	s17 =	sshll.u32 s0, $0xA;
	s2 =	sadd.s32 s3, s2  }
0x8d: {  	s2 =	sadd.s32 s2, s17  }
0x8e: {  	[smem:$0x3FBD] =	sst s2  }
0x8f: {  	_ = 	snop  }
0x90: {  	s2 =	sld [smem:$0x3FD0];
	(tm) =	ssettm $0x1  }
0x91: {  	s18 =	sld [smem:$0x3FFB];
	_ =	sdelay $0x3  }
0x92: {  	_ =	strace s18  }
0x93: {  	s3 =	sld [smem:$0x3FFC];
	_ =	sdelay $0x3  }
0x94: {  	_ =	strace s3  }
0x95: {  	s3 =	sld [smem:$0x3FFD];
	_ =	sdelay $0x3  }
0x96: {  	_ =	strace s3  }
0x97: {  	_ =	strace $0x8FFFFFFF  }
0x98: {  	s19 =	sld [smem:$0x3FDB];
	_ =	sdelay $0x1  }
0x99: {  	s4 =	simm.s32 $_scs_section_size  }
0x9a: {  	s5 =	simm.s32 $_size__tile_overlayer_lowered;
	s6 =	simm.s32 $_tile_overlayer_lowered  }
0x9b: {  	s22 =	simm.s32 $0x1BFF;
	s21 =	sshll.u32 s6, $0x1;
	s3 =	sadd.s32 s4, s19  }
0x9c: {  	s7 =	simm.s32 $0x0;
	s20 =	sshll.u32 s5, $0x1;
	s5 =	sadd.s32 s21, s3  }
0x9d: {  	[timem:s7], [sflag:s22] =	dma.local [hbm:s5], s20  }
0x9e: {  	_ =	swait.ge [sflag:s22], s20  }
0x9f: {  	s4 =	ssub.s32 $0x0, s20;
	[sflag:s22] =	ssyncset.done $0x0  }
0xa0: {  	[sflag:s22] =	ssyncadd.s32 s4;
	_ =	sdelay $0x1  }
0xa1: {  	s23 =	simm.s32 $0x1B8B  }
0xa2: {  	_ =	swait.ge [sflag:s23], $0x1  }
0xa3: {  	[sflag:s23] =	ssyncset.done $0x0  }
0xa4: {  	s25 =	simm.s32 $0x1B8E;
	s24 =	sld [smem:$0x3FFE];
	[sflag:s23] =	ssyncadd.s32 $0xFFFFFFFF  }
0xa5: {  	s26 =	simm.s32 $execute0_lowered;
	[smem:$0x3FD2] =	sst s25  }
0xa6: {  	s5 =	sshll.u32 s26, $0x1;
	_ =	strace $0x80000046;
	[dreg:$0x1] =	wrdreg $0xFFFFFFFF  }
0xa7: {  	s28 =	simm.s32 $_size_execute0_lowered;
	s3 =	sadd.s32 s3, s5;
	[dreg:$0x0] =	wrdreg $0x0  }
0xa8: {  	s5 =	sshll.u32 s28, $0x1;
	[dreg:$0x2] =	wrdreg s3  }
0xa9: {  	[dreg:$0x3] =	wrdreg s5  }
0xaa: {  	[dreg:$0x4] =	wrdreg $0xC0  }
0xab: {  	_ =	task [dreg:s7], $0x5FFFF  }
0xac: {  	[dreg:$0x1] =	wrdreg $0xFFFFFFFF  }
0xad: {  	[dreg:$0x0] =	wrdreg $0x60  }
0xae: {  	[dreg:$0x2] =	wrdreg s24  }
0xaf: {  	[dreg:$0x3] =	wrdreg s2  }
0xb0: {  	[dreg:$0x4] =	wrdreg $0x0  }
0xb1: {  	[dreg:$0x5] =	wrdreg $0x13C000  }
0xb2: {  	[dreg:$0x6] =	wrdreg $0x9  }
0xb3: {  	_ =	task.clear_ibuf [dreg:s7], $0x7FFFF;
	_ =	strace $0x90000046  }
0xb4: {  	s29 =	simm.s32 $0x9;
	_ =	strace $0x80000048  }
0xb5: {  	_ =	swait.ge [sflag:s29], $0x1  }
0xb6: {  	[sflag:s29] =	ssyncadd.s32 $0xFFFFFFFF  }
0xb7: {  	_ =	strace $0x90000048  }
0xb8: {  	_ =	sfence  }
0xb9: {  	s30 =	sld [smem:$0x0];
	_ =	sdelay $0x2  }
0xba: {  	s31 =	sshll.u32 s1, $0xD;
	s1 =	sshrl.u32 s1, $0x2  }
0xbb: {  	s3 =	sand.u32 $0x4000, s31;
	s1 =	sadd.s32 s1, s30  }
0xbc: {  	s0 =	sor.u32 s3, s0;
	s1 =	sshll.u32 s1, $0x11  }
0xbd: {  	s0 =	sor.u32 s1, s0  }
0xbe: {  	s0 =	sadd.s32 $0x8F2B, s0  }
0xbf: {  	[sflag:s0] =	ssyncadd.remote.s32 $0x1  }
0xc0: {  	_ =	sfence.sel $0xFFFF  }
0xc1: {  	[dreg:$0x0] =	wrdreg $0xFFFFFFFF;
	(pc) =	sbr.abs _section_cstart, $3  }
0xc2: {  	[dreg:$0x1] =	wrdreg $0xFFFFFFFF  }
0xc3: {  	_ =	task.clear_ibuf [dreg:s7], $0x2FFFF;
	_ =	strace $0x9FFFFFFF  }
0xc4: {  	(tm) =	ssettm $0x7FFFFFFF  }
0xc5: {  	_ =	shalt  }
tec
execute0_lowered:
.L_overlay_start_1:
0x0: {  	(tag) =	ssettag $0x1  }
0x1: {  	s0 =	rddreg [dreg:$0x0]  }
0x2: {  	s2 =	rddreg [dreg:$0x2]  }
0x3: {  	s1 =	srdreg.scid;
	s13 =	stileid.u32  }
0x4: {  	s3 =	rddreg [dreg:$0x3];
	s4 =	sand.u32 $0x1, s1;
	s12 =	smul.u32 $0x2800, s13  }
0x5: {  	s5 =	simm.s32 $0x0;
	s1 =	sshll.u32 s4, $0x4;
	s9 =	smul.u32 $0x27800, s4  }
0x6: {  	s8 =	ssub.s32 $0x2, s4;
	s4 =	smul.u32 $0x28000, s4;
	s1 =	sor.u32 s13, s1  }
0x7: {  	[smem:$0x7FF] =	sst s5;
	s1 =	smul.u32 $0x2800, s1  }
0x8: {  	s6 =	sadd.s32 $0x33400, s0;
	s7 =	sadd.s32 $0x29200, s0;
	s4 =	sadd.s32 s12, s4  }
0x9: {  	_ =	strace $0x80000047;
	s12 =	sor.u32 $0x2C0, s4;
	s11 =	sshrl.u32 s1, $0x3  }
0xa: {  	s10 =	sshrl.u32 s8, $0x1;
	s19 =	sshrl.u32 s12, $0x3;
	s23 =	sadd.s32 s6, s11  }
0xb: {  	s24 =	sor.u32 $0x8, s11;
	s20 =	sadd.s32 s19, s7;
	[dreg:$0xd] =	wrdreg s23  }
0xc: {  	s1 =	ssub.s32 s8, s10;
	s14 =	sadd.s32 s6, s24;
	[dreg:$0x5] =	wrdreg s20  }
0xd: {  	s25 =	sor.u32 $0x10, s11;
	s8 =	sadd.s32 s7, s24;
	[dreg:$0xe] =	wrdreg s14  }
0xe: {  	s15 =	sor.u32 $0x18, s11;
	s26 =	sadd.s32 s6, s25;
	[dreg:$0xf] =	wrdreg s8  }
0xf: {  	s17 =	sor.u32 $0x20, s11;
	s16 =	sadd.s32 s6, s15;
	[dreg:$0x10] =	wrdreg s26  }
0x10: {  	s21 =	sor.u32 $0x280, s4;
	s18 =	sadd.s32 s6, s17;
	[dreg:$0x12] =	wrdreg s16  }
0x11: {  	s22 =	sshrl.u32 s21, $0x3;
	s10 =	sadd.s32 s7, s17;
	[dreg:$0x14] =	wrdreg s18  }
0x12: {  	s24 =	sadd.s32 s22, s7;
	[dreg:$0x15] =	wrdreg s10  }
0x13: {  	s14 =	sadd.s32 s7, s25;
	[dreg:$0x7] =	wrdreg s24  }
0x14: {  	s23 =	sor.u32 $0x28, s11;
	s8 =	sadd.s32 s7, s15;
	[dreg:$0x11] =	wrdreg s14  }
0x15: {  	s28 =	simm.s32 $0x19100;
	s25 =	sadd.s32 s6, s23;
	[dreg:$0x13] =	wrdreg s8  }
0x16: {  	s29 =	simm.s32 $0x4;
	s12 =	sadd.s32 s7, s23;
	[dreg:$0x16] =	wrdreg s25  }
0x17: {  	s20 =	sor.u32 $0x38, s11;
	s10 =	sadd.s32 s22, s6;
	[dreg:$0x17] =	wrdreg s12  }
0x18: {  	s31 =	simm.s32 $0xD;
	s22 =	sadd.s32 s6, s20;
	[dreg:$0x8] =	wrdreg s10  }
0x19: {  	s15 =	sor.u32 $0x30, s11;
	s8 =	sadd.s32 s19, s6;
	[dreg:$0x1c] =	wrdreg s22  }
0x1a: {  	s21 =	smul.u32 $0x2780, s13;
	s17 =	sadd.s32 s6, s15;
	[dreg:$0x6] =	wrdreg s8  }
0x1b: {  	s26 =	sor.u32 $0x240, s4;
	s18 =	sadd.s32 s7, s15;
	[dreg:$0x18] =	wrdreg s17  }
0x1c: {  	s4 =	sor.u32 $0x200, s4;
	s19 =	sadd.s32 s7, s11;
	[dreg:$0x19] =	wrdreg s18  }
0x1d: {  	s23 =	sadd.s32 s21, s9;
	s11 =	sadd.s32 s21, s3;
	[dreg:$0x1a] =	wrdreg s19  }
0x1e: {  	s4 =	sshrl.u32 s4, $0x3;
	s15 =	smax.u32 s1, $0x1;
	[dreg:$0x1e] =	wrdreg s11  }
0x1f: {  	s24 =	sshrl.u32 s21, $0x3;
	s16 =	sadd.s32 s4, s7;
	[smem:$0x7F4] =	sst s15  }
0x20: {  	s8 =	sshrl.u32 s26, $0x3;
	s4 =	sadd.s32 s4, s6;
	[dreg:$0xb] =	wrdreg s16  }
0x21: {  	s25 =	smul.u32 $0x4F000, s13;
	s14 =	sadd.s32 s8, s7;
	[dreg:$0xc] =	wrdreg s4  }
0x22: {  	s9 =	sshrl.u32 s23, $0x3;
	s8 =	sadd.s32 s8, s6;
	[dreg:$0x9] =	wrdreg s14  }
0x23: {  	s26 =	sadd.s32 s24, s0;
	s7 =	sadd.s32 s7, s20;
	[dreg:$0xa] =	wrdreg s8  }
0x24: {  	s6 =	sadd.s32 s23, s0;
	s12 =	sadd.s32 $0x3D600, s26;
	[dreg:$0x1b] =	wrdreg s7  }
0x25: {  	s7 =	sadd.s32 s9, s0;
	[dreg:$0x1f] =	wrdreg s12;
	s13 =	sadd.s32 $0x4C400, s6  }
0x26: {  	s8 =	sshrl.u32 s25, $0x2;
	[smem:$0x7F2] =	sst s13;
	s14 =	sadd.s32 $0x42600, s7  }
0x27: {  	s30 =	simm.s32 $0x10;
	s20 =	sadd.s32 s8, s2;
	[smem:$0x7F3] =	sst s14  }
0x28: {  	s22 =	sadd.s32 $0x1A00, s0;
	s16 =	sadd.s32 $0x2000, s20;
	[dreg:$0x1d] =	wrdreg s20  }
0x29: {  	s1 =	simm.s32 $0x17080;
	s17 =	sadd.s32 $0x4000, s20;
	[smem:$0x7F5] =	sst s16  }
0x2a: {  	s10 =	simm.s32 $0x1B100;
	s18 =	sadd.s32 $0x6000, s20;
	[smem:$0x7F6] =	sst s17  }
0x2b: {  	s15 =	simm.s32 $0x9;
	s19 =	sadd.s32 $0x8000, s20;
	[smem:$0x7F7] =	sst s18  }
0x2c: {  	s4 =	simm.s32 $0xC;
	s21 =	sadd.s32 $0xA000, s20;
	[smem:$0x7F8] =	sst s19  }
0x2d: {  	s6 =	simm.s32 $0x17100;
	s23 =	sadd.s32 $0xC000, s20;
	[smem:$0x7F9] =	sst s21  }
0x2e: {  	s12 =	simm.s32 $0x16380;
	s24 =	sadd.s32 $0xE000, s20;
	[smem:$0x7FA] =	sst s23  }
0x2f: {  	s0 =	simm.s32 $0x0;
	s25 =	sadd.s32 $0x10000, s20;
	[smem:$0x7FB] =	sst s24  }
0x30: {  	s9 =	simm.s32 $0x16A00;
	s26 =	sadd.s32 $0x12000, s20;
	[smem:$0x7FC] =	sst s25  }
0x31: {  	s13 =	simm.s32 $0x16880;
	s8 =	simm.s32 $0x5;
	[smem:$0x7FD] =	sst s26  }
0x32: {  	s26 =	simm.s32 $0x11;
	s16 =	simm.s32 $0x40;
	s17 =	simm.s32 $0x16900  }
0x33: {  	s19 =	simm.s32 $0xA;
	s25 =	simm.s32 $0xB;
	s23 =	simm.s32 $0x17100  }
0x34: {  	v0 =	vimm.f32 $0.0e+00;
	v1 =	vimm.f32 $1.000000000e+00;
	s21 =	simm.s32 $0x16900;
	s24 =	simm.s32 $0x6;
	s18 =	simm.s32 $0xE  }
.LBB2_1:
0x35: {  	[tilespmem:$0x17100] =	vst v0  }
0x36: {  	[tilespmem:$0x17110] =	vst v0  }
0x37: {  	[tilespmem:$0x17120] =	vst v0  }
0x38: {  	[tilespmem:$0x17130] =	vst v0  }
0x39: {  	[tilespmem:$0x17140] =	vst v0  }
0x3a: {  	[tilespmem:$0x17150] =	vst v0  }
0x3b: {  	[tilespmem:$0x17160] =	vst v0  }
0x3c: {  	[tilespmem:$0x17170] =	vst v0  }
0x3d: {  	[tilespmem:$0x17180] =	vst v0  }
0x3e: {  	[tilespmem:$0x17190] =	vst v0  }
0x3f: {  	[tilespmem:$0x171A0] =	vst v0  }
0x40: {  	[tilespmem:$0x171B0] =	vst v0  }
0x41: {  	[tilespmem:$0x171C0] =	vst v0  }
0x42: {  	[tilespmem:$0x171D0] =	vst v0  }
0x43: {  	[tilespmem:$0x171E0] =	vst v0  }
0x44: {  	[tilespmem:$0x171F0] =	vst v0  }
0x45: {  	[tilespmem:$0x17200] =	vst v0  }
0x46: {  	[tilespmem:$0x17210] =	vst v0  }
0x47: {  	[tilespmem:$0x17220] =	vst v0  }
0x48: {  	[tilespmem:$0x17230] =	vst v0  }
0x49: {  	[tilespmem:$0x17240] =	vst v0  }
0x4a: {  	[tilespmem:$0x17250] =	vst v0  }
0x4b: {  	[tilespmem:$0x17260] =	vst v0  }
0x4c: {  	[tilespmem:$0x17270] =	vst v0  }
0x4d: {  	[tilespmem:$0x17280] =	vst v0  }
0x4e: {  	[tilespmem:$0x17290] =	vst v0  }
0x4f: {  	[tilespmem:$0x172A0] =	vst v0  }
0x50: {  	[tilespmem:$0x172B0] =	vst v0  }
0x51: {  	[tilespmem:$0x172C0] =	vst v0  }
0x52: {  	[tilespmem:$0x172D0] =	vst v0  }
0x53: {  	[tilespmem:$0x172E0] =	vst v0  }
0x54: {  	[tilespmem:$0x172F0] =	vst v0  }
0x55: {  	[tilespmem:$0x17300] =	vst v0  }
0x56: {  	[tilespmem:$0x17310] =	vst v0  }
0x57: {  	[tilespmem:$0x17320] =	vst v0  }
0x58: {  	[tilespmem:$0x17330] =	vst v0  }
0x59: {  	[tilespmem:$0x17340] =	vst v0  }
0x5a: {  	[tilespmem:$0x17350] =	vst v0  }
0x5b: {  	[tilespmem:$0x17360] =	vst v0  }
0x5c: {  	[tilespmem:$0x17370] =	vst v0  }
0x5d: {  	[tilespmem:$0x17380] =	vst v0  }
0x5e: {  	[tilespmem:$0x17390] =	vst v0  }
0x5f: {  	[tilespmem:$0x173A0] =	vst v0  }
0x60: {  	[tilespmem:$0x173B0] =	vst v0  }
0x61: {  	[tilespmem:$0x173C0] =	vst v0  }
0x62: {  	[tilespmem:$0x173D0] =	vst v0  }
0x63: {  	[tilespmem:$0x173E0] =	vst v0  }
0x64: {  	[tilespmem:$0x173F0] =	vst v0  }
0x65: {  	[tilespmem:$0x17400] =	vst v0  }
0x66: {  	[tilespmem:$0x17410] =	vst v0  }
0x67: {  	[tilespmem:$0x17420] =	vst v0  }
0x68: {  	[tilespmem:$0x17430] =	vst v0  }
0x69: {  	[tilespmem:$0x17440] =	vst v0  }
0x6a: {  	[tilespmem:$0x17450] =	vst v0  }
0x6b: {  	[tilespmem:$0x17460] =	vst v0  }
0x6c: {  	[tilespmem:$0x17470] =	vst v0  }
0x6d: {  	[tilespmem:$0x17480] =	vst v0  }
0x6e: {  	[tilespmem:$0x17490] =	vst v0  }
0x6f: {  	[tilespmem:$0x174A0] =	vst v0  }
0x70: {  	[tilespmem:$0x174B0] =	vst v0  }
0x71: {  	[tilespmem:$0x174C0] =	vst v0  }
0x72: {  	[tilespmem:$0x174D0] =	vst v0  }
0x73: {  	[tilespmem:$0x174E0] =	vst v0  }
0x74: {  	[tilespmem:$0x174F0] =	vst v0  }
0x75: {  	[tilespmem:$0x17500] =	vst v0  }
0x76: {  	[tilespmem:$0x17510] =	vst v0  }
0x77: {  	[tilespmem:$0x17520] =	vst v0  }
0x78: {  	[tilespmem:$0x17530] =	vst v0  }
0x79: {  	[tilespmem:$0x17540] =	vst v0  }
0x7a: {  	[tilespmem:$0x17550] =	vst v0  }
0x7b: {  	[tilespmem:$0x17560] =	vst v0  }
0x7c: {  	[tilespmem:$0x17570] =	vst v0  }
0x7d: {  	[tilespmem:$0x17580] =	vst v0  }
0x7e: {  	[tilespmem:$0x17590] =	vst v0  }
0x7f: {  	[tilespmem:$0x175A0] =	vst v0  }
0x80: {  	[tilespmem:$0x175B0] =	vst v0  }
0x81: {  	[tilespmem:$0x175C0] =	vst v0  }
0x82: {  	[tilespmem:$0x175D0] =	vst v0  }
0x83: {  	[tilespmem:$0x175E0] =	vst v0  }
0x84: {  	[tilespmem:$0x175F0] =	vst v0  }
0x85: {  	[tilespmem:$0x17600] =	vst v0  }
0x86: {  	[tilespmem:$0x17610] =	vst v0  }
0x87: {  	[tilespmem:$0x17620] =	vst v0  }
0x88: {  	[tilespmem:$0x17630] =	vst v0  }
0x89: {  	[tilespmem:$0x17640] =	vst v0  }
0x8a: {  	[tilespmem:$0x17650] =	vst v0  }
0x8b: {  	[tilespmem:$0x17660] =	vst v0  }
0x8c: {  	[tilespmem:$0x17670] =	vst v0  }
0x8d: {  	[tilespmem:$0x17680] =	vst v0  }
0x8e: {  	[tilespmem:$0x17690] =	vst v0  }
0x8f: {  	[tilespmem:$0x176A0] =	vst v0  }
0x90: {  	[tilespmem:$0x176B0] =	vst v0  }
0x91: {  	[tilespmem:$0x176C0] =	vst v0  }
0x92: {  	[tilespmem:$0x176D0] =	vst v0  }
0x93: {  	[tilespmem:$0x176E0] =	vst v0  }
0x94: {  	[tilespmem:$0x176F0] =	vst v0  }
0x95: {  	[tilespmem:$0x17700] =	vst v0  }
0x96: {  	[tilespmem:$0x17710] =	vst v0  }
0x97: {  	[tilespmem:$0x17720] =	vst v0  }
0x98: {  	[tilespmem:$0x17730] =	vst v0  }
0x99: {  	[tilespmem:$0x17740] =	vst v0  }
0x9a: {  	[tilespmem:$0x17750] =	vst v0  }
0x9b: {  	[tilespmem:$0x17760] =	vst v0  }
0x9c: {  	[tilespmem:$0x17770] =	vst v0  }
0x9d: {  	[tilespmem:$0x17780] =	vst v0  }
0x9e: {  	[tilespmem:$0x17790] =	vst v0  }
0x9f: {  	[tilespmem:$0x177A0] =	vst v0  }
0xa0: {  	[tilespmem:$0x177B0] =	vst v0  }
0xa1: {  	[tilespmem:$0x177C0] =	vst v0  }
0xa2: {  	[tilespmem:$0x177D0] =	vst v0  }
0xa3: {  	[tilespmem:$0x177E0] =	vst v0  }
0xa4: {  	[tilespmem:$0x177F0] =	vst v0  }
0xa5: {  	[tilespmem:$0x17800] =	vst v0  }
0xa6: {  	[tilespmem:$0x17810] =	vst v0  }
0xa7: {  	[tilespmem:$0x17820] =	vst v0  }
0xa8: {  	[tilespmem:$0x17830] =	vst v0  }
0xa9: {  	[tilespmem:$0x17840] =	vst v0  }
0xaa: {  	[tilespmem:$0x17850] =	vst v0  }
0xab: {  	[tilespmem:$0x17860] =	vst v0  }
0xac: {  	[tilespmem:$0x17870] =	vst v0  }
0xad: {  	[tilespmem:$0x17880] =	vst v0  }
0xae: {  	[tilespmem:$0x17890] =	vst v0  }
0xaf: {  	[tilespmem:$0x178A0] =	vst v0  }
0xb0: {  	[tilespmem:$0x178B0] =	vst v0  }
0xb1: {  	[tilespmem:$0x178C0] =	vst v0  }
0xb2: {  	[tilespmem:$0x178D0] =	vst v0  }
0xb3: {  	[tilespmem:$0x178E0] =	vst v0  }
0xb4: {  	[tilespmem:$0x178F0] =	vst v0  }
0xb5: {  	[tilespmem:$0x17900] =	vst v0  }
0xb6: {  	[tilespmem:$0x17910] =	vst v0  }
0xb7: {  	[tilespmem:$0x17920] =	vst v0  }
0xb8: {  	[tilespmem:$0x17930] =	vst v0  }
0xb9: {  	[tilespmem:$0x17940] =	vst v0  }
0xba: {  	[tilespmem:$0x17950] =	vst v0  }
0xbb: {  	[tilespmem:$0x17960] =	vst v0  }
0xbc: {  	[tilespmem:$0x17970] =	vst v0  }
0xbd: {  	[tilespmem:$0x17980] =	vst v0  }
0xbe: {  	[tilespmem:$0x17990] =	vst v0  }
0xbf: {  	[tilespmem:$0x179A0] =	vst v0  }
0xc0: {  	[tilespmem:$0x179B0] =	vst v0  }
0xc1: {  	[tilespmem:$0x179C0] =	vst v0  }
0xc2: {  	[tilespmem:$0x179D0] =	vst v0  }
0xc3: {  	[tilespmem:$0x179E0] =	vst v0  }
0xc4: {  	[tilespmem:$0x179F0] =	vst v0  }
0xc5: {  	[tilespmem:$0x17A00] =	vst v0  }
0xc6: {  	[tilespmem:$0x17A10] =	vst v0  }
0xc7: {  	[tilespmem:$0x17A20] =	vst v0  }
0xc8: {  	[tilespmem:$0x17A30] =	vst v0  }
0xc9: {  	[tilespmem:$0x17A40] =	vst v0  }
0xca: {  	[tilespmem:$0x17A50] =	vst v0  }
0xcb: {  	[tilespmem:$0x17A60] =	vst v0  }
0xcc: {  	[tilespmem:$0x17A70] =	vst v0  }
0xcd: {  	[tilespmem:$0x17A80] =	vst v0  }
0xce: {  	[tilespmem:$0x17A90] =	vst v0  }
0xcf: {  	[tilespmem:$0x17AA0] =	vst v0  }
0xd0: {  	[tilespmem:$0x17AB0] =	vst v0  }
0xd1: {  	[tilespmem:$0x17AC0] =	vst v0  }
0xd2: {  	[tilespmem:$0x17AD0] =	vst v0  }
0xd3: {  	[tilespmem:$0x17AE0] =	vst v0  }
0xd4: {  	[tilespmem:$0x17AF0] =	vst v0  }
0xd5: {  	[tilespmem:$0x17B00] =	vst v0  }
0xd6: {  	[tilespmem:$0x17B10] =	vst v0  }
0xd7: {  	[tilespmem:$0x17B20] =	vst v0  }
0xd8: {  	[tilespmem:$0x17B30] =	vst v0  }
0xd9: {  	[tilespmem:$0x17B40] =	vst v0  }
0xda: {  	[tilespmem:$0x17B50] =	vst v0  }
0xdb: {  	[tilespmem:$0x17B60] =	vst v0  }
0xdc: {  	[tilespmem:$0x17B70] =	vst v0  }
0xdd: {  	[tilespmem:$0x17B80] =	vst v0  }
0xde: {  	[tilespmem:$0x17B90] =	vst v0  }
0xdf: {  	[tilespmem:$0x17BA0] =	vst v0  }
0xe0: {  	[tilespmem:$0x17BB0] =	vst v0  }
0xe1: {  	[tilespmem:$0x17BC0] =	vst v0  }
0xe2: {  	[tilespmem:$0x17BD0] =	vst v0  }
0xe3: {  	[tilespmem:$0x17BE0] =	vst v0  }
0xe4: {  	[tilespmem:$0x17BF0] =	vst v0  }
0xe5: {  	[tilespmem:$0x17C00] =	vst v0  }
0xe6: {  	[tilespmem:$0x17C10] =	vst v0  }
0xe7: {  	[tilespmem:$0x17C20] =	vst v0  }
0xe8: {  	[tilespmem:$0x17C30] =	vst v0  }
0xe9: {  	[tilespmem:$0x17C40] =	vst v0  }
0xea: {  	[tilespmem:$0x17C50] =	vst v0  }
0xeb: {  	[tilespmem:$0x17C60] =	vst v0  }
0xec: {  	[tilespmem:$0x17C70] =	vst v0  }
0xed: {  	[tilespmem:$0x17C80] =	vst v0  }
0xee: {  	[tilespmem:$0x17C90] =	vst v0  }
0xef: {  	[tilespmem:$0x17CA0] =	vst v0  }
0xf0: {  	[tilespmem:$0x17CB0] =	vst v0  }
0xf1: {  	[tilespmem:$0x17CC0] =	vst v0  }
0xf2: {  	[tilespmem:$0x17CD0] =	vst v0  }
0xf3: {  	[tilespmem:$0x17CE0] =	vst v0  }
0xf4: {  	[tilespmem:$0x17CF0] =	vst v0  }
0xf5: {  	[tilespmem:$0x17D00] =	vst v0  }
0xf6: {  	[tilespmem:$0x17D10] =	vst v0  }
0xf7: {  	[tilespmem:$0x17D20] =	vst v0  }
0xf8: {  	[tilespmem:$0x17D30] =	vst v0  }
0xf9: {  	[tilespmem:$0x17D40] =	vst v0  }
0xfa: {  	[tilespmem:$0x17D50] =	vst v0  }
0xfb: {  	[tilespmem:$0x17D60] =	vst v0  }
0xfc: {  	[tilespmem:$0x17D70] =	vst v0  }
0xfd: {  	[tilespmem:$0x17D80] =	vst v0  }
0xfe: {  	[tilespmem:$0x17D90] =	vst v0  }
0xff: {  	[tilespmem:$0x17DA0] =	vst v0  }
0x100: {  	[tilespmem:$0x17DB0] =	vst v0  }
0x101: {  	[tilespmem:$0x17DC0] =	vst v0  }
0x102: {  	[tilespmem:$0x17DD0] =	vst v0  }
0x103: {  	[tilespmem:$0x17DE0] =	vst v0  }
0x104: {  	[tilespmem:$0x17DF0] =	vst v0  }
0x105: {  	[tilespmem:$0x17E00] =	vst v0  }
0x106: {  	[tilespmem:$0x17E10] =	vst v0  }
0x107: {  	[tilespmem:$0x17E20] =	vst v0  }
0x108: {  	[tilespmem:$0x17E30] =	vst v0  }
0x109: {  	[tilespmem:$0x17E40] =	vst v0  }
0x10a: {  	[tilespmem:$0x17E50] =	vst v0  }
0x10b: {  	[tilespmem:$0x17E60] =	vst v0  }
0x10c: {  	[tilespmem:$0x17E70] =	vst v0  }
0x10d: {  	[tilespmem:$0x17E80] =	vst v0  }
0x10e: {  	[tilespmem:$0x17E90] =	vst v0  }
0x10f: {  	[tilespmem:$0x17EA0] =	vst v0  }
0x110: {  	[tilespmem:$0x17EB0] =	vst v0  }
0x111: {  	[tilespmem:$0x17EC0] =	vst v0  }
0x112: {  	[tilespmem:$0x17ED0] =	vst v0  }
0x113: {  	[tilespmem:$0x17EE0] =	vst v0  }
0x114: {  	[tilespmem:$0x17EF0] =	vst v0  }
0x115: {  	[tilespmem:$0x17F00] =	vst v0  }
0x116: {  	[tilespmem:$0x17F10] =	vst v0  }
0x117: {  	[tilespmem:$0x17F20] =	vst v0  }
0x118: {  	[tilespmem:$0x17F30] =	vst v0  }
0x119: {  	[tilespmem:$0x17F40] =	vst v0  }
0x11a: {  	[tilespmem:$0x17F50] =	vst v0  }
0x11b: {  	[tilespmem:$0x17F60] =	vst v0  }
0x11c: {  	[tilespmem:$0x17F70] =	vst v0  }
0x11d: {  	[tilespmem:$0x17F80] =	vst v0  }
0x11e: {  	[tilespmem:$0x17F90] =	vst v0  }
0x11f: {  	[smem:$0x7EF] =	sst s0;
	[tilespmem:$0x17FA0] =	vst v0  }
0x120: {  	[tilespmem:$0x17FB0] =	vst v0  }
0x121: {  	[tilespmem:$0x17FC0] =	vst v0  }
0x122: {  	[tilespmem:$0x17FD0] =	vst v0  }
0x123: {  	[tilespmem:$0x17FE0] =	vst v0  }
0x124: {  	[tilespmem:$0x17FF0] =	vst v0  }
0x125: {  	[tilespmem:$0x18000] =	vst v0  }
0x126: {  	[tilespmem:$0x18010] =	vst v0  }
0x127: {  	[tilespmem:$0x18020] =	vst v0  }
0x128: {  	[tilespmem:$0x18030] =	vst v0  }
0x129: {  	[tilespmem:$0x18040] =	vst v0  }
0x12a: {  	[tilespmem:$0x18050] =	vst v0  }
0x12b: {  	[tilespmem:$0x18060] =	vst v0  }
0x12c: {  	[tilespmem:$0x18070] =	vst v0  }
0x12d: {  	[tilespmem:$0x18080] =	vst v0  }
0x12e: {  	[tilespmem:$0x18090] =	vst v0  }
0x12f: {  	[tilespmem:$0x180A0] =	vst v0  }
0x130: {  	[tilespmem:$0x180B0] =	vst v0  }
0x131: {  	[tilespmem:$0x180C0] =	vst v0  }
0x132: {  	[tilespmem:$0x180D0] =	vst v0  }
0x133: {  	[tilespmem:$0x180E0] =	vst v0  }
0x134: {  	[tilespmem:$0x180F0] =	vst v0  }
0x135: {  	[tilespmem:$0x18100] =	vst v0  }
0x136: {  	[tilespmem:$0x18110] =	vst v0  }
0x137: {  	[tilespmem:$0x18120] =	vst v0  }
0x138: {  	[tilespmem:$0x18130] =	vst v0  }
0x139: {  	[tilespmem:$0x18140] =	vst v0  }
0x13a: {  	[tilespmem:$0x18150] =	vst v0  }
0x13b: {  	[tilespmem:$0x18160] =	vst v0  }
0x13c: {  	[tilespmem:$0x18170] =	vst v0  }
0x13d: {  	[tilespmem:$0x18180] =	vst v0  }
0x13e: {  	[tilespmem:$0x18190] =	vst v0  }
0x13f: {  	[tilespmem:$0x181A0] =	vst v0  }
0x140: {  	[tilespmem:$0x181B0] =	vst v0  }
0x141: {  	[tilespmem:$0x181C0] =	vst v0  }
0x142: {  	[tilespmem:$0x181D0] =	vst v0  }
0x143: {  	[tilespmem:$0x181E0] =	vst v0  }
0x144: {  	[tilespmem:$0x181F0] =	vst v0  }
0x145: {  	[tilespmem:$0x18200] =	vst v0  }
0x146: {  	[tilespmem:$0x18210] =	vst v0  }
0x147: {  	[tilespmem:$0x18220] =	vst v0  }
0x148: {  	[tilespmem:$0x18230] =	vst v0  }
0x149: {  	[tilespmem:$0x18240] =	vst v0  }
0x14a: {  	[tilespmem:$0x18250] =	vst v0  }
0x14b: {  	[tilespmem:$0x18260] =	vst v0  }
0x14c: {  	[tilespmem:$0x18270] =	vst v0  }
0x14d: {  	[tilespmem:$0x18280] =	vst v0  }
0x14e: {  	[tilespmem:$0x18290] =	vst v0  }
0x14f: {  	[tilespmem:$0x182A0] =	vst v0  }
0x150: {  	[tilespmem:$0x182B0] =	vst v0  }
0x151: {  	[tilespmem:$0x182C0] =	vst v0  }
0x152: {  	[tilespmem:$0x182D0] =	vst v0  }
0x153: {  	[tilespmem:$0x182E0] =	vst v0  }
0x154: {  	[tilespmem:$0x182F0] =	vst v0  }
0x155: {  	[tilespmem:$0x18300] =	vst v0  }
0x156: {  	[tilespmem:$0x18310] =	vst v0  }
0x157: {  	[tilespmem:$0x18320] =	vst v0  }
0x158: {  	[tilespmem:$0x18330] =	vst v0  }
0x159: {  	[tilespmem:$0x18340] =	vst v0  }
0x15a: {  	[tilespmem:$0x18350] =	vst v0  }
0x15b: {  	[tilespmem:$0x18360] =	vst v0  }
0x15c: {  	[tilespmem:$0x18370] =	vst v0  }
0x15d: {  	[tilespmem:$0x18380] =	vst v0  }
0x15e: {  	[tilespmem:$0x18390] =	vst v0  }
0x15f: {  	[tilespmem:$0x183A0] =	vst v0  }
0x160: {  	[tilespmem:$0x183B0] =	vst v0  }
0x161: {  	[tilespmem:$0x183C0] =	vst v0  }
0x162: {  	[tilespmem:$0x183D0] =	vst v0  }
0x163: {  	[tilespmem:$0x183E0] =	vst v0  }
0x164: {  	[tilespmem:$0x183F0] =	vst v0  }
0x165: {  	[tilespmem:$0x18400] =	vst v0  }
0x166: {  	[tilespmem:$0x18410] =	vst v0  }
0x167: {  	[tilespmem:$0x18420] =	vst v0  }
0x168: {  	[tilespmem:$0x18430] =	vst v0  }
0x169: {  	[tilespmem:$0x18440] =	vst v0  }
0x16a: {  	[tilespmem:$0x18450] =	vst v0  }
0x16b: {  	[tilespmem:$0x18460] =	vst v0  }
0x16c: {  	[tilespmem:$0x18470] =	vst v0  }
0x16d: {  	[tilespmem:$0x18480] =	vst v0  }
0x16e: {  	[tilespmem:$0x18490] =	vst v0  }
0x16f: {  	[tilespmem:$0x184A0] =	vst v0  }
0x170: {  	[tilespmem:$0x184B0] =	vst v0  }
0x171: {  	[tilespmem:$0x184C0] =	vst v0  }
0x172: {  	[tilespmem:$0x184D0] =	vst v0  }
0x173: {  	[tilespmem:$0x184E0] =	vst v0  }
0x174: {  	[tilespmem:$0x184F0] =	vst v0  }
0x175: {  	[tilespmem:$0x18500] =	vst v0  }
0x176: {  	[tilespmem:$0x18510] =	vst v0  }
0x177: {  	[tilespmem:$0x18520] =	vst v0  }
0x178: {  	[tilespmem:$0x18530] =	vst v0  }
0x179: {  	[tilespmem:$0x18540] =	vst v0  }
0x17a: {  	[tilespmem:$0x18550] =	vst v0  }
0x17b: {  	[tilespmem:$0x18560] =	vst v0  }
0x17c: {  	[tilespmem:$0x18570] =	vst v0  }
0x17d: {  	[tilespmem:$0x18580] =	vst v0  }
0x17e: {  	[tilespmem:$0x18590] =	vst v0  }
0x17f: {  	[tilespmem:$0x185A0] =	vst v0  }
0x180: {  	[tilespmem:$0x185B0] =	vst v0  }
0x181: {  	[tilespmem:$0x185C0] =	vst v0  }
0x182: {  	[tilespmem:$0x185D0] =	vst v0  }
0x183: {  	[tilespmem:$0x185E0] =	vst v0  }
0x184: {  	[tilespmem:$0x185F0] =	vst v0  }
0x185: {  	[tilespmem:$0x18600] =	vst v0  }
0x186: {  	[tilespmem:$0x18610] =	vst v0  }
0x187: {  	[tilespmem:$0x18620] =	vst v0  }
0x188: {  	[tilespmem:$0x18630] =	vst v0  }
0x189: {  	[tilespmem:$0x18640] =	vst v0  }
0x18a: {  	[tilespmem:$0x18650] =	vst v0  }
0x18b: {  	[tilespmem:$0x18660] =	vst v0  }
0x18c: {  	[tilespmem:$0x18670] =	vst v0  }
0x18d: {  	[tilespmem:$0x18680] =	vst v0  }
0x18e: {  	[tilespmem:$0x18690] =	vst v0  }
0x18f: {  	[tilespmem:$0x186A0] =	vst v0  }
0x190: {  	[tilespmem:$0x186B0] =	vst v0  }
0x191: {  	[tilespmem:$0x186C0] =	vst v0  }
0x192: {  	[tilespmem:$0x186D0] =	vst v0  }
0x193: {  	[tilespmem:$0x186E0] =	vst v0  }
0x194: {  	[tilespmem:$0x186F0] =	vst v0  }
0x195: {  	[tilespmem:$0x18700] =	vst v0  }
0x196: {  	[tilespmem:$0x18710] =	vst v0  }
0x197: {  	[tilespmem:$0x18720] =	vst v0  }
0x198: {  	[tilespmem:$0x18730] =	vst v0  }
0x199: {  	[tilespmem:$0x18740] =	vst v0  }
0x19a: {  	[tilespmem:$0x18750] =	vst v0  }
0x19b: {  	[tilespmem:$0x18760] =	vst v0  }
0x19c: {  	[tilespmem:$0x18770] =	vst v0  }
0x19d: {  	[tilespmem:$0x18780] =	vst v0  }
0x19e: {  	[tilespmem:$0x18790] =	vst v0  }
0x19f: {  	[tilespmem:$0x187A0] =	vst v0  }
0x1a0: {  	[tilespmem:$0x187B0] =	vst v0  }
0x1a1: {  	[tilespmem:$0x187C0] =	vst v0  }
0x1a2: {  	[tilespmem:$0x187D0] =	vst v0  }
0x1a3: {  	[tilespmem:$0x187E0] =	vst v0  }
0x1a4: {  	[tilespmem:$0x187F0] =	vst v0  }
0x1a5: {  	[tilespmem:$0x18800] =	vst v0  }
0x1a6: {  	[tilespmem:$0x18810] =	vst v0  }
0x1a7: {  	[tilespmem:$0x18820] =	vst v0  }
0x1a8: {  	[tilespmem:$0x18830] =	vst v0  }
0x1a9: {  	[tilespmem:$0x18840] =	vst v0  }
0x1aa: {  	[tilespmem:$0x18850] =	vst v0  }
0x1ab: {  	[tilespmem:$0x18860] =	vst v0  }
0x1ac: {  	[tilespmem:$0x18870] =	vst v0  }
0x1ad: {  	[tilespmem:$0x18880] =	vst v0  }
0x1ae: {  	[tilespmem:$0x18890] =	vst v0  }
0x1af: {  	[tilespmem:$0x188A0] =	vst v0  }
0x1b0: {  	[tilespmem:$0x188B0] =	vst v0  }
0x1b1: {  	[tilespmem:$0x188C0] =	vst v0  }
0x1b2: {  	[tilespmem:$0x188D0] =	vst v0  }
0x1b3: {  	[tilespmem:$0x188E0] =	vst v0  }
0x1b4: {  	[tilespmem:$0x188F0] =	vst v0  }
0x1b5: {  	[tilespmem:$0x18900] =	vst v0  }
0x1b6: {  	[tilespmem:$0x18910] =	vst v0  }
0x1b7: {  	[tilespmem:$0x18920] =	vst v0  }
0x1b8: {  	[tilespmem:$0x18930] =	vst v0  }
0x1b9: {  	[tilespmem:$0x18940] =	vst v0  }
0x1ba: {  	[tilespmem:$0x18950] =	vst v0  }
0x1bb: {  	[tilespmem:$0x18960] =	vst v0  }
0x1bc: {  	[tilespmem:$0x18970] =	vst v0  }
0x1bd: {  	[tilespmem:$0x18980] =	vst v0  }
0x1be: {  	[tilespmem:$0x18990] =	vst v0  }
0x1bf: {  	[tilespmem:$0x189A0] =	vst v0  }
0x1c0: {  	[tilespmem:$0x189B0] =	vst v0  }
0x1c1: {  	[tilespmem:$0x189C0] =	vst v0  }
0x1c2: {  	[tilespmem:$0x189D0] =	vst v0  }
0x1c3: {  	[tilespmem:$0x189E0] =	vst v0  }
0x1c4: {  	[tilespmem:$0x189F0] =	vst v0  }
0x1c5: {  	[tilespmem:$0x18A00] =	vst v0  }
0x1c6: {  	[tilespmem:$0x18A10] =	vst v0  }
0x1c7: {  	[tilespmem:$0x18A20] =	vst v0  }
0x1c8: {  	[tilespmem:$0x18A30] =	vst v0  }
0x1c9: {  	[tilespmem:$0x18A40] =	vst v0  }
0x1ca: {  	[tilespmem:$0x18A50] =	vst v0  }
0x1cb: {  	[tilespmem:$0x18A60] =	vst v0  }
0x1cc: {  	[tilespmem:$0x18A70] =	vst v0  }
0x1cd: {  	[tilespmem:$0x18A80] =	vst v0  }
0x1ce: {  	[tilespmem:$0x18A90] =	vst v0  }
0x1cf: {  	[tilespmem:$0x18AA0] =	vst v0  }
0x1d0: {  	[tilespmem:$0x18AB0] =	vst v0  }
0x1d1: {  	[tilespmem:$0x18AC0] =	vst v0  }
0x1d2: {  	[tilespmem:$0x18AD0] =	vst v0  }
0x1d3: {  	[tilespmem:$0x18AE0] =	vst v0  }
0x1d4: {  	[tilespmem:$0x18AF0] =	vst v0  }
0x1d5: {  	[tilespmem:$0x18B00] =	vst v0  }
0x1d6: {  	[tilespmem:$0x18B10] =	vst v0  }
0x1d7: {  	[tilespmem:$0x18B20] =	vst v0  }
0x1d8: {  	[tilespmem:$0x18B30] =	vst v0  }
0x1d9: {  	[tilespmem:$0x18B40] =	vst v0  }
0x1da: {  	[tilespmem:$0x18B50] =	vst v0  }
0x1db: {  	[tilespmem:$0x18B60] =	vst v0  }
0x1dc: {  	[tilespmem:$0x18B70] =	vst v0  }
0x1dd: {  	[tilespmem:$0x18B80] =	vst v0  }
0x1de: {  	[tilespmem:$0x18B90] =	vst v0  }
0x1df: {  	[tilespmem:$0x18BA0] =	vst v0  }
0x1e0: {  	[tilespmem:$0x18BB0] =	vst v0  }
0x1e1: {  	[tilespmem:$0x18BC0] =	vst v0  }
0x1e2: {  	[tilespmem:$0x18BD0] =	vst v0  }
0x1e3: {  	[tilespmem:$0x18BE0] =	vst v0  }
0x1e4: {  	[tilespmem:$0x18BF0] =	vst v0  }
0x1e5: {  	[tilespmem:$0x18C00] =	vst v0  }
0x1e6: {  	[tilespmem:$0x18C10] =	vst v0  }
0x1e7: {  	[tilespmem:$0x18C20] =	vst v0  }
0x1e8: {  	[tilespmem:$0x18C30] =	vst v0  }
0x1e9: {  	[tilespmem:$0x18C40] =	vst v0  }
0x1ea: {  	[tilespmem:$0x18C50] =	vst v0  }
0x1eb: {  	[tilespmem:$0x18C60] =	vst v0  }
0x1ec: {  	[tilespmem:$0x18C70] =	vst v0  }
0x1ed: {  	[tilespmem:$0x18C80] =	vst v0  }
0x1ee: {  	[tilespmem:$0x18C90] =	vst v0  }
0x1ef: {  	[tilespmem:$0x18CA0] =	vst v0  }
0x1f0: {  	[tilespmem:$0x18CB0] =	vst v0  }
0x1f1: {  	[tilespmem:$0x18CC0] =	vst v0  }
0x1f2: {  	[tilespmem:$0x18CD0] =	vst v0  }
0x1f3: {  	[tilespmem:$0x18CE0] =	vst v0  }
0x1f4: {  	[tilespmem:$0x18CF0] =	vst v0  }
0x1f5: {  	[tilespmem:$0x18D00] =	vst v0  }
0x1f6: {  	[tilespmem:$0x18D10] =	vst v0  }
0x1f7: {  	[tilespmem:$0x18D20] =	vst v0  }
0x1f8: {  	[tilespmem:$0x18D30] =	vst v0  }
0x1f9: {  	[tilespmem:$0x18D40] =	vst v0  }
0x1fa: {  	[tilespmem:$0x18D50] =	vst v0  }
0x1fb: {  	[tilespmem:$0x18D60] =	vst v0  }
0x1fc: {  	[tilespmem:$0x18D70] =	vst v0  }
0x1fd: {  	[tilespmem:$0x18D80] =	vst v0  }
0x1fe: {  	[tilespmem:$0x18D90] =	vst v0  }
0x1ff: {  	[tilespmem:$0x18DA0] =	vst v0  }
0x200: {  	[tilespmem:$0x18DB0] =	vst v0  }
0x201: {  	[tilespmem:$0x190E0] =	vst v0  }
0x202: {  	[tilespmem:$0x190D0] =	vst v0  }
0x203: {  	[tilespmem:$0x190C0] =	vst v0  }
0x204: {  	[tilespmem:$0x190B0] =	vst v0  }
0x205: {  	[tilespmem:$0x190A0] =	vst v0  }
0x206: {  	[tilespmem:$0x19090] =	vst v0  }
0x207: {  	[tilespmem:$0x19080] =	vst v0  }
0x208: {  	[tilespmem:$0x19070] =	vst v0  }
0x209: {  	[tilespmem:$0x19060] =	vst v0  }
0x20a: {  	[tilespmem:$0x19050] =	vst v0  }
0x20b: {  	[tilespmem:$0x19040] =	vst v0  }
0x20c: {  	[tilespmem:$0x19030] =	vst v0  }
0x20d: {  	[tilespmem:$0x19020] =	vst v0  }
0x20e: {  	[tilespmem:$0x19010] =	vst v0  }
0x20f: {  	[tilespmem:$0x19000] =	vst v0  }
0x210: {  	[tilespmem:$0x18FF0] =	vst v0  }
0x211: {  	[tilespmem:$0x18FE0] =	vst v0  }
0x212: {  	[tilespmem:$0x18FD0] =	vst v0  }
0x213: {  	[tilespmem:$0x18FC0] =	vst v0  }
0x214: {  	[tilespmem:$0x18FB0] =	vst v0  }
0x215: {  	[tilespmem:$0x18FA0] =	vst v0  }
0x216: {  	[tilespmem:$0x18F90] =	vst v0  }
0x217: {  	[tilespmem:$0x18F80] =	vst v0  }
0x218: {  	[tilespmem:$0x18F70] =	vst v0  }
0x219: {  	[tilespmem:$0x18F60] =	vst v0  }
0x21a: {  	[tilespmem:$0x18F50] =	vst v0  }
0x21b: {  	[tilespmem:$0x18F40] =	vst v0  }
0x21c: {  	[tilespmem:$0x18F30] =	vst v0  }
0x21d: {  	[tilespmem:$0x18F20] =	vst v0  }
0x21e: {  	[tilespmem:$0x18F10] =	vst v0  }
0x21f: {  	[tilespmem:$0x18DC0] =	vst v0  }
0x220: {  	[tilespmem:$0x18DD0] =	vst v0  }
0x221: {  	[tilespmem:$0x18DE0] =	vst v0  }
0x222: {  	[tilespmem:$0x18DF0] =	vst v0  }
0x223: {  	[tilespmem:$0x18E00] =	vst v0  }
0x224: {  	[tilespmem:$0x18E10] =	vst v0  }
0x225: {  	[tilespmem:$0x18E20] =	vst v0  }
0x226: {  	[tilespmem:$0x18E30] =	vst v0  }
0x227: {  	[tilespmem:$0x18E40] =	vst v0  }
0x228: {  	[tilespmem:$0x18E50] =	vst v0  }
0x229: {  	[tilespmem:$0x18E60] =	vst v0  }
0x22a: {  	[tilespmem:$0x18E70] =	vst v0  }
0x22b: {  	[tilespmem:$0x18E80] =	vst v0  }
0x22c: {  	[tilespmem:$0x18E90] =	vst v0  }
0x22d: {  	[tilespmem:$0x18EA0] =	vst v0  }
0x22e: {  	[tilespmem:$0x18EB0] =	vst v0  }
0x22f: {  	[tilespmem:$0x18EC0] =	vst v0  }
0x230: {  	[tilespmem:$0x18ED0] =	vst v0  }
0x231: {  	[tilespmem:$0x18EE0] =	vst v0  }
0x232: {  	[tilespmem:$0x18EF0] =	vst v0  }
0x233: {  	[tilespmem:$0x18F00] =	vst v0  }
0x234: {  	[tilespmem:$0x190F0] =	vst v0  }
0x235: {  	[spmem:s20] =	stream.linear.scatter [tilespmem:s6], [sflag:$0x11], $0x2000, $0x38;
	[tilespmem:$0x1F100] =	vst v63  }
0x236: {  	_ =	swait.ge [sflag:s26], $0x2000  }
0x237: {  	s20 =	sld [smem:$0x7F5]  }
0x238: {  	[sflag:s26] =	ssyncset.done $0x0  }
0x239: {  	[sflag:s26] =	ssyncadd.s32 $0xFFFFE000  }
0x23a: {  	[spmem:s20] =	stream.linear.scatter [tilespmem:s23], [sflag:$0x11], $0x2000, $0x38;
	[tilespmem:$0x1F100] =	vst v63  }
0x23b: {  	_ =	swait.ge [sflag:s26], $0x2000  }
0x23c: {  	s0 =	sld [smem:$0x7F6]  }
0x23d: {  	[sflag:s26] =	ssyncset.done $0x0  }
0x23e: {  	[sflag:s26] =	ssyncadd.s32 $0xFFFFE000  }
0x23f: {  	[spmem:s0] =	stream.linear.scatter [tilespmem:s23], [sflag:$0x11], $0x2000, $0x38;
	[tilespmem:$0x1F100] =	vst v63  }
0x240: {  	_ =	swait.ge [sflag:s26], $0x2000  }
0x241: {  	s7 =	sld [smem:$0x7F7]  }
0x242: {  	[sflag:s26] =	ssyncset.done $0x0  }
0x243: {  	[sflag:s26] =	ssyncadd.s32 $0xFFFFE000  }
0x244: {  	[spmem:s7] =	stream.linear.scatter [tilespmem:s23], [sflag:$0x11], $0x2000, $0x38;
	[tilespmem:$0x1F100] =	vst v63  }
0x245: {  	_ =	swait.ge [sflag:s26], $0x2000  }
0x246: {  	s11 =	sld [smem:$0x7F8]  }
0x247: {  	[sflag:s26] =	ssyncset.done $0x0  }
0x248: {  	[sflag:s26] =	ssyncadd.s32 $0xFFFFE000  }
0x249: {  	[spmem:s11] =	stream.linear.scatter [tilespmem:s23], [sflag:$0x11], $0x2000, $0x38;
	[tilespmem:$0x1F100] =	vst v63  }
0x24a: {  	_ =	swait.ge [sflag:s26], $0x2000  }
0x24b: {  	s14 =	sld [smem:$0x7F9]  }
0x24c: {  	[sflag:s26] =	ssyncset.done $0x0  }
0x24d: {  	[sflag:s26] =	ssyncadd.s32 $0xFFFFE000  }
0x24e: {  	[spmem:s14] =	stream.linear.scatter [tilespmem:s23], [sflag:$0x11], $0x2000, $0x38;
	[tilespmem:$0x1F100] =	vst v63  }
0x24f: {  	_ =	swait.ge [sflag:s26], $0x2000  }
0x250: {  	s20 =	sld [smem:$0x7FA]  }
0x251: {  	[sflag:s26] =	ssyncset.done $0x0  }
0x252: {  	[sflag:s26] =	ssyncadd.s32 $0xFFFFE000  }
0x253: {  	[spmem:s20] =	stream.linear.scatter [tilespmem:s23], [sflag:$0x11], $0x2000, $0x38;
	[tilespmem:$0x1F100] =	vst v63  }
0x254: {  	_ =	swait.ge [sflag:s26], $0x2000  }
0x255: {  	s0 =	sld [smem:$0x7FB]  }
0x256: {  	[sflag:s26] =	ssyncset.done $0x0  }
0x257: {  	[sflag:s26] =	ssyncadd.s32 $0xFFFFE000  }
0x258: {  	[spmem:s0] =	stream.linear.scatter [tilespmem:s23], [sflag:$0x11], $0x2000, $0x38;
	[tilespmem:$0x1F100] =	vst v63  }
0x259: {  	_ =	swait.ge [sflag:s26], $0x2000  }
0x25a: {  	s7 =	sld [smem:$0x7FC]  }
0x25b: {  	[sflag:s26] =	ssyncset.done $0x0  }
0x25c: {  	[sflag:s26] =	ssyncadd.s32 $0xFFFFE000  }
0x25d: {  	[spmem:s7] =	stream.linear.scatter [tilespmem:s23], [sflag:$0x11], $0x2000, $0x38;
	[tilespmem:$0x1F100] =	vst v63  }
0x25e: {  	_ =	swait.ge [sflag:s26], $0x2000  }
0x25f: {  	s11 =	sld [smem:$0x7FD]  }
0x260: {  	[sflag:s26] =	ssyncset.done $0x0  }
0x261: {  	[sflag:s26] =	ssyncadd.s32 $0xFFFFE000  }
0x262: {  	[spmem:s11] =	stream.linear.scatter [tilespmem:s23], [sflag:$0x11], $0x1C00, $0x38;
	[tilespmem:$0x1F100] =	vst v63  }
0x263: {  	s14 =	stileid.u32;
	_ =	swait.ge [sflag:s26], $0x1C00  }
0x264: {  	s6 =	sshll.u32 s14, $0x6;
	s11 =	rddreg [dreg:$0x1e]  }
0x265: {  	s20 =	sor.u32 $0x1C11, s6;
	s14 =	rddreg [dreg:$0x1f]  }
0x266: {  	[sflag:s26] =	ssyncset.done $0x0;
	[smem:$0x7F0] =	sst s20;
	s7 =	sshrl.u32 s11, $0x3  }
0x267: {  	[sflag:s26] =	ssyncadd.s32 $0xFFFFE400;
	[smem:$0x7F1] =	sst s7  }
0x268: {  	[spmem:s7], [sflag:s20] =	dma.local [hbm:s14], $0x4F0  }
0x269: {  	_ =	swait.ge [sflag:s26], $0x4F0  }
0x26a: {  	[sflag:s26] =	ssyncset.done $0x0  }
0x26b: {  	[sflag:s26] =	ssyncadd.s32 $0xFFFFFB10  }
0x26c: {  	s20 =	rddreg [dreg:$0x1]  }
0x26d: {  	[tilespmem:s12], [sflag:$0x11] =	stream.linear.gather [hbm4b:s20+s5], $0x500, $0x38;
	[tilespmem:$0x1F100] =	vst v63  }
0x26e: {  	_ =	swait.ge [sflag:s26], $0x500  }
0x26f: {  	[sflag:s26] =	ssyncset.done $0x0  }
0x270: {  	[sflag:s26] =	ssyncadd.s32 $0xFFFFFB00  }
0x271: {  	[tilespmem:$0x17080] =	vst v1  }
0x272: {  	[tilespmem:$0x17090] =	vst v1  }
0x273: {  	[tilespmem:$0x170A0] =	vst v1  }
0x274: {  	[tilespmem:$0x170B0] =	vst v1  }
0x275: {  	[bflag:$0x0] =	sbarrier.arrive $0xFFFF  }
0x276: {  	s26 =	rddreg [dreg:$0xd]  }
0x277: {  	[tilespmem:s13], [sflag:$0x9] =	stream.linear.gather [hbm4b:s26+s5], $0x40, $0x38;
	[tilespmem:$0x1F100] =	vst v63  }
0x278: {  	s7 =	simm.s32 $0x16A80;
	s0 =	rddreg [dreg:$0x1a]  }
0x279: {  	[tilespmem:s7], [sflag:$0x9] =	stream.linear.gather [hbm4b:s0+s5], $0x40, $0x38;
	[tilespmem:$0x1F100] =	vst v63  }
0x27a: {  	_ =	swait.ge [sflag:s15], $0x40  }
0x27b: {  	[sflag:s15] =	ssyncset.done $0x0  }
0x27c: {  	[sflag:s15] =	ssyncadd.s32 $0xFFFFFFC0  }
0x27d: {  	_ =	swait.ge [sflag:s15], $0x40  }
0x27e: {  	[sflag:s15] =	ssyncset.done $0x0  }
0x27f: {  	[sflag:s15] =	ssyncadd.s32 $0xFFFFFFC0  }
0x280: {  	[tilespmem:s23], [sflag:$0x1] =	stream.indirect.gather [hbm4b:s22+s16], $0x80, s13, s16, $0xb8;
	[tilespmem:$0x1F100] =	vst v63  }
0x281: {  	s11 =	rddreg [dreg:$0xe]  }
0x282: {  	[tilespmem:s17], [sflag:$0xA] =	stream.linear.gather [hbm4b:s11+s5], $0x40, $0x38;
	[tilespmem:$0x1F100] =	vst v63  }
0x283: {  	s13 =	rddreg [dreg:$0xf];
	s11 =	simm.s32 $0x16B00  }
0x284: {  	[tilespmem:s11], [sflag:$0xA] =	stream.linear.gather [hbm4b:s13+s5], $0x40, $0x38;
	[tilespmem:$0x1F100] =	vst v63  }
0x285: {  	_ =	swait.ge [sflag:s19], $0x40  }
0x286: {  	[sflag:s19] =	ssyncset.done $0x0  }
0x287: {  	[sflag:s19] =	ssyncadd.s32 $0xFFFFFFC0  }
0x288: {  	_ =	swait.ge [sflag:s19], $0x40  }
0x289: {  	[sflag:s19] =	ssyncset.done $0x0  }
0x28a: {  	[sflag:s19] =	ssyncadd.s32 $0xFFFFFFC0  }
0x28b: {  	[tilespmem:s28], [sflag:$0x2] =	stream.indirect.gather [hbm4b:s22+s16], $0x80, s21, s16, $0xb8;
	[tilespmem:$0x1F100] =	vst v63  }
0x28c: {  	s13 =	simm.s32 $0x16980;
	s14 =	rddreg [dreg:$0x10]  }
0x28d: {  	[tilespmem:s13], [sflag:$0xB] =	stream.linear.gather [hbm4b:s14+s5], $0x40, $0x38;
	[tilespmem:$0x1F100] =	vst v63  }
0x28e: {  	s20 =	rddreg [dreg:$0x11];
	s14 =	simm.s32 $0x16B80  }
0x28f: {  	[tilespmem:s14], [sflag:$0xB] =	stream.linear.gather [hbm4b:s20+s5], $0x40, $0x38;
	[tilespmem:$0x1F100] =	vst v63  }
0x290: {  	_ =	swait.ge [sflag:s25], $0x40  }
0x291: {  	[sflag:s25] =	ssyncset.done $0x0  }
0x292: {  	[sflag:s25] =	ssyncadd.s32 $0xFFFFFFC0  }
0x293: {  	_ =	swait.ge [sflag:s25], $0x40  }
0x294: {  	[sflag:s25] =	ssyncset.done $0x0  }
0x295: {  	[sflag:s25] =	ssyncadd.s32 $0xFFFFFFC0  }
0x296: {  	[tilespmem:s10], [sflag:$0x3] =	stream.indirect.gather [hbm4b:s22+s16], $0x80, s13, s16, $0xb8;
	[tilespmem:$0x1F100] =	vst v63  }
0x297: {  	s26 =	rddreg [dreg:$0x12]  }
0x298: {  	[tilespmem:s9], [sflag:$0xC] =	stream.linear.gather [hbm4b:s26+s5], $0x40, $0x38;
	[tilespmem:$0x1F100] =	vst v63  }
0x299: {  	s6 =	simm.s32 $0x1;
	s20 =	simm.s32 $0x16C00;
	s0 =	rddreg [dreg:$0x13]  }
0x29a: {  	[tilespmem:s20], [sflag:$0xC] =	stream.linear.gather [hbm4b:s0+s5], $0x40, $0x38;
	[tilespmem:$0x1F100] =	vst v63  }
0x29b: {  	_ =	swait.ge [sflag:s6], $0x2000  }
0x29c: {  	[sflag:s6] =	ssyncset.done $0x0  }
0x29d: {  	[sflag:s6] =	ssyncadd.s32 $0xFFFFE000  }
0x29e: {  	v2 =	vld [tilespmem:$0x16A80];
	_ =	sdelay $0x4  }
0x29f: {  	v3 =	vshra.s32 v2, $0x3;
	_ =	sdelay $0x3  }
0x2a0: {  	v4 =	vld [tilespmem:$0x16A90];
	[tilespmem:$0x16C80] =	vst v2  }
0x2a1: {  	v3 =	vld.idx.msk [tilespmem:v3+s12+$0x0], $0xffff;
	_ =	sdelay $0x1  }
0x2a2: {  	v5 =	vld [tilespmem:$0x16880]  }
0x2a3: {  	v2 =	vshll.u32 v2, $0x2  }
0x2a4: {  	v2 =	vand.u32 $0x1C, v2  }
0x2a5: {  	v2 =	vshra.s32 v3, v2;
	v3 =	vshra.s32 v4, $0x3;
	_ =	sdelay $0x1  }
0x2a6: {  	v5 =	vshll.u32 v5, $0x4;
	v2 =	vand.u32 $0xF, v2  }
0x2a7: {  	[tilespmem:$0x16C90] =	vst v4;
	v2 =	vor.u32 v5, v2  }
0x2a8: {  	[tilespmem:$0x16E80] =	vst v2  }
0x2a9: {  	v2 =	vld.idx.msk [tilespmem:v3+s12+$0x0], $0xffff  }
0x2aa: {  	v3 =	vld [tilespmem:$0x16AA0];
	_ =	sdelay $0x1  }
0x2ab: {  	v42 =	vld [tilespmem:$0x16890];
	_ =	sdelay $0x1  }
0x2ac: {  	v4 =	vshll.u32 v4, $0x2  }
0x2ad: {  	v4 =	vand.u32 $0x1C, v4;
	v43 =	vshra.s32 v3, $0x3  }
0x2ae: {  	v2 =	vshra.s32 v2, v4  }
0x2af: {  	v5 =	vshll.u32 v42, $0x4;
	v2 =	vand.u32 $0xF, v2  }
0x2b0: {  	[tilespmem:$0x16CA0] =	vst v3;
	v2 =	vor.u32 v5, v2  }
0x2b1: {  	v44 =	vld [tilespmem:$0x16AB0];
	[tilespmem:$0x16E90] =	vst v2  }
0x2b2: {  	v2 =	vld.idx.msk [tilespmem:v43+s12+$0x0], $0xffff;
	_ =	sdelay $0x1  }
0x2b3: {  	v45 =	vld [tilespmem:$0x168A0]  }
0x2b4: {  	v3 =	vshll.u32 v3, $0x2  }
0x2b5: {  	v3 =	vand.u32 $0x1C, v3  }
0x2b6: {  	v2 =	vshra.s32 v2, v3;
	v3 =	vshra.s32 v44, $0x3;
	_ =	sdelay $0x1  }
0x2b7: {  	v5 =	vshll.u32 v45, $0x4;
	v2 =	vand.u32 $0xF, v2  }
0x2b8: {  	[tilespmem:$0x16CB0] =	vst v44;
	v2 =	vor.u32 v5, v2  }
0x2b9: {  	[tilespmem:$0x16EA0] =	vst v2  }
0x2ba: {  	v2 =	vld.idx.msk [tilespmem:v3+s12+$0x0], $0xffff  }
0x2bb: {  	v3 =	vld [tilespmem:$0x168B0];
	_ =	sdelay $0x1  }
0x2bc: {  	v4 =	vshll.u32 v44, $0x2  }
0x2bd: {  	v4 =	vand.u32 $0x1C, v4  }
0x2be: {  	v2 =	vshra.s32 v2, v4  }
0x2bf: {  	v3 =	vshll.u32 v3, $0x4;
	v2 =	vand.u32 $0xF, v2  }
0x2c0: {  	v2 =	vor.u32 v3, v2  }
0x2c1: {  	s26 =	simm.s32 $0x16C80;
	[tilespmem:$0x16EB0] =	vst v2  }
0x2c2: {  	[spmem:s2] =	stream.indirect.scatter.add.f32 [tilespmem:s23], [sflag:$0x5], $0x80, s26, s16, $0xb8;
	[tilespmem:$0x1F100] =	vst v63  }
0x2c3: {  	s6 =	simm.s32 $0x16E80  }
0x2c4: {  	[spmem:s3] =	stream.indirect.scatter.add.f32 [tilespmem:s1], [sflag:$0xD], $0x1, s6, s16, $0xb8;
	[tilespmem:$0x1F100] =	vst v63  }
0x2c5: {  	_ =	swait.ge [sflag:s4], $0x40  }
0x2c6: {  	[sflag:s4] =	ssyncset.done $0x0  }
0x2c7: {  	[sflag:s4] =	ssyncadd.s32 $0xFFFFFFC0  }
0x2c8: {  	_ =	swait.ge [sflag:s4], $0x40  }
0x2c9: {  	[sflag:s4] =	ssyncset.done $0x0  }
0x2ca: {  	s0 =	simm.s32 $0x1D100;
	[sflag:s4] =	ssyncadd.s32 $0xFFFFFFC0  }
0x2cb: {  	[tilespmem:s0], [sflag:$0x4] =	stream.indirect.gather [hbm4b:s22+s16], $0x80, s9, s16, $0xb8;
	[tilespmem:$0x1F100] =	vst v63  }
0x2cc: {  	s17 =	simm.s32 $0x16880;
	s26 =	rddreg [dreg:$0x14]  }
0x2cd: {  	[tilespmem:s17], [sflag:$0x9] =	stream.linear.gather [hbm4b:s26+s5], $0x40, $0x38;
	[tilespmem:$0x1F100] =	vst v63  }
0x2ce: {  	s26 =	rddreg [dreg:$0x15]  }
0x2cf: {  	[tilespmem:s7], [sflag:$0x9] =	stream.linear.gather [hbm4b:s26+s5], $0x40, $0x38;
	[tilespmem:$0x1F100] =	vst v63  }
0x2d0: {  	s7 =	simm.s32 $0x2  }
0x2d1: {  	_ =	swait.ge [sflag:s7], $0x2000  }
0x2d2: {  	[sflag:s7] =	ssyncset.done $0x0  }
0x2d3: {  	[sflag:s7] =	ssyncadd.s32 $0xFFFFE000  }
0x2d4: {  	v2 =	vld [tilespmem:$0x16B00];
	_ =	sdelay $0x4  }
0x2d5: {  	v3 =	vshra.s32 v2, $0x3;
	_ =	sdelay $0x3  }
0x2d6: {  	v46 =	vld [tilespmem:$0x16B10];
	[tilespmem:$0x16D00] =	vst v2  }
0x2d7: {  	v3 =	vld.idx.msk [tilespmem:v3+s12+$0x0], $0xffff;
	_ =	sdelay $0x1  }
0x2d8: {  	v47 =	vld [tilespmem:$0x16900]  }
0x2d9: {  	v2 =	vshll.u32 v2, $0x2  }
0x2da: {  	v2 =	vand.u32 $0x1C, v2  }
0x2db: {  	v2 =	vshra.s32 v3, v2;
	v3 =	vshra.s32 v46, $0x3;
	_ =	sdelay $0x1  }
0x2dc: {  	v5 =	vshll.u32 v47, $0x4;
	v2 =	vand.u32 $0xF, v2  }
0x2dd: {  	[tilespmem:$0x16D10] =	vst v46;
	v2 =	vor.u32 v5, v2  }
0x2de: {  	[tilespmem:$0x16F00] =	vst v2  }
0x2df: {  	v2 =	vld.idx.msk [tilespmem:v3+s12+$0x0], $0xffff  }
0x2e0: {  	v3 =	vld [tilespmem:$0x16B20];
	_ =	sdelay $0x1  }
0x2e1: {  	v48 =	vld [tilespmem:$0x16910];
	_ =	sdelay $0x1  }
0x2e2: {  	v4 =	vshll.u32 v46, $0x2  }
0x2e3: {  	v4 =	vand.u32 $0x1C, v4;
	v49 =	vshra.s32 v3, $0x3  }
0x2e4: {  	v2 =	vshra.s32 v2, v4  }
0x2e5: {  	v5 =	vshll.u32 v48, $0x4;
	v2 =	vand.u32 $0xF, v2  }
0x2e6: {  	[tilespmem:$0x16D20] =	vst v3;
	v2 =	vor.u32 v5, v2  }
0x2e7: {  	v50 =	vld [tilespmem:$0x16B30];
	[tilespmem:$0x16F10] =	vst v2  }
0x2e8: {  	v2 =	vld.idx.msk [tilespmem:v49+s12+$0x0], $0xffff;
	_ =	sdelay $0x1  }
0x2e9: {  	v51 =	vld [tilespmem:$0x16920]  }
0x2ea: {  	v3 =	vshll.u32 v3, $0x2  }
0x2eb: {  	v3 =	vand.u32 $0x1C, v3  }
0x2ec: {  	v2 =	vshra.s32 v2, v3;
	v3 =	vshra.s32 v50, $0x3;
	_ =	sdelay $0x1  }
0x2ed: {  	v5 =	vshll.u32 v51, $0x4;
	v2 =	vand.u32 $0xF, v2  }
0x2ee: {  	[tilespmem:$0x16D30] =	vst v50;
	v2 =	vor.u32 v5, v2  }
0x2ef: {  	[tilespmem:$0x16F20] =	vst v2  }
0x2f0: {  	v2 =	vld.idx.msk [tilespmem:v3+s12+$0x0], $0xffff  }
0x2f1: {  	v3 =	vld [tilespmem:$0x16930];
	_ =	sdelay $0x1  }
0x2f2: {  	v4 =	vshll.u32 v50, $0x2  }
0x2f3: {  	v4 =	vand.u32 $0x1C, v4  }
0x2f4: {  	v2 =	vshra.s32 v2, v4  }
0x2f5: {  	v3 =	vshll.u32 v3, $0x4;
	v2 =	vand.u32 $0xF, v2  }
0x2f6: {  	v2 =	vor.u32 v3, v2  }
0x2f7: {  	s26 =	simm.s32 $0x16D00;
	[tilespmem:$0x16F30] =	vst v2  }
0x2f8: {  	[spmem:s2] =	stream.indirect.scatter.add.f32 [tilespmem:s28], [sflag:$0x6], $0x80, s26, s16, $0xb8;
	[tilespmem:$0x1F100] =	vst v63  }
0x2f9: {  	s7 =	simm.s32 $0x16F00  }
0x2fa: {  	[spmem:s3] =	stream.indirect.scatter.add.f32 [tilespmem:s1], [sflag:$0xE], $0x1, s7, s16, $0xb8;
	[tilespmem:$0x1F100] =	vst v63  }
0x2fb: {  	_ =	swait.ge [sflag:s15], $0x40  }
0x2fc: {  	[sflag:s15] =	ssyncset.done $0x0  }
0x2fd: {  	[sflag:s15] =	ssyncadd.s32 $0xFFFFFFC0  }
0x2fe: {  	_ =	swait.ge [sflag:s15], $0x40  }
0x2ff: {  	[sflag:s15] =	ssyncset.done $0x0  }
0x300: {  	[sflag:s15] =	ssyncadd.s32 $0xFFFFFFC0  }
0x301: {  	_ =	swait.ge [sflag:s8], $0x2000  }
0x302: {  	[sflag:s8] =	ssyncset.done $0x0  }
0x303: {  	[sflag:s8] =	ssyncadd.s32 $0xFFFFE000  }
0x304: {  	[tilespmem:s23], [sflag:$0x1] =	stream.indirect.gather [hbm4b:s22+s16], $0x80, s17, s16, $0xb8;
	[tilespmem:$0x1F100] =	vst v63  }
0x305: {  	s26 =	rddreg [dreg:$0x16]  }
0x306: {  	[tilespmem:s21], [sflag:$0xA] =	stream.linear.gather [hbm4b:s26+s5], $0x40, $0x38;
	[tilespmem:$0x1F100] =	vst v63  }
0x307: {  	s7 =	rddreg [dreg:$0x17];
	s26 =	simm.s32 $0x3  }
0x308: {  	[tilespmem:s11], [sflag:$0xA] =	stream.linear.gather [hbm4b:s7+s5], $0x40, $0x38;
	[tilespmem:$0x1F100] =	vst v63  }
0x309: {  	_ =	swait.ge [sflag:s26], $0x2000  }
0x30a: {  	[sflag:s26] =	ssyncset.done $0x0  }
0x30b: {  	[sflag:s26] =	ssyncadd.s32 $0xFFFFE000  }
0x30c: {  	v2 =	vld [tilespmem:$0x16B80];
	_ =	sdelay $0x4  }
0x30d: {  	v3 =	vshra.s32 v2, $0x3;
	_ =	sdelay $0x3  }
0x30e: {  	v52 =	vld [tilespmem:$0x16B90];
	[tilespmem:$0x16D80] =	vst v2  }
0x30f: {  	v3 =	vld.idx.msk [tilespmem:v3+s12+$0x0], $0xffff;
	_ =	sdelay $0x1  }
0x310: {  	v53 =	vld [tilespmem:$0x16980]  }
0x311: {  	v2 =	vshll.u32 v2, $0x2  }
0x312: {  	v2 =	vand.u32 $0x1C, v2  }
0x313: {  	v2 =	vshra.s32 v3, v2;
	v3 =	vshra.s32 v52, $0x3;
	_ =	sdelay $0x1  }
0x314: {  	v5 =	vshll.u32 v53, $0x4;
	v2 =	vand.u32 $0xF, v2  }
0x315: {  	[tilespmem:$0x16D90] =	vst v52;
	v2 =	vor.u32 v5, v2  }
0x316: {  	[tilespmem:$0x16F80] =	vst v2  }
0x317: {  	v2 =	vld.idx.msk [tilespmem:v3+s12+$0x0], $0xffff  }
0x318: {  	v3 =	vld [tilespmem:$0x16BA0];
	_ =	sdelay $0x1  }
0x319: {  	v54 =	vld [tilespmem:$0x16990];
	_ =	sdelay $0x1  }
0x31a: {  	v4 =	vshll.u32 v52, $0x2  }
0x31b: {  	v4 =	vand.u32 $0x1C, v4;
	v55 =	vshra.s32 v3, $0x3  }
0x31c: {  	v2 =	vshra.s32 v2, v4  }
0x31d: {  	v5 =	vshll.u32 v54, $0x4;
	v2 =	vand.u32 $0xF, v2  }
0x31e: {  	[tilespmem:$0x16DA0] =	vst v3;
	v2 =	vor.u32 v5, v2  }
0x31f: {  	v56 =	vld [tilespmem:$0x16BB0];
	[tilespmem:$0x16F90] =	vst v2  }
0x320: {  	v2 =	vld.idx.msk [tilespmem:v55+s12+$0x0], $0xffff;
	_ =	sdelay $0x1  }
0x321: {  	v57 =	vld [tilespmem:$0x169A0]  }
0x322: {  	v3 =	vshll.u32 v3, $0x2  }
0x323: {  	v3 =	vand.u32 $0x1C, v3  }
0x324: {  	v2 =	vshra.s32 v2, v3;
	v3 =	vshra.s32 v56, $0x3;
	_ =	sdelay $0x1  }
0x325: {  	v5 =	vshll.u32 v57, $0x4;
	v2 =	vand.u32 $0xF, v2  }
0x326: {  	[tilespmem:$0x16DB0] =	vst v56;
	v2 =	vor.u32 v5, v2  }
0x327: {  	[tilespmem:$0x16FA0] =	vst v2  }
0x328: {  	v2 =	vld.idx.msk [tilespmem:v3+s12+$0x0], $0xffff  }
0x329: {  	v3 =	vld [tilespmem:$0x169B0];
	_ =	sdelay $0x1  }
0x32a: {  	v4 =	vshll.u32 v56, $0x2  }
0x32b: {  	v4 =	vand.u32 $0x1C, v4  }
0x32c: {  	v2 =	vshra.s32 v2, v4  }
0x32d: {  	v3 =	vshll.u32 v3, $0x4;
	v2 =	vand.u32 $0xF, v2  }
0x32e: {  	v2 =	vor.u32 v3, v2  }
0x32f: {  	s7 =	simm.s32 $0x16D80;
	[tilespmem:$0x16FB0] =	vst v2  }
0x330: {  	[spmem:s2] =	stream.indirect.scatter.add.f32 [tilespmem:s10], [sflag:$0x7], $0x80, s7, s16, $0xb8;
	[tilespmem:$0x1F100] =	vst v63  }
0x331: {  	s11 =	simm.s32 $0x16F80  }
0x332: {  	[spmem:s3] =	stream.indirect.scatter.add.f32 [tilespmem:s1], [sflag:$0xF], $0x1, s11, s16, $0xb8;
	[tilespmem:$0x1F100] =	vst v63  }
0x333: {  	_ =	swait.ge [sflag:s19], $0x40  }
0x334: {  	[sflag:s19] =	ssyncset.done $0x0  }
0x335: {  	[sflag:s19] =	ssyncadd.s32 $0xFFFFFFC0  }
0x336: {  	_ =	swait.ge [sflag:s19], $0x40  }
0x337: {  	[sflag:s19] =	ssyncset.done $0x0  }
0x338: {  	[sflag:s19] =	ssyncadd.s32 $0xFFFFFFC0  }
0x339: {  	_ =	swait.ge [sflag:s24], $0x2000  }
0x33a: {  	[sflag:s24] =	ssyncset.done $0x0  }
0x33b: {  	[sflag:s24] =	ssyncadd.s32 $0xFFFFE000  }
0x33c: {  	[tilespmem:s28], [sflag:$0x2] =	stream.indirect.gather [hbm4b:s22+s16], $0x80, s21, s16, $0xb8;
	[tilespmem:$0x1F100] =	vst v63  }
0x33d: {  	s26 =	rddreg [dreg:$0x18]  }
0x33e: {  	[tilespmem:s13], [sflag:$0xB] =	stream.linear.gather [hbm4b:s26+s5], $0x40, $0x38;
	[tilespmem:$0x1F100] =	vst v63  }
0x33f: {  	s7 =	rddreg [dreg:$0x19]  }
0x340: {  	[tilespmem:s14], [sflag:$0xB] =	stream.linear.gather [hbm4b:s7+s5], $0x40, $0x38;
	[tilespmem:$0x1F100] =	vst v63  }
0x341: {  	_ =	swait.ge [sflag:s29], $0x2000  }
0x342: {  	[sflag:s29] =	ssyncset.done $0x0  }
0x343: {  	[sflag:s29] =	ssyncadd.s32 $0xFFFFE000  }
0x344: {  	v2 =	vld [tilespmem:$0x16C00];
	_ =	sdelay $0x4  }
0x345: {  	v3 =	vshra.s32 v2, $0x3;
	_ =	sdelay $0x3  }
0x346: {  	v58 =	vld [tilespmem:$0x16C10];
	[tilespmem:$0x16E00] =	vst v2  }
0x347: {  	v3 =	vld.idx.msk [tilespmem:v3+s12+$0x0], $0xffff;
	_ =	sdelay $0x1  }
0x348: {  	v59 =	vld [tilespmem:$0x16A00]  }
0x349: {  	v2 =	vshll.u32 v2, $0x2  }
0x34a: {  	v2 =	vand.u32 $0x1C, v2  }
0x34b: {  	v2 =	vshra.s32 v3, v2;
	v3 =	vshra.s32 v58, $0x3;
	_ =	sdelay $0x1  }
0x34c: {  	v5 =	vshll.u32 v59, $0x4;
	v2 =	vand.u32 $0xF, v2  }
0x34d: {  	[tilespmem:$0x16E10] =	vst v58;
	v2 =	vor.u32 v5, v2  }
0x34e: {  	[tilespmem:$0x17000] =	vst v2  }
0x34f: {  	v2 =	vld.idx.msk [tilespmem:v3+s12+$0x0], $0xffff  }
0x350: {  	v3 =	vld [tilespmem:$0x16C20];
	_ =	sdelay $0x1  }
0x351: {  	v60 =	vld [tilespmem:$0x16A10];
	_ =	sdelay $0x1  }
0x352: {  	v4 =	vshll.u32 v58, $0x2  }
0x353: {  	v4 =	vand.u32 $0x1C, v4;
	v61 =	vshra.s32 v3, $0x3  }
0x354: {  	v2 =	vshra.s32 v2, v4  }
0x355: {  	v5 =	vshll.u32 v60, $0x4;
	v2 =	vand.u32 $0xF, v2  }
0x356: {  	[tilespmem:$0x16E20] =	vst v3;
	v2 =	vor.u32 v5, v2  }
0x357: {  	v62 =	vld [tilespmem:$0x16C30];
	[tilespmem:$0x17010] =	vst v2  }
0x358: {  	v2 =	vld.idx.msk [tilespmem:v61+s12+$0x0], $0xffff;
	_ =	sdelay $0x1  }
0x359: {  	v63 =	vld [tilespmem:$0x16A20]  }
0x35a: {  	v3 =	vshll.u32 v3, $0x2  }
0x35b: {  	v3 =	vand.u32 $0x1C, v3  }
0x35c: {  	v2 =	vshra.s32 v2, v3;
	v3 =	vshra.s32 v62, $0x3;
	_ =	sdelay $0x1  }
0x35d: {  	v5 =	vshll.u32 v63, $0x4;
	v2 =	vand.u32 $0xF, v2  }
0x35e: {  	[tilespmem:$0x16E30] =	vst v62;
	v2 =	vor.u32 v5, v2  }
0x35f: {  	[tilespmem:$0x17020] =	vst v2  }
0x360: {  	v2 =	vld.idx.msk [tilespmem:v3+s12+$0x0], $0xffff  }
0x361: {  	v3 =	vld [tilespmem:$0x16A30];
	_ =	sdelay $0x1  }
0x362: {  	v4 =	vshll.u32 v62, $0x2  }
0x363: {  	v4 =	vand.u32 $0x1C, v4  }
0x364: {  	v2 =	vshra.s32 v2, v4  }
0x365: {  	v3 =	vshll.u32 v3, $0x4;
	v2 =	vand.u32 $0xF, v2  }
0x366: {  	v2 =	vor.u32 v3, v2  }
0x367: {  	s11 =	simm.s32 $0x16E00;
	[tilespmem:$0x17030] =	vst v2  }
0x368: {  	[spmem:s2] =	stream.indirect.scatter.add.f32 [tilespmem:s0], [sflag:$0x8], $0x80, s11, s16, $0xb8;
	[tilespmem:$0x1F100] =	vst v63  }
0x369: {  	s14 =	simm.s32 $0x17000  }
0x36a: {  	[spmem:s3] =	stream.indirect.scatter.add.f32 [tilespmem:s1], [sflag:$0x10], $0x1, s14, s16, $0xb8;
	[tilespmem:$0x1F100] =	vst v63  }
0x36b: {  	_ =	swait.ge [sflag:s25], $0x40  }
0x36c: {  	[sflag:s25] =	ssyncset.done $0x0  }
0x36d: {  	[sflag:s25] =	ssyncadd.s32 $0xFFFFFFC0  }
0x36e: {  	_ =	swait.ge [sflag:s25], $0x40  }
0x36f: {  	[sflag:s25] =	ssyncset.done $0x0  }
0x370: {  	s7 =	simm.s32 $0x7;
	[sflag:s25] =	ssyncadd.s32 $0xFFFFFFC0  }
0x371: {  	_ =	swait.ge [sflag:s7], $0x2000  }
0x372: {  	[sflag:s7] =	ssyncset.done $0x0  }
0x373: {  	[sflag:s7] =	ssyncadd.s32 $0xFFFFE000  }
0x374: {  	[tilespmem:s10], [sflag:$0x3] =	stream.indirect.gather [hbm4b:s22+s16], $0x80, s13, s16, $0xb8;
	[tilespmem:$0x1F100] =	vst v63  }
0x375: {  	s6 =	simm.s32 $0x0;
	s26 =	rddreg [dreg:$0x1c]  }
0x376: {  	[tilespmem:s9], [sflag:$0xC] =	stream.linear.gather [hbm4b:s26+s5], $0x40, $0x38;
	[tilespmem:$0x1F100] =	vst v63  }
0x377: {  	s11 =	simm.s32 $0xF;
	s14 =	simm.s32 $0x8;
	s26 =	rddreg [dreg:$0x1b]  }
0x378: {  	[tilespmem:s20], [sflag:$0xC] =	stream.linear.gather [hbm4b:s26+s5], $0x40, $0x38;
	[tilespmem:$0x1F100] =	vst v63  }
.LBB2_2:
0x379: {  	s20 =	simm.s32 $0x1  }
0x37a: {  	_ =	swait.ge [sflag:s20], $0x2000  }
0x37b: {  	[sflag:s20] =	ssyncset.done $0x0  }
0x37c: {  	[sflag:s20] =	ssyncadd.s32 $0xFFFFE000  }
0x37d: {  	_ =	swait.ge [sflag:s31], $0x40  }
0x37e: {  	[sflag:s31] =	ssyncset.done $0x0  }
0x37f: {  	[sflag:s31] =	ssyncadd.s32 $0xFFFFFFC0  }
0x380: {  	v2 =	vld [tilespmem:$0x16A80];
	_ =	sdelay $0x4  }
0x381: {  	v3 =	vshra.s32 v2, $0x3;
	_ =	sdelay $0x3  }
0x382: {  	v4 =	vld [tilespmem:$0x16A90];
	[tilespmem:$0x16C80] =	vst v2  }
0x383: {  	v3 =	vld.idx.msk [tilespmem:v3+s12+$0x0], $0xffff;
	_ =	sdelay $0x1  }
0x384: {  	v5 =	vld [tilespmem:$0x16880]  }
0x385: {  	v2 =	vshll.u32 v2, $0x2  }
0x386: {  	v2 =	vand.u32 $0x1C, v2  }
0x387: {  	v2 =	vshra.s32 v3, v2;
	v3 =	vshra.s32 v4, $0x3;
	_ =	sdelay $0x1  }
0x388: {  	v5 =	vshll.u32 v5, $0x4;
	v2 =	vand.u32 $0xF, v2  }
0x389: {  	[tilespmem:$0x16C90] =	vst v4;
	v2 =	vor.u32 v5, v2  }
0x38a: {  	[tilespmem:$0x16E80] =	vst v2  }
0x38b: {  	v2 =	vld.idx.msk [tilespmem:v3+s12+$0x0], $0xffff  }
0x38c: {  	v3 =	vld [tilespmem:$0x16AA0];
	_ =	sdelay $0x1  }
0x38d: {  	v42 =	vld [tilespmem:$0x16890];
	_ =	sdelay $0x1  }
0x38e: {  	v4 =	vshll.u32 v4, $0x2  }
0x38f: {  	v4 =	vand.u32 $0x1C, v4;
	v43 =	vshra.s32 v3, $0x3  }
0x390: {  	v2 =	vshra.s32 v2, v4  }
0x391: {  	v5 =	vshll.u32 v42, $0x4;
	v2 =	vand.u32 $0xF, v2  }
0x392: {  	[tilespmem:$0x16CA0] =	vst v3;
	v2 =	vor.u32 v5, v2  }
0x393: {  	v44 =	vld [tilespmem:$0x16AB0];
	[tilespmem:$0x16E90] =	vst v2  }
0x394: {  	v2 =	vld.idx.msk [tilespmem:v43+s12+$0x0], $0xffff;
	_ =	sdelay $0x1  }
0x395: {  	v45 =	vld [tilespmem:$0x168A0]  }
0x396: {  	v3 =	vshll.u32 v3, $0x2  }
0x397: {  	v3 =	vand.u32 $0x1C, v3  }
0x398: {  	v2 =	vshra.s32 v2, v3;
	v3 =	vshra.s32 v44, $0x3;
	_ =	sdelay $0x1  }
0x399: {  	v5 =	vshll.u32 v45, $0x4;
	v2 =	vand.u32 $0xF, v2  }
0x39a: {  	[tilespmem:$0x16CB0] =	vst v44;
	v2 =	vor.u32 v5, v2  }
0x39b: {  	[tilespmem:$0x16EA0] =	vst v2  }
0x39c: {  	v2 =	vld.idx.msk [tilespmem:v3+s12+$0x0], $0xffff  }
0x39d: {  	v3 =	vld [tilespmem:$0x168B0];
	_ =	sdelay $0x1  }
0x39e: {  	v4 =	vshll.u32 v44, $0x2  }
0x39f: {  	v4 =	vand.u32 $0x1C, v4  }
0x3a0: {  	v2 =	vshra.s32 v2, v4  }
0x3a1: {  	v3 =	vshll.u32 v3, $0x4;
	v2 =	vand.u32 $0xF, v2  }
0x3a2: {  	v2 =	vor.u32 v3, v2  }
0x3a3: {  	s26 =	simm.s32 $0x16C80;
	[tilespmem:$0x16EB0] =	vst v2  }
0x3a4: {  	[spmem:s2] =	stream.indirect.scatter.add.f32 [tilespmem:s23], [sflag:$0x5], $0x80, s26, s16, $0xb8;
	[tilespmem:$0x1F100] =	vst v63  }
0x3a5: {  	s26 =	simm.s32 $0x16E80  }
0x3a6: {  	[spmem:s3] =	stream.indirect.scatter.add.f32 [tilespmem:s1], [sflag:$0xD], $0x1, s26, s16, $0xb8;
	[tilespmem:$0x1F100] =	vst v63  }
0x3a7: {  	_ =	swait.ge [sflag:s4], $0x40  }
0x3a8: {  	[sflag:s4] =	ssyncset.done $0x0  }
0x3a9: {  	[sflag:s4] =	ssyncadd.s32 $0xFFFFFFC0  }
0x3aa: {  	_ =	swait.ge [sflag:s4], $0x40  }
0x3ab: {  	[sflag:s4] =	ssyncset.done $0x0  }
0x3ac: {  	[sflag:s4] =	ssyncadd.s32 $0xFFFFFFC0  }
0x3ad: {  	_ =	swait.ge [sflag:s14], $0x2000  }
0x3ae: {  	[sflag:s14] =	ssyncset.done $0x0  }
0x3af: {  	s20 =	rddreg [dreg:$0xc];
	[sflag:s14] =	ssyncadd.s32 $0xFFFFE000  }
0x3b0: {  	[tilespmem:s0], [sflag:$0x4] =	stream.indirect.gather [hbm4b:s22+s16], $0x80, s9, s16, $0xb8;
	[tilespmem:$0x1F100] =	vst v63  }
0x3b1: {  	s26 =	rddreg [dreg:$0xb];
	s20 =	sadd.s32 s6, s20  }
0x3b2: {  	[tilespmem:s17], [sflag:$0x9] =	stream.linear.gather [hbm4b:s20+s5], $0x40, $0x38;
	[tilespmem:$0x1F100] =	vst v63  }
0x3b3: {  	s20 =	sadd.s32 s6, s26;
	s26 =	simm.s32 $0x16A80  }
0x3b4: {  	[tilespmem:s26], [sflag:$0x9] =	stream.linear.gather [hbm4b:s20+s5], $0x40, $0x38;
	[tilespmem:$0x1F100] =	vst v63  }
0x3b5: {  	s26 =	simm.s32 $0x2  }
0x3b6: {  	_ =	swait.ge [sflag:s26], $0x2000  }
0x3b7: {  	[sflag:s26] =	ssyncset.done $0x0  }
0x3b8: {  	[sflag:s26] =	ssyncadd.s32 $0xFFFFE000  }
0x3b9: {  	_ =	swait.ge [sflag:s18], $0x40  }
0x3ba: {  	[sflag:s18] =	ssyncset.done $0x0  }
0x3bb: {  	[sflag:s18] =	ssyncadd.s32 $0xFFFFFFC0  }
0x3bc: {  	v2 =	vld [tilespmem:$0x16B00];
	_ =	sdelay $0x4  }
0x3bd: {  	v3 =	vshra.s32 v2, $0x3;
	_ =	sdelay $0x3  }
0x3be: {  	v46 =	vld [tilespmem:$0x16B10];
	[tilespmem:$0x16D00] =	vst v2  }
0x3bf: {  	v3 =	vld.idx.msk [tilespmem:v3+s12+$0x0], $0xffff;
	_ =	sdelay $0x1  }
0x3c0: {  	v47 =	vld [tilespmem:$0x16900]  }
0x3c1: {  	v2 =	vshll.u32 v2, $0x2  }
0x3c2: {  	v2 =	vand.u32 $0x1C, v2  }
0x3c3: {  	v2 =	vshra.s32 v3, v2;
	v3 =	vshra.s32 v46, $0x3;
	_ =	sdelay $0x1  }
0x3c4: {  	v5 =	vshll.u32 v47, $0x4;
	v2 =	vand.u32 $0xF, v2  }
0x3c5: {  	[tilespmem:$0x16D10] =	vst v46;
	v2 =	vor.u32 v5, v2  }
0x3c6: {  	[tilespmem:$0x16F00] =	vst v2  }
0x3c7: {  	v2 =	vld.idx.msk [tilespmem:v3+s12+$0x0], $0xffff  }
0x3c8: {  	v3 =	vld [tilespmem:$0x16B20];
	_ =	sdelay $0x1  }
0x3c9: {  	v48 =	vld [tilespmem:$0x16910];
	_ =	sdelay $0x1  }
0x3ca: {  	v4 =	vshll.u32 v46, $0x2  }
0x3cb: {  	v4 =	vand.u32 $0x1C, v4;
	v49 =	vshra.s32 v3, $0x3  }
0x3cc: {  	v2 =	vshra.s32 v2, v4  }
0x3cd: {  	v5 =	vshll.u32 v48, $0x4;
	v2 =	vand.u32 $0xF, v2  }
0x3ce: {  	[tilespmem:$0x16D20] =	vst v3;
	v2 =	vor.u32 v5, v2  }
0x3cf: {  	v50 =	vld [tilespmem:$0x16B30];
	[tilespmem:$0x16F10] =	vst v2  }
0x3d0: {  	v2 =	vld.idx.msk [tilespmem:v49+s12+$0x0], $0xffff;
	_ =	sdelay $0x1  }
0x3d1: {  	v51 =	vld [tilespmem:$0x16920]  }
0x3d2: {  	v3 =	vshll.u32 v3, $0x2  }
0x3d3: {  	v3 =	vand.u32 $0x1C, v3  }
0x3d4: {  	v2 =	vshra.s32 v2, v3;
	v3 =	vshra.s32 v50, $0x3;
	_ =	sdelay $0x1  }
0x3d5: {  	v5 =	vshll.u32 v51, $0x4;
	v2 =	vand.u32 $0xF, v2  }
0x3d6: {  	[tilespmem:$0x16D30] =	vst v50;
	v2 =	vor.u32 v5, v2  }
0x3d7: {  	[tilespmem:$0x16F20] =	vst v2  }
0x3d8: {  	v2 =	vld.idx.msk [tilespmem:v3+s12+$0x0], $0xffff  }
0x3d9: {  	v3 =	vld [tilespmem:$0x16930];
	_ =	sdelay $0x1  }
0x3da: {  	v4 =	vshll.u32 v50, $0x2  }
0x3db: {  	v4 =	vand.u32 $0x1C, v4  }
0x3dc: {  	v2 =	vshra.s32 v2, v4  }
0x3dd: {  	v3 =	vshll.u32 v3, $0x4;
	v2 =	vand.u32 $0xF, v2  }
0x3de: {  	v2 =	vor.u32 v3, v2  }
0x3df: {  	s26 =	simm.s32 $0x16D00;
	[tilespmem:$0x16F30] =	vst v2  }
0x3e0: {  	[spmem:s2] =	stream.indirect.scatter.add.f32 [tilespmem:s28], [sflag:$0x6], $0x80, s26, s16, $0xb8;
	[tilespmem:$0x1F100] =	vst v63  }
0x3e1: {  	s26 =	simm.s32 $0x16F00  }
0x3e2: {  	[spmem:s3] =	stream.indirect.scatter.add.f32 [tilespmem:s1], [sflag:$0xE], $0x1, s26, s16, $0xb8;
	[tilespmem:$0x1F100] =	vst v63  }
0x3e3: {  	_ =	swait.ge [sflag:s15], $0x40  }
0x3e4: {  	[sflag:s15] =	ssyncset.done $0x0  }
0x3e5: {  	[sflag:s15] =	ssyncadd.s32 $0xFFFFFFC0  }
0x3e6: {  	_ =	swait.ge [sflag:s15], $0x40  }
0x3e7: {  	[sflag:s15] =	ssyncset.done $0x0  }
0x3e8: {  	[sflag:s15] =	ssyncadd.s32 $0xFFFFFFC0  }
0x3e9: {  	_ =	swait.ge [sflag:s8], $0x2000  }
0x3ea: {  	[sflag:s8] =	ssyncset.done $0x0  }
0x3eb: {  	s20 =	rddreg [dreg:$0xa];
	[sflag:s8] =	ssyncadd.s32 $0xFFFFE000  }
0x3ec: {  	[tilespmem:s23], [sflag:$0x1] =	stream.indirect.gather [hbm4b:s22+s16], $0x80, s17, s16, $0xb8;
	[tilespmem:$0x1F100] =	vst v63  }
0x3ed: {  	s26 =	rddreg [dreg:$0x9];
	s20 =	sadd.s32 s6, s20  }
0x3ee: {  	[tilespmem:s21], [sflag:$0xA] =	stream.linear.gather [hbm4b:s20+s5], $0x40, $0x38;
	[tilespmem:$0x1F100] =	vst v63  }
0x3ef: {  	s20 =	sadd.s32 s6, s26;
	s26 =	simm.s32 $0x16B00  }
0x3f0: {  	[tilespmem:s26], [sflag:$0xA] =	stream.linear.gather [hbm4b:s20+s5], $0x40, $0x38;
	[tilespmem:$0x1F100] =	vst v63  }
0x3f1: {  	s26 =	simm.s32 $0x3  }
0x3f2: {  	_ =	swait.ge [sflag:s26], $0x2000  }
0x3f3: {  	[sflag:s26] =	ssyncset.done $0x0  }
0x3f4: {  	[sflag:s26] =	ssyncadd.s32 $0xFFFFE000  }
0x3f5: {  	_ =	swait.ge [sflag:s11], $0x40  }
0x3f6: {  	[sflag:s11] =	ssyncset.done $0x0  }
0x3f7: {  	[sflag:s11] =	ssyncadd.s32 $0xFFFFFFC0  }
0x3f8: {  	v2 =	vld [tilespmem:$0x16B80];
	_ =	sdelay $0x4  }
0x3f9: {  	v3 =	vshra.s32 v2, $0x3;
	_ =	sdelay $0x3  }
0x3fa: {  	v52 =	vld [tilespmem:$0x16B90];
	[tilespmem:$0x16D80] =	vst v2  }
0x3fb: {  	v3 =	vld.idx.msk [tilespmem:v3+s12+$0x0], $0xffff;
	_ =	sdelay $0x1  }
0x3fc: {  	v53 =	vld [tilespmem:$0x16980]  }
0x3fd: {  	v2 =	vshll.u32 v2, $0x2  }
0x3fe: {  	v2 =	vand.u32 $0x1C, v2  }
0x3ff: {  	v2 =	vshra.s32 v3, v2;
	v3 =	vshra.s32 v52, $0x3;
	_ =	sdelay $0x1  }
0x400: {  	v5 =	vshll.u32 v53, $0x4;
	v2 =	vand.u32 $0xF, v2  }
0x401: {  	[tilespmem:$0x16D90] =	vst v52;
	v2 =	vor.u32 v5, v2  }
0x402: {  	[tilespmem:$0x16F80] =	vst v2  }
0x403: {  	v2 =	vld.idx.msk [tilespmem:v3+s12+$0x0], $0xffff  }
0x404: {  	v3 =	vld [tilespmem:$0x16BA0];
	_ =	sdelay $0x1  }
0x405: {  	v54 =	vld [tilespmem:$0x16990];
	_ =	sdelay $0x1  }
0x406: {  	v4 =	vshll.u32 v52, $0x2  }
0x407: {  	v4 =	vand.u32 $0x1C, v4;
	v55 =	vshra.s32 v3, $0x3  }
0x408: {  	v2 =	vshra.s32 v2, v4  }
0x409: {  	v5 =	vshll.u32 v54, $0x4;
	v2 =	vand.u32 $0xF, v2  }
0x40a: {  	[tilespmem:$0x16DA0] =	vst v3;
	v2 =	vor.u32 v5, v2  }
0x40b: {  	v56 =	vld [tilespmem:$0x16BB0];
	[tilespmem:$0x16F90] =	vst v2  }
0x40c: {  	v2 =	vld.idx.msk [tilespmem:v55+s12+$0x0], $0xffff;
	_ =	sdelay $0x1  }
0x40d: {  	v57 =	vld [tilespmem:$0x169A0]  }
0x40e: {  	v3 =	vshll.u32 v3, $0x2  }
0x40f: {  	v3 =	vand.u32 $0x1C, v3  }
0x410: {  	v2 =	vshra.s32 v2, v3;
	v3 =	vshra.s32 v56, $0x3;
	_ =	sdelay $0x1  }
0x411: {  	v5 =	vshll.u32 v57, $0x4;
	v2 =	vand.u32 $0xF, v2  }
0x412: {  	[tilespmem:$0x16DB0] =	vst v56;
	v2 =	vor.u32 v5, v2  }
0x413: {  	[tilespmem:$0x16FA0] =	vst v2  }
0x414: {  	v2 =	vld.idx.msk [tilespmem:v3+s12+$0x0], $0xffff  }
0x415: {  	v3 =	vld [tilespmem:$0x169B0];
	_ =	sdelay $0x1  }
0x416: {  	v4 =	vshll.u32 v56, $0x2  }
0x417: {  	v4 =	vand.u32 $0x1C, v4  }
0x418: {  	v2 =	vshra.s32 v2, v4  }
0x419: {  	v3 =	vshll.u32 v3, $0x4;
	v2 =	vand.u32 $0xF, v2  }
0x41a: {  	v2 =	vor.u32 v3, v2  }
0x41b: {  	s26 =	simm.s32 $0x16D80;
	[tilespmem:$0x16FB0] =	vst v2  }
0x41c: {  	[spmem:s2] =	stream.indirect.scatter.add.f32 [tilespmem:s10], [sflag:$0x7], $0x80, s26, s16, $0xb8;
	[tilespmem:$0x1F100] =	vst v63  }
0x41d: {  	s26 =	simm.s32 $0x16F80  }
0x41e: {  	[spmem:s3] =	stream.indirect.scatter.add.f32 [tilespmem:s1], [sflag:$0xF], $0x1, s26, s16, $0xb8;
	[tilespmem:$0x1F100] =	vst v63  }
0x41f: {  	_ =	swait.ge [sflag:s19], $0x40  }
0x420: {  	[sflag:s19] =	ssyncset.done $0x0  }
0x421: {  	[sflag:s19] =	ssyncadd.s32 $0xFFFFFFC0  }
0x422: {  	_ =	swait.ge [sflag:s19], $0x40  }
0x423: {  	[sflag:s19] =	ssyncset.done $0x0  }
0x424: {  	[sflag:s19] =	ssyncadd.s32 $0xFFFFFFC0  }
0x425: {  	_ =	swait.ge [sflag:s24], $0x2000  }
0x426: {  	[sflag:s24] =	ssyncset.done $0x0  }
0x427: {  	s20 =	rddreg [dreg:$0x8];
	[sflag:s24] =	ssyncadd.s32 $0xFFFFE000  }
0x428: {  	[tilespmem:s28], [sflag:$0x2] =	stream.indirect.gather [hbm4b:s22+s16], $0x80, s21, s16, $0xb8;
	[tilespmem:$0x1F100] =	vst v63  }
0x429: {  	s26 =	rddreg [dreg:$0x7];
	s20 =	sadd.s32 s6, s20  }
0x42a: {  	[tilespmem:s13], [sflag:$0xB] =	stream.linear.gather [hbm4b:s20+s5], $0x40, $0x38;
	[tilespmem:$0x1F100] =	vst v63  }
0x42b: {  	s20 =	sadd.s32 s6, s26;
	s26 =	simm.s32 $0x16B80  }
0x42c: {  	[tilespmem:s26], [sflag:$0xB] =	stream.linear.gather [hbm4b:s20+s5], $0x40, $0x38;
	[tilespmem:$0x1F100] =	vst v63  }
0x42d: {  	_ =	swait.ge [sflag:s29], $0x2000  }
0x42e: {  	[sflag:s29] =	ssyncset.done $0x0  }
0x42f: {  	[sflag:s29] =	ssyncadd.s32 $0xFFFFE000  }
0x430: {  	_ =	swait.ge [sflag:s30], $0x40  }
0x431: {  	[sflag:s30] =	ssyncset.done $0x0  }
0x432: {  	[sflag:s30] =	ssyncadd.s32 $0xFFFFFFC0  }
0x433: {  	v2 =	vld [tilespmem:$0x16C00];
	_ =	sdelay $0x4  }
0x434: {  	v3 =	vshra.s32 v2, $0x3;
	_ =	sdelay $0x3  }
0x435: {  	v58 =	vld [tilespmem:$0x16C10];
	[tilespmem:$0x16E00] =	vst v2  }
0x436: {  	v3 =	vld.idx.msk [tilespmem:v3+s12+$0x0], $0xffff;
	_ =	sdelay $0x1  }
0x437: {  	v59 =	vld [tilespmem:$0x16A00]  }
0x438: {  	v2 =	vshll.u32 v2, $0x2  }
0x439: {  	v2 =	vand.u32 $0x1C, v2  }
0x43a: {  	v2 =	vshra.s32 v3, v2;
	v3 =	vshra.s32 v58, $0x3;
	_ =	sdelay $0x1  }
0x43b: {  	v5 =	vshll.u32 v59, $0x4;
	v2 =	vand.u32 $0xF, v2  }
0x43c: {  	[tilespmem:$0x16E10] =	vst v58;
	v2 =	vor.u32 v5, v2  }
0x43d: {  	[tilespmem:$0x17000] =	vst v2  }
0x43e: {  	v2 =	vld.idx.msk [tilespmem:v3+s12+$0x0], $0xffff  }
0x43f: {  	v3 =	vld [tilespmem:$0x16C20];
	_ =	sdelay $0x1  }
0x440: {  	v60 =	vld [tilespmem:$0x16A10];
	_ =	sdelay $0x1  }
0x441: {  	v4 =	vshll.u32 v58, $0x2  }
0x442: {  	v4 =	vand.u32 $0x1C, v4;
	v61 =	vshra.s32 v3, $0x3  }
0x443: {  	v2 =	vshra.s32 v2, v4  }
0x444: {  	v5 =	vshll.u32 v60, $0x4;
	v2 =	vand.u32 $0xF, v2  }
0x445: {  	[tilespmem:$0x16E20] =	vst v3;
	v2 =	vor.u32 v5, v2  }
0x446: {  	v62 =	vld [tilespmem:$0x16C30];
	[tilespmem:$0x17010] =	vst v2  }
0x447: {  	v2 =	vld.idx.msk [tilespmem:v61+s12+$0x0], $0xffff;
	_ =	sdelay $0x1  }
0x448: {  	v63 =	vld [tilespmem:$0x16A20]  }
0x449: {  	v3 =	vshll.u32 v3, $0x2  }
0x44a: {  	v3 =	vand.u32 $0x1C, v3  }
0x44b: {  	v2 =	vshra.s32 v2, v3;
	v3 =	vshra.s32 v62, $0x3;
	_ =	sdelay $0x1  }
0x44c: {  	v5 =	vshll.u32 v63, $0x4;
	v2 =	vand.u32 $0xF, v2  }
0x44d: {  	[tilespmem:$0x16E30] =	vst v62;
	v2 =	vor.u32 v5, v2  }
0x44e: {  	[tilespmem:$0x17020] =	vst v2  }
0x44f: {  	v2 =	vld.idx.msk [tilespmem:v3+s12+$0x0], $0xffff  }
0x450: {  	v3 =	vld [tilespmem:$0x16A30];
	_ =	sdelay $0x1  }
0x451: {  	v4 =	vshll.u32 v62, $0x2  }
0x452: {  	v4 =	vand.u32 $0x1C, v4  }
0x453: {  	v2 =	vshra.s32 v2, v4  }
0x454: {  	v3 =	vshll.u32 v3, $0x4;
	v2 =	vand.u32 $0xF, v2  }
0x455: {  	v2 =	vor.u32 v3, v2  }
0x456: {  	s26 =	simm.s32 $0x16E00;
	[tilespmem:$0x17030] =	vst v2  }
0x457: {  	[spmem:s2] =	stream.indirect.scatter.add.f32 [tilespmem:s0], [sflag:$0x8], $0x80, s26, s16, $0xb8;
	[tilespmem:$0x1F100] =	vst v63  }
0x458: {  	s26 =	simm.s32 $0x17000  }
0x459: {  	[spmem:s3] =	stream.indirect.scatter.add.f32 [tilespmem:s1], [sflag:$0x10], $0x1, s26, s16, $0xb8;
	[tilespmem:$0x1F100] =	vst v63  }
0x45a: {  	_ =	swait.ge [sflag:s25], $0x40  }
0x45b: {  	[sflag:s25] =	ssyncset.done $0x0  }
0x45c: {  	[sflag:s25] =	ssyncadd.s32 $0xFFFFFFC0  }
0x45d: {  	_ =	swait.ge [sflag:s25], $0x40  }
0x45e: {  	[sflag:s25] =	ssyncset.done $0x0  }
0x45f: {  	[sflag:s25] =	ssyncadd.s32 $0xFFFFFFC0  }
0x460: {  	_ =	swait.ge [sflag:s7], $0x2000  }
0x461: {  	[sflag:s7] =	ssyncset.done $0x0  }
0x462: {  	p0 =	sne.s32 s6, $0x4C0;
	[sflag:s7] =	ssyncadd.s32 $0xFFFFE000  }
0x463: {  	[tilespmem:s10], [sflag:$0x3] =	stream.indirect.gather [hbm4b:s22+s16], $0x80, s13, s16, $0xb8;
	[tilespmem:$0x1F100] =	vst v63  }
.Ltmp0:
0x464: {  	s20 =	rddreg [dreg:$0x6];
	(pc) =	sbr.rel @p0 .LBB2_2-.Ltmp0, $4  }
0x465: {  	s26 =	rddreg [dreg:$0x5];
	s20 =	sadd.s32 s6, s20  }
0x466: {  	[tilespmem:s9], [sflag:$0xC] =	stream.linear.gather [hbm4b:s20+s5], $0x40, $0x38;
	[tilespmem:$0x1F100] =	vst v63  }
0x467: {  	s20 =	sadd.s32 s6, s26;
	s26 =	simm.s32 $0x16C00;
	s6 =	sadd.s32 $0x20, s6  }
0x468: {  	[tilespmem:s26], [sflag:$0xC] =	stream.linear.gather [hbm4b:s20+s5], $0x40, $0x38;
	[tilespmem:$0x1F100] =	vst v63  }
0x469: {  	_ =	swait.ge [sflag:s14], $0x2000  }
0x46a: {  	[sflag:s14] =	ssyncset.done $0x0  }
0x46b: {  	[sflag:s14] =	ssyncadd.s32 $0xFFFFE000  }
0x46c: {  	_ =	swait.ge [sflag:s31], $0x40  }
0x46d: {  	[sflag:s31] =	ssyncset.done $0x0  }
0x46e: {  	[sflag:s31] =	ssyncadd.s32 $0xFFFFFFC0  }
0x46f: {  	_ =	swait.ge [sflag:s18], $0x40  }
0x470: {  	[sflag:s18] =	ssyncset.done $0x0  }
0x471: {  	[sflag:s18] =	ssyncadd.s32 $0xFFFFFFC0  }
0x472: {  	_ =	swait.ge [sflag:s11], $0x40  }
0x473: {  	[sflag:s11] =	ssyncset.done $0x0  }
0x474: {  	[sflag:s11] =	ssyncadd.s32 $0xFFFFFFC0  }
0x475: {  	_ =	swait.ge [sflag:s30], $0x40  }
0x476: {  	[sflag:s30] =	ssyncset.done $0x0  }
0x477: {  	s0 =	simm.s32 $0x1;
	[sflag:s30] =	ssyncadd.s32 $0xFFFFFFC0  }
0x478: {  	_ =	swait.ge [sflag:s0], $0x2000  }
0x479: {  	[sflag:s0] =	ssyncset.done $0x0  }
0x47a: {  	s6 =	simm.s32 $0x2;
	[sflag:s0] =	ssyncadd.s32 $0xFFFFE000  }
0x47b: {  	_ =	swait.ge [sflag:s6], $0x2000  }
0x47c: {  	[sflag:s6] =	ssyncset.done $0x0  }
0x47d: {  	s7 =	simm.s32 $0x3;
	[sflag:s6] =	ssyncadd.s32 $0xFFFFE000  }
0x47e: {  	_ =	swait.ge [sflag:s7], $0x2000  }
0x47f: {  	[sflag:s7] =	ssyncset.done $0x0  }
0x480: {  	[sflag:s7] =	ssyncadd.s32 $0xFFFFE000  }
0x481: {  	_ =	swait.ge [sflag:s4], $0x40  }
0x482: {  	[sflag:s4] =	ssyncset.done $0x0  }
0x483: {  	[sflag:s4] =	ssyncadd.s32 $0xFFFFFFC0  }
0x484: {  	_ =	swait.ge [sflag:s4], $0x40  }
0x485: {  	[sflag:s4] =	ssyncset.done $0x0  }
0x486: {  	[sflag:s4] =	ssyncadd.s32 $0xFFFFFFC0  }
0x487: {  	[bflag:$0x0] =	sbarrier.arrive $0xFFFF  }
0x488: {  	s26 =	sld [smem:$0x7F2]  }
0x489: {  	s11 =	sld [smem:$0x7F0]  }
0x48a: {  	s20 =	rddreg [dreg:$0x1d]  }
0x48b: {  	s6 =	sshrl.u32 s20, $0x3  }
0x48c: {  	[hbm:s26], [sflag:s11] =	dma.local [spmem:s6], $0x2780  }
0x48d: {  	s26 =	simm.s32 $0x11  }
0x48e: {  	_ =	swait.ge [sflag:s26], $0x2780  }
0x48f: {  	s13 =	sld [smem:$0x7F3]  }
0x490: {  	s7 =	sld [smem:$0x7F1]  }
0x491: {  	[sflag:s26] =	ssyncset.done $0x0  }
0x492: {  	[sflag:s26] =	ssyncadd.s32 $0xFFFFD880  }
0x493: {  	[hbm:s13], [sflag:s11] =	dma.local [spmem:s7], $0x4F0  }
0x494: {  	_ =	swait.ge [sflag:s26], $0x4F0  }
0x495: {  	s14 =	sld [smem:$0x7EF]  }
0x496: {  	s17 =	sld [smem:$0x7F4];
	_ =	sdelay $0x1  }
0x497: {  	s0 =	sadd.s32 $0x1, s14  }
0x498: {  	p0 =	sne.s32 s0, s17  }
.Ltmp1:
0x499: {  	_ = 	snop;
	(pc) =	sbr.rel @p0 .LBB2_1-.Ltmp1, $3  }
0x49a: {  	_ =	sdelay $0x1  }
0x49b: {  	s6 =	simm.s32 $0x17100;
	[sflag:s26] =	ssyncset.done $0x0  }
0x49c: {  	s13 =	simm.s32 $0x16880;
	[sflag:s26] =	ssyncadd.s32 $0xFFFFFB10;
	s17 =	simm.s32 $0x16900  }
0x49d: {  	_ =	sfence.sel $0x180000  }
0x49e: {  	[bflag:$0x0] =	sbarrier.arrive $0xFFFF  }
0x49f: {  	_ =	strace $0x90000047  }
0x4a0: {  	s0 =	stileid.u32;
	[bflag:$0x2] =	sbarrier.arrive $0xFFFF  }
0x4a1: {  	p0 =	sne.s32 s0, $0x0;
	s0 =	rddreg [dreg:$0x4]  }
0x4a2: {  	s0 =	sadd.s32 @!p0 $0x100000, s0  }
0x4a3: {  	[sflag:s0] =	ssyncadd.tile.s32 @!p0 $0x1;
	_ =	shalt  }
.Lfunc_end2:
_tile_overlayer_lowered:
.L_overlay_start_2:
0x4a4: {  	(tag) =	ssettag $0x2  }
0x4a5: {  	s0 =	rddreg [dreg:$0x0];
	s2 =	stileid.u32  }
0x4a6: {  	s1 =	rddreg [dreg:$0x1];
	p0 =	sne.s32 s2, $0x0  }
0x4a7: {  	s3 =	rddreg [dreg:$0x2];
	[bflag:$0x3] =	sbarrier.arrive $0xFFFF;
	s2 =	simm.s32 @!p0 $0x1C11  }
0x4a8: {  	[timem:s3], [sflag:s2] =	dma.local @!p0 [hbm:s0], s1  }
0x4a9: {  	s0 =	simm.s32 @!p0 $0x11  }
0x4aa: {  	_ =	swait.ge @!p0 [sflag:s0], s1  }
0x4ab: {  	s1 =	ssub.s32 @!p0 $0x0, s1;
	[sflag:s0] =	ssyncset.done @!p0 $0x0  }
0x4ac: {  	[sflag:s0] =	ssyncadd.s32 @!p0 s1  }
0x4ad: {  	[bflag:$0x3] =	sbarrier.arrive $0xFFFF  }
0x4ae: {  	_ =	shalt  }

</sc_bundles>
